<compile_context>
chip_gen: v7x
topology: tpu7x:2x2x1
jax: 0.10.2.dev20260603
libtpu: 0.0.44.dev20260713+nightly
codegen_flags: <defaults>
</compile_context>

<pallas_src>
import functools

import jax
import jax.numpy as jnp
from jax import lax
from jax.experimental import pallas as pl
from jax.experimental.pallas import tpu as pltpu
from jax.experimental.pallas import tpu_sc as plsc

N = 10000
E = 320000
D = 128
H = 128
C = 32
G = 64

NP = 10240
NC, NS = 2, 16
NW = NC * NS
EPW = 10240
EP = NW * EPW
EC = 128
NCHUNK = EPW // EC
RPT = NP // NS
RBLK = 128
DPT = NP // NS
DSTG = 16

BR = 512
NBLK = NP // BR

@functools.lru_cache(maxsize=None)
def _mesh():
    return plsc.VectorSubcoreMesh(
        core_axis_name="c", subcore_axis_name="s", num_cores=NC, num_subcores=NS)


def _deg_body(dst_hbm, out_hbm, deg_sh, idx_st, ones_v, buf_v):
    c = lax.axis_index("c")
    s = lax.axis_index("s")
    wid = c * NS + s
    for i in range(EC // 16):
        ones_v[pl.ds(16 * i, 16)] = jnp.ones((16,), jnp.float32)
    for i in range(DPT // 16):
        buf_v[pl.ds(16 * i, 16)] = jnp.zeros((16,), jnp.float32)
    pltpu.sync_copy(buf_v, deg_sh.at[pl.ds(s * DPT, DPT)])
    plsc.subcore_barrier()

    def stage(st, _):
        pltpu.sync_copy(dst_hbm.at[wid, st], idx_st)

        def step(i, _):
            pltpu.sync_copy(ones_v, deg_sh.at[idx_st.at[i]], add=True)
            return ()

        lax.fori_loop(0, DSTG, step, ())
        return ()

    lax.fori_loop(0, NCHUNK // DSTG, stage, ())
    plsc.subcore_barrier()
    pltpu.sync_copy(deg_sh.at[pl.ds(s * DPT, DPT)], buf_v)
    pltpu.sync_copy(buf_v, out_hbm.at[c, pl.ds(s * DPT, DPT)])


@functools.lru_cache(maxsize=None)
def _deg_call():
    return pl.kernel(
        _deg_body,
        out_type=jax.ShapeDtypeStruct((NC, NP), jnp.float32),
        mesh=_mesh(),
        scratch_types=[
            pltpu.VMEM_SHARED((NP,), jnp.float32),
            pltpu.VMEM((DSTG, EC), jnp.int32),
            pltpu.VMEM((EC,), jnp.float32),
            pltpu.VMEM((DPT,), jnp.float32),
        ],
    )


def _edge_body(y_hbm, src_hbm, dst_hbm, out_hbm,
               agg_sh, sidx, didx, rows_v, rows2_v, sem, sem2):
    c = lax.axis_index("c")
    s = lax.axis_index("s")
    wid = c * NS + s
    row0 = s * RPT

    @pl.when(c != 0)
    def _():
        def zrow(r, _):
            for q in range(D // 16):
                rows_v[r, pl.ds(16 * q, 16)] = jnp.zeros((16,), jnp.float32)
            return ()

        lax.fori_loop(0, RBLK, zrow, ())

    def seed(i, _):
        r = row0 + i * RBLK

        @pl.when(c == 0)
        def _():
            pltpu.sync_copy(y_hbm.at[pl.ds(r, RBLK)], rows_v)

        pltpu.sync_copy(rows_v, agg_sh.at[pl.ds(r, RBLK)])
        return ()

    lax.fori_loop(0, RPT // RBLK, seed, ())
    plsc.subcore_barrier()

    def stage(st, _):
        pltpu.sync_copy(src_hbm.at[wid, st], sidx)
        pltpu.sync_copy(dst_hbm.at[wid, st], didx)
        pltpu.async_copy(y_hbm.at[sidx.at[0]], rows_v, sem)

        def pair(j, _):
            ca, cb = 2 * j, 2 * j + 1
            pltpu.async_copy(y_hbm.at[sidx.at[cb]], rows2_v, sem2)
            pltpu.make_async_copy(y_hbm.at[sidx.at[ca]], rows_v, sem).wait()
            pltpu.sync_copy(rows_v, agg_sh.at[didx.at[ca]], add=True)

            @pl.when(cb + 1 < DSTG)
            def _():
                pltpu.async_copy(y_hbm.at[sidx.at[cb + 1]], rows_v, sem)

            pltpu.make_async_copy(y_hbm.at[sidx.at[cb]], rows2_v, sem2).wait()
            pltpu.sync_copy(rows2_v, agg_sh.at[didx.at[cb]], add=True)
            return ()

        lax.fori_loop(0, DSTG // 2, pair, ())
        return ()

    lax.fori_loop(0, NCHUNK // DSTG, stage, ())
    plsc.subcore_barrier()

    col = pl.multiple_of(c * D, D)

    def cpout(i, _):
        r = row0 + i * RBLK
        pltpu.sync_copy(agg_sh.at[pl.ds(r, RBLK)], rows_v)
        pltpu.sync_copy(rows_v, out_hbm.at[pl.ds(r, RBLK), pl.ds(col, D)])
        return ()

    lax.fori_loop(0, RPT // RBLK, cpout, ())


@functools.lru_cache(maxsize=None)
def _edge_call():
    return pl.kernel(
        _edge_body,
        out_type=jax.ShapeDtypeStruct((NP, 2 * D), jnp.float32),
        mesh=_mesh(),
        scratch_types=[
            pltpu.VMEM_SHARED((NP, D), jnp.float32),
            pltpu.VMEM((DSTG, EC), jnp.int32),
            pltpu.VMEM((DSTG, EC), jnp.int32),
            pltpu.VMEM((EC, D), jnp.float32),
            pltpu.VMEM((EC, D), jnp.float32),
            pltpu.SemaphoreType.DMA,
            pltpu.SemaphoreType.DMA,
        ],
    )


def _y1_body(x_ref, d0_ref, d1_ref, w_ref, y_ref):
    dinv = lax.rsqrt(d0_ref[...] + d1_ref[...] + 1.0)
    xw = jnp.dot(x_ref[...], w_ref[...], preferred_element_type=jnp.float32)
    y_ref[...] = xw * dinv


_y1_call = pl.pallas_call(
    _y1_body,
    grid=(NBLK,),
    in_specs=[
        pl.BlockSpec((BR, D), lambda i: (i, 0)),
        pl.BlockSpec((BR, 1), lambda i: (i, 0)),
        pl.BlockSpec((BR, 1), lambda i: (i, 0)),
        pl.BlockSpec((D, H), lambda i: (0, 0)),
    ],
    out_specs=pl.BlockSpec((BR, H), lambda i: (i, 0)),
    out_shape=jax.ShapeDtypeStruct((NP, H), jnp.float32),
)


def _layer_body(p_ref, d0_ref, d1_ref, b_ref, w_ref, y_ref):
    dinv = lax.rsqrt(d0_ref[...] + d1_ref[...] + 1.0)
    t = (p_ref[:, :H] + p_ref[:, H:]) * dinv + b_ref[...]
    h = jnp.where(t > 0, t, 0.01 * t)
    y_ref[...] = jnp.dot(h, w_ref[...], preferred_element_type=jnp.float32) * dinv


_layer_call = pl.pallas_call(
    _layer_body,
    grid=(NBLK,),
    in_specs=[
        pl.BlockSpec((BR, 2 * H), lambda i: (i, 0)),
        pl.BlockSpec((BR, 1), lambda i: (i, 0)),
        pl.BlockSpec((BR, 1), lambda i: (i, 0)),
        pl.BlockSpec((1, H), lambda i: (0, 0)),
        pl.BlockSpec((H, H), lambda i: (0, 0)),
    ],
    out_specs=pl.BlockSpec((BR, H), lambda i: (i, 0)),
    out_shape=jax.ShapeDtypeStruct((NP, H), jnp.float32),
)


def _final_body(p_ref, d0_ref, d1_ref, b3_ref, batch_ref,
                wl_ref, bl_ref, wo_ref, bo_ref,
                logits_ref, probs_ref, feats_ref, embeds_ref, hout_ref,
                acc_ref, cnt_ref):
    i = pl.program_id(0)

    @pl.when(i == 0)
    def _():
        acc_ref[...] = jnp.zeros_like(acc_ref)
        cnt_ref[...] = jnp.zeros_like(cnt_ref)

    dinv = lax.rsqrt(d0_ref[...] + d1_ref[...] + 1.0)
    h3 = (p_ref[:, :H] + p_ref[:, H:]) * dinv + b3_ref[...]
    ids = batch_ref[0, 0, :]
    seg = lax.broadcasted_iota(jnp.int32, (G, BR), 0)
    onehot = jnp.where(seg == ids[None, :], 1.0, 0.0)
    acc_ref[...] += jnp.dot(onehot, h3, preferred_element_type=jnp.float32,
                            precision=lax.Precision.HIGHEST)
    cnt_ref[...] += jnp.sum(onehot, axis=1, keepdims=True)

    @pl.when(i == NBLK - 1)
    def _():
        summ = acc_ref[...]
        mean = summ / jnp.maximum(cnt_ref[...], 1.0)
        feats = jnp.concatenate([summ, mean], axis=1)
        embeds = jnp.dot(feats, wl_ref[...],
                         preferred_element_type=jnp.float32) + bl_ref[...]
        hout = jnp.maximum(embeds, 0.0)
        logits = jnp.dot(hout, wo_ref[...],
                         preferred_element_type=jnp.float32) + bo_ref[...]
        m = jnp.max(logits, axis=1, keepdims=True)
        ex = jnp.exp(logits - m)
        feats_ref[...] = feats
        embeds_ref[...] = embeds
        hout_ref[...] = hout
        logits_ref[...] = logits
        probs_ref[...] = ex / jnp.sum(ex, axis=1, keepdims=True)


_final_call = pl.pallas_call(
    _final_body,
    grid=(NBLK,),
    in_specs=[
        pl.BlockSpec((BR, 2 * H), lambda i: (i, 0)),
        pl.BlockSpec((BR, 1), lambda i: (i, 0)),
        pl.BlockSpec((BR, 1), lambda i: (i, 0)),
        pl.BlockSpec((1, H), lambda i: (0, 0)),
        pl.BlockSpec((1, 1, BR), lambda i: (i, 0, 0)),
        pl.BlockSpec((2 * H, H), lambda i: (0, 0)),
        pl.BlockSpec((1, H), lambda i: (0, 0)),
        pl.BlockSpec((H, C), lambda i: (0, 0)),
        pl.BlockSpec((1, C), lambda i: (0, 0)),
    ],
    out_specs=[
        pl.BlockSpec((G, C), lambda i: (0, 0)),
        pl.BlockSpec((G, C), lambda i: (0, 0)),
        pl.BlockSpec((G, 2 * H), lambda i: (0, 0)),
        pl.BlockSpec((G, H), lambda i: (0, 0)),
        pl.BlockSpec((G, H), lambda i: (0, 0)),
    ],
    out_shape=[
        jax.ShapeDtypeStruct((G, C), jnp.float32),
        jax.ShapeDtypeStruct((G, C), jnp.float32),
        jax.ShapeDtypeStruct((G, 2 * H), jnp.float32),
        jax.ShapeDtypeStruct((G, H), jnp.float32),
        jax.ShapeDtypeStruct((G, H), jnp.float32),
    ],
    scratch_shapes=[
        pltpu.VMEM((G, H), jnp.float32),
        pltpu.VMEM((G, 1), jnp.float32),
    ],
)


def kernel(x, edge_index, batch, W1, b1, W2, b2, W3, b3, Wlin, blin, Wout, bout):
    pad_idx = N + (jnp.arange(EP - E, dtype=jnp.int32) % (NP - N))
    src4 = jnp.concatenate(
        [edge_index[0].astype(jnp.int32), pad_idx]
    ).reshape(NW, NCHUNK // DSTG, DSTG, EC)
    dst4 = jnp.concatenate(
        [edge_index[1].astype(jnp.int32), pad_idx]
    ).reshape(NW, NCHUNK // DSTG, DSTG, EC)
    batch3 = jnp.concatenate(
        [batch.astype(jnp.int32), jnp.full((NP - N,), G, jnp.int32)]
    ).reshape(NBLK, 1, BR)
    xp = jnp.pad(x, ((0, NP - N), (0, 0)))

    deg_parts = _deg_call()(dst4)
    d0 = deg_parts[0].reshape(NP, 1)
    d1 = deg_parts[1].reshape(NP, 1)

    y1 = _y1_call(xp, d0, d1, W1)
    p1 = _edge_call()(y1, src4, dst4)
    y2 = _layer_call(p1, d0, d1, b1.reshape(1, H), W2)
    p2 = _edge_call()(y2, src4, dst4)
    y3 = _layer_call(p2, d0, d1, b2.reshape(1, H), W3)
    p3 = _edge_call()(y3, src4, dst4)

    logits, probs, feats, embeds, hout = _final_call(
        p3, d0, d1, b3.reshape(1, H), batch3,
        Wlin, blin.reshape(1, H), Wout, bout.reshape(1, C))
    return (logits, probs, feats, embeds, hout)

# --- scband reference (transcript-rebuilt; emitter-appended) ---
"""Pipeline reference for scband-gnnclassifier-47356309406183 (READ-ONLY COPY).

The authoritative reference and input builder live on the scoring server;
editing this copy changes nothing except your own understanding.
"""

import jax, jax.numpy as jnp
import numpy as np

N = 10000
E = 320000
D = 128
H = 128
C = 32
G = 64

def setup_inputs(seed: int = 0):
    key = jax.random.key(seed)
    ks = jax.random.split(key, 16)
    x = jax.random.normal(ks[0], (N, D), dtype=jnp.float32)
    edge_index = jax.random.randint(ks[1], (2, E), 0, N, dtype=jnp.int64)
    batch = jnp.sort(jax.random.randint(ks[2], (N,), 0, G, dtype=jnp.int64))
    s = 1.0 / np.sqrt(D)
    W1 = jax.random.normal(ks[3], (D, H), dtype=jnp.float32) * s
    b1 = jnp.zeros((H,), dtype=jnp.float32)
    W2 = jax.random.normal(ks[4], (H, H), dtype=jnp.float32) * s
    b2 = jnp.zeros((H,), dtype=jnp.float32)
    W3 = jax.random.normal(ks[5], (H, H), dtype=jnp.float32) * s
    b3 = jnp.zeros((H,), dtype=jnp.float32)
    Wlin = jax.random.normal(ks[6], (2 * H, H), dtype=jnp.float32) * (1.0 / np.sqrt(2 * H))
    blin = jnp.zeros((H,), dtype=jnp.float32)
    Wout = jax.random.normal(ks[7], (H, C), dtype=jnp.float32) * (1.0 / np.sqrt(H))
    bout = jnp.zeros((C,), dtype=jnp.float32)
    return {"x": x, "edge_index": edge_index, "batch": batch,
            "W1": W1, "b1": b1, "W2": W2, "b2": b2, "W3": W3, "b3": b3,
            "Wlin": Wlin, "blin": blin, "Wout": Wout, "bout": bout}

def _gcn_conv(x, src, dst, W, b, n):
    # GCNConv with added self-loops and symmetric normalization
    deg = jnp.zeros((n,), dtype=x.dtype).at[dst].add(1.0) + 1.0
    dinv = 1.0 / jnp.sqrt(deg)
    xw = x @ W
    norm = dinv[src] * dinv[dst]
    agg = jnp.zeros_like(xw).at[dst].add(norm[:, None] * xw[src])
    agg = agg + (dinv * dinv)[:, None] * xw  # self-loop contribution
    return agg + b

def reference(x, edge_index, batch, W1, b1, W2, b2, W3, b3, Wlin, blin, Wout, bout):
    src = edge_index[0]
    dst = edge_index[1]
    # pyg.nn.GCN, num_layers=3, act=LeakyReLU (no act after last layer), dropout=0
    h = _gcn_conv(x, src, dst, W1, b1, N)
    h = jax.nn.leaky_relu(h, negative_slope=0.01)
    h = _gcn_conv(h, src, dst, W2, b2, N)
    h = jax.nn.leaky_relu(h, negative_slope=0.01)
    h = _gcn_conv(h, src, dst, W3, b3, N)
    # global sum pool + global mean pool (node_weight=None since edge_weight=None)
    summ = jax.ops.segment_sum(h, batch, num_segments=G)
    cnt = jax.ops.segment_sum(jnp.ones((N,), dtype=h.dtype), batch, num_segments=G)
    mean = summ / jnp.clip(cnt, 1.0)[:, None]
    feats = jnp.concatenate([summ, mean], axis=1)
    # dropout p=0 -> identity
    embeds = feats @ Wlin + blin
    hout = jax.nn.relu(embeds)
    logits = hout @ Wout + bout
    probs = jax.nn.softmax(logits, axis=-1)
    return (logits, probs, feats, embeds, hout)

if __name__ == "__main__":
    import jax
    _d = setup_inputs()
    print(jax.jit(kernel)(*tuple(_d.values())))

</pallas_src>

<mosaic_0001>
#map = affine_map<(d0, d1) -> (0, 0, 0, 0)>
#map1 = affine_map<(d0, d1) -> (0, 0)>
module attributes {stable_mosaic.version = 14 : i64} {
  func.func @_deg_body(%arg0: i32, %arg1: i32, %arg2: memref<32x5x16x128xi32, #tpu.memory_space<hbm>>, %arg3: memref<2x10240xf32, #tpu.memory_space<hbm>>, %arg4: memref<10240xf32, #tpu.memory_space<vmem_shared>>, %arg5: memref<16x128xi32, #tpu.memory_space<vmem>>, %arg6: memref<128xf32, #tpu.memory_space<vmem>>, %arg7: memref<640xf32, #tpu.memory_space<vmem>>) attributes {dimension_semantics = [#tpu.dimension_semantics<core_parallel>, #tpu.dimension_semantics<subcore_parallel>], iteration_bounds = array<i64: 2, 16>, scalar_prefetch = 0 : i64, scratch_operands = 4 : i64, tpu.core_type = #tpu.core_type<sc_vector_subcore>, window_params = [{transform_indices = #map}, {transform_indices = #map1}]} {
    %mul3A = arith.constant 16 : i32
    %mul3A_0 = arith.muli %arg0, %mul3A : i32
    %add3A = arith.addi %mul3A_0, %arg1 : i32
    %broadcast_in_dim3A = arith.constant 1.000000e+00 : f32
    %broadcast_in_dim3A_1 = vector.broadcast %broadcast_in_dim3A : f32 to vector<16xf32>
    %swap3A = arith.constant 0 : index
    %swap3A_2 = tpu.vector_load %arg6[%swap3A] {strides = array<i32>} : memref<128xf32, #tpu.memory_space<vmem>>, vector<16xf32>,
    %swap3A_3 = vector.shape_cast %swap3A_2 : vector<16xf32> to vector<16xf32>
    %swap3A_4 = vector.shape_cast %broadcast_in_dim3A_1 : vector<16xf32> to vector<16xf32>
    tpu.vector_store %arg6[%swap3A], %swap3A_4 {strides = array<i32>} : memref<128xf32, #tpu.memory_space<vmem>>, vector<16xf32>,
    %broadcast_in_dim3A_5 = arith.constant 1.000000e+00 : f32
    %broadcast_in_dim3A_6 = vector.broadcast %broadcast_in_dim3A_5 : f32 to vector<16xf32>
    %swap3A_7 = arith.constant 16 : index
    %swap3A_8 = tpu.vector_load %arg6[%swap3A_7] {strides = array<i32>} : memref<128xf32, #tpu.memory_space<vmem>>, vector<16xf32>,
    %swap3A_9 = vector.shape_cast %swap3A_8 : vector<16xf32> to vector<16xf32>
    %swap3A_10 = vector.shape_cast %broadcast_in_dim3A_6 : vector<16xf32> to vector<16xf32>
    tpu.vector_store %arg6[%swap3A_7], %swap3A_10 {strides = array<i32>} : memref<128xf32, #tpu.memory_space<vmem>>, vector<16xf32>,
    %broadcast_in_dim3A_11 = arith.constant 1.000000e+00 : f32
    %broadcast_in_dim3A_12 = vector.broadcast %broadcast_in_dim3A_11 : f32 to vector<16xf32>
    %swap3A_13 = arith.constant 32 : index
    %swap3A_14 = tpu.vector_load %arg6[%swap3A_13] {strides = array<i32>} : memref<128xf32, #tpu.memory_space<vmem>>, vector<16xf32>,
    %swap3A_15 = vector.shape_cast %swap3A_14 : vector<16xf32> to vector<16xf32>
    %swap3A_16 = vector.shape_cast %broadcast_in_dim3A_12 : vector<16xf32> to vector<16xf32>
    tpu.vector_store %arg6[%swap3A_13], %swap3A_16 {strides = array<i32>} : memref<128xf32, #tpu.memory_space<vmem>>, vector<16xf32>,
    %broadcast_in_dim3A_17 = arith.constant 1.000000e+00 : f32
    %broadcast_in_dim3A_18 = vector.broadcast %broadcast_in_dim3A_17 : f32 to vector<16xf32>
    %swap3A_19 = arith.constant 48 : index
    %swap3A_20 = tpu.vector_load %arg6[%swap3A_19] {strides = array<i32>} : memref<128xf32, #tpu.memory_space<vmem>>, vector<16xf32>,
    %swap3A_21 = vector.shape_cast %swap3A_20 : vector<16xf32> to vector<16xf32>
    %swap3A_22 = vector.shape_cast %broadcast_in_dim3A_18 : vector<16xf32> to vector<16xf32>
    tpu.vector_store %arg6[%swap3A_19], %swap3A_22 {strides = array<i32>} : memref<128xf32, #tpu.memory_space<vmem>>, vector<16xf32>,
    %broadcast_in_dim3A_23 = arith.constant 1.000000e+00 : f32
    %broadcast_in_dim3A_24 = vector.broadcast %broadcast_in_dim3A_23 : f32 to vector<16xf32>
    %swap3A_25 = arith.constant 64 : index
    %swap3A_26 = tpu.vector_load %arg6[%swap3A_25] {strides = array<i32>} : memref<128xf32, #tpu.memory_space<vmem>>, vector<16xf32>,
    %swap3A_27 = vector.shape_cast %swap3A_26 : vector<16xf32> to vector<16xf32>
    %swap3A_28 = vector.shape_cast %broadcast_in_dim3A_24 : vector<16xf32> to vector<16xf32>
    tpu.vector_store %arg6[%swap3A_25], %swap3A_28 {strides = array<i32>} : memref<128xf32, #tpu.memory_space<vmem>>, vector<16xf32>,
    %broadcast_in_dim3A_29 = arith.constant 1.000000e+00 : f32
    %broadcast_in_dim3A_30 = vector.broadcast %broadcast_in_dim3A_29 : f32 to vector<16xf32>
    %swap3A_31 = arith.constant 80 : index
    %swap3A_32 = tpu.vector_load %arg6[%swap3A_31] {strides = array<i32>} : memref<128xf32, #tpu.memory_space<vmem>>, vector<16xf32>,
    %swap3A_33 = vector.shape_cast %swap3A_32 : vector<16xf32> to vector<16xf32>
    %swap3A_34 = vector.shape_cast %broadcast_in_dim3A_30 : vector<16xf32> to vector<16xf32>
    tpu.vector_store %arg6[%swap3A_31], %swap3A_34 {strides = array<i32>} : memref<128xf32, #tpu.memory_space<vmem>>, vector<16xf32>,
    %broadcast_in_dim3A_35 = arith.constant 1.000000e+00 : f32
    %broadcast_in_dim3A_36 = vector.broadcast %broadcast_in_dim3A_35 : f32 to vector<16xf32>
    %swap3A_37 = arith.constant 96 : index
    %swap3A_38 = tpu.vector_load %arg6[%swap3A_37] {strides = array<i32>} : memref<128xf32, #tpu.memory_space<vmem>>, vector<16xf32>,
    %swap3A_39 = vector.shape_cast %swap3A_38 : vector<16xf32> to vector<16xf32>
    %swap3A_40 = vector.shape_cast %broadcast_in_dim3A_36 : vector<16xf32> to vector<16xf32>
    tpu.vector_store %arg6[%swap3A_37], %swap3A_40 {strides = array<i32>} : memref<128xf32, #tpu.memory_space<vmem>>, vector<16xf32>,
    %broadcast_in_dim3A_41 = arith.constant 1.000000e+00 : f32
    %broadcast_in_dim3A_42 = vector.broadcast %broadcast_in_dim3A_41 : f32 to vector<16xf32>
    %swap3A_43 = arith.constant 112 : index
    %swap3A_44 = tpu.vector_load %arg6[%swap3A_43] {strides = array<i32>} : memref<128xf32, #tpu.memory_space<vmem>>, vector<16xf32>,
    %swap3A_45 = vector.shape_cast %swap3A_44 : vector<16xf32> to vector<16xf32>
    %swap3A_46 = vector.shape_cast %broadcast_in_dim3A_42 : vector<16xf32> to vector<16xf32>
    tpu.vector_store %arg6[%swap3A_43], %swap3A_46 {strides = array<i32>} : memref<128xf32, #tpu.memory_space<vmem>>, vector<16xf32>,
    %broadcast_in_dim3A_47 = arith.constant 0.000000e+00 : f32
    %broadcast_in_dim3A_48 = vector.broadcast %broadcast_in_dim3A_47 : f32 to vector<16xf32>
    %swap3A_49 = arith.constant 0 : index
    %swap3A_50 = tpu.vector_load %arg7[%swap3A_49] {strides = array<i32>} : memref<640xf32, #tpu.memory_space<vmem>>, vector<16xf32>,
    %swap3A_51 = vector.shape_cast %swap3A_50 : vector<16xf32> to vector<16xf32>
    %swap3A_52 = vector.shape_cast %broadcast_in_dim3A_48 : vector<16xf32> to vector<16xf32>
    tpu.vector_store %arg7[%swap3A_49], %swap3A_52 {strides = array<i32>} : memref<640xf32, #tpu.memory_space<vmem>>, vector<16xf32>,
    %broadcast_in_dim3A_53 = arith.constant 0.000000e+00 : f32
    %broadcast_in_dim3A_54 = vector.broadcast %broadcast_in_dim3A_53 : f32 to vector<16xf32>
    %swap3A_55 = arith.constant 16 : index
    %swap3A_56 = tpu.vector_load %arg7[%swap3A_55] {strides = array<i32>} : memref<640xf32, #tpu.memory_space<vmem>>, vector<16xf32>,
    %swap3A_57 = vector.shape_cast %swap3A_56 : vector<16xf32> to vector<16xf32>
    %swap3A_58 = vector.shape_cast %broadcast_in_dim3A_54 : vector<16xf32> to vector<16xf32>
    tpu.vector_store %arg7[%swap3A_55], %swap3A_58 {strides = array<i32>} : memref<640xf32, #tpu.memory_space<vmem>>, vector<16xf32>,
    %broadcast_in_dim3A_59 = arith.constant 0.000000e+00 : f32
    %broadcast_in_dim3A_60 = vector.broadcast %broadcast_in_dim3A_59 : f32 to vector<16xf32>
    %swap3A_61 = arith.constant 32 : index
    %swap3A_62 = tpu.vector_load %arg7[%swap3A_61] {strides = array<i32>} : memref<640xf32, #tpu.memory_space<vmem>>, vector<16xf32>,
    %swap3A_63 = vector.shape_cast %swap3A_62 : vector<16xf32> to vector<16xf32>
    %swap3A_64 = vector.shape_cast %broadcast_in_dim3A_60 : vector<16xf32> to vector<16xf32>
    tpu.vector_store %arg7[%swap3A_61], %swap3A_64 {strides = array<i32>} : memref<640xf32, #tpu.memory_space<vmem>>, vector<16xf32>,
    %broadcast_in_dim3A_65 = arith.constant 0.000000e+00 : f32
    %broadcast_in_dim3A_66 = vector.broadcast %broadcast_in_dim3A_65 : f32 to vector<16xf32>
    %swap3A_67 = arith.constant 48 : index
    %swap3A_68 = tpu.vector_load %arg7[%swap3A_67] {strides = array<i32>} : memref<640xf32, #tpu.memory_space<vmem>>, vector<16xf32>,
    %swap3A_69 = vector.shape_cast %swap3A_68 : vector<16xf32> to vector<16xf32>
    %swap3A_70 = vector.shape_cast %broadcast_in_dim3A_66 : vector<16xf32> to vector<16xf32>
    tpu.vector_store %arg7[%swap3A_67], %swap3A_70 {strides = array<i32>} : memref<640xf32, #tpu.memory_space<vmem>>, vector<16xf32>,
    %broadcast_in_dim3A_71 = arith.constant 0.000000e+00 : f32
    %broadcast_in_dim3A_72 = vector.broadcast %broadcast_in_dim3A_71 : f32 to vector<16xf32>
    %swap3A_73 = arith.constant 64 : index
    %swap3A_74 = tpu.vector_load %arg7[%swap3A_73] {strides = array<i32>} : memref<640xf32, #tpu.memory_space<vmem>>, vector<16xf32>,
    %swap3A_75 = vector.shape_cast %swap3A_74 : vector<16xf32> to vector<16xf32>
    %swap3A_76 = vector.shape_cast %broadcast_in_dim3A_72 : vector<16xf32> to vector<16xf32>
    tpu.vector_store %arg7[%swap3A_73], %swap3A_76 {strides = array<i32>} : memref<640xf32, #tpu.memory_space<vmem>>, vector<16xf32>,
    %broadcast_in_dim3A_77 = arith.constant 0.000000e+00 : f32
    %broadcast_in_dim3A_78 = vector.broadcast %broadcast_in_dim3A_77 : f32 to vector<16xf32>
    %swap3A_79 = arith.constant 80 : index
    %swap3A_80 = tpu.vector_load %arg7[%swap3A_79] {strides = array<i32>} : memref<640xf32, #tpu.memory_space<vmem>>, vector<16xf32>,
    %swap3A_81 = vector.shape_cast %swap3A_80 : vector<16xf32> to vector<16xf32>
    %swap3A_82 = vector.shape_cast %broadcast_in_dim3A_78 : vector<16xf32> to vector<16xf32>
    tpu.vector_store %arg7[%swap3A_79], %swap3A_82 {strides = array<i32>} : memref<640xf32, #tpu.memory_space<vmem>>, vector<16xf32>,
    %broadcast_in_dim3A_83 = arith.constant 0.000000e+00 : f32
    %broadcast_in_dim3A_84 = vector.broadcast %broadcast_in_dim3A_83 : f32 to vector<16xf32>
    %swap3A_85 = arith.constant 96 : index
    %swap3A_86 = tpu.vector_load %arg7[%swap3A_85] {strides = array<i32>} : memref<640xf32, #tpu.memory_space<vmem>>, vector<16xf32>,
    %swap3A_87 = vector.shape_cast %swap3A_86 : vector<16xf32> to vector<16xf32>
    %swap3A_88 = vector.shape_cast %broadcast_in_dim3A_84 : vector<16xf32> to vector<16xf32>
    tpu.vector_store %arg7[%swap3A_85], %swap3A_88 {strides = array<i32>} : memref<640xf32, #tpu.memory_space<vmem>>, vector<16xf32>,
    %broadcast_in_dim3A_89 = arith.constant 0.000000e+00 : f32
    %broadcast_in_dim3A_90 = vector.broadcast %broadcast_in_dim3A_89 : f32 to vector<16xf32>
    %swap3A_91 = arith.constant 112 : index
    %swap3A_92 = tpu.vector_load %arg7[%swap3A_91] {strides = array<i32>} : memref<640xf32, #tpu.memory_space<vmem>>, vector<16xf32>,
    %swap3A_93 = vector.shape_cast %swap3A_92 : vector<16xf32> to vector<16xf32>
    %swap3A_94 = vector.shape_cast %broadcast_in_dim3A_90 : vector<16xf32> to vector<16xf32>
    tpu.vector_store %arg7[%swap3A_91], %swap3A_94 {strides = array<i32>} : memref<640xf32, #tpu.memory_space<vmem>>, vector<16xf32>,
    %broadcast_in_dim3A_95 = arith.constant 0.000000e+00 : f32
    %broadcast_in_dim3A_96 = vector.broadcast %broadcast_in_dim3A_95 : f32 to vector<16xf32>
    %swap3A_97 = arith.constant 128 : index
    %swap3A_98 = tpu.vector_load %arg7[%swap3A_97] {strides = array<i32>} : memref<640xf32, #tpu.memory_space<vmem>>, vector<16xf32>,
    %swap3A_99 = vector.shape_cast %swap3A_98 : vector<16xf32> to vector<16xf32>
    %swap3A_100 = vector.shape_cast %broadcast_in_dim3A_96 : vector<16xf32> to vector<16xf32>
    tpu.vector_store %arg7[%swap3A_97], %swap3A_100 {strides = array<i32>} : memref<640xf32, #tpu.memory_space<vmem>>, vector<16xf32>,
    %broadcast_in_dim3A_101 = arith.constant 0.000000e+00 : f32
    %broadcast_in_dim3A_102 = vector.broadcast %broadcast_in_dim3A_101 : f32 to vector<16xf32>
    %swap3A_103 = arith.constant 144 : index
    %swap3A_104 = tpu.vector_load %arg7[%swap3A_103] {strides = array<i32>} : memref<640xf32, #tpu.memory_space<vmem>>, vector<16xf32>,
    %swap3A_105 = vector.shape_cast %swap3A_104 : vector<16xf32> to vector<16xf32>
    %swap3A_106 = vector.shape_cast %broadcast_in_dim3A_102 : vector<16xf32> to vector<16xf32>
    tpu.vector_store %arg7[%swap3A_103], %swap3A_106 {strides = array<i32>} : memref<640xf32, #tpu.memory_space<vmem>>, vector<16xf32>,
    %broadcast_in_dim3A_107 = arith.constant 0.000000e+00 : f32
    %broadcast_in_dim3A_108 = vector.broadcast %broadcast_in_dim3A_107 : f32 to vector<16xf32>
    %swap3A_109 = arith.constant 160 : index
    %swap3A_110 = tpu.vector_load %arg7[%swap3A_109] {strides = array<i32>} : memref<640xf32, #tpu.memory_space<vmem>>, vector<16xf32>,
    %swap3A_111 = vector.shape_cast %swap3A_110 : vector<16xf32> to vector<16xf32>
    %swap3A_112 = vector.shape_cast %broadcast_in_dim3A_108 : vector<16xf32> to vector<16xf32>
    tpu.vector_store %arg7[%swap3A_109], %swap3A_112 {strides = array<i32>} : memref<640xf32, #tpu.memory_space<vmem>>, vector<16xf32>,
    %broadcast_in_dim3A_113 = arith.constant 0.000000e+00 : f32
    %broadcast_in_dim3A_114 = vector.broadcast %broadcast_in_dim3A_113 : f32 to vector<16xf32>
    %swap3A_115 = arith.constant 176 : index
    %swap3A_116 = tpu.vector_load %arg7[%swap3A_115] {strides = array<i32>} : memref<640xf32, #tpu.memory_space<vmem>>, vector<16xf32>,
    %swap3A_117 = vector.shape_cast %swap3A_116 : vector<16xf32> to vector<16xf32>
    %swap3A_118 = vector.shape_cast %broadcast_in_dim3A_114 : vector<16xf32> to vector<16xf32>
    tpu.vector_store %arg7[%swap3A_115], %swap3A_118 {strides = array<i32>} : memref<640xf32, #tpu.memory_space<vmem>>, vector<16xf32>,
    %broadcast_in_dim3A_119 = arith.constant 0.000000e+00 : f32
    %broadcast_in_dim3A_120 = vector.broadcast %broadcast_in_dim3A_119 : f32 to vector<16xf32>
    %swap3A_121 = arith.constant 192 : index
    %swap3A_122 = tpu.vector_load %arg7[%swap3A_121] {strides = array<i32>} : memref<640xf32, #tpu.memory_space<vmem>>, vector<16xf32>,
    %swap3A_123 = vector.shape_cast %swap3A_122 : vector<16xf32> to vector<16xf32>
    %swap3A_124 = vector.shape_cast %broadcast_in_dim3A_120 : vector<16xf32> to vector<16xf32>
    tpu.vector_store %arg7[%swap3A_121], %swap3A_124 {strides = array<i32>} : memref<640xf32, #tpu.memory_space<vmem>>, vector<16xf32>,
    %broadcast_in_dim3A_125 = arith.constant 0.000000e+00 : f32
    %broadcast_in_dim3A_126 = vector.broadcast %broadcast_in_dim3A_125 : f32 to vector<16xf32>
    %swap3A_127 = arith.constant 208 : index
    %swap3A_128 = tpu.vector_load %arg7[%swap3A_127] {strides = array<i32>} : memref<640xf32, #tpu.memory_space<vmem>>, vector<16xf32>,
    %swap3A_129 = vector.shape_cast %swap3A_128 : vector<16xf32> to vector<16xf32>
    %swap3A_130 = vector.shape_cast %broadcast_in_dim3A_126 : vector<16xf32> to vector<16xf32>
    tpu.vector_store %arg7[%swap3A_127], %swap3A_130 {strides = array<i32>} : memref<640xf32, #tpu.memory_space<vmem>>, vector<16xf32>,
    %broadcast_in_dim3A_131 = arith.constant 0.000000e+00 : f32
    %broadcast_in_dim3A_132 = vector.broadcast %broadcast_in_dim3A_131 : f32 to vector<16xf32>
    %swap3A_133 = arith.constant 224 : index
    %swap3A_134 = tpu.vector_load %arg7[%swap3A_133] {strides = array<i32>} : memref<640xf32, #tpu.memory_space<vmem>>, vector<16xf32>,
    %swap3A_135 = vector.shape_cast %swap3A_134 : vector<16xf32> to vector<16xf32>
    %swap3A_136 = vector.shape_cast %broadcast_in_dim3A_132 : vector<16xf32> to vector<16xf32>
    tpu.vector_store %arg7[%swap3A_133], %swap3A_136 {strides = array<i32>} : memref<640xf32, #tpu.memory_space<vmem>>, vector<16xf32>,
    %broadcast_in_dim3A_137 = arith.constant 0.000000e+00 : f32
    %broadcast_in_dim3A_138 = vector.broadcast %broadcast_in_dim3A_137 : f32 to vector<16xf32>
    %swap3A_139 = arith.constant 240 : index
    %swap3A_140 = tpu.vector_load %arg7[%swap3A_139] {strides = array<i32>} : memref<640xf32, #tpu.memory_space<vmem>>, vector<16xf32>,
    %swap3A_141 = vector.shape_cast %swap3A_140 : vector<16xf32> to vector<16xf32>
    %swap3A_142 = vector.shape_cast %broadcast_in_dim3A_138 : vector<16xf32> to vector<16xf32>
    tpu.vector_store %arg7[%swap3A_139], %swap3A_142 {strides = array<i32>} : memref<640xf32, #tpu.memory_space<vmem>>, vector<16xf32>,
    %broadcast_in_dim3A_143 = arith.constant 0.000000e+00 : f32
    %broadcast_in_dim3A_144 = vector.broadcast %broadcast_in_dim3A_143 : f32 to vector<16xf32>
    %swap3A_145 = arith.constant 256 : index
    %swap3A_146 = tpu.vector_load %arg7[%swap3A_145] {strides = array<i32>} : memref<640xf32, #tpu.memory_space<vmem>>, vector<16xf32>,
    %swap3A_147 = vector.shape_cast %swap3A_146 : vector<16xf32> to vector<16xf32>
    %swap3A_148 = vector.shape_cast %broadcast_in_dim3A_144 : vector<16xf32> to vector<16xf32>
    tpu.vector_store %arg7[%swap3A_145], %swap3A_148 {strides = array<i32>} : memref<640xf32, #tpu.memory_space<vmem>>, vector<16xf32>,
    %broadcast_in_dim3A_149 = arith.constant 0.000000e+00 : f32
    %broadcast_in_dim3A_150 = vector.broadcast %broadcast_in_dim3A_149 : f32 to vector<16xf32>
    %swap3A_151 = arith.constant 272 : index
    %swap3A_152 = tpu.vector_load %arg7[%swap3A_151] {strides = array<i32>} : memref<640xf32, #tpu.memory_space<vmem>>, vector<16xf32>,
    %swap3A_153 = vector.shape_cast %swap3A_152 : vector<16xf32> to vector<16xf32>
    %swap3A_154 = vector.shape_cast %broadcast_in_dim3A_150 : vector<16xf32> to vector<16xf32>
    tpu.vector_store %arg7[%swap3A_151], %swap3A_154 {strides = array<i32>} : memref<640xf32, #tpu.memory_space<vmem>>, vector<16xf32>,
    %broadcast_in_dim3A_155 = arith.constant 0.000000e+00 : f32
    %broadcast_in_dim3A_156 = vector.broadcast %broadcast_in_dim3A_155 : f32 to vector<16xf32>
    %swap3A_157 = arith.constant 288 : index
    %swap3A_158 = tpu.vector_load %arg7[%swap3A_157] {strides = array<i32>} : memref<640xf32, #tpu.memory_space<vmem>>, vector<16xf32>,
    %swap3A_159 = vector.shape_cast %swap3A_158 : vector<16xf32> to vector<16xf32>
    %swap3A_160 = vector.shape_cast %broadcast_in_dim3A_156 : vector<16xf32> to vector<16xf32>
    tpu.vector_store %arg7[%swap3A_157], %swap3A_160 {strides = array<i32>} : memref<640xf32, #tpu.memory_space<vmem>>, vector<16xf32>,
    %broadcast_in_dim3A_161 = arith.constant 0.000000e+00 : f32
    %broadcast_in_dim3A_162 = vector.broadcast %broadcast_in_dim3A_161 : f32 to vector<16xf32>
    %swap3A_163 = arith.constant 304 : index
    %swap3A_164 = tpu.vector_load %arg7[%swap3A_163] {strides = array<i32>} : memref<640xf32, #tpu.memory_space<vmem>>, vector<16xf32>,
    %swap3A_165 = vector.shape_cast %swap3A_164 : vector<16xf32> to vector<16xf32>
    %swap3A_166 = vector.shape_cast %broadcast_in_dim3A_162 : vector<16xf32> to vector<16xf32>
    tpu.vector_store %arg7[%swap3A_163], %swap3A_166 {strides = array<i32>} : memref<640xf32, #tpu.memory_space<vmem>>, vector<16xf32>,
    %broadcast_in_dim3A_167 = arith.constant 0.000000e+00 : f32
    %broadcast_in_dim3A_168 = vector.broadcast %broadcast_in_dim3A_167 : f32 to vector<16xf32>
    %swap3A_169 = arith.constant 320 : index
    %swap3A_170 = tpu.vector_load %arg7[%swap3A_169] {strides = array<i32>} : memref<640xf32, #tpu.memory_space<vmem>>, vector<16xf32>,
    %swap3A_171 = vector.shape_cast %swap3A_170 : vector<16xf32> to vector<16xf32>
    %swap3A_172 = vector.shape_cast %broadcast_in_dim3A_168 : vector<16xf32> to vector<16xf32>
    tpu.vector_store %arg7[%swap3A_169], %swap3A_172 {strides = array<i32>} : memref<640xf32, #tpu.memory_space<vmem>>, vector<16xf32>,
    %broadcast_in_dim3A_173 = arith.constant 0.000000e+00 : f32
    %broadcast_in_dim3A_174 = vector.broadcast %broadcast_in_dim3A_173 : f32 to vector<16xf32>
    %swap3A_175 = arith.constant 336 : index
    %swap3A_176 = tpu.vector_load %arg7[%swap3A_175] {strides = array<i32>} : memref<640xf32, #tpu.memory_space<vmem>>, vector<16xf32>,
    %swap3A_177 = vector.shape_cast %swap3A_176 : vector<16xf32> to vector<16xf32>
    %swap3A_178 = vector.shape_cast %broadcast_in_dim3A_174 : vector<16xf32> to vector<16xf32>
    tpu.vector_store %arg7[%swap3A_175], %swap3A_178 {strides = array<i32>} : memref<640xf32, #tpu.memory_space<vmem>>, vector<16xf32>,
    %broadcast_in_dim3A_179 = arith.constant 0.000000e+00 : f32
    %broadcast_in_dim3A_180 = vector.broadcast %broadcast_in_dim3A_179 : f32 to vector<16xf32>
    %swap3A_181 = arith.constant 352 : index
    %swap3A_182 = tpu.vector_load %arg7[%swap3A_181] {strides = array<i32>} : memref<640xf32, #tpu.memory_space<vmem>>, vector<16xf32>,
    %swap3A_183 = vector.shape_cast %swap3A_182 : vector<16xf32> to vector<16xf32>
    %swap3A_184 = vector.shape_cast %broadcast_in_dim3A_180 : vector<16xf32> to vector<16xf32>
    tpu.vector_store %arg7[%swap3A_181], %swap3A_184 {strides = array<i32>} : memref<640xf32, #tpu.memory_space<vmem>>, vector<16xf32>,
    %broadcast_in_dim3A_185 = arith.constant 0.000000e+00 : f32
    %broadcast_in_dim3A_186 = vector.broadcast %broadcast_in_dim3A_185 : f32 to vector<16xf32>
    %swap3A_187 = arith.constant 368 : index
    %swap3A_188 = tpu.vector_load %arg7[%swap3A_187] {strides = array<i32>} : memref<640xf32, #tpu.memory_space<vmem>>, vector<16xf32>,
    %swap3A_189 = vector.shape_cast %swap3A_188 : vector<16xf32> to vector<16xf32>
    %swap3A_190 = vector.shape_cast %broadcast_in_dim3A_186 : vector<16xf32> to vector<16xf32>
    tpu.vector_store %arg7[%swap3A_187], %swap3A_190 {strides = array<i32>} : memref<640xf32, #tpu.memory_space<vmem>>, vector<16xf32>,
    %broadcast_in_dim3A_191 = arith.constant 0.000000e+00 : f32
    %broadcast_in_dim3A_192 = vector.broadcast %broadcast_in_dim3A_191 : f32 to vector<16xf32>
    %swap3A_193 = arith.constant 384 : index
    %swap3A_194 = tpu.vector_load %arg7[%swap3A_193] {strides = array<i32>} : memref<640xf32, #tpu.memory_space<vmem>>, vector<16xf32>,
    %swap3A_195 = vector.shape_cast %swap3A_194 : vector<16xf32> to vector<16xf32>
    %swap3A_196 = vector.shape_cast %broadcast_in_dim3A_192 : vector<16xf32> to vector<16xf32>
    tpu.vector_store %arg7[%swap3A_193], %swap3A_196 {strides = array<i32>} : memref<640xf32, #tpu.memory_space<vmem>>, vector<16xf32>,
    %broadcast_in_dim3A_197 = arith.constant 0.000000e+00 : f32
    %broadcast_in_dim3A_198 = vector.broadcast %broadcast_in_dim3A_197 : f32 to vector<16xf32>
    %swap3A_199 = arith.constant 400 : index
    %swap3A_200 = tpu.vector_load %arg7[%swap3A_199] {strides = array<i32>} : memref<640xf32, #tpu.memory_space<vmem>>, vector<16xf32>,
    %swap3A_201 = vector.shape_cast %swap3A_200 : vector<16xf32> to vector<16xf32>
    %swap3A_202 = vector.shape_cast %broadcast_in_dim3A_198 : vector<16xf32> to vector<16xf32>
    tpu.vector_store %arg7[%swap3A_199], %swap3A_202 {strides = array<i32>} : memref<640xf32, #tpu.memory_space<vmem>>, vector<16xf32>,
    %broadcast_in_dim3A_203 = arith.constant 0.000000e+00 : f32
    %broadcast_in_dim3A_204 = vector.broadcast %broadcast_in_dim3A_203 : f32 to vector<16xf32>
    %swap3A_205 = arith.constant 416 : index
    %swap3A_206 = tpu.vector_load %arg7[%swap3A_205] {strides = array<i32>} : memref<640xf32, #tpu.memory_space<vmem>>, vector<16xf32>,
    %swap3A_207 = vector.shape_cast %swap3A_206 : vector<16xf32> to vector<16xf32>
    %swap3A_208 = vector.shape_cast %broadcast_in_dim3A_204 : vector<16xf32> to vector<16xf32>
    tpu.vector_store %arg7[%swap3A_205], %swap3A_208 {strides = array<i32>} : memref<640xf32, #tpu.memory_space<vmem>>, vector<16xf32>,
    %broadcast_in_dim3A_209 = arith.constant 0.000000e+00 : f32
    %broadcast_in_dim3A_210 = vector.broadcast %broadcast_in_dim3A_209 : f32 to vector<16xf32>
    %swap3A_211 = arith.constant 432 : index
    %swap3A_212 = tpu.vector_load %arg7[%swap3A_211] {strides = array<i32>} : memref<640xf32, #tpu.memory_space<vmem>>, vector<16xf32>,
    %swap3A_213 = vector.shape_cast %swap3A_212 : vector<16xf32> to vector<16xf32>
    %swap3A_214 = vector.shape_cast %broadcast_in_dim3A_210 : vector<16xf32> to vector<16xf32>
    tpu.vector_store %arg7[%swap3A_211], %swap3A_214 {strides = array<i32>} : memref<640xf32, #tpu.memory_space<vmem>>, vector<16xf32>,
    %broadcast_in_dim3A_215 = arith.constant 0.000000e+00 : f32
    %broadcast_in_dim3A_216 = vector.broadcast %broadcast_in_dim3A_215 : f32 to vector<16xf32>
    %swap3A_217 = arith.constant 448 : index
    %swap3A_218 = tpu.vector_load %arg7[%swap3A_217] {strides = array<i32>} : memref<640xf32, #tpu.memory_space<vmem>>, vector<16xf32>,
    %swap3A_219 = vector.shape_cast %swap3A_218 : vector<16xf32> to vector<16xf32>
    %swap3A_220 = vector.shape_cast %broadcast_in_dim3A_216 : vector<16xf32> to vector<16xf32>
    tpu.vector_store %arg7[%swap3A_217], %swap3A_220 {strides = array<i32>} : memref<640xf32, #tpu.memory_space<vmem>>, vector<16xf32>,
    %broadcast_in_dim3A_221 = arith.constant 0.000000e+00 : f32
    %broadcast_in_dim3A_222 = vector.broadcast %broadcast_in_dim3A_221 : f32 to vector<16xf32>
    %swap3A_223 = arith.constant 464 : index
    %swap3A_224 = tpu.vector_load %arg7[%swap3A_223] {strides = array<i32>} : memref<640xf32, #tpu.memory_space<vmem>>, vector<16xf32>,
    %swap3A_225 = vector.shape_cast %swap3A_224 : vector<16xf32> to vector<16xf32>
    %swap3A_226 = vector.shape_cast %broadcast_in_dim3A_222 : vector<16xf32> to vector<16xf32>
    tpu.vector_store %arg7[%swap3A_223], %swap3A_226 {strides = array<i32>} : memref<640xf32, #tpu.memory_space<vmem>>, vector<16xf32>,
    %broadcast_in_dim3A_227 = arith.constant 0.000000e+00 : f32
    %broadcast_in_dim3A_228 = vector.broadcast %broadcast_in_dim3A_227 : f32 to vector<16xf32>
    %swap3A_229 = arith.constant 480 : index
    %swap3A_230 = tpu.vector_load %arg7[%swap3A_229] {strides = array<i32>} : memref<640xf32, #tpu.memory_space<vmem>>, vector<16xf32>,
    %swap3A_231 = vector.shape_cast %swap3A_230 : vector<16xf32> to vector<16xf32>
    %swap3A_232 = vector.shape_cast %broadcast_in_dim3A_228 : vector<16xf32> to vector<16xf32>
    tpu.vector_store %arg7[%swap3A_229], %swap3A_232 {strides = array<i32>} : memref<640xf32, #tpu.memory_space<vmem>>, vector<16xf32>,
    %broadcast_in_dim3A_233 = arith.constant 0.000000e+00 : f32
    %broadcast_in_dim3A_234 = vector.broadcast %broadcast_in_dim3A_233 : f32 to vector<16xf32>
    %swap3A_235 = arith.constant 496 : index
    %swap3A_236 = tpu.vector_load %arg7[%swap3A_235] {strides = array<i32>} : memref<640xf32, #tpu.memory_space<vmem>>, vector<16xf32>,
    %swap3A_237 = vector.shape_cast %swap3A_236 : vector<16xf32> to vector<16xf32>
    %swap3A_238 = vector.shape_cast %broadcast_in_dim3A_234 : vector<16xf32> to vector<16xf32>
    tpu.vector_store %arg7[%swap3A_235], %swap3A_238 {strides = array<i32>} : memref<640xf32, #tpu.memory_space<vmem>>, vector<16xf32>,
    %broadcast_in_dim3A_239 = arith.constant 0.000000e+00 : f32
    %broadcast_in_dim3A_240 = vector.broadcast %broadcast_in_dim3A_239 : f32 to vector<16xf32>
    %swap3A_241 = arith.constant 512 : index
    %swap3A_242 = tpu.vector_load %arg7[%swap3A_241] {strides = array<i32>} : memref<640xf32, #tpu.memory_space<vmem>>, vector<16xf32>,
    %swap3A_243 = vector.shape_cast %swap3A_242 : vector<16xf32> to vector<16xf32>
    %swap3A_244 = vector.shape_cast %broadcast_in_dim3A_240 : vector<16xf32> to vector<16xf32>
    tpu.vector_store %arg7[%swap3A_241], %swap3A_244 {strides = array<i32>} : memref<640xf32, #tpu.memory_space<vmem>>, vector<16xf32>,
    %broadcast_in_dim3A_245 = arith.constant 0.000000e+00 : f32
    %broadcast_in_dim3A_246 = vector.broadcast %broadcast_in_dim3A_245 : f32 to vector<16xf32>
    %swap3A_247 = arith.constant 528 : index
    %swap3A_248 = tpu.vector_load %arg7[%swap3A_247] {strides = array<i32>} : memref<640xf32, #tpu.memory_space<vmem>>, vector<16xf32>,
    %swap3A_249 = vector.shape_cast %swap3A_248 : vector<16xf32> to vector<16xf32>
    %swap3A_250 = vector.shape_cast %broadcast_in_dim3A_246 : vector<16xf32> to vector<16xf32>
    tpu.vector_store %arg7[%swap3A_247], %swap3A_250 {strides = array<i32>} : memref<640xf32, #tpu.memory_space<vmem>>, vector<16xf32>,
    %broadcast_in_dim3A_251 = arith.constant 0.000000e+00 : f32
    %broadcast_in_dim3A_252 = vector.broadcast %broadcast_in_dim3A_251 : f32 to vector<16xf32>
    %swap3A_253 = arith.constant 544 : index
    %swap3A_254 = tpu.vector_load %arg7[%swap3A_253] {strides = array<i32>} : memref<640xf32, #tpu.memory_space<vmem>>, vector<16xf32>,
    %swap3A_255 = vector.shape_cast %swap3A_254 : vector<16xf32> to vector<16xf32>
    %swap3A_256 = vector.shape_cast %broadcast_in_dim3A_252 : vector<16xf32> to vector<16xf32>
    tpu.vector_store %arg7[%swap3A_253], %swap3A_256 {strides = array<i32>} : memref<640xf32, #tpu.memory_space<vmem>>, vector<16xf32>,
    %broadcast_in_dim3A_257 = arith.constant 0.000000e+00 : f32
    %broadcast_in_dim3A_258 = vector.broadcast %broadcast_in_dim3A_257 : f32 to vector<16xf32>
    %swap3A_259 = arith.constant 560 : index
    %swap3A_260 = tpu.vector_load %arg7[%swap3A_259] {strides = array<i32>} : memref<640xf32, #tpu.memory_space<vmem>>, vector<16xf32>,
    %swap3A_261 = vector.shape_cast %swap3A_260 : vector<16xf32> to vector<16xf32>
    %swap3A_262 = vector.shape_cast %broadcast_in_dim3A_258 : vector<16xf32> to vector<16xf32>
    tpu.vector_store %arg7[%swap3A_259], %swap3A_262 {strides = array<i32>} : memref<640xf32, #tpu.memory_space<vmem>>, vector<16xf32>,
    %broadcast_in_dim3A_263 = arith.constant 0.000000e+00 : f32
    %broadcast_in_dim3A_264 = vector.broadcast %broadcast_in_dim3A_263 : f32 to vector<16xf32>
    %swap3A_265 = arith.constant 576 : index
    %swap3A_266 = tpu.vector_load %arg7[%swap3A_265] {strides = array<i32>} : memref<640xf32, #tpu.memory_space<vmem>>, vector<16xf32>,
    %swap3A_267 = vector.shape_cast %swap3A_266 : vector<16xf32> to vector<16xf32>
    %swap3A_268 = vector.shape_cast %broadcast_in_dim3A_264 : vector<16xf32> to vector<16xf32>
    tpu.vector_store %arg7[%swap3A_265], %swap3A_268 {strides = array<i32>} : memref<640xf32, #tpu.memory_space<vmem>>, vector<16xf32>,
    %broadcast_in_dim3A_269 = arith.constant 0.000000e+00 : f32
    %broadcast_in_dim3A_270 = vector.broadcast %broadcast_in_dim3A_269 : f32 to vector<16xf32>
    %swap3A_271 = arith.constant 592 : index
    %swap3A_272 = tpu.vector_load %arg7[%swap3A_271] {strides = array<i32>} : memref<640xf32, #tpu.memory_space<vmem>>, vector<16xf32>,
    %swap3A_273 = vector.shape_cast %swap3A_272 : vector<16xf32> to vector<16xf32>
    %swap3A_274 = vector.shape_cast %broadcast_in_dim3A_270 : vector<16xf32> to vector<16xf32>
    tpu.vector_store %arg7[%swap3A_271], %swap3A_274 {strides = array<i32>} : memref<640xf32, #tpu.memory_space<vmem>>, vector<16xf32>,
    %broadcast_in_dim3A_275 = arith.constant 0.000000e+00 : f32
    %broadcast_in_dim3A_276 = vector.broadcast %broadcast_in_dim3A_275 : f32 to vector<16xf32>
    %swap3A_277 = arith.constant 608 : index
    %swap3A_278 = tpu.vector_load %arg7[%swap3A_277] {strides = array<i32>} : memref<640xf32, #tpu.memory_space<vmem>>, vector<16xf32>,
    %swap3A_279 = vector.shape_cast %swap3A_278 : vector<16xf32> to vector<16xf32>
    %swap3A_280 = vector.shape_cast %broadcast_in_dim3A_276 : vector<16xf32> to vector<16xf32>
    tpu.vector_store %arg7[%swap3A_277], %swap3A_280 {strides = array<i32>} : memref<640xf32, #tpu.memory_space<vmem>>, vector<16xf32>,
    %broadcast_in_dim3A_281 = arith.constant 0.000000e+00 : f32
    %broadcast_in_dim3A_282 = vector.broadcast %broadcast_in_dim3A_281 : f32 to vector<16xf32>
    %swap3A_283 = arith.constant 624 : index
    %swap3A_284 = tpu.vector_load %arg7[%swap3A_283] {strides = array<i32>} : memref<640xf32, #tpu.memory_space<vmem>>, vector<16xf32>,
    %swap3A_285 = vector.shape_cast %swap3A_284 : vector<16xf32> to vector<16xf32>
    %swap3A_286 = vector.shape_cast %broadcast_in_dim3A_282 : vector<16xf32> to vector<16xf32>
    tpu.vector_store %arg7[%swap3A_283], %swap3A_286 {strides = array<i32>} : memref<640xf32, #tpu.memory_space<vmem>>, vector<16xf32>,
    %mul3A_287 = arith.constant 640 : i32
    %mul3A_288 = arith.muli %arg1, %mul3A_287 : i32
    "tpu.region"() ({
      %run_scoped3A = tpu.sem_alloc : memref<!tpu.dma_semaphore, #tpu.memory_space<semaphore_mem>>
      %dma_start3A = tpu.memref_slice %arg4[%mul3A_288] : memref<10240xf32, #tpu.memory_space<vmem_shared>> -> memref<640xf32, #tpu.memory_space<vmem_shared>>
      %dma_start3A_298 = tpu.memref_slice %arg4[%mul3A_288] : memref<10240xf32, #tpu.memory_space<vmem_shared>> -> memref<640xf32, #tpu.memory_space<vmem_shared>>
      tpu.enqueue_dma source(%arg7 : memref<640xf32, #tpu.memory_space<vmem>>) target(%dma_start3A_298 : memref<640xf32, #tpu.memory_space<vmem_shared>>) target_semaphore(%run_scoped3A : memref<!tpu.dma_semaphore, #tpu.memory_space<semaphore_mem>>)
      %dma_wait3A = tpu.memref_slice %arg4[%mul3A_288] : memref<10240xf32, #tpu.memory_space<vmem_shared>> -> memref<640xf32, #tpu.memory_space<vmem_shared>>
      %dma_wait3A_299 = tpu.memref_slice %arg4[%mul3A_288] : memref<10240xf32, #tpu.memory_space<vmem_shared>> -> memref<640xf32, #tpu.memory_space<vmem_shared>>
      tpu.wait_dma2 semaphore(%run_scoped3A : memref<!tpu.dma_semaphore, #tpu.memory_space<semaphore_mem>>) src(%arg7 : memref<640xf32, #tpu.memory_space<vmem>>) dst(%dma_wait3A_299 : memref<640xf32, #tpu.memory_space<vmem_shared>>)
      tpu.yield
    }) : () -> ()
    %barrier3A = arith.constant 0 : index
    tpu.barrier barrier_id(%barrier3A)
    %scan3A = arith.constant 0 : i32
    %scan3A_289 = arith.constant 5 : i32
    %scan3A_290 = arith.addi %scan3A, %scan3A_289 : i32
    %scan3A_291 = arith.constant 1 : i32
    scf.for %scan3A_298 = %scan3A to %scan3A_290 step %scan3A_291  : i32 {
      "tpu.region"() ({
        %run_scoped3A = tpu.sem_alloc : memref<!tpu.dma_semaphore, #tpu.memory_space<semaphore_mem>>
        %dma_start3A = arith.constant 0 : i32
        %dma_start3A_304 = arith.constant 0 : i32
        %dma_start3A_305 = tpu.memref_slice %arg2[%add3A, %scan3A_298, %dma_start3A, %dma_start3A_304] : memref<32x5x16x128xi32, #tpu.memory_space<hbm>> -> memref<1x1x16x128xi32, #tpu.memory_space<hbm>>
        %dma_start3A_306 = tpu.memref_squeeze %dma_start3A_305 : memref<1x1x16x128xi32, #tpu.memory_space<hbm>> -> memref<16x128xi32, #tpu.memory_space<hbm>>
        %dma_start3A_307 = arith.constant 0 : i32
        %dma_start3A_308 = arith.constant 0 : i32
        %dma_start3A_309 = tpu.memref_slice %arg2[%add3A, %scan3A_298, %dma_start3A_307, %dma_start3A_308] : memref<32x5x16x128xi32, #tpu.memory_space<hbm>> -> memref<1x1x16x128xi32, #tpu.memory_space<hbm>>
        %dma_start3A_310 = tpu.memref_squeeze %dma_start3A_309 : memref<1x1x16x128xi32, #tpu.memory_space<hbm>> -> memref<16x128xi32, #tpu.memory_space<hbm>>
        tpu.enqueue_dma source(%dma_start3A_310 : memref<16x128xi32, #tpu.memory_space<hbm>>) target(%arg5 : memref<16x128xi32, #tpu.memory_space<vmem>>) target_semaphore(%run_scoped3A : memref<!tpu.dma_semaphore, #tpu.memory_space<semaphore_mem>>)
        %dma_wait3A = arith.constant 0 : i32
        %dma_wait3A_311 = arith.constant 0 : i32
        %dma_wait3A_312 = tpu.memref_slice %arg2[%add3A, %scan3A_298, %dma_wait3A, %dma_wait3A_311] : memref<32x5x16x128xi32, #tpu.memory_space<hbm>> -> memref<1x1x16x128xi32, #tpu.memory_space<hbm>>
        %dma_wait3A_313 = tpu.memref_squeeze %dma_wait3A_312 : memref<1x1x16x128xi32, #tpu.memory_space<hbm>> -> memref<16x128xi32, #tpu.memory_space<hbm>>
        %dma_wait3A_314 = arith.constant 0 : i32
        %dma_wait3A_315 = arith.constant 0 : i32
        %dma_wait3A_316 = tpu.memref_slice %arg2[%add3A, %scan3A_298, %dma_wait3A_314, %dma_wait3A_315] : memref<32x5x16x128xi32, #tpu.memory_space<hbm>> -> memref<1x1x16x128xi32, #tpu.memory_space<hbm>>
        %dma_wait3A_317 = tpu.memref_squeeze %dma_wait3A_316 : memref<1x1x16x128xi32, #tpu.memory_space<hbm>> -> memref<16x128xi32, #tpu.memory_space<hbm>>
        tpu.wait_dma2 semaphore(%run_scoped3A : memref<!tpu.dma_semaphore, #tpu.memory_space<semaphore_mem>>) src(%dma_wait3A_317 : memref<16x128xi32, #tpu.memory_space<hbm>>) dst(%arg5 : memref<16x128xi32, #tpu.memory_space<vmem>>)
        tpu.yield
      }) : () -> ()
      %scan3A_299 = arith.constant 0 : i32
      %scan3A_300 = arith.constant 16 : i32
      %scan3A_301 = arith.addi %scan3A_299, %scan3A_300 : i32
      %scan3A_302 = arith.constant 1 : i32
      scf.for %scan3A_304 = %scan3A_299 to %scan3A_301 step %scan3A_302  : i32 {
        "tpu.region"() ({
          %run_scoped3A = tpu.sem_alloc : memref<!tpu.dma_semaphore, #tpu.memory_space<semaphore_mem>>
          %dma_start3A = arith.constant 0 : i32
          %dma_start3A_305 = tpu.memref_slice %arg5[%scan3A_304, %dma_start3A] : memref<16x128xi32, #tpu.memory_space<vmem>> -> memref<1x128xi32, #tpu.memory_space<vmem>>
          %dma_start3A_306 = tpu.memref_squeeze %dma_start3A_305 : memref<1x128xi32, #tpu.memory_space<vmem>> -> memref<128xi32, #tpu.memory_space<vmem>>
          %dma_start3A_307 = arith.constant 0 : i32
          %dma_start3A_308 = tpu.memref_slice %arg4[%dma_start3A_307] : memref<10240xf32, #tpu.memory_space<vmem_shared>> -> memref<10240xf32, #tpu.memory_space<vmem_shared>>
          tpu.enqueue_indirect_dma source(%arg6 : memref<128xf32, #tpu.memory_space<vmem>>) target(%dma_start3A_308 : memref<10240xf32, #tpu.memory_space<vmem_shared>>) offsets(%dma_start3A_306 : memref<128xi32, #tpu.memory_space<vmem>>) semaphore(%run_scoped3A : memref<!tpu.dma_semaphore, #tpu.memory_space<semaphore_mem>>) {add = true}
          %dma_wait3A = arith.constant 0 : i32
          %dma_wait3A_309 = tpu.memref_slice %arg5[%scan3A_304, %dma_wait3A] : memref<16x128xi32, #tpu.memory_space<vmem>> -> memref<1x128xi32, #tpu.memory_space<vmem>>
          %dma_wait3A_310 = tpu.memref_squeeze %dma_wait3A_309 : memref<1x128xi32, #tpu.memory_space<vmem>> -> memref<128xi32, #tpu.memory_space<vmem>>
          %dma_wait3A_311 = arith.constant 0 : i32
          %dma_wait3A_312 = tpu.memref_slice %arg4[%dma_wait3A_311] : memref<10240xf32, #tpu.memory_space<vmem_shared>> -> memref<10240xf32, #tpu.memory_space<vmem_shared>>
          tpu.wait_indirect_dma semaphore(%run_scoped3A : memref<!tpu.dma_semaphore, #tpu.memory_space<semaphore_mem>>) src(%arg6 : memref<128xf32, #tpu.memory_space<vmem>>) dst(%dma_wait3A_312 : memref<10240xf32, #tpu.memory_space<vmem_shared>>)
          tpu.yield
        }) : () -> ()
      }
      %scan3A_303 = arith.constant 16 : i32
    }
    %scan3A_292 = arith.constant 5 : i32
    %barrier3A_293 = arith.constant 0 : index
    tpu.barrier barrier_id(%barrier3A_293)
    %mul3A_294 = arith.constant 640 : i32
    %mul3A_295 = arith.muli %arg1, %mul3A_294 : i32
    "tpu.region"() ({
      %run_scoped3A = tpu.sem_alloc : memref<!tpu.dma_semaphore, #tpu.memory_space<semaphore_mem>>
      %dma_start3A = tpu.memref_slice %arg4[%mul3A_295] : memref<10240xf32, #tpu.memory_space<vmem_shared>> -> memref<640xf32, #tpu.memory_space<vmem_shared>>
      %dma_start3A_298 = tpu.memref_slice %arg4[%mul3A_295] : memref<10240xf32, #tpu.memory_space<vmem_shared>> -> memref<640xf32, #tpu.memory_space<vmem_shared>>
      tpu.enqueue_dma source(%dma_start3A_298 : memref<640xf32, #tpu.memory_space<vmem_shared>>) target(%arg7 : memref<640xf32, #tpu.memory_space<vmem>>) target_semaphore(%run_scoped3A : memref<!tpu.dma_semaphore, #tpu.memory_space<semaphore_mem>>)
      %dma_wait3A = tpu.memref_slice %arg4[%mul3A_295] : memref<10240xf32, #tpu.memory_space<vmem_shared>> -> memref<640xf32, #tpu.memory_space<vmem_shared>>
      %dma_wait3A_299 = tpu.memref_slice %arg4[%mul3A_295] : memref<10240xf32, #tpu.memory_space<vmem_shared>> -> memref<640xf32, #tpu.memory_space<vmem_shared>>
      tpu.wait_dma2 semaphore(%run_scoped3A : memref<!tpu.dma_semaphore, #tpu.memory_space<semaphore_mem>>) src(%dma_wait3A_299 : memref<640xf32, #tpu.memory_space<vmem_shared>>) dst(%arg7 : memref<640xf32, #tpu.memory_space<vmem>>)
      tpu.yield
    }) : () -> ()
    %mul3A_296 = arith.constant 640 : i32
    %mul3A_297 = arith.muli %arg1, %mul3A_296 : i32
    "tpu.region"() ({
      %run_scoped3A = tpu.sem_alloc : memref<!tpu.dma_semaphore, #tpu.memory_space<semaphore_mem>>
      %dma_start3A = tpu.memref_slice %arg3[%arg0, %mul3A_297] : memref<2x10240xf32, #tpu.memory_space<hbm>> -> memref<1x640xf32, #tpu.memory_space<hbm>>
      %dma_start3A_298 = tpu.memref_squeeze %dma_start3A : memref<1x640xf32, #tpu.memory_space<hbm>> -> memref<640xf32, #tpu.memory_space<hbm>>
      %dma_start3A_299 = tpu.memref_slice %arg3[%arg0, %mul3A_297] : memref<2x10240xf32, #tpu.memory_space<hbm>> -> memref<1x640xf32, #tpu.memory_space<hbm>>
      %dma_start3A_300 = tpu.memref_squeeze %dma_start3A_299 : memref<1x640xf32, #tpu.memory_space<hbm>> -> memref<640xf32, #tpu.memory_space<hbm>>
      tpu.enqueue_dma source(%arg7 : memref<640xf32, #tpu.memory_space<vmem>>) target(%dma_start3A_300 : memref<640xf32, #tpu.memory_space<hbm>>) target_semaphore(%run_scoped3A : memref<!tpu.dma_semaphore, #tpu.memory_space<semaphore_mem>>)
      %dma_wait3A = tpu.memref_slice %arg3[%arg0, %mul3A_297] : memref<2x10240xf32, #tpu.memory_space<hbm>> -> memref<1x640xf32, #tpu.memory_space<hbm>>
      %dma_wait3A_301 = tpu.memref_squeeze %dma_wait3A : memref<1x640xf32, #tpu.memory_space<hbm>> -> memref<640xf32, #tpu.memory_space<hbm>>
      %dma_wait3A_302 = tpu.memref_slice %arg3[%arg0, %mul3A_297] : memref<2x10240xf32, #tpu.memory_space<hbm>> -> memref<1x640xf32, #tpu.memory_space<hbm>>
      %dma_wait3A_303 = tpu.memref_squeeze %dma_wait3A_302 : memref<1x640xf32, #tpu.memory_space<hbm>> -> memref<640xf32, #tpu.memory_space<hbm>>
      tpu.wait_dma2 semaphore(%run_scoped3A : memref<!tpu.dma_semaphore, #tpu.memory_space<semaphore_mem>>) src(%arg7 : memref<640xf32, #tpu.memory_space<vmem>>) dst(%dma_wait3A_303 : memref<640xf32, #tpu.memory_space<hbm>>)
      tpu.yield
    }) : () -> ()
    return
  }
}

#map = affine_map<(d0, d1) -> (0, 0)>
#map1 = affine_map<(d0, d1) -> (0, 0, 0, 0)>
module attributes {stable_mosaic.version = 14 : i64} {
  func.func @_edge_body(%arg0: i32, %arg1: i32, %arg2: memref<10240x128xf32, #tpu.memory_space<hbm>>, %arg3: memref<32x5x16x128xi32, #tpu.memory_space<hbm>>, %arg4: memref<32x5x16x128xi32, #tpu.memory_space<hbm>>, %arg5: memref<10240x256xf32, #tpu.memory_space<hbm>>, %arg6: memref<10240x128xf32, #tpu.memory_space<vmem_shared>>, %arg7: memref<16x128xi32, #tpu.memory_space<vmem>>, %arg8: memref<16x128xi32, #tpu.memory_space<vmem>>, %arg9: memref<128x128xf32, #tpu.memory_space<vmem>>, %arg10: memref<128x128xf32, #tpu.memory_space<vmem>>, %arg11: memref<!tpu.dma_semaphore, #tpu.memory_space<semaphore_mem>>, %arg12: memref<!tpu.dma_semaphore, #tpu.memory_space<semaphore_mem>>) attributes {dimension_semantics = [#tpu.dimension_semantics<core_parallel>, #tpu.dimension_semantics<subcore_parallel>], iteration_bounds = array<i64: 2, 16>, scalar_prefetch = 0 : i64, scratch_operands = 7 : i64, tpu.core_type = #tpu.core_type<sc_vector_subcore>, window_params = [{transform_indices = #map}, {transform_indices = #map1}, {transform_indices = #map1}, {transform_indices = #map}]} {
    %mul3A = arith.constant 16 : i32
    %mul3A_0 = arith.muli %arg0, %mul3A : i32
    %add3A = arith.addi %mul3A_0, %arg1 : i32
    %mul3A_1 = arith.constant 640 : i32
    %mul3A_2 = arith.muli %arg1, %mul3A_1 : i32
    %ne3A = arith.constant 0 : i32
    %ne3A_3 = arith.cmpi ne, %arg0, %ne3A : i32
    %convert_element_type3A = arith.extui %ne3A_3 : i1 to i32
    %cond3A = arith.constant 0 : i32
    %cond3A_4 = arith.cmpi ne, %convert_element_type3A, %cond3A : i32
    scf.if %cond3A_4 {
      %scan3A_22 = arith.constant 0 : i32
      %scan3A_23 = arith.constant 128 : i32
      %scan3A_24 = arith.addi %scan3A_22, %scan3A_23 : i32
      %scan3A_25 = arith.constant 1 : i32
      scf.for %scan3A_27 = %scan3A_22 to %scan3A_24 step %scan3A_25  : i32 {
        %broadcast_in_dim3A = arith.constant 0.000000e+00 : f32
        %broadcast_in_dim3A_28 = vector.broadcast %broadcast_in_dim3A : f32 to vector<16xf32>
        %swap3A = arith.index_cast %scan3A_27 : i32 to index
        %swap3A_29 = arith.constant 0 : index
        %swap3A_30 = tpu.vector_load %arg9[%swap3A, %swap3A_29] {strides = array<i32>} : memref<128x128xf32, #tpu.memory_space<vmem>>, vector<1x16xf32>,
        %swap3A_31 = vector.shape_cast %swap3A_30 : vector<1x16xf32> to vector<16xf32>
        %swap3A_32 = vector.shape_cast %broadcast_in_dim3A_28 : vector<16xf32> to vector<1x16xf32>
        tpu.vector_store %arg9[%swap3A, %swap3A_29], %swap3A_32 {strides = array<i32>} : memref<128x128xf32, #tpu.memory_space<vmem>>, vector<1x16xf32>,
        %broadcast_in_dim3A_33 = arith.constant 0.000000e+00 : f32
        %broadcast_in_dim3A_34 = vector.broadcast %broadcast_in_dim3A_33 : f32 to vector<16xf32>
        %swap3A_35 = arith.index_cast %scan3A_27 : i32 to index
        %swap3A_36 = arith.constant 16 : index
        %swap3A_37 = tpu.vector_load %arg9[%swap3A_35, %swap3A_36] {strides = array<i32>} : memref<128x128xf32, #tpu.memory_space<vmem>>, vector<1x16xf32>,
        %swap3A_38 = vector.shape_cast %swap3A_37 : vector<1x16xf32> to vector<16xf32>
        %swap3A_39 = vector.shape_cast %broadcast_in_dim3A_34 : vector<16xf32> to vector<1x16xf32>
        tpu.vector_store %arg9[%swap3A_35, %swap3A_36], %swap3A_39 {strides = array<i32>} : memref<128x128xf32, #tpu.memory_space<vmem>>, vector<1x16xf32>,
        %broadcast_in_dim3A_40 = arith.constant 0.000000e+00 : f32
        %broadcast_in_dim3A_41 = vector.broadcast %broadcast_in_dim3A_40 : f32 to vector<16xf32>
        %swap3A_42 = arith.index_cast %scan3A_27 : i32 to index
        %swap3A_43 = arith.constant 32 : index
        %swap3A_44 = tpu.vector_load %arg9[%swap3A_42, %swap3A_43] {strides = array<i32>} : memref<128x128xf32, #tpu.memory_space<vmem>>, vector<1x16xf32>,
        %swap3A_45 = vector.shape_cast %swap3A_44 : vector<1x16xf32> to vector<16xf32>
        %swap3A_46 = vector.shape_cast %broadcast_in_dim3A_41 : vector<16xf32> to vector<1x16xf32>
        tpu.vector_store %arg9[%swap3A_42, %swap3A_43], %swap3A_46 {strides = array<i32>} : memref<128x128xf32, #tpu.memory_space<vmem>>, vector<1x16xf32>,
        %broadcast_in_dim3A_47 = arith.constant 0.000000e+00 : f32
        %broadcast_in_dim3A_48 = vector.broadcast %broadcast_in_dim3A_47 : f32 to vector<16xf32>
        %swap3A_49 = arith.index_cast %scan3A_27 : i32 to index
        %swap3A_50 = arith.constant 48 : index
        %swap3A_51 = tpu.vector_load %arg9[%swap3A_49, %swap3A_50] {strides = array<i32>} : memref<128x128xf32, #tpu.memory_space<vmem>>, vector<1x16xf32>,
        %swap3A_52 = vector.shape_cast %swap3A_51 : vector<1x16xf32> to vector<16xf32>
        %swap3A_53 = vector.shape_cast %broadcast_in_dim3A_48 : vector<16xf32> to vector<1x16xf32>
        tpu.vector_store %arg9[%swap3A_49, %swap3A_50], %swap3A_53 {strides = array<i32>} : memref<128x128xf32, #tpu.memory_space<vmem>>, vector<1x16xf32>,
        %broadcast_in_dim3A_54 = arith.constant 0.000000e+00 : f32
        %broadcast_in_dim3A_55 = vector.broadcast %broadcast_in_dim3A_54 : f32 to vector<16xf32>
        %swap3A_56 = arith.index_cast %scan3A_27 : i32 to index
        %swap3A_57 = arith.constant 64 : index
        %swap3A_58 = tpu.vector_load %arg9[%swap3A_56, %swap3A_57] {strides = array<i32>} : memref<128x128xf32, #tpu.memory_space<vmem>>, vector<1x16xf32>,
        %swap3A_59 = vector.shape_cast %swap3A_58 : vector<1x16xf32> to vector<16xf32>
        %swap3A_60 = vector.shape_cast %broadcast_in_dim3A_55 : vector<16xf32> to vector<1x16xf32>
        tpu.vector_store %arg9[%swap3A_56, %swap3A_57], %swap3A_60 {strides = array<i32>} : memref<128x128xf32, #tpu.memory_space<vmem>>, vector<1x16xf32>,
        %broadcast_in_dim3A_61 = arith.constant 0.000000e+00 : f32
        %broadcast_in_dim3A_62 = vector.broadcast %broadcast_in_dim3A_61 : f32 to vector<16xf32>
        %swap3A_63 = arith.index_cast %scan3A_27 : i32 to index
        %swap3A_64 = arith.constant 80 : index
        %swap3A_65 = tpu.vector_load %arg9[%swap3A_63, %swap3A_64] {strides = array<i32>} : memref<128x128xf32, #tpu.memory_space<vmem>>, vector<1x16xf32>,
        %swap3A_66 = vector.shape_cast %swap3A_65 : vector<1x16xf32> to vector<16xf32>
        %swap3A_67 = vector.shape_cast %broadcast_in_dim3A_62 : vector<16xf32> to vector<1x16xf32>
        tpu.vector_store %arg9[%swap3A_63, %swap3A_64], %swap3A_67 {strides = array<i32>} : memref<128x128xf32, #tpu.memory_space<vmem>>, vector<1x16xf32>,
        %broadcast_in_dim3A_68 = arith.constant 0.000000e+00 : f32
        %broadcast_in_dim3A_69 = vector.broadcast %broadcast_in_dim3A_68 : f32 to vector<16xf32>
        %swap3A_70 = arith.index_cast %scan3A_27 : i32 to index
        %swap3A_71 = arith.constant 96 : index
        %swap3A_72 = tpu.vector_load %arg9[%swap3A_70, %swap3A_71] {strides = array<i32>} : memref<128x128xf32, #tpu.memory_space<vmem>>, vector<1x16xf32>,
        %swap3A_73 = vector.shape_cast %swap3A_72 : vector<1x16xf32> to vector<16xf32>
        %swap3A_74 = vector.shape_cast %broadcast_in_dim3A_69 : vector<16xf32> to vector<1x16xf32>
        tpu.vector_store %arg9[%swap3A_70, %swap3A_71], %swap3A_74 {strides = array<i32>} : memref<128x128xf32, #tpu.memory_space<vmem>>, vector<1x16xf32>,
        %broadcast_in_dim3A_75 = arith.constant 0.000000e+00 : f32
        %broadcast_in_dim3A_76 = vector.broadcast %broadcast_in_dim3A_75 : f32 to vector<16xf32>
        %swap3A_77 = arith.index_cast %scan3A_27 : i32 to index
        %swap3A_78 = arith.constant 112 : index
        %swap3A_79 = tpu.vector_load %arg9[%swap3A_77, %swap3A_78] {strides = array<i32>} : memref<128x128xf32, #tpu.memory_space<vmem>>, vector<1x16xf32>,
        %swap3A_80 = vector.shape_cast %swap3A_79 : vector<1x16xf32> to vector<16xf32>
        %swap3A_81 = vector.shape_cast %broadcast_in_dim3A_76 : vector<16xf32> to vector<1x16xf32>
        tpu.vector_store %arg9[%swap3A_77, %swap3A_78], %swap3A_81 {strides = array<i32>} : memref<128x128xf32, #tpu.memory_space<vmem>>, vector<1x16xf32>,
      }
      %scan3A_26 = arith.constant 128 : i32
    } else {
    }
    %scan3A = arith.constant 0 : i32
    %scan3A_5 = arith.constant 5 : i32
    %scan3A_6 = arith.addi %scan3A, %scan3A_5 : i32
    %scan3A_7 = arith.constant 1 : i32
    scf.for %scan3A_22 = %scan3A to %scan3A_6 step %scan3A_7  : i32 {
      %mul3A_23 = arith.constant 128 : i32
      %mul3A_24 = arith.muli %scan3A_22, %mul3A_23 : i32
      %add3A_25 = arith.addi %mul3A_2, %mul3A_24 : i32
      %eq3A = arith.constant 0 : i32
      %eq3A_26 = arith.cmpi eq, %arg0, %eq3A : i32
      %convert_element_type3A_27 = arith.extui %eq3A_26 : i1 to i32
      %cond3A_28 = arith.constant 0 : i32
      %cond3A_29 = arith.cmpi ne, %convert_element_type3A_27, %cond3A_28 : i32
      scf.if %cond3A_29 {
        "tpu.region"() ({
          %run_scoped3A = tpu.sem_alloc : memref<!tpu.dma_semaphore, #tpu.memory_space<semaphore_mem>>
          %dma_start3A = arith.constant 0 : i32
          %dma_start3A_30 = tpu.memref_slice %arg2[%add3A_25, %dma_start3A] : memref<10240x128xf32, #tpu.memory_space<hbm>> -> memref<128x128xf32, #tpu.memory_space<hbm>>
          %dma_start3A_31 = arith.constant 0 : i32
          %dma_start3A_32 = tpu.memref_slice %arg2[%add3A_25, %dma_start3A_31] : memref<10240x128xf32, #tpu.memory_space<hbm>> -> memref<128x128xf32, #tpu.memory_space<hbm>>
          tpu.enqueue_dma source(%dma_start3A_32 : memref<128x128xf32, #tpu.memory_space<hbm>>) target(%arg9 : memref<128x128xf32, #tpu.memory_space<vmem>>) target_semaphore(%run_scoped3A : memref<!tpu.dma_semaphore, #tpu.memory_space<semaphore_mem>>)
          %dma_wait3A = arith.constant 0 : i32
          %dma_wait3A_33 = tpu.memref_slice %arg2[%add3A_25, %dma_wait3A] : memref<10240x128xf32, #tpu.memory_space<hbm>> -> memref<128x128xf32, #tpu.memory_space<hbm>>
          %dma_wait3A_34 = arith.constant 0 : i32
          %dma_wait3A_35 = tpu.memref_slice %arg2[%add3A_25, %dma_wait3A_34] : memref<10240x128xf32, #tpu.memory_space<hbm>> -> memref<128x128xf32, #tpu.memory_space<hbm>>
          tpu.wait_dma2 semaphore(%run_scoped3A : memref<!tpu.dma_semaphore, #tpu.memory_space<semaphore_mem>>) src(%dma_wait3A_35 : memref<128x128xf32, #tpu.memory_space<hbm>>) dst(%arg9 : memref<128x128xf32, #tpu.memory_space<vmem>>)
          tpu.yield
        }) : () -> ()
      } else {
      }
      "tpu.region"() ({
        %run_scoped3A = tpu.sem_alloc : memref<!tpu.dma_semaphore, #tpu.memory_space<semaphore_mem>>
        %dma_start3A = arith.constant 0 : i32
        %dma_start3A_30 = tpu.memref_slice %arg6[%add3A_25, %dma_start3A] : memref<10240x128xf32, #tpu.memory_space<vmem_shared>> -> memref<128x128xf32, #tpu.memory_space<vmem_shared>>
        %dma_start3A_31 = arith.constant 0 : i32
        %dma_start3A_32 = tpu.memref_slice %arg6[%add3A_25, %dma_start3A_31] : memref<10240x128xf32, #tpu.memory_space<vmem_shared>> -> memref<128x128xf32, #tpu.memory_space<vmem_shared>>
        tpu.enqueue_dma source(%arg9 : memref<128x128xf32, #tpu.memory_space<vmem>>) target(%dma_start3A_32 : memref<128x128xf32, #tpu.memory_space<vmem_shared>>) target_semaphore(%run_scoped3A : memref<!tpu.dma_semaphore, #tpu.memory_space<semaphore_mem>>)
        %dma_wait3A = arith.constant 0 : i32
        %dma_wait3A_33 = tpu.memref_slice %arg6[%add3A_25, %dma_wait3A] : memref<10240x128xf32, #tpu.memory_space<vmem_shared>> -> memref<128x128xf32, #tpu.memory_space<vmem_shared>>
        %dma_wait3A_34 = arith.constant 0 : i32
        %dma_wait3A_35 = tpu.memref_slice %arg6[%add3A_25, %dma_wait3A_34] : memref<10240x128xf32, #tpu.memory_space<vmem_shared>> -> memref<128x128xf32, #tpu.memory_space<vmem_shared>>
        tpu.wait_dma2 semaphore(%run_scoped3A : memref<!tpu.dma_semaphore, #tpu.memory_space<semaphore_mem>>) src(%arg9 : memref<128x128xf32, #tpu.memory_space<vmem>>) dst(%dma_wait3A_35 : memref<128x128xf32, #tpu.memory_space<vmem_shared>>)
        tpu.yield
      }) : () -> ()
    }
    %scan3A_8 = arith.constant 5 : i32
    %barrier3A = arith.constant 0 : index
    tpu.barrier barrier_id(%barrier3A)
    %scan3A_9 = arith.constant 0 : i32
    %scan3A_10 = arith.constant 5 : i32
    %scan3A_11 = arith.addi %scan3A_9, %scan3A_10 : i32
    %scan3A_12 = arith.constant 1 : i32
    scf.for %scan3A_22 = %scan3A_9 to %scan3A_11 step %scan3A_12  : i32 {
      "tpu.region"() ({
        %run_scoped3A = tpu.sem_alloc : memref<!tpu.dma_semaphore, #tpu.memory_space<semaphore_mem>>
        %dma_start3A_34 = arith.constant 0 : i32
        %dma_start3A_35 = arith.constant 0 : i32
        %dma_start3A_36 = tpu.memref_slice %arg3[%add3A, %scan3A_22, %dma_start3A_34, %dma_start3A_35] : memref<32x5x16x128xi32, #tpu.memory_space<hbm>> -> memref<1x1x16x128xi32, #tpu.memory_space<hbm>>
        %dma_start3A_37 = tpu.memref_squeeze %dma_start3A_36 : memref<1x1x16x128xi32, #tpu.memory_space<hbm>> -> memref<16x128xi32, #tpu.memory_space<hbm>>
        %dma_start3A_38 = arith.constant 0 : i32
        %dma_start3A_39 = arith.constant 0 : i32
        %dma_start3A_40 = tpu.memref_slice %arg3[%add3A, %scan3A_22, %dma_start3A_38, %dma_start3A_39] : memref<32x5x16x128xi32, #tpu.memory_space<hbm>> -> memref<1x1x16x128xi32, #tpu.memory_space<hbm>>
        %dma_start3A_41 = tpu.memref_squeeze %dma_start3A_40 : memref<1x1x16x128xi32, #tpu.memory_space<hbm>> -> memref<16x128xi32, #tpu.memory_space<hbm>>
        tpu.enqueue_dma source(%dma_start3A_41 : memref<16x128xi32, #tpu.memory_space<hbm>>) target(%arg7 : memref<16x128xi32, #tpu.memory_space<vmem>>) target_semaphore(%run_scoped3A : memref<!tpu.dma_semaphore, #tpu.memory_space<semaphore_mem>>)
        %dma_wait3A = arith.constant 0 : i32
        %dma_wait3A_42 = arith.constant 0 : i32
        %dma_wait3A_43 = tpu.memref_slice %arg3[%add3A, %scan3A_22, %dma_wait3A, %dma_wait3A_42] : memref<32x5x16x128xi32, #tpu.memory_space<hbm>> -> memref<1x1x16x128xi32, #tpu.memory_space<hbm>>
        %dma_wait3A_44 = tpu.memref_squeeze %dma_wait3A_43 : memref<1x1x16x128xi32, #tpu.memory_space<hbm>> -> memref<16x128xi32, #tpu.memory_space<hbm>>
        %dma_wait3A_45 = arith.constant 0 : i32
        %dma_wait3A_46 = arith.constant 0 : i32
        %dma_wait3A_47 = tpu.memref_slice %arg3[%add3A, %scan3A_22, %dma_wait3A_45, %dma_wait3A_46] : memref<32x5x16x128xi32, #tpu.memory_space<hbm>> -> memref<1x1x16x128xi32, #tpu.memory_space<hbm>>
        %dma_wait3A_48 = tpu.memref_squeeze %dma_wait3A_47 : memref<1x1x16x128xi32, #tpu.memory_space<hbm>> -> memref<16x128xi32, #tpu.memory_space<hbm>>
        tpu.wait_dma2 semaphore(%run_scoped3A : memref<!tpu.dma_semaphore, #tpu.memory_space<semaphore_mem>>) src(%dma_wait3A_48 : memref<16x128xi32, #tpu.memory_space<hbm>>) dst(%arg7 : memref<16x128xi32, #tpu.memory_space<vmem>>)
        tpu.yield
      }) : () -> ()
      "tpu.region"() ({
        %run_scoped3A = tpu.sem_alloc : memref<!tpu.dma_semaphore, #tpu.memory_space<semaphore_mem>>
        %dma_start3A_34 = arith.constant 0 : i32
        %dma_start3A_35 = arith.constant 0 : i32
        %dma_start3A_36 = tpu.memref_slice %arg4[%add3A, %scan3A_22, %dma_start3A_34, %dma_start3A_35] : memref<32x5x16x128xi32, #tpu.memory_space<hbm>> -> memref<1x1x16x128xi32, #tpu.memory_space<hbm>>
        %dma_start3A_37 = tpu.memref_squeeze %dma_start3A_36 : memref<1x1x16x128xi32, #tpu.memory_space<hbm>> -> memref<16x128xi32, #tpu.memory_space<hbm>>
        %dma_start3A_38 = arith.constant 0 : i32
        %dma_start3A_39 = arith.constant 0 : i32
        %dma_start3A_40 = tpu.memref_slice %arg4[%add3A, %scan3A_22, %dma_start3A_38, %dma_start3A_39] : memref<32x5x16x128xi32, #tpu.memory_space<hbm>> -> memref<1x1x16x128xi32, #tpu.memory_space<hbm>>
        %dma_start3A_41 = tpu.memref_squeeze %dma_start3A_40 : memref<1x1x16x128xi32, #tpu.memory_space<hbm>> -> memref<16x128xi32, #tpu.memory_space<hbm>>
        tpu.enqueue_dma source(%dma_start3A_41 : memref<16x128xi32, #tpu.memory_space<hbm>>) target(%arg8 : memref<16x128xi32, #tpu.memory_space<vmem>>) target_semaphore(%run_scoped3A : memref<!tpu.dma_semaphore, #tpu.memory_space<semaphore_mem>>)
        %dma_wait3A = arith.constant 0 : i32
        %dma_wait3A_42 = arith.constant 0 : i32
        %dma_wait3A_43 = tpu.memref_slice %arg4[%add3A, %scan3A_22, %dma_wait3A, %dma_wait3A_42] : memref<32x5x16x128xi32, #tpu.memory_space<hbm>> -> memref<1x1x16x128xi32, #tpu.memory_space<hbm>>
        %dma_wait3A_44 = tpu.memref_squeeze %dma_wait3A_43 : memref<1x1x16x128xi32, #tpu.memory_space<hbm>> -> memref<16x128xi32, #tpu.memory_space<hbm>>
        %dma_wait3A_45 = arith.constant 0 : i32
        %dma_wait3A_46 = arith.constant 0 : i32
        %dma_wait3A_47 = tpu.memref_slice %arg4[%add3A, %scan3A_22, %dma_wait3A_45, %dma_wait3A_46] : memref<32x5x16x128xi32, #tpu.memory_space<hbm>> -> memref<1x1x16x128xi32, #tpu.memory_space<hbm>>
        %dma_wait3A_48 = tpu.memref_squeeze %dma_wait3A_47 : memref<1x1x16x128xi32, #tpu.memory_space<hbm>> -> memref<16x128xi32, #tpu.memory_space<hbm>>
        tpu.wait_dma2 semaphore(%run_scoped3A : memref<!tpu.dma_semaphore, #tpu.memory_space<semaphore_mem>>) src(%dma_wait3A_48 : memref<16x128xi32, #tpu.memory_space<hbm>>) dst(%arg8 : memref<16x128xi32, #tpu.memory_space<vmem>>)
        tpu.yield
      }) : () -> ()
      %dma_start3A = arith.constant 0 : i32
      %dma_start3A_23 = arith.constant 0 : i32
      %dma_start3A_24 = tpu.memref_slice %arg7[%dma_start3A, %dma_start3A_23] : memref<16x128xi32, #tpu.memory_space<vmem>> -> memref<1x128xi32, #tpu.memory_space<vmem>>
      %dma_start3A_25 = tpu.memref_squeeze %dma_start3A_24 : memref<1x128xi32, #tpu.memory_space<vmem>> -> memref<128xi32, #tpu.memory_space<vmem>>
      %dma_start3A_26 = arith.constant 0 : i32
      %dma_start3A_27 = arith.constant 0 : i32
      %dma_start3A_28 = tpu.memref_slice %arg2[%dma_start3A_26, %dma_start3A_27] : memref<10240x128xf32, #tpu.memory_space<hbm>> -> memref<10240x128xf32, #tpu.memory_space<hbm>>
      tpu.enqueue_indirect_dma source(%dma_start3A_28 : memref<10240x128xf32, #tpu.memory_space<hbm>>) target(%arg9 : memref<128x128xf32, #tpu.memory_space<vmem>>) offsets(%dma_start3A_25 : memref<128xi32, #tpu.memory_space<vmem>>) semaphore(%arg11 : memref<!tpu.dma_semaphore, #tpu.memory_space<semaphore_mem>>)
      %scan3A_29 = arith.constant 0 : i32
      %scan3A_30 = arith.constant 8 : i32
      %scan3A_31 = arith.addi %scan3A_29, %scan3A_30 : i32
      %scan3A_32 = arith.constant 1 : i32
      scf.for %scan3A_34 = %scan3A_29 to %scan3A_31 step %scan3A_32  : i32 {
        %mul3A_35 = arith.constant 2 : i32
        %mul3A_36 = arith.muli %mul3A_35, %scan3A_34 : i32
        %mul3A_37 = arith.constant 2 : i32
        %mul3A_38 = arith.muli %mul3A_37, %scan3A_34 : i32
        %add3A_39 = arith.constant 1 : i32
        %add3A_40 = arith.addi %mul3A_38, %add3A_39 : i32
        %dma_start3A_41 = arith.constant 0 : i32
        %dma_start3A_42 = tpu.memref_slice %arg7[%add3A_40, %dma_start3A_41] : memref<16x128xi32, #tpu.memory_space<vmem>> -> memref<1x128xi32, #tpu.memory_space<vmem>>
        %dma_start3A_43 = tpu.memref_squeeze %dma_start3A_42 : memref<1x128xi32, #tpu.memory_space<vmem>> -> memref<128xi32, #tpu.memory_space<vmem>>
        %dma_start3A_44 = arith.constant 0 : i32
        %dma_start3A_45 = arith.constant 0 : i32
        %dma_start3A_46 = tpu.memref_slice %arg2[%dma_start3A_44, %dma_start3A_45] : memref<10240x128xf32, #tpu.memory_space<hbm>> -> memref<10240x128xf32, #tpu.memory_space<hbm>>
        tpu.enqueue_indirect_dma source(%dma_start3A_46 : memref<10240x128xf32, #tpu.memory_space<hbm>>) target(%arg10 : memref<128x128xf32, #tpu.memory_space<vmem>>) offsets(%dma_start3A_43 : memref<128xi32, #tpu.memory_space<vmem>>) semaphore(%arg12 : memref<!tpu.dma_semaphore, #tpu.memory_space<semaphore_mem>>)
        %dma_wait3A = arith.constant 0 : i32
        %dma_wait3A_47 = tpu.memref_slice %arg7[%mul3A_36, %dma_wait3A] : memref<16x128xi32, #tpu.memory_space<vmem>> -> memref<1x128xi32, #tpu.memory_space<vmem>>
        %dma_wait3A_48 = tpu.memref_squeeze %dma_wait3A_47 : memref<1x128xi32, #tpu.memory_space<vmem>> -> memref<128xi32, #tpu.memory_space<vmem>>
        %dma_wait3A_49 = arith.constant 0 : i32
        %dma_wait3A_50 = arith.constant 0 : i32
        %dma_wait3A_51 = tpu.memref_slice %arg2[%dma_wait3A_49, %dma_wait3A_50] : memref<10240x128xf32, #tpu.memory_space<hbm>> -> memref<10240x128xf32, #tpu.memory_space<hbm>>
        tpu.wait_indirect_dma semaphore(%arg11 : memref<!tpu.dma_semaphore, #tpu.memory_space<semaphore_mem>>) src(%dma_wait3A_51 : memref<10240x128xf32, #tpu.memory_space<hbm>>) dst(%arg9 : memref<128x128xf32, #tpu.memory_space<vmem>>)
        "tpu.region"() ({
          %run_scoped3A = tpu.sem_alloc : memref<!tpu.dma_semaphore, #tpu.memory_space<semaphore_mem>>
          %dma_start3A_64 = arith.constant 0 : i32
          %dma_start3A_65 = tpu.memref_slice %arg8[%mul3A_36, %dma_start3A_64] : memref<16x128xi32, #tpu.memory_space<vmem>> -> memref<1x128xi32, #tpu.memory_space<vmem>>
          %dma_start3A_66 = tpu.memref_squeeze %dma_start3A_65 : memref<1x128xi32, #tpu.memory_space<vmem>> -> memref<128xi32, #tpu.memory_space<vmem>>
          %dma_start3A_67 = arith.constant 0 : i32
          %dma_start3A_68 = arith.constant 0 : i32
          %dma_start3A_69 = tpu.memref_slice %arg6[%dma_start3A_67, %dma_start3A_68] : memref<10240x128xf32, #tpu.memory_space<vmem_shared>> -> memref<10240x128xf32, #tpu.memory_space<vmem_shared>>
          tpu.enqueue_indirect_dma source(%arg9 : memref<128x128xf32, #tpu.memory_space<vmem>>) target(%dma_start3A_69 : memref<10240x128xf32, #tpu.memory_space<vmem_shared>>) offsets(%dma_start3A_66 : memref<128xi32, #tpu.memory_space<vmem>>) semaphore(%run_scoped3A : memref<!tpu.dma_semaphore, #tpu.memory_space<semaphore_mem>>) {add = true}
          %dma_wait3A_70 = arith.constant 0 : i32
          %dma_wait3A_71 = tpu.memref_slice %arg8[%mul3A_36, %dma_wait3A_70] : memref<16x128xi32, #tpu.memory_space<vmem>> -> memref<1x128xi32, #tpu.memory_space<vmem>>
          %dma_wait3A_72 = tpu.memref_squeeze %dma_wait3A_71 : memref<1x128xi32, #tpu.memory_space<vmem>> -> memref<128xi32, #tpu.memory_space<vmem>>
          %dma_wait3A_73 = arith.constant 0 : i32
          %dma_wait3A_74 = arith.constant 0 : i32
          %dma_wait3A_75 = tpu.memref_slice %arg6[%dma_wait3A_73, %dma_wait3A_74] : memref<10240x128xf32, #tpu.memory_space<vmem_shared>> -> memref<10240x128xf32, #tpu.memory_space<vmem_shared>>
          tpu.wait_indirect_dma semaphore(%run_scoped3A : memref<!tpu.dma_semaphore, #tpu.memory_space<semaphore_mem>>) src(%arg9 : memref<128x128xf32, #tpu.memory_space<vmem>>) dst(%dma_wait3A_75 : memref<10240x128xf32, #tpu.memory_space<vmem_shared>>)
          tpu.yield
        }) : () -> ()
        %add3A_52 = arith.constant 1 : i32
        %add3A_53 = arith.addi %add3A_40, %add3A_52 : i32
        %lt3A = arith.constant 16 : i32
        %lt3A_54 = arith.cmpi slt, %add3A_53, %lt3A : i32
        %convert_element_type3A_55 = arith.extui %lt3A_54 : i1 to i32
        %cond3A_56 = arith.constant 0 : i32
        %cond3A_57 = arith.cmpi ne, %convert_element_type3A_55, %cond3A_56 : i32
        scf.if %cond3A_57 {
          %add3A_64 = arith.constant 1 : i32
          %add3A_65 = arith.addi %add3A_40, %add3A_64 : i32
          %dma_start3A_66 = arith.constant 0 : i32
          %dma_start3A_67 = tpu.memref_slice %arg7[%add3A_65, %dma_start3A_66] : memref<16x128xi32, #tpu.memory_space<vmem>> -> memref<1x128xi32, #tpu.memory_space<vmem>>
          %dma_start3A_68 = tpu.memref_squeeze %dma_start3A_67 : memref<1x128xi32, #tpu.memory_space<vmem>> -> memref<128xi32, #tpu.memory_space<vmem>>
          %dma_start3A_69 = arith.constant 0 : i32
          %dma_start3A_70 = arith.constant 0 : i32
          %dma_start3A_71 = tpu.memref_slice %arg2[%dma_start3A_69, %dma_start3A_70] : memref<10240x128xf32, #tpu.memory_space<hbm>> -> memref<10240x128xf32, #tpu.memory_space<hbm>>
          tpu.enqueue_indirect_dma source(%dma_start3A_71 : memref<10240x128xf32, #tpu.memory_space<hbm>>) target(%arg9 : memref<128x128xf32, #tpu.memory_space<vmem>>) offsets(%dma_start3A_68 : memref<128xi32, #tpu.memory_space<vmem>>) semaphore(%arg11 : memref<!tpu.dma_semaphore, #tpu.memory_space<semaphore_mem>>)
        } else {
        }
        %dma_wait3A_58 = arith.constant 0 : i32
        %dma_wait3A_59 = tpu.memref_slice %arg7[%add3A_40, %dma_wait3A_58] : memref<16x128xi32, #tpu.memory_space<vmem>> -> memref<1x128xi32, #tpu.memory_space<vmem>>
        %dma_wait3A_60 = tpu.memref_squeeze %dma_wait3A_59 : memref<1x128xi32, #tpu.memory_space<vmem>> -> memref<128xi32, #tpu.memory_space<vmem>>
        %dma_wait3A_61 = arith.constant 0 : i32
        %dma_wait3A_62 = arith.constant 0 : i32
        %dma_wait3A_63 = tpu.memref_slice %arg2[%dma_wait3A_61, %dma_wait3A_62] : memref<10240x128xf32, #tpu.memory_space<hbm>> -> memref<10240x128xf32, #tpu.memory_space<hbm>>
        tpu.wait_indirect_dma semaphore(%arg12 : memref<!tpu.dma_semaphore, #tpu.memory_space<semaphore_mem>>) src(%dma_wait3A_63 : memref<10240x128xf32, #tpu.memory_space<hbm>>) dst(%arg10 : memref<128x128xf32, #tpu.memory_space<vmem>>)
        "tpu.region"() ({
          %run_scoped3A = tpu.sem_alloc : memref<!tpu.dma_semaphore, #tpu.memory_space<semaphore_mem>>
          %dma_start3A_64 = arith.constant 0 : i32
          %dma_start3A_65 = tpu.memref_slice %arg8[%add3A_40, %dma_start3A_64] : memref<16x128xi32, #tpu.memory_space<vmem>> -> memref<1x128xi32, #tpu.memory_space<vmem>>
          %dma_start3A_66 = tpu.memref_squeeze %dma_start3A_65 : memref<1x128xi32, #tpu.memory_space<vmem>> -> memref<128xi32, #tpu.memory_space<vmem>>
          %dma_start3A_67 = arith.constant 0 : i32
          %dma_start3A_68 = arith.constant 0 : i32
          %dma_start3A_69 = tpu.memref_slice %arg6[%dma_start3A_67, %dma_start3A_68] : memref<10240x128xf32, #tpu.memory_space<vmem_shared>> -> memref<10240x128xf32, #tpu.memory_space<vmem_shared>>
          tpu.enqueue_indirect_dma source(%arg10 : memref<128x128xf32, #tpu.memory_space<vmem>>) target(%dma_start3A_69 : memref<10240x128xf32, #tpu.memory_space<vmem_shared>>) offsets(%dma_start3A_66 : memref<128xi32, #tpu.memory_space<vmem>>) semaphore(%run_scoped3A : memref<!tpu.dma_semaphore, #tpu.memory_space<semaphore_mem>>) {add = true}
          %dma_wait3A_70 = arith.constant 0 : i32
          %dma_wait3A_71 = tpu.memref_slice %arg8[%add3A_40, %dma_wait3A_70] : memref<16x128xi32, #tpu.memory_space<vmem>> -> memref<1x128xi32, #tpu.memory_space<vmem>>
          %dma_wait3A_72 = tpu.memref_squeeze %dma_wait3A_71 : memref<1x128xi32, #tpu.memory_space<vmem>> -> memref<128xi32, #tpu.memory_space<vmem>>
          %dma_wait3A_73 = arith.constant 0 : i32
          %dma_wait3A_74 = arith.constant 0 : i32
          %dma_wait3A_75 = tpu.memref_slice %arg6[%dma_wait3A_73, %dma_wait3A_74] : memref<10240x128xf32, #tpu.memory_space<vmem_shared>> -> memref<10240x128xf32, #tpu.memory_space<vmem_shared>>
          tpu.wait_indirect_dma semaphore(%run_scoped3A : memref<!tpu.dma_semaphore, #tpu.memory_space<semaphore_mem>>) src(%arg10 : memref<128x128xf32, #tpu.memory_space<vmem>>) dst(%dma_wait3A_75 : memref<10240x128xf32, #tpu.memory_space<vmem_shared>>)
          tpu.yield
        }) : () -> ()
      }
      %scan3A_33 = arith.constant 8 : i32
    }
    %scan3A_13 = arith.constant 5 : i32
    %barrier3A_14 = arith.constant 0 : index
    tpu.barrier barrier_id(%barrier3A_14)
    %mul3A_15 = arith.constant 128 : i32
    %mul3A_16 = arith.muli %arg0, %mul3A_15 : i32
    %multiple_of3A = tpu.assume_multiple %mul3A_16, 128 : i32
    %scan3A_17 = arith.constant 0 : i32
    %scan3A_18 = arith.constant 5 : i32
    %scan3A_19 = arith.addi %scan3A_17, %scan3A_18 : i32
    %scan3A_20 = arith.constant 1 : i32
    scf.for %scan3A_22 = %scan3A_17 to %scan3A_19 step %scan3A_20  : i32 {
      %mul3A_23 = arith.constant 128 : i32
      %mul3A_24 = arith.muli %scan3A_22, %mul3A_23 : i32
      %add3A_25 = arith.addi %mul3A_2, %mul3A_24 : i32
      "tpu.region"() ({
        %run_scoped3A = tpu.sem_alloc : memref<!tpu.dma_semaphore, #tpu.memory_space<semaphore_mem>>
        %dma_start3A = arith.constant 0 : i32
        %dma_start3A_26 = tpu.memref_slice %arg6[%add3A_25, %dma_start3A] : memref<10240x128xf32, #tpu.memory_space<vmem_shared>> -> memref<128x128xf32, #tpu.memory_space<vmem_shared>>
        %dma_start3A_27 = arith.constant 0 : i32
        %dma_start3A_28 = tpu.memref_slice %arg6[%add3A_25, %dma_start3A_27] : memref<10240x128xf32, #tpu.memory_space<vmem_shared>> -> memref<128x128xf32, #tpu.memory_space<vmem_shared>>
        tpu.enqueue_dma source(%dma_start3A_28 : memref<128x128xf32, #tpu.memory_space<vmem_shared>>) target(%arg9 : memref<128x128xf32, #tpu.memory_space<vmem>>) target_semaphore(%run_scoped3A : memref<!tpu.dma_semaphore, #tpu.memory_space<semaphore_mem>>)
        %dma_wait3A = arith.constant 0 : i32
        %dma_wait3A_29 = tpu.memref_slice %arg6[%add3A_25, %dma_wait3A] : memref<10240x128xf32, #tpu.memory_space<vmem_shared>> -> memref<128x128xf32, #tpu.memory_space<vmem_shared>>
        %dma_wait3A_30 = arith.constant 0 : i32
        %dma_wait3A_31 = tpu.memref_slice %arg6[%add3A_25, %dma_wait3A_30] : memref<10240x128xf32, #tpu.memory_space<vmem_shared>> -> memref<128x128xf32, #tpu.memory_space<vmem_shared>>
        tpu.wait_dma2 semaphore(%run_scoped3A : memref<!tpu.dma_semaphore, #tpu.memory_space<semaphore_mem>>) src(%dma_wait3A_31 : memref<128x128xf32, #tpu.memory_space<vmem_shared>>) dst(%arg9 : memref<128x128xf32, #tpu.memory_space<vmem>>)
        tpu.yield
      }) : () -> ()
      "tpu.region"() ({
        %run_scoped3A = tpu.sem_alloc : memref<!tpu.dma_semaphore, #tpu.memory_space<semaphore_mem>>
        %dma_start3A = tpu.memref_slice %arg5[%add3A_25, %multiple_of3A] : memref<10240x256xf32, #tpu.memory_space<hbm>> -> memref<128x128xf32, #tpu.memory_space<hbm>>
        %dma_start3A_26 = tpu.memref_slice %arg5[%add3A_25, %multiple_of3A] : memref<10240x256xf32, #tpu.memory_space<hbm>> -> memref<128x128xf32, #tpu.memory_space<hbm>>
        tpu.enqueue_dma source(%arg9 : memref<128x128xf32, #tpu.memory_space<vmem>>) target(%dma_start3A_26 : memref<128x128xf32, #tpu.memory_space<hbm>>) target_semaphore(%run_scoped3A : memref<!tpu.dma_semaphore, #tpu.memory_space<semaphore_mem>>)
        %dma_wait3A = tpu.memref_slice %arg5[%add3A_25, %multiple_of3A] : memref<10240x256xf32, #tpu.memory_space<hbm>> -> memref<128x128xf32, #tpu.memory_space<hbm>>
        %dma_wait3A_27 = tpu.memref_slice %arg5[%add3A_25, %multiple_of3A] : memref<10240x256xf32, #tpu.memory_space<hbm>> -> memref<128x128xf32, #tpu.memory_space<hbm>>
        tpu.wait_dma2 semaphore(%run_scoped3A : memref<!tpu.dma_semaphore, #tpu.memory_space<semaphore_mem>>) src(%arg9 : memref<128x128xf32, #tpu.memory_space<vmem>>) dst(%dma_wait3A_27 : memref<128x128xf32, #tpu.memory_space<hbm>>)
        tpu.yield
      }) : () -> ()
    }
    %scan3A_21 = arith.constant 5 : i32
    return
  }
}

#map = affine_map<(d0, d1) -> (0, 0)>
#map1 = affine_map<(d0, d1) -> (0, 0, 0, 0)>
module attributes {stable_mosaic.version = 14 : i64} {
  func.func @_edge_body(%arg0: i32, %arg1: i32, %arg2: memref<10240x128xf32, #tpu.memory_space<hbm>>, %arg3: memref<32x5x16x128xi32, #tpu.memory_space<hbm>>, %arg4: memref<32x5x16x128xi32, #tpu.memory_space<hbm>>, %arg5: memref<10240x256xf32, #tpu.memory_space<hbm>>, %arg6: memref<10240x128xf32, #tpu.memory_space<vmem_shared>>, %arg7: memref<16x128xi32, #tpu.memory_space<vmem>>, %arg8: memref<16x128xi32, #tpu.memory_space<vmem>>, %arg9: memref<128x128xf32, #tpu.memory_space<vmem>>, %arg10: memref<128x128xf32, #tpu.memory_space<vmem>>, %arg11: memref<!tpu.dma_semaphore, #tpu.memory_space<semaphore_mem>>, %arg12: memref<!tpu.dma_semaphore, #tpu.memory_space<semaphore_mem>>) attributes {dimension_semantics = [#tpu.dimension_semantics<core_parallel>, #tpu.dimension_semantics<subcore_parallel>], iteration_bounds = array<i64: 2, 16>, scalar_prefetch = 0 : i64, scratch_operands = 7 : i64, tpu.core_type = #tpu.core_type<sc_vector_subcore>, window_params = [{transform_indices = #map}, {transform_indices = #map1}, {transform_indices = #map1}, {transform_indices = #map}]} {
    %mul3A = arith.constant 16 : i32
    %mul3A_0 = arith.muli %arg0, %mul3A : i32
    %add3A = arith.addi %mul3A_0, %arg1 : i32
    %mul3A_1 = arith.constant 640 : i32
    %mul3A_2 = arith.muli %arg1, %mul3A_1 : i32
    %ne3A = arith.constant 0 : i32
    %ne3A_3 = arith.cmpi ne, %arg0, %ne3A : i32
    %convert_element_type3A = arith.extui %ne3A_3 : i1 to i32
    %cond3A = arith.constant 0 : i32
    %cond3A_4 = arith.cmpi ne, %convert_element_type3A, %cond3A : i32
    scf.if %cond3A_4 {
      %scan3A_22 = arith.constant 0 : i32
      %scan3A_23 = arith.constant 128 : i32
      %scan3A_24 = arith.addi %scan3A_22, %scan3A_23 : i32
      %scan3A_25 = arith.constant 1 : i32
      scf.for %scan3A_27 = %scan3A_22 to %scan3A_24 step %scan3A_25  : i32 {
        %broadcast_in_dim3A = arith.constant 0.000000e+00 : f32
        %broadcast_in_dim3A_28 = vector.broadcast %broadcast_in_dim3A : f32 to vector<16xf32>
        %swap3A = arith.index_cast %scan3A_27 : i32 to index
        %swap3A_29 = arith.constant 0 : index
        %swap3A_30 = tpu.vector_load %arg9[%swap3A, %swap3A_29] {strides = array<i32>} : memref<128x128xf32, #tpu.memory_space<vmem>>, vector<1x16xf32>,
        %swap3A_31 = vector.shape_cast %swap3A_30 : vector<1x16xf32> to vector<16xf32>
        %swap3A_32 = vector.shape_cast %broadcast_in_dim3A_28 : vector<16xf32> to vector<1x16xf32>
        tpu.vector_store %arg9[%swap3A, %swap3A_29], %swap3A_32 {strides = array<i32>} : memref<128x128xf32, #tpu.memory_space<vmem>>, vector<1x16xf32>,
        %broadcast_in_dim3A_33 = arith.constant 0.000000e+00 : f32
        %broadcast_in_dim3A_34 = vector.broadcast %broadcast_in_dim3A_33 : f32 to vector<16xf32>
        %swap3A_35 = arith.index_cast %scan3A_27 : i32 to index
        %swap3A_36 = arith.constant 16 : index
        %swap3A_37 = tpu.vector_load %arg9[%swap3A_35, %swap3A_36] {strides = array<i32>} : memref<128x128xf32, #tpu.memory_space<vmem>>, vector<1x16xf32>,
        %swap3A_38 = vector.shape_cast %swap3A_37 : vector<1x16xf32> to vector<16xf32>
        %swap3A_39 = vector.shape_cast %broadcast_in_dim3A_34 : vector<16xf32> to vector<1x16xf32>
        tpu.vector_store %arg9[%swap3A_35, %swap3A_36], %swap3A_39 {strides = array<i32>} : memref<128x128xf32, #tpu.memory_space<vmem>>, vector<1x16xf32>,
        %broadcast_in_dim3A_40 = arith.constant 0.000000e+00 : f32
        %broadcast_in_dim3A_41 = vector.broadcast %broadcast_in_dim3A_40 : f32 to vector<16xf32>
        %swap3A_42 = arith.index_cast %scan3A_27 : i32 to index
        %swap3A_43 = arith.constant 32 : index
        %swap3A_44 = tpu.vector_load %arg9[%swap3A_42, %swap3A_43] {strides = array<i32>} : memref<128x128xf32, #tpu.memory_space<vmem>>, vector<1x16xf32>,
        %swap3A_45 = vector.shape_cast %swap3A_44 : vector<1x16xf32> to vector<16xf32>
        %swap3A_46 = vector.shape_cast %broadcast_in_dim3A_41 : vector<16xf32> to vector<1x16xf32>
        tpu.vector_store %arg9[%swap3A_42, %swap3A_43], %swap3A_46 {strides = array<i32>} : memref<128x128xf32, #tpu.memory_space<vmem>>, vector<1x16xf32>,
        %broadcast_in_dim3A_47 = arith.constant 0.000000e+00 : f32
        %broadcast_in_dim3A_48 = vector.broadcast %broadcast_in_dim3A_47 : f32 to vector<16xf32>
        %swap3A_49 = arith.index_cast %scan3A_27 : i32 to index
        %swap3A_50 = arith.constant 48 : index
        %swap3A_51 = tpu.vector_load %arg9[%swap3A_49, %swap3A_50] {strides = array<i32>} : memref<128x128xf32, #tpu.memory_space<vmem>>, vector<1x16xf32>,
        %swap3A_52 = vector.shape_cast %swap3A_51 : vector<1x16xf32> to vector<16xf32>
        %swap3A_53 = vector.shape_cast %broadcast_in_dim3A_48 : vector<16xf32> to vector<1x16xf32>
        tpu.vector_store %arg9[%swap3A_49, %swap3A_50], %swap3A_53 {strides = array<i32>} : memref<128x128xf32, #tpu.memory_space<vmem>>, vector<1x16xf32>,
        %broadcast_in_dim3A_54 = arith.constant 0.000000e+00 : f32
        %broadcast_in_dim3A_55 = vector.broadcast %broadcast_in_dim3A_54 : f32 to vector<16xf32>
        %swap3A_56 = arith.index_cast %scan3A_27 : i32 to index
        %swap3A_57 = arith.constant 64 : index
        %swap3A_58 = tpu.vector_load %arg9[%swap3A_56, %swap3A_57] {strides = array<i32>} : memref<128x128xf32, #tpu.memory_space<vmem>>, vector<1x16xf32>,
        %swap3A_59 = vector.shape_cast %swap3A_58 : vector<1x16xf32> to vector<16xf32>
        %swap3A_60 = vector.shape_cast %broadcast_in_dim3A_55 : vector<16xf32> to vector<1x16xf32>
        tpu.vector_store %arg9[%swap3A_56, %swap3A_57], %swap3A_60 {strides = array<i32>} : memref<128x128xf32, #tpu.memory_space<vmem>>, vector<1x16xf32>,
        %broadcast_in_dim3A_61 = arith.constant 0.000000e+00 : f32
        %broadcast_in_dim3A_62 = vector.broadcast %broadcast_in_dim3A_61 : f32 to vector<16xf32>
        %swap3A_63 = arith.index_cast %scan3A_27 : i32 to index
        %swap3A_64 = arith.constant 80 : index
        %swap3A_65 = tpu.vector_load %arg9[%swap3A_63, %swap3A_64] {strides = array<i32>} : memref<128x128xf32, #tpu.memory_space<vmem>>, vector<1x16xf32>,
        %swap3A_66 = vector.shape_cast %swap3A_65 : vector<1x16xf32> to vector<16xf32>
        %swap3A_67 = vector.shape_cast %broadcast_in_dim3A_62 : vector<16xf32> to vector<1x16xf32>
        tpu.vector_store %arg9[%swap3A_63, %swap3A_64], %swap3A_67 {strides = array<i32>} : memref<128x128xf32, #tpu.memory_space<vmem>>, vector<1x16xf32>,
        %broadcast_in_dim3A_68 = arith.constant 0.000000e+00 : f32
        %broadcast_in_dim3A_69 = vector.broadcast %broadcast_in_dim3A_68 : f32 to vector<16xf32>
        %swap3A_70 = arith.index_cast %scan3A_27 : i32 to index
        %swap3A_71 = arith.constant 96 : index
        %swap3A_72 = tpu.vector_load %arg9[%swap3A_70, %swap3A_71] {strides = array<i32>} : memref<128x128xf32, #tpu.memory_space<vmem>>, vector<1x16xf32>,
        %swap3A_73 = vector.shape_cast %swap3A_72 : vector<1x16xf32> to vector<16xf32>
        %swap3A_74 = vector.shape_cast %broadcast_in_dim3A_69 : vector<16xf32> to vector<1x16xf32>
        tpu.vector_store %arg9[%swap3A_70, %swap3A_71], %swap3A_74 {strides = array<i32>} : memref<128x128xf32, #tpu.memory_space<vmem>>, vector<1x16xf32>,
        %broadcast_in_dim3A_75 = arith.constant 0.000000e+00 : f32
        %broadcast_in_dim3A_76 = vector.broadcast %broadcast_in_dim3A_75 : f32 to vector<16xf32>
        %swap3A_77 = arith.index_cast %scan3A_27 : i32 to index
        %swap3A_78 = arith.constant 112 : index
        %swap3A_79 = tpu.vector_load %arg9[%swap3A_77, %swap3A_78] {strides = array<i32>} : memref<128x128xf32, #tpu.memory_space<vmem>>, vector<1x16xf32>,
        %swap3A_80 = vector.shape_cast %swap3A_79 : vector<1x16xf32> to vector<16xf32>
        %swap3A_81 = vector.shape_cast %broadcast_in_dim3A_76 : vector<16xf32> to vector<1x16xf32>
        tpu.vector_store %arg9[%swap3A_77, %swap3A_78], %swap3A_81 {strides = array<i32>} : memref<128x128xf32, #tpu.memory_space<vmem>>, vector<1x16xf32>,
      }
      %scan3A_26 = arith.constant 128 : i32
    } else {
    }
    %scan3A = arith.constant 0 : i32
    %scan3A_5 = arith.constant 5 : i32
    %scan3A_6 = arith.addi %scan3A, %scan3A_5 : i32
    %scan3A_7 = arith.constant 1 : i32
    scf.for %scan3A_22 = %scan3A to %scan3A_6 step %scan3A_7  : i32 {
      %mul3A_23 = arith.constant 128 : i32
      %mul3A_24 = arith.muli %scan3A_22, %mul3A_23 : i32
      %add3A_25 = arith.addi %mul3A_2, %mul3A_24 : i32
      %eq3A = arith.constant 0 : i32
      %eq3A_26 = arith.cmpi eq, %arg0, %eq3A : i32
      %convert_element_type3A_27 = arith.extui %eq3A_26 : i1 to i32
      %cond3A_28 = arith.constant 0 : i32
      %cond3A_29 = arith.cmpi ne, %convert_element_type3A_27, %cond3A_28 : i32
      scf.if %cond3A_29 {
        "tpu.region"() ({
          %run_scoped3A = tpu.sem_alloc : memref<!tpu.dma_semaphore, #tpu.memory_space<semaphore_mem>>
          %dma_start3A = arith.constant 0 : i32
          %dma_start3A_30 = tpu.memref_slice %arg2[%add3A_25, %dma_start3A] : memref<10240x128xf32, #tpu.memory_space<hbm>> -> memref<128x128xf32, #tpu.memory_space<hbm>>
          %dma_start3A_31 = arith.constant 0 : i32
          %dma_start3A_32 = tpu.memref_slice %arg2[%add3A_25, %dma_start3A_31] : memref<10240x128xf32, #tpu.memory_space<hbm>> -> memref<128x128xf32, #tpu.memory_space<hbm>>
          tpu.enqueue_dma source(%dma_start3A_32 : memref<128x128xf32, #tpu.memory_space<hbm>>) target(%arg9 : memref<128x128xf32, #tpu.memory_space<vmem>>) target_semaphore(%run_scoped3A : memref<!tpu.dma_semaphore, #tpu.memory_space<semaphore_mem>>)
          %dma_wait3A = arith.constant 0 : i32
          %dma_wait3A_33 = tpu.memref_slice %arg2[%add3A_25, %dma_wait3A] : memref<10240x128xf32, #tpu.memory_space<hbm>> -> memref<128x128xf32, #tpu.memory_space<hbm>>
          %dma_wait3A_34 = arith.constant 0 : i32
          %dma_wait3A_35 = tpu.memref_slice %arg2[%add3A_25, %dma_wait3A_34] : memref<10240x128xf32, #tpu.memory_space<hbm>> -> memref<128x128xf32, #tpu.memory_space<hbm>>
          tpu.wait_dma2 semaphore(%run_scoped3A : memref<!tpu.dma_semaphore, #tpu.memory_space<semaphore_mem>>) src(%dma_wait3A_35 : memref<128x128xf32, #tpu.memory_space<hbm>>) dst(%arg9 : memref<128x128xf32, #tpu.memory_space<vmem>>)
          tpu.yield
        }) : () -> ()
      } else {
      }
      "tpu.region"() ({
        %run_scoped3A = tpu.sem_alloc : memref<!tpu.dma_semaphore, #tpu.memory_space<semaphore_mem>>
        %dma_start3A = arith.constant 0 : i32
        %dma_start3A_30 = tpu.memref_slice %arg6[%add3A_25, %dma_start3A] : memref<10240x128xf32, #tpu.memory_space<vmem_shared>> -> memref<128x128xf32, #tpu.memory_space<vmem_shared>>
        %dma_start3A_31 = arith.constant 0 : i32
        %dma_start3A_32 = tpu.memref_slice %arg6[%add3A_25, %dma_start3A_31] : memref<10240x128xf32, #tpu.memory_space<vmem_shared>> -> memref<128x128xf32, #tpu.memory_space<vmem_shared>>
        tpu.enqueue_dma source(%arg9 : memref<128x128xf32, #tpu.memory_space<vmem>>) target(%dma_start3A_32 : memref<128x128xf32, #tpu.memory_space<vmem_shared>>) target_semaphore(%run_scoped3A : memref<!tpu.dma_semaphore, #tpu.memory_space<semaphore_mem>>)
        %dma_wait3A = arith.constant 0 : i32
        %dma_wait3A_33 = tpu.memref_slice %arg6[%add3A_25, %dma_wait3A] : memref<10240x128xf32, #tpu.memory_space<vmem_shared>> -> memref<128x128xf32, #tpu.memory_space<vmem_shared>>
        %dma_wait3A_34 = arith.constant 0 : i32
        %dma_wait3A_35 = tpu.memref_slice %arg6[%add3A_25, %dma_wait3A_34] : memref<10240x128xf32, #tpu.memory_space<vmem_shared>> -> memref<128x128xf32, #tpu.memory_space<vmem_shared>>
        tpu.wait_dma2 semaphore(%run_scoped3A : memref<!tpu.dma_semaphore, #tpu.memory_space<semaphore_mem>>) src(%arg9 : memref<128x128xf32, #tpu.memory_space<vmem>>) dst(%dma_wait3A_35 : memref<128x128xf32, #tpu.memory_space<vmem_shared>>)
        tpu.yield
      }) : () -> ()
    }
    %scan3A_8 = arith.constant 5 : i32
    %barrier3A = arith.constant 0 : index
    tpu.barrier barrier_id(%barrier3A)
    %scan3A_9 = arith.constant 0 : i32
    %scan3A_10 = arith.constant 5 : i32
    %scan3A_11 = arith.addi %scan3A_9, %scan3A_10 : i32
    %scan3A_12 = arith.constant 1 : i32
    scf.for %scan3A_22 = %scan3A_9 to %scan3A_11 step %scan3A_12  : i32 {
      "tpu.region"() ({
        %run_scoped3A = tpu.sem_alloc : memref<!tpu.dma_semaphore, #tpu.memory_space<semaphore_mem>>
        %dma_start3A_34 = arith.constant 0 : i32
        %dma_start3A_35 = arith.constant 0 : i32
        %dma_start3A_36 = tpu.memref_slice %arg3[%add3A, %scan3A_22, %dma_start3A_34, %dma_start3A_35] : memref<32x5x16x128xi32, #tpu.memory_space<hbm>> -> memref<1x1x16x128xi32, #tpu.memory_space<hbm>>
        %dma_start3A_37 = tpu.memref_squeeze %dma_start3A_36 : memref<1x1x16x128xi32, #tpu.memory_space<hbm>> -> memref<16x128xi32, #tpu.memory_space<hbm>>
        %dma_start3A_38 = arith.constant 0 : i32
        %dma_start3A_39 = arith.constant 0 : i32
        %dma_start3A_40 = tpu.memref_slice %arg3[%add3A, %scan3A_22, %dma_start3A_38, %dma_start3A_39] : memref<32x5x16x128xi32, #tpu.memory_space<hbm>> -> memref<1x1x16x128xi32, #tpu.memory_space<hbm>>
        %dma_start3A_41 = tpu.memref_squeeze %dma_start3A_40 : memref<1x1x16x128xi32, #tpu.memory_space<hbm>> -> memref<16x128xi32, #tpu.memory_space<hbm>>
        tpu.enqueue_dma source(%dma_start3A_41 : memref<16x128xi32, #tpu.memory_space<hbm>>) target(%arg7 : memref<16x128xi32, #tpu.memory_space<vmem>>) target_semaphore(%run_scoped3A : memref<!tpu.dma_semaphore, #tpu.memory_space<semaphore_mem>>)
        %dma_wait3A = arith.constant 0 : i32
        %dma_wait3A_42 = arith.constant 0 : i32
        %dma_wait3A_43 = tpu.memref_slice %arg3[%add3A, %scan3A_22, %dma_wait3A, %dma_wait3A_42] : memref<32x5x16x128xi32, #tpu.memory_space<hbm>> -> memref<1x1x16x128xi32, #tpu.memory_space<hbm>>
        %dma_wait3A_44 = tpu.memref_squeeze %dma_wait3A_43 : memref<1x1x16x128xi32, #tpu.memory_space<hbm>> -> memref<16x128xi32, #tpu.memory_space<hbm>>
        %dma_wait3A_45 = arith.constant 0 : i32
        %dma_wait3A_46 = arith.constant 0 : i32
        %dma_wait3A_47 = tpu.memref_slice %arg3[%add3A, %scan3A_22, %dma_wait3A_45, %dma_wait3A_46] : memref<32x5x16x128xi32, #tpu.memory_space<hbm>> -> memref<1x1x16x128xi32, #tpu.memory_space<hbm>>
        %dma_wait3A_48 = tpu.memref_squeeze %dma_wait3A_47 : memref<1x1x16x128xi32, #tpu.memory_space<hbm>> -> memref<16x128xi32, #tpu.memory_space<hbm>>
        tpu.wait_dma2 semaphore(%run_scoped3A : memref<!tpu.dma_semaphore, #tpu.memory_space<semaphore_mem>>) src(%dma_wait3A_48 : memref<16x128xi32, #tpu.memory_space<hbm>>) dst(%arg7 : memref<16x128xi32, #tpu.memory_space<vmem>>)
        tpu.yield
      }) : () -> ()
      "tpu.region"() ({
        %run_scoped3A = tpu.sem_alloc : memref<!tpu.dma_semaphore, #tpu.memory_space<semaphore_mem>>
        %dma_start3A_34 = arith.constant 0 : i32
        %dma_start3A_35 = arith.constant 0 : i32
        %dma_start3A_36 = tpu.memref_slice %arg4[%add3A, %scan3A_22, %dma_start3A_34, %dma_start3A_35] : memref<32x5x16x128xi32, #tpu.memory_space<hbm>> -> memref<1x1x16x128xi32, #tpu.memory_space<hbm>>
        %dma_start3A_37 = tpu.memref_squeeze %dma_start3A_36 : memref<1x1x16x128xi32, #tpu.memory_space<hbm>> -> memref<16x128xi32, #tpu.memory_space<hbm>>
        %dma_start3A_38 = arith.constant 0 : i32
        %dma_start3A_39 = arith.constant 0 : i32
        %dma_start3A_40 = tpu.memref_slice %arg4[%add3A, %scan3A_22, %dma_start3A_38, %dma_start3A_39] : memref<32x5x16x128xi32, #tpu.memory_space<hbm>> -> memref<1x1x16x128xi32, #tpu.memory_space<hbm>>
        %dma_start3A_41 = tpu.memref_squeeze %dma_start3A_40 : memref<1x1x16x128xi32, #tpu.memory_space<hbm>> -> memref<16x128xi32, #tpu.memory_space<hbm>>
        tpu.enqueue_dma source(%dma_start3A_41 : memref<16x128xi32, #tpu.memory_space<hbm>>) target(%arg8 : memref<16x128xi32, #tpu.memory_space<vmem>>) target_semaphore(%run_scoped3A : memref<!tpu.dma_semaphore, #tpu.memory_space<semaphore_mem>>)
        %dma_wait3A = arith.constant 0 : i32
        %dma_wait3A_42 = arith.constant 0 : i32
        %dma_wait3A_43 = tpu.memref_slice %arg4[%add3A, %scan3A_22, %dma_wait3A, %dma_wait3A_42] : memref<32x5x16x128xi32, #tpu.memory_space<hbm>> -> memref<1x1x16x128xi32, #tpu.memory_space<hbm>>
        %dma_wait3A_44 = tpu.memref_squeeze %dma_wait3A_43 : memref<1x1x16x128xi32, #tpu.memory_space<hbm>> -> memref<16x128xi32, #tpu.memory_space<hbm>>
        %dma_wait3A_45 = arith.constant 0 : i32
        %dma_wait3A_46 = arith.constant 0 : i32
        %dma_wait3A_47 = tpu.memref_slice %arg4[%add3A, %scan3A_22, %dma_wait3A_45, %dma_wait3A_46] : memref<32x5x16x128xi32, #tpu.memory_space<hbm>> -> memref<1x1x16x128xi32, #tpu.memory_space<hbm>>
        %dma_wait3A_48 = tpu.memref_squeeze %dma_wait3A_47 : memref<1x1x16x128xi32, #tpu.memory_space<hbm>> -> memref<16x128xi32, #tpu.memory_space<hbm>>
        tpu.wait_dma2 semaphore(%run_scoped3A : memref<!tpu.dma_semaphore, #tpu.memory_space<semaphore_mem>>) src(%dma_wait3A_48 : memref<16x128xi32, #tpu.memory_space<hbm>>) dst(%arg8 : memref<16x128xi32, #tpu.memory_space<vmem>>)
        tpu.yield
      }) : () -> ()
      %dma_start3A = arith.constant 0 : i32
      %dma_start3A_23 = arith.constant 0 : i32
      %dma_start3A_24 = tpu.memref_slice %arg7[%dma_start3A, %dma_start3A_23] : memref<16x128xi32, #tpu.memory_space<vmem>> -> memref<1x128xi32, #tpu.memory_space<vmem>>
      %dma_start3A_25 = tpu.memref_squeeze %dma_start3A_24 : memref<1x128xi32, #tpu.memory_space<vmem>> -> memref<128xi32, #tpu.memory_space<vmem>>
      %dma_start3A_26 = arith.constant 0 : i32
      %dma_start3A_27 = arith.constant 0 : i32
      %dma_start3A_28 = tpu.memref_slice %arg2[%dma_start3A_26, %dma_start3A_27] : memref<10240x128xf32, #tpu.memory_space<hbm>> -> memref<10240x128xf32, #tpu.memory_space<hbm>>
      tpu.enqueue_indirect_dma source(%dma_start3A_28 : memref<10240x128xf32, #tpu.memory_space<hbm>>) target(%arg9 : memref<128x128xf32, #tpu.memory_space<vmem>>) offsets(%dma_start3A_25 : memref<128xi32, #tpu.memory_space<vmem>>) semaphore(%arg11 : memref<!tpu.dma_semaphore, #tpu.memory_space<semaphore_mem>>)
      %scan3A_29 = arith.constant 0 : i32
      %scan3A_30 = arith.constant 8 : i32
      %scan3A_31 = arith.addi %scan3A_29, %scan3A_30 : i32
      %scan3A_32 = arith.constant 1 : i32
      scf.for %scan3A_34 = %scan3A_29 to %scan3A_31 step %scan3A_32  : i32 {
        %mul3A_35 = arith.constant 2 : i32
        %mul3A_36 = arith.muli %mul3A_35, %scan3A_34 : i32
        %mul3A_37 = arith.constant 2 : i32
        %mul3A_38 = arith.muli %mul3A_37, %scan3A_34 : i32
        %add3A_39 = arith.constant 1 : i32
        %add3A_40 = arith.addi %mul3A_38, %add3A_39 : i32
        %dma_start3A_41 = arith.constant 0 : i32
        %dma_start3A_42 = tpu.memref_slice %arg7[%add3A_40, %dma_start3A_41] : memref<16x128xi32, #tpu.memory_space<vmem>> -> memref<1x128xi32, #tpu.memory_space<vmem>>
        %dma_start3A_43 = tpu.memref_squeeze %dma_start3A_42 : memref<1x128xi32, #tpu.memory_space<vmem>> -> memref<128xi32, #tpu.memory_space<vmem>>
        %dma_start3A_44 = arith.constant 0 : i32
        %dma_start3A_45 = arith.constant 0 : i32
        %dma_start3A_46 = tpu.memref_slice %arg2[%dma_start3A_44, %dma_start3A_45] : memref<10240x128xf32, #tpu.memory_space<hbm>> -> memref<10240x128xf32, #tpu.memory_space<hbm>>
        tpu.enqueue_indirect_dma source(%dma_start3A_46 : memref<10240x128xf32, #tpu.memory_space<hbm>>) target(%arg10 : memref<128x128xf32, #tpu.memory_space<vmem>>) offsets(%dma_start3A_43 : memref<128xi32, #tpu.memory_space<vmem>>) semaphore(%arg12 : memref<!tpu.dma_semaphore, #tpu.memory_space<semaphore_mem>>)
        %dma_wait3A = arith.constant 0 : i32
        %dma_wait3A_47 = tpu.memref_slice %arg7[%mul3A_36, %dma_wait3A] : memref<16x128xi32, #tpu.memory_space<vmem>> -> memref<1x128xi32, #tpu.memory_space<vmem>>
        %dma_wait3A_48 = tpu.memref_squeeze %dma_wait3A_47 : memref<1x128xi32, #tpu.memory_space<vmem>> -> memref<128xi32, #tpu.memory_space<vmem>>
        %dma_wait3A_49 = arith.constant 0 : i32
        %dma_wait3A_50 = arith.constant 0 : i32
        %dma_wait3A_51 = tpu.memref_slice %arg2[%dma_wait3A_49, %dma_wait3A_50] : memref<10240x128xf32, #tpu.memory_space<hbm>> -> memref<10240x128xf32, #tpu.memory_space<hbm>>
        tpu.wait_indirect_dma semaphore(%arg11 : memref<!tpu.dma_semaphore, #tpu.memory_space<semaphore_mem>>) src(%dma_wait3A_51 : memref<10240x128xf32, #tpu.memory_space<hbm>>) dst(%arg9 : memref<128x128xf32, #tpu.memory_space<vmem>>)
        "tpu.region"() ({
          %run_scoped3A = tpu.sem_alloc : memref<!tpu.dma_semaphore, #tpu.memory_space<semaphore_mem>>
          %dma_start3A_64 = arith.constant 0 : i32
          %dma_start3A_65 = tpu.memref_slice %arg8[%mul3A_36, %dma_start3A_64] : memref<16x128xi32, #tpu.memory_space<vmem>> -> memref<1x128xi32, #tpu.memory_space<vmem>>
          %dma_start3A_66 = tpu.memref_squeeze %dma_start3A_65 : memref<1x128xi32, #tpu.memory_space<vmem>> -> memref<128xi32, #tpu.memory_space<vmem>>
          %dma_start3A_67 = arith.constant 0 : i32
          %dma_start3A_68 = arith.constant 0 : i32
          %dma_start3A_69 = tpu.memref_slice %arg6[%dma_start3A_67, %dma_start3A_68] : memref<10240x128xf32, #tpu.memory_space<vmem_shared>> -> memref<10240x128xf32, #tpu.memory_space<vmem_shared>>
          tpu.enqueue_indirect_dma source(%arg9 : memref<128x128xf32, #tpu.memory_space<vmem>>) target(%dma_start3A_69 : memref<10240x128xf32, #tpu.memory_space<vmem_shared>>) offsets(%dma_start3A_66 : memref<128xi32, #tpu.memory_space<vmem>>) semaphore(%run_scoped3A : memref<!tpu.dma_semaphore, #tpu.memory_space<semaphore_mem>>) {add = true}
          %dma_wait3A_70 = arith.constant 0 : i32
          %dma_wait3A_71 = tpu.memref_slice %arg8[%mul3A_36, %dma_wait3A_70] : memref<16x128xi32, #tpu.memory_space<vmem>> -> memref<1x128xi32, #tpu.memory_space<vmem>>
          %dma_wait3A_72 = tpu.memref_squeeze %dma_wait3A_71 : memref<1x128xi32, #tpu.memory_space<vmem>> -> memref<128xi32, #tpu.memory_space<vmem>>
          %dma_wait3A_73 = arith.constant 0 : i32
          %dma_wait3A_74 = arith.constant 0 : i32
          %dma_wait3A_75 = tpu.memref_slice %arg6[%dma_wait3A_73, %dma_wait3A_74] : memref<10240x128xf32, #tpu.memory_space<vmem_shared>> -> memref<10240x128xf32, #tpu.memory_space<vmem_shared>>
          tpu.wait_indirect_dma semaphore(%run_scoped3A : memref<!tpu.dma_semaphore, #tpu.memory_space<semaphore_mem>>) src(%arg9 : memref<128x128xf32, #tpu.memory_space<vmem>>) dst(%dma_wait3A_75 : memref<10240x128xf32, #tpu.memory_space<vmem_shared>>)
          tpu.yield
        }) : () -> ()
        %add3A_52 = arith.constant 1 : i32
        %add3A_53 = arith.addi %add3A_40, %add3A_52 : i32
        %lt3A = arith.constant 16 : i32
        %lt3A_54 = arith.cmpi slt, %add3A_53, %lt3A : i32
        %convert_element_type3A_55 = arith.extui %lt3A_54 : i1 to i32
        %cond3A_56 = arith.constant 0 : i32
        %cond3A_57 = arith.cmpi ne, %convert_element_type3A_55, %cond3A_56 : i32
        scf.if %cond3A_57 {
          %add3A_64 = arith.constant 1 : i32
          %add3A_65 = arith.addi %add3A_40, %add3A_64 : i32
          %dma_start3A_66 = arith.constant 0 : i32
          %dma_start3A_67 = tpu.memref_slice %arg7[%add3A_65, %dma_start3A_66] : memref<16x128xi32, #tpu.memory_space<vmem>> -> memref<1x128xi32, #tpu.memory_space<vmem>>
          %dma_start3A_68 = tpu.memref_squeeze %dma_start3A_67 : memref<1x128xi32, #tpu.memory_space<vmem>> -> memref<128xi32, #tpu.memory_space<vmem>>
          %dma_start3A_69 = arith.constant 0 : i32
          %dma_start3A_70 = arith.constant 0 : i32
          %dma_start3A_71 = tpu.memref_slice %arg2[%dma_start3A_69, %dma_start3A_70] : memref<10240x128xf32, #tpu.memory_space<hbm>> -> memref<10240x128xf32, #tpu.memory_space<hbm>>
          tpu.enqueue_indirect_dma source(%dma_start3A_71 : memref<10240x128xf32, #tpu.memory_space<hbm>>) target(%arg9 : memref<128x128xf32, #tpu.memory_space<vmem>>) offsets(%dma_start3A_68 : memref<128xi32, #tpu.memory_space<vmem>>) semaphore(%arg11 : memref<!tpu.dma_semaphore, #tpu.memory_space<semaphore_mem>>)
        } else {
        }
        %dma_wait3A_58 = arith.constant 0 : i32
        %dma_wait3A_59 = tpu.memref_slice %arg7[%add3A_40, %dma_wait3A_58] : memref<16x128xi32, #tpu.memory_space<vmem>> -> memref<1x128xi32, #tpu.memory_space<vmem>>
        %dma_wait3A_60 = tpu.memref_squeeze %dma_wait3A_59 : memref<1x128xi32, #tpu.memory_space<vmem>> -> memref<128xi32, #tpu.memory_space<vmem>>
        %dma_wait3A_61 = arith.constant 0 : i32
        %dma_wait3A_62 = arith.constant 0 : i32
        %dma_wait3A_63 = tpu.memref_slice %arg2[%dma_wait3A_61, %dma_wait3A_62] : memref<10240x128xf32, #tpu.memory_space<hbm>> -> memref<10240x128xf32, #tpu.memory_space<hbm>>
        tpu.wait_indirect_dma semaphore(%arg12 : memref<!tpu.dma_semaphore, #tpu.memory_space<semaphore_mem>>) src(%dma_wait3A_63 : memref<10240x128xf32, #tpu.memory_space<hbm>>) dst(%arg10 : memref<128x128xf32, #tpu.memory_space<vmem>>)
        "tpu.region"() ({
          %run_scoped3A = tpu.sem_alloc : memref<!tpu.dma_semaphore, #tpu.memory_space<semaphore_mem>>
          %dma_start3A_64 = arith.constant 0 : i32
          %dma_start3A_65 = tpu.memref_slice %arg8[%add3A_40, %dma_start3A_64] : memref<16x128xi32, #tpu.memory_space<vmem>> -> memref<1x128xi32, #tpu.memory_space<vmem>>
          %dma_start3A_66 = tpu.memref_squeeze %dma_start3A_65 : memref<1x128xi32, #tpu.memory_space<vmem>> -> memref<128xi32, #tpu.memory_space<vmem>>
          %dma_start3A_67 = arith.constant 0 : i32
          %dma_start3A_68 = arith.constant 0 : i32
          %dma_start3A_69 = tpu.memref_slice %arg6[%dma_start3A_67, %dma_start3A_68] : memref<10240x128xf32, #tpu.memory_space<vmem_shared>> -> memref<10240x128xf32, #tpu.memory_space<vmem_shared>>
          tpu.enqueue_indirect_dma source(%arg10 : memref<128x128xf32, #tpu.memory_space<vmem>>) target(%dma_start3A_69 : memref<10240x128xf32, #tpu.memory_space<vmem_shared>>) offsets(%dma_start3A_66 : memref<128xi32, #tpu.memory_space<vmem>>) semaphore(%run_scoped3A : memref<!tpu.dma_semaphore, #tpu.memory_space<semaphore_mem>>) {add = true}
          %dma_wait3A_70 = arith.constant 0 : i32
          %dma_wait3A_71 = tpu.memref_slice %arg8[%add3A_40, %dma_wait3A_70] : memref<16x128xi32, #tpu.memory_space<vmem>> -> memref<1x128xi32, #tpu.memory_space<vmem>>
          %dma_wait3A_72 = tpu.memref_squeeze %dma_wait3A_71 : memref<1x128xi32, #tpu.memory_space<vmem>> -> memref<128xi32, #tpu.memory_space<vmem>>
          %dma_wait3A_73 = arith.constant 0 : i32
          %dma_wait3A_74 = arith.constant 0 : i32
          %dma_wait3A_75 = tpu.memref_slice %arg6[%dma_wait3A_73, %dma_wait3A_74] : memref<10240x128xf32, #tpu.memory_space<vmem_shared>> -> memref<10240x128xf32, #tpu.memory_space<vmem_shared>>
          tpu.wait_indirect_dma semaphore(%run_scoped3A : memref<!tpu.dma_semaphore, #tpu.memory_space<semaphore_mem>>) src(%arg10 : memref<128x128xf32, #tpu.memory_space<vmem>>) dst(%dma_wait3A_75 : memref<10240x128xf32, #tpu.memory_space<vmem_shared>>)
          tpu.yield
        }) : () -> ()
      }
      %scan3A_33 = arith.constant 8 : i32
    }
    %scan3A_13 = arith.constant 5 : i32
    %barrier3A_14 = arith.constant 0 : index
    tpu.barrier barrier_id(%barrier3A_14)
    %mul3A_15 = arith.constant 128 : i32
    %mul3A_16 = arith.muli %arg0, %mul3A_15 : i32
    %multiple_of3A = tpu.assume_multiple %mul3A_16, 128 : i32
    %scan3A_17 = arith.constant 0 : i32
    %scan3A_18 = arith.constant 5 : i32
    %scan3A_19 = arith.addi %scan3A_17, %scan3A_18 : i32
    %scan3A_20 = arith.constant 1 : i32
    scf.for %scan3A_22 = %scan3A_17 to %scan3A_19 step %scan3A_20  : i32 {
      %mul3A_23 = arith.constant 128 : i32
      %mul3A_24 = arith.muli %scan3A_22, %mul3A_23 : i32
      %add3A_25 = arith.addi %mul3A_2, %mul3A_24 : i32
      "tpu.region"() ({
        %run_scoped3A = tpu.sem_alloc : memref<!tpu.dma_semaphore, #tpu.memory_space<semaphore_mem>>
        %dma_start3A = arith.constant 0 : i32
        %dma_start3A_26 = tpu.memref_slice %arg6[%add3A_25, %dma_start3A] : memref<10240x128xf32, #tpu.memory_space<vmem_shared>> -> memref<128x128xf32, #tpu.memory_space<vmem_shared>>
        %dma_start3A_27 = arith.constant 0 : i32
        %dma_start3A_28 = tpu.memref_slice %arg6[%add3A_25, %dma_start3A_27] : memref<10240x128xf32, #tpu.memory_space<vmem_shared>> -> memref<128x128xf32, #tpu.memory_space<vmem_shared>>
        tpu.enqueue_dma source(%dma_start3A_28 : memref<128x128xf32, #tpu.memory_space<vmem_shared>>) target(%arg9 : memref<128x128xf32, #tpu.memory_space<vmem>>) target_semaphore(%run_scoped3A : memref<!tpu.dma_semaphore, #tpu.memory_space<semaphore_mem>>)
        %dma_wait3A = arith.constant 0 : i32
        %dma_wait3A_29 = tpu.memref_slice %arg6[%add3A_25, %dma_wait3A] : memref<10240x128xf32, #tpu.memory_space<vmem_shared>> -> memref<128x128xf32, #tpu.memory_space<vmem_shared>>
        %dma_wait3A_30 = arith.constant 0 : i32
        %dma_wait3A_31 = tpu.memref_slice %arg6[%add3A_25, %dma_wait3A_30] : memref<10240x128xf32, #tpu.memory_space<vmem_shared>> -> memref<128x128xf32, #tpu.memory_space<vmem_shared>>
        tpu.wait_dma2 semaphore(%run_scoped3A : memref<!tpu.dma_semaphore, #tpu.memory_space<semaphore_mem>>) src(%dma_wait3A_31 : memref<128x128xf32, #tpu.memory_space<vmem_shared>>) dst(%arg9 : memref<128x128xf32, #tpu.memory_space<vmem>>)
        tpu.yield
      }) : () -> ()
      "tpu.region"() ({
        %run_scoped3A = tpu.sem_alloc : memref<!tpu.dma_semaphore, #tpu.memory_space<semaphore_mem>>
        %dma_start3A = tpu.memref_slice %arg5[%add3A_25, %multiple_of3A] : memref<10240x256xf32, #tpu.memory_space<hbm>> -> memref<128x128xf32, #tpu.memory_space<hbm>>
        %dma_start3A_26 = tpu.memref_slice %arg5[%add3A_25, %multiple_of3A] : memref<10240x256xf32, #tpu.memory_space<hbm>> -> memref<128x128xf32, #tpu.memory_space<hbm>>
        tpu.enqueue_dma source(%arg9 : memref<128x128xf32, #tpu.memory_space<vmem>>) target(%dma_start3A_26 : memref<128x128xf32, #tpu.memory_space<hbm>>) target_semaphore(%run_scoped3A : memref<!tpu.dma_semaphore, #tpu.memory_space<semaphore_mem>>)
        %dma_wait3A = tpu.memref_slice %arg5[%add3A_25, %multiple_of3A] : memref<10240x256xf32, #tpu.memory_space<hbm>> -> memref<128x128xf32, #tpu.memory_space<hbm>>
        %dma_wait3A_27 = tpu.memref_slice %arg5[%add3A_25, %multiple_of3A] : memref<10240x256xf32, #tpu.memory_space<hbm>> -> memref<128x128xf32, #tpu.memory_space<hbm>>
        tpu.wait_dma2 semaphore(%run_scoped3A : memref<!tpu.dma_semaphore, #tpu.memory_space<semaphore_mem>>) src(%arg9 : memref<128x128xf32, #tpu.memory_space<vmem>>) dst(%dma_wait3A_27 : memref<128x128xf32, #tpu.memory_space<hbm>>)
        tpu.yield
      }) : () -> ()
    }
    %scan3A_21 = arith.constant 5 : i32
    return
  }
}

#map = affine_map<(d0, d1) -> (0, 0)>
#map1 = affine_map<(d0, d1) -> (0, 0, 0, 0)>
module attributes {stable_mosaic.version = 14 : i64} {
  func.func @_edge_body(%arg0: i32, %arg1: i32, %arg2: memref<10240x128xf32, #tpu.memory_space<hbm>>, %arg3: memref<32x5x16x128xi32, #tpu.memory_space<hbm>>, %arg4: memref<32x5x16x128xi32, #tpu.memory_space<hbm>>, %arg5: memref<10240x256xf32, #tpu.memory_space<hbm>>, %arg6: memref<10240x128xf32, #tpu.memory_space<vmem_shared>>, %arg7: memref<16x128xi32, #tpu.memory_space<vmem>>, %arg8: memref<16x128xi32, #tpu.memory_space<vmem>>, %arg9: memref<128x128xf32, #tpu.memory_space<vmem>>, %arg10: memref<128x128xf32, #tpu.memory_space<vmem>>, %arg11: memref<!tpu.dma_semaphore, #tpu.memory_space<semaphore_mem>>, %arg12: memref<!tpu.dma_semaphore, #tpu.memory_space<semaphore_mem>>) attributes {dimension_semantics = [#tpu.dimension_semantics<core_parallel>, #tpu.dimension_semantics<subcore_parallel>], iteration_bounds = array<i64: 2, 16>, scalar_prefetch = 0 : i64, scratch_operands = 7 : i64, tpu.core_type = #tpu.core_type<sc_vector_subcore>, window_params = [{transform_indices = #map}, {transform_indices = #map1}, {transform_indices = #map1}, {transform_indices = #map}]} {
    %mul3A = arith.constant 16 : i32
    %mul3A_0 = arith.muli %arg0, %mul3A : i32
    %add3A = arith.addi %mul3A_0, %arg1 : i32
    %mul3A_1 = arith.constant 640 : i32
    %mul3A_2 = arith.muli %arg1, %mul3A_1 : i32
    %ne3A = arith.constant 0 : i32
    %ne3A_3 = arith.cmpi ne, %arg0, %ne3A : i32
    %convert_element_type3A = arith.extui %ne3A_3 : i1 to i32
    %cond3A = arith.constant 0 : i32
    %cond3A_4 = arith.cmpi ne, %convert_element_type3A, %cond3A : i32
    scf.if %cond3A_4 {
      %scan3A_22 = arith.constant 0 : i32
      %scan3A_23 = arith.constant 128 : i32
      %scan3A_24 = arith.addi %scan3A_22, %scan3A_23 : i32
      %scan3A_25 = arith.constant 1 : i32
      scf.for %scan3A_27 = %scan3A_22 to %scan3A_24 step %scan3A_25  : i32 {
        %broadcast_in_dim3A = arith.constant 0.000000e+00 : f32
        %broadcast_in_dim3A_28 = vector.broadcast %broadcast_in_dim3A : f32 to vector<16xf32>
        %swap3A = arith.index_cast %scan3A_27 : i32 to index
        %swap3A_29 = arith.constant 0 : index
        %swap3A_30 = tpu.vector_load %arg9[%swap3A, %swap3A_29] {strides = array<i32>} : memref<128x128xf32, #tpu.memory_space<vmem>>, vector<1x16xf32>,
        %swap3A_31 = vector.shape_cast %swap3A_30 : vector<1x16xf32> to vector<16xf32>
        %swap3A_32 = vector.shape_cast %broadcast_in_dim3A_28 : vector<16xf32> to vector<1x16xf32>
        tpu.vector_store %arg9[%swap3A, %swap3A_29], %swap3A_32 {strides = array<i32>} : memref<128x128xf32, #tpu.memory_space<vmem>>, vector<1x16xf32>,
        %broadcast_in_dim3A_33 = arith.constant 0.000000e+00 : f32
        %broadcast_in_dim3A_34 = vector.broadcast %broadcast_in_dim3A_33 : f32 to vector<16xf32>
        %swap3A_35 = arith.index_cast %scan3A_27 : i32 to index
        %swap3A_36 = arith.constant 16 : index
        %swap3A_37 = tpu.vector_load %arg9[%swap3A_35, %swap3A_36] {strides = array<i32>} : memref<128x128xf32, #tpu.memory_space<vmem>>, vector<1x16xf32>,
        %swap3A_38 = vector.shape_cast %swap3A_37 : vector<1x16xf32> to vector<16xf32>
        %swap3A_39 = vector.shape_cast %broadcast_in_dim3A_34 : vector<16xf32> to vector<1x16xf32>
        tpu.vector_store %arg9[%swap3A_35, %swap3A_36], %swap3A_39 {strides = array<i32>} : memref<128x128xf32, #tpu.memory_space<vmem>>, vector<1x16xf32>,
        %broadcast_in_dim3A_40 = arith.constant 0.000000e+00 : f32
        %broadcast_in_dim3A_41 = vector.broadcast %broadcast_in_dim3A_40 : f32 to vector<16xf32>
        %swap3A_42 = arith.index_cast %scan3A_27 : i32 to index
        %swap3A_43 = arith.constant 32 : index
        %swap3A_44 = tpu.vector_load %arg9[%swap3A_42, %swap3A_43] {strides = array<i32>} : memref<128x128xf32, #tpu.memory_space<vmem>>, vector<1x16xf32>,
        %swap3A_45 = vector.shape_cast %swap3A_44 : vector<1x16xf32> to vector<16xf32>
        %swap3A_46 = vector.shape_cast %broadcast_in_dim3A_41 : vector<16xf32> to vector<1x16xf32>
        tpu.vector_store %arg9[%swap3A_42, %swap3A_43], %swap3A_46 {strides = array<i32>} : memref<128x128xf32, #tpu.memory_space<vmem>>, vector<1x16xf32>,
        %broadcast_in_dim3A_47 = arith.constant 0.000000e+00 : f32
        %broadcast_in_dim3A_48 = vector.broadcast %broadcast_in_dim3A_47 : f32 to vector<16xf32>
        %swap3A_49 = arith.index_cast %scan3A_27 : i32 to index
        %swap3A_50 = arith.constant 48 : index
        %swap3A_51 = tpu.vector_load %arg9[%swap3A_49, %swap3A_50] {strides = array<i32>} : memref<128x128xf32, #tpu.memory_space<vmem>>, vector<1x16xf32>,
        %swap3A_52 = vector.shape_cast %swap3A_51 : vector<1x16xf32> to vector<16xf32>
        %swap3A_53 = vector.shape_cast %broadcast_in_dim3A_48 : vector<16xf32> to vector<1x16xf32>
        tpu.vector_store %arg9[%swap3A_49, %swap3A_50], %swap3A_53 {strides = array<i32>} : memref<128x128xf32, #tpu.memory_space<vmem>>, vector<1x16xf32>,
        %broadcast_in_dim3A_54 = arith.constant 0.000000e+00 : f32
        %broadcast_in_dim3A_55 = vector.broadcast %broadcast_in_dim3A_54 : f32 to vector<16xf32>
        %swap3A_56 = arith.index_cast %scan3A_27 : i32 to index
        %swap3A_57 = arith.constant 64 : index
        %swap3A_58 = tpu.vector_load %arg9[%swap3A_56, %swap3A_57] {strides = array<i32>} : memref<128x128xf32, #tpu.memory_space<vmem>>, vector<1x16xf32>,
        %swap3A_59 = vector.shape_cast %swap3A_58 : vector<1x16xf32> to vector<16xf32>
        %swap3A_60 = vector.shape_cast %broadcast_in_dim3A_55 : vector<16xf32> to vector<1x16xf32>
        tpu.vector_store %arg9[%swap3A_56, %swap3A_57], %swap3A_60 {strides = array<i32>} : memref<128x128xf32, #tpu.memory_space<vmem>>, vector<1x16xf32>,
        %broadcast_in_dim3A_61 = arith.constant 0.000000e+00 : f32
        %broadcast_in_dim3A_62 = vector.broadcast %broadcast_in_dim3A_61 : f32 to vector<16xf32>
        %swap3A_63 = arith.index_cast %scan3A_27 : i32 to index
        %swap3A_64 = arith.constant 80 : index
        %swap3A_65 = tpu.vector_load %arg9[%swap3A_63, %swap3A_64] {strides = array<i32>} : memref<128x128xf32, #tpu.memory_space<vmem>>, vector<1x16xf32>,
        %swap3A_66 = vector.shape_cast %swap3A_65 : vector<1x16xf32> to vector<16xf32>
        %swap3A_67 = vector.shape_cast %broadcast_in_dim3A_62 : vector<16xf32> to vector<1x16xf32>
        tpu.vector_store %arg9[%swap3A_63, %swap3A_64], %swap3A_67 {strides = array<i32>} : memref<128x128xf32, #tpu.memory_space<vmem>>, vector<1x16xf32>,
        %broadcast_in_dim3A_68 = arith.constant 0.000000e+00 : f32
        %broadcast_in_dim3A_69 = vector.broadcast %broadcast_in_dim3A_68 : f32 to vector<16xf32>
        %swap3A_70 = arith.index_cast %scan3A_27 : i32 to index
        %swap3A_71 = arith.constant 96 : index
        %swap3A_72 = tpu.vector_load %arg9[%swap3A_70, %swap3A_71] {strides = array<i32>} : memref<128x128xf32, #tpu.memory_space<vmem>>, vector<1x16xf32>,
        %swap3A_73 = vector.shape_cast %swap3A_72 : vector<1x16xf32> to vector<16xf32>
        %swap3A_74 = vector.shape_cast %broadcast_in_dim3A_69 : vector<16xf32> to vector<1x16xf32>
        tpu.vector_store %arg9[%swap3A_70, %swap3A_71], %swap3A_74 {strides = array<i32>} : memref<128x128xf32, #tpu.memory_space<vmem>>, vector<1x16xf32>,
        %broadcast_in_dim3A_75 = arith.constant 0.000000e+00 : f32
        %broadcast_in_dim3A_76 = vector.broadcast %broadcast_in_dim3A_75 : f32 to vector<16xf32>
        %swap3A_77 = arith.index_cast %scan3A_27 : i32 to index
        %swap3A_78 = arith.constant 112 : index
        %swap3A_79 = tpu.vector_load %arg9[%swap3A_77, %swap3A_78] {strides = array<i32>} : memref<128x128xf32, #tpu.memory_space<vmem>>, vector<1x16xf32>,
        %swap3A_80 = vector.shape_cast %swap3A_79 : vector<1x16xf32> to vector<16xf32>
        %swap3A_81 = vector.shape_cast %broadcast_in_dim3A_76 : vector<16xf32> to vector<1x16xf32>
        tpu.vector_store %arg9[%swap3A_77, %swap3A_78], %swap3A_81 {strides = array<i32>} : memref<128x128xf32, #tpu.memory_space<vmem>>, vector<1x16xf32>,
      }
      %scan3A_26 = arith.constant 128 : i32
    } else {
    }
    %scan3A = arith.constant 0 : i32
    %scan3A_5 = arith.constant 5 : i32
    %scan3A_6 = arith.addi %scan3A, %scan3A_5 : i32
    %scan3A_7 = arith.constant 1 : i32
    scf.for %scan3A_22 = %scan3A to %scan3A_6 step %scan3A_7  : i32 {
      %mul3A_23 = arith.constant 128 : i32
      %mul3A_24 = arith.muli %scan3A_22, %mul3A_23 : i32
      %add3A_25 = arith.addi %mul3A_2, %mul3A_24 : i32
      %eq3A = arith.constant 0 : i32
      %eq3A_26 = arith.cmpi eq, %arg0, %eq3A : i32
      %convert_element_type3A_27 = arith.extui %eq3A_26 : i1 to i32
      %cond3A_28 = arith.constant 0 : i32
      %cond3A_29 = arith.cmpi ne, %convert_element_type3A_27, %cond3A_28 : i32
      scf.if %cond3A_29 {
        "tpu.region"() ({
          %run_scoped3A = tpu.sem_alloc : memref<!tpu.dma_semaphore, #tpu.memory_space<semaphore_mem>>
          %dma_start3A = arith.constant 0 : i32
          %dma_start3A_30 = tpu.memref_slice %arg2[%add3A_25, %dma_start3A] : memref<10240x128xf32, #tpu.memory_space<hbm>> -> memref<128x128xf32, #tpu.memory_space<hbm>>
          %dma_start3A_31 = arith.constant 0 : i32
          %dma_start3A_32 = tpu.memref_slice %arg2[%add3A_25, %dma_start3A_31] : memref<10240x128xf32, #tpu.memory_space<hbm>> -> memref<128x128xf32, #tpu.memory_space<hbm>>
          tpu.enqueue_dma source(%dma_start3A_32 : memref<128x128xf32, #tpu.memory_space<hbm>>) target(%arg9 : memref<128x128xf32, #tpu.memory_space<vmem>>) target_semaphore(%run_scoped3A : memref<!tpu.dma_semaphore, #tpu.memory_space<semaphore_mem>>)
          %dma_wait3A = arith.constant 0 : i32
          %dma_wait3A_33 = tpu.memref_slice %arg2[%add3A_25, %dma_wait3A] : memref<10240x128xf32, #tpu.memory_space<hbm>> -> memref<128x128xf32, #tpu.memory_space<hbm>>
          %dma_wait3A_34 = arith.constant 0 : i32
          %dma_wait3A_35 = tpu.memref_slice %arg2[%add3A_25, %dma_wait3A_34] : memref<10240x128xf32, #tpu.memory_space<hbm>> -> memref<128x128xf32, #tpu.memory_space<hbm>>
          tpu.wait_dma2 semaphore(%run_scoped3A : memref<!tpu.dma_semaphore, #tpu.memory_space<semaphore_mem>>) src(%dma_wait3A_35 : memref<128x128xf32, #tpu.memory_space<hbm>>) dst(%arg9 : memref<128x128xf32, #tpu.memory_space<vmem>>)
          tpu.yield
        }) : () -> ()
      } else {
      }
      "tpu.region"() ({
        %run_scoped3A = tpu.sem_alloc : memref<!tpu.dma_semaphore, #tpu.memory_space<semaphore_mem>>
        %dma_start3A = arith.constant 0 : i32
        %dma_start3A_30 = tpu.memref_slice %arg6[%add3A_25, %dma_start3A] : memref<10240x128xf32, #tpu.memory_space<vmem_shared>> -> memref<128x128xf32, #tpu.memory_space<vmem_shared>>
        %dma_start3A_31 = arith.constant 0 : i32
        %dma_start3A_32 = tpu.memref_slice %arg6[%add3A_25, %dma_start3A_31] : memref<10240x128xf32, #tpu.memory_space<vmem_shared>> -> memref<128x128xf32, #tpu.memory_space<vmem_shared>>
        tpu.enqueue_dma source(%arg9 : memref<128x128xf32, #tpu.memory_space<vmem>>) target(%dma_start3A_32 : memref<128x128xf32, #tpu.memory_space<vmem_shared>>) target_semaphore(%run_scoped3A : memref<!tpu.dma_semaphore, #tpu.memory_space<semaphore_mem>>)
        %dma_wait3A = arith.constant 0 : i32
        %dma_wait3A_33 = tpu.memref_slice %arg6[%add3A_25, %dma_wait3A] : memref<10240x128xf32, #tpu.memory_space<vmem_shared>> -> memref<128x128xf32, #tpu.memory_space<vmem_shared>>
        %dma_wait3A_34 = arith.constant 0 : i32
        %dma_wait3A_35 = tpu.memref_slice %arg6[%add3A_25, %dma_wait3A_34] : memref<10240x128xf32, #tpu.memory_space<vmem_shared>> -> memref<128x128xf32, #tpu.memory_space<vmem_shared>>
        tpu.wait_dma2 semaphore(%run_scoped3A : memref<!tpu.dma_semaphore, #tpu.memory_space<semaphore_mem>>) src(%arg9 : memref<128x128xf32, #tpu.memory_space<vmem>>) dst(%dma_wait3A_35 : memref<128x128xf32, #tpu.memory_space<vmem_shared>>)
        tpu.yield
      }) : () -> ()
    }
    %scan3A_8 = arith.constant 5 : i32
    %barrier3A = arith.constant 0 : index
    tpu.barrier barrier_id(%barrier3A)
    %scan3A_9 = arith.constant 0 : i32
    %scan3A_10 = arith.constant 5 : i32
    %scan3A_11 = arith.addi %scan3A_9, %scan3A_10 : i32
    %scan3A_12 = arith.constant 1 : i32
    scf.for %scan3A_22 = %scan3A_9 to %scan3A_11 step %scan3A_12  : i32 {
      "tpu.region"() ({
        %run_scoped3A = tpu.sem_alloc : memref<!tpu.dma_semaphore, #tpu.memory_space<semaphore_mem>>
        %dma_start3A_34 = arith.constant 0 : i32
        %dma_start3A_35 = arith.constant 0 : i32
        %dma_start3A_36 = tpu.memref_slice %arg3[%add3A, %scan3A_22, %dma_start3A_34, %dma_start3A_35] : memref<32x5x16x128xi32, #tpu.memory_space<hbm>> -> memref<1x1x16x128xi32, #tpu.memory_space<hbm>>
        %dma_start3A_37 = tpu.memref_squeeze %dma_start3A_36 : memref<1x1x16x128xi32, #tpu.memory_space<hbm>> -> memref<16x128xi32, #tpu.memory_space<hbm>>
        %dma_start3A_38 = arith.constant 0 : i32
        %dma_start3A_39 = arith.constant 0 : i32
        %dma_start3A_40 = tpu.memref_slice %arg3[%add3A, %scan3A_22, %dma_start3A_38, %dma_start3A_39] : memref<32x5x16x128xi32, #tpu.memory_space<hbm>> -> memref<1x1x16x128xi32, #tpu.memory_space<hbm>>
        %dma_start3A_41 = tpu.memref_squeeze %dma_start3A_40 : memref<1x1x16x128xi32, #tpu.memory_space<hbm>> -> memref<16x128xi32, #tpu.memory_space<hbm>>
        tpu.enqueue_dma source(%dma_start3A_41 : memref<16x128xi32, #tpu.memory_space<hbm>>) target(%arg7 : memref<16x128xi32, #tpu.memory_space<vmem>>) target_semaphore(%run_scoped3A : memref<!tpu.dma_semaphore, #tpu.memory_space<semaphore_mem>>)
        %dma_wait3A = arith.constant 0 : i32
        %dma_wait3A_42 = arith.constant 0 : i32
        %dma_wait3A_43 = tpu.memref_slice %arg3[%add3A, %scan3A_22, %dma_wait3A, %dma_wait3A_42] : memref<32x5x16x128xi32, #tpu.memory_space<hbm>> -> memref<1x1x16x128xi32, #tpu.memory_space<hbm>>
        %dma_wait3A_44 = tpu.memref_squeeze %dma_wait3A_43 : memref<1x1x16x128xi32, #tpu.memory_space<hbm>> -> memref<16x128xi32, #tpu.memory_space<hbm>>
        %dma_wait3A_45 = arith.constant 0 : i32
        %dma_wait3A_46 = arith.constant 0 : i32
        %dma_wait3A_47 = tpu.memref_slice %arg3[%add3A, %scan3A_22, %dma_wait3A_45, %dma_wait3A_46] : memref<32x5x16x128xi32, #tpu.memory_space<hbm>> -> memref<1x1x16x128xi32, #tpu.memory_space<hbm>>
        %dma_wait3A_48 = tpu.memref_squeeze %dma_wait3A_47 : memref<1x1x16x128xi32, #tpu.memory_space<hbm>> -> memref<16x128xi32, #tpu.memory_space<hbm>>
        tpu.wait_dma2 semaphore(%run_scoped3A : memref<!tpu.dma_semaphore, #tpu.memory_space<semaphore_mem>>) src(%dma_wait3A_48 : memref<16x128xi32, #tpu.memory_space<hbm>>) dst(%arg7 : memref<16x128xi32, #tpu.memory_space<vmem>>)
        tpu.yield
      }) : () -> ()
      "tpu.region"() ({
        %run_scoped3A = tpu.sem_alloc : memref<!tpu.dma_semaphore, #tpu.memory_space<semaphore_mem>>
        %dma_start3A_34 = arith.constant 0 : i32
        %dma_start3A_35 = arith.constant 0 : i32
        %dma_start3A_36 = tpu.memref_slice %arg4[%add3A, %scan3A_22, %dma_start3A_34, %dma_start3A_35] : memref<32x5x16x128xi32, #tpu.memory_space<hbm>> -> memref<1x1x16x128xi32, #tpu.memory_space<hbm>>
        %dma_start3A_37 = tpu.memref_squeeze %dma_start3A_36 : memref<1x1x16x128xi32, #tpu.memory_space<hbm>> -> memref<16x128xi32, #tpu.memory_space<hbm>>
        %dma_start3A_38 = arith.constant 0 : i32
        %dma_start3A_39 = arith.constant 0 : i32
        %dma_start3A_40 = tpu.memref_slice %arg4[%add3A, %scan3A_22, %dma_start3A_38, %dma_start3A_39] : memref<32x5x16x128xi32, #tpu.memory_space<hbm>> -> memref<1x1x16x128xi32, #tpu.memory_space<hbm>>
        %dma_start3A_41 = tpu.memref_squeeze %dma_start3A_40 : memref<1x1x16x128xi32, #tpu.memory_space<hbm>> -> memref<16x128xi32, #tpu.memory_space<hbm>>
        tpu.enqueue_dma source(%dma_start3A_41 : memref<16x128xi32, #tpu.memory_space<hbm>>) target(%arg8 : memref<16x128xi32, #tpu.memory_space<vmem>>) target_semaphore(%run_scoped3A : memref<!tpu.dma_semaphore, #tpu.memory_space<semaphore_mem>>)
        %dma_wait3A = arith.constant 0 : i32
        %dma_wait3A_42 = arith.constant 0 : i32
        %dma_wait3A_43 = tpu.memref_slice %arg4[%add3A, %scan3A_22, %dma_wait3A, %dma_wait3A_42] : memref<32x5x16x128xi32, #tpu.memory_space<hbm>> -> memref<1x1x16x128xi32, #tpu.memory_space<hbm>>
        %dma_wait3A_44 = tpu.memref_squeeze %dma_wait3A_43 : memref<1x1x16x128xi32, #tpu.memory_space<hbm>> -> memref<16x128xi32, #tpu.memory_space<hbm>>
        %dma_wait3A_45 = arith.constant 0 : i32
        %dma_wait3A_46 = arith.constant 0 : i32
        %dma_wait3A_47 = tpu.memref_slice %arg4[%add3A, %scan3A_22, %dma_wait3A_45, %dma_wait3A_46] : memref<32x5x16x128xi32, #tpu.memory_space<hbm>> -> memref<1x1x16x128xi32, #tpu.memory_space<hbm>>
        %dma_wait3A_48 = tpu.memref_squeeze %dma_wait3A_47 : memref<1x1x16x128xi32, #tpu.memory_space<hbm>> -> memref<16x128xi32, #tpu.memory_space<hbm>>
        tpu.wait_dma2 semaphore(%run_scoped3A : memref<!tpu.dma_semaphore, #tpu.memory_space<semaphore_mem>>) src(%dma_wait3A_48 : memref<16x128xi32, #tpu.memory_space<hbm>>) dst(%arg8 : memref<16x128xi32, #tpu.memory_space<vmem>>)
        tpu.yield
      }) : () -> ()
      %dma_start3A = arith.constant 0 : i32
      %dma_start3A_23 = arith.constant 0 : i32
      %dma_start3A_24 = tpu.memref_slice %arg7[%dma_start3A, %dma_start3A_23] : memref<16x128xi32, #tpu.memory_space<vmem>> -> memref<1x128xi32, #tpu.memory_space<vmem>>
      %dma_start3A_25 = tpu.memref_squeeze %dma_start3A_24 : memref<1x128xi32, #tpu.memory_space<vmem>> -> memref<128xi32, #tpu.memory_space<vmem>>
      %dma_start3A_26 = arith.constant 0 : i32
      %dma_start3A_27 = arith.constant 0 : i32
      %dma_start3A_28 = tpu.memref_slice %arg2[%dma_start3A_26, %dma_start3A_27] : memref<10240x128xf32, #tpu.memory_space<hbm>> -> memref<10240x128xf32, #tpu.memory_space<hbm>>
      tpu.enqueue_indirect_dma source(%dma_start3A_28 : memref<10240x128xf32, #tpu.memory_space<hbm>>) target(%arg9 : memref<128x128xf32, #tpu.memory_space<vmem>>) offsets(%dma_start3A_25 : memref<128xi32, #tpu.memory_space<vmem>>) semaphore(%arg11 : memref<!tpu.dma_semaphore, #tpu.memory_space<semaphore_mem>>)
      %scan3A_29 = arith.constant 0 : i32
      %scan3A_30 = arith.constant 8 : i32
      %scan3A_31 = arith.addi %scan3A_29, %scan3A_30 : i32
      %scan3A_32 = arith.constant 1 : i32
      scf.for %scan3A_34 = %scan3A_29 to %scan3A_31 step %scan3A_32  : i32 {
        %mul3A_35 = arith.constant 2 : i32
        %mul3A_36 = arith.muli %mul3A_35, %scan3A_34 : i32
        %mul3A_37 = arith.constant 2 : i32
        %mul3A_38 = arith.muli %mul3A_37, %scan3A_34 : i32
        %add3A_39 = arith.constant 1 : i32
        %add3A_40 = arith.addi %mul3A_38, %add3A_39 : i32
        %dma_start3A_41 = arith.constant 0 : i32
        %dma_start3A_42 = tpu.memref_slice %arg7[%add3A_40, %dma_start3A_41] : memref<16x128xi32, #tpu.memory_space<vmem>> -> memref<1x128xi32, #tpu.memory_space<vmem>>
        %dma_start3A_43 = tpu.memref_squeeze %dma_start3A_42 : memref<1x128xi32, #tpu.memory_space<vmem>> -> memref<128xi32, #tpu.memory_space<vmem>>
        %dma_start3A_44 = arith.constant 0 : i32
        %dma_start3A_45 = arith.constant 0 : i32
        %dma_start3A_46 = tpu.memref_slice %arg2[%dma_start3A_44, %dma_start3A_45] : memref<10240x128xf32, #tpu.memory_space<hbm>> -> memref<10240x128xf32, #tpu.memory_space<hbm>>
        tpu.enqueue_indirect_dma source(%dma_start3A_46 : memref<10240x128xf32, #tpu.memory_space<hbm>>) target(%arg10 : memref<128x128xf32, #tpu.memory_space<vmem>>) offsets(%dma_start3A_43 : memref<128xi32, #tpu.memory_space<vmem>>) semaphore(%arg12 : memref<!tpu.dma_semaphore, #tpu.memory_space<semaphore_mem>>)
        %dma_wait3A = arith.constant 0 : i32
        %dma_wait3A_47 = tpu.memref_slice %arg7[%mul3A_36, %dma_wait3A] : memref<16x128xi32, #tpu.memory_space<vmem>> -> memref<1x128xi32, #tpu.memory_space<vmem>>
        %dma_wait3A_48 = tpu.memref_squeeze %dma_wait3A_47 : memref<1x128xi32, #tpu.memory_space<vmem>> -> memref<128xi32, #tpu.memory_space<vmem>>
        %dma_wait3A_49 = arith.constant 0 : i32
        %dma_wait3A_50 = arith.constant 0 : i32
        %dma_wait3A_51 = tpu.memref_slice %arg2[%dma_wait3A_49, %dma_wait3A_50] : memref<10240x128xf32, #tpu.memory_space<hbm>> -> memref<10240x128xf32, #tpu.memory_space<hbm>>
        tpu.wait_indirect_dma semaphore(%arg11 : memref<!tpu.dma_semaphore, #tpu.memory_space<semaphore_mem>>) src(%dma_wait3A_51 : memref<10240x128xf32, #tpu.memory_space<hbm>>) dst(%arg9 : memref<128x128xf32, #tpu.memory_space<vmem>>)
        "tpu.region"() ({
          %run_scoped3A = tpu.sem_alloc : memref<!tpu.dma_semaphore, #tpu.memory_space<semaphore_mem>>
          %dma_start3A_64 = arith.constant 0 : i32
          %dma_start3A_65 = tpu.memref_slice %arg8[%mul3A_36, %dma_start3A_64] : memref<16x128xi32, #tpu.memory_space<vmem>> -> memref<1x128xi32, #tpu.memory_space<vmem>>
          %dma_start3A_66 = tpu.memref_squeeze %dma_start3A_65 : memref<1x128xi32, #tpu.memory_space<vmem>> -> memref<128xi32, #tpu.memory_space<vmem>>
          %dma_start3A_67 = arith.constant 0 : i32
          %dma_start3A_68 = arith.constant 0 : i32
          %dma_start3A_69 = tpu.memref_slice %arg6[%dma_start3A_67, %dma_start3A_68] : memref<10240x128xf32, #tpu.memory_space<vmem_shared>> -> memref<10240x128xf32, #tpu.memory_space<vmem_shared>>
          tpu.enqueue_indirect_dma source(%arg9 : memref<128x128xf32, #tpu.memory_space<vmem>>) target(%dma_start3A_69 : memref<10240x128xf32, #tpu.memory_space<vmem_shared>>) offsets(%dma_start3A_66 : memref<128xi32, #tpu.memory_space<vmem>>) semaphore(%run_scoped3A : memref<!tpu.dma_semaphore, #tpu.memory_space<semaphore_mem>>) {add = true}
          %dma_wait3A_70 = arith.constant 0 : i32
          %dma_wait3A_71 = tpu.memref_slice %arg8[%mul3A_36, %dma_wait3A_70] : memref<16x128xi32, #tpu.memory_space<vmem>> -> memref<1x128xi32, #tpu.memory_space<vmem>>
          %dma_wait3A_72 = tpu.memref_squeeze %dma_wait3A_71 : memref<1x128xi32, #tpu.memory_space<vmem>> -> memref<128xi32, #tpu.memory_space<vmem>>
          %dma_wait3A_73 = arith.constant 0 : i32
          %dma_wait3A_74 = arith.constant 0 : i32
          %dma_wait3A_75 = tpu.memref_slice %arg6[%dma_wait3A_73, %dma_wait3A_74] : memref<10240x128xf32, #tpu.memory_space<vmem_shared>> -> memref<10240x128xf32, #tpu.memory_space<vmem_shared>>
          tpu.wait_indirect_dma semaphore(%run_scoped3A : memref<!tpu.dma_semaphore, #tpu.memory_space<semaphore_mem>>) src(%arg9 : memref<128x128xf32, #tpu.memory_space<vmem>>) dst(%dma_wait3A_75 : memref<10240x128xf32, #tpu.memory_space<vmem_shared>>)
          tpu.yield
        }) : () -> ()
        %add3A_52 = arith.constant 1 : i32
        %add3A_53 = arith.addi %add3A_40, %add3A_52 : i32
        %lt3A = arith.constant 16 : i32
        %lt3A_54 = arith.cmpi slt, %add3A_53, %lt3A : i32
        %convert_element_type3A_55 = arith.extui %lt3A_54 : i1 to i32
        %cond3A_56 = arith.constant 0 : i32
        %cond3A_57 = arith.cmpi ne, %convert_element_type3A_55, %cond3A_56 : i32
        scf.if %cond3A_57 {
          %add3A_64 = arith.constant 1 : i32
          %add3A_65 = arith.addi %add3A_40, %add3A_64 : i32
          %dma_start3A_66 = arith.constant 0 : i32
          %dma_start3A_67 = tpu.memref_slice %arg7[%add3A_65, %dma_start3A_66] : memref<16x128xi32, #tpu.memory_space<vmem>> -> memref<1x128xi32, #tpu.memory_space<vmem>>
          %dma_start3A_68 = tpu.memref_squeeze %dma_start3A_67 : memref<1x128xi32, #tpu.memory_space<vmem>> -> memref<128xi32, #tpu.memory_space<vmem>>
          %dma_start3A_69 = arith.constant 0 : i32
          %dma_start3A_70 = arith.constant 0 : i32
          %dma_start3A_71 = tpu.memref_slice %arg2[%dma_start3A_69, %dma_start3A_70] : memref<10240x128xf32, #tpu.memory_space<hbm>> -> memref<10240x128xf32, #tpu.memory_space<hbm>>
          tpu.enqueue_indirect_dma source(%dma_start3A_71 : memref<10240x128xf32, #tpu.memory_space<hbm>>) target(%arg9 : memref<128x128xf32, #tpu.memory_space<vmem>>) offsets(%dma_start3A_68 : memref<128xi32, #tpu.memory_space<vmem>>) semaphore(%arg11 : memref<!tpu.dma_semaphore, #tpu.memory_space<semaphore_mem>>)
        } else {
        }
        %dma_wait3A_58 = arith.constant 0 : i32
        %dma_wait3A_59 = tpu.memref_slice %arg7[%add3A_40, %dma_wait3A_58] : memref<16x128xi32, #tpu.memory_space<vmem>> -> memref<1x128xi32, #tpu.memory_space<vmem>>
        %dma_wait3A_60 = tpu.memref_squeeze %dma_wait3A_59 : memref<1x128xi32, #tpu.memory_space<vmem>> -> memref<128xi32, #tpu.memory_space<vmem>>
        %dma_wait3A_61 = arith.constant 0 : i32
        %dma_wait3A_62 = arith.constant 0 : i32
        %dma_wait3A_63 = tpu.memref_slice %arg2[%dma_wait3A_61, %dma_wait3A_62] : memref<10240x128xf32, #tpu.memory_space<hbm>> -> memref<10240x128xf32, #tpu.memory_space<hbm>>
        tpu.wait_indirect_dma semaphore(%arg12 : memref<!tpu.dma_semaphore, #tpu.memory_space<semaphore_mem>>) src(%dma_wait3A_63 : memref<10240x128xf32, #tpu.memory_space<hbm>>) dst(%arg10 : memref<128x128xf32, #tpu.memory_space<vmem>>)
        "tpu.region"() ({
          %run_scoped3A = tpu.sem_alloc : memref<!tpu.dma_semaphore, #tpu.memory_space<semaphore_mem>>
          %dma_start3A_64 = arith.constant 0 : i32
          %dma_start3A_65 = tpu.memref_slice %arg8[%add3A_40, %dma_start3A_64] : memref<16x128xi32, #tpu.memory_space<vmem>> -> memref<1x128xi32, #tpu.memory_space<vmem>>
          %dma_start3A_66 = tpu.memref_squeeze %dma_start3A_65 : memref<1x128xi32, #tpu.memory_space<vmem>> -> memref<128xi32, #tpu.memory_space<vmem>>
          %dma_start3A_67 = arith.constant 0 : i32
          %dma_start3A_68 = arith.constant 0 : i32
          %dma_start3A_69 = tpu.memref_slice %arg6[%dma_start3A_67, %dma_start3A_68] : memref<10240x128xf32, #tpu.memory_space<vmem_shared>> -> memref<10240x128xf32, #tpu.memory_space<vmem_shared>>
          tpu.enqueue_indirect_dma source(%arg10 : memref<128x128xf32, #tpu.memory_space<vmem>>) target(%dma_start3A_69 : memref<10240x128xf32, #tpu.memory_space<vmem_shared>>) offsets(%dma_start3A_66 : memref<128xi32, #tpu.memory_space<vmem>>) semaphore(%run_scoped3A : memref<!tpu.dma_semaphore, #tpu.memory_space<semaphore_mem>>) {add = true}
          %dma_wait3A_70 = arith.constant 0 : i32
          %dma_wait3A_71 = tpu.memref_slice %arg8[%add3A_40, %dma_wait3A_70] : memref<16x128xi32, #tpu.memory_space<vmem>> -> memref<1x128xi32, #tpu.memory_space<vmem>>
          %dma_wait3A_72 = tpu.memref_squeeze %dma_wait3A_71 : memref<1x128xi32, #tpu.memory_space<vmem>> -> memref<128xi32, #tpu.memory_space<vmem>>
          %dma_wait3A_73 = arith.constant 0 : i32
          %dma_wait3A_74 = arith.constant 0 : i32
          %dma_wait3A_75 = tpu.memref_slice %arg6[%dma_wait3A_73, %dma_wait3A_74] : memref<10240x128xf32, #tpu.memory_space<vmem_shared>> -> memref<10240x128xf32, #tpu.memory_space<vmem_shared>>
          tpu.wait_indirect_dma semaphore(%run_scoped3A : memref<!tpu.dma_semaphore, #tpu.memory_space<semaphore_mem>>) src(%arg10 : memref<128x128xf32, #tpu.memory_space<vmem>>) dst(%dma_wait3A_75 : memref<10240x128xf32, #tpu.memory_space<vmem_shared>>)
          tpu.yield
        }) : () -> ()
      }
      %scan3A_33 = arith.constant 8 : i32
    }
    %scan3A_13 = arith.constant 5 : i32
    %barrier3A_14 = arith.constant 0 : index
    tpu.barrier barrier_id(%barrier3A_14)
    %mul3A_15 = arith.constant 128 : i32
    %mul3A_16 = arith.muli %arg0, %mul3A_15 : i32
    %multiple_of3A = tpu.assume_multiple %mul3A_16, 128 : i32
    %scan3A_17 = arith.constant 0 : i32
    %scan3A_18 = arith.constant 5 : i32
    %scan3A_19 = arith.addi %scan3A_17, %scan3A_18 : i32
    %scan3A_20 = arith.constant 1 : i32
    scf.for %scan3A_22 = %scan3A_17 to %scan3A_19 step %scan3A_20  : i32 {
      %mul3A_23 = arith.constant 128 : i32
      %mul3A_24 = arith.muli %scan3A_22, %mul3A_23 : i32
      %add3A_25 = arith.addi %mul3A_2, %mul3A_24 : i32
      "tpu.region"() ({
        %run_scoped3A = tpu.sem_alloc : memref<!tpu.dma_semaphore, #tpu.memory_space<semaphore_mem>>
        %dma_start3A = arith.constant 0 : i32
        %dma_start3A_26 = tpu.memref_slice %arg6[%add3A_25, %dma_start3A] : memref<10240x128xf32, #tpu.memory_space<vmem_shared>> -> memref<128x128xf32, #tpu.memory_space<vmem_shared>>
        %dma_start3A_27 = arith.constant 0 : i32
        %dma_start3A_28 = tpu.memref_slice %arg6[%add3A_25, %dma_start3A_27] : memref<10240x128xf32, #tpu.memory_space<vmem_shared>> -> memref<128x128xf32, #tpu.memory_space<vmem_shared>>
        tpu.enqueue_dma source(%dma_start3A_28 : memref<128x128xf32, #tpu.memory_space<vmem_shared>>) target(%arg9 : memref<128x128xf32, #tpu.memory_space<vmem>>) target_semaphore(%run_scoped3A : memref<!tpu.dma_semaphore, #tpu.memory_space<semaphore_mem>>)
        %dma_wait3A = arith.constant 0 : i32
        %dma_wait3A_29 = tpu.memref_slice %arg6[%add3A_25, %dma_wait3A] : memref<10240x128xf32, #tpu.memory_space<vmem_shared>> -> memref<128x128xf32, #tpu.memory_space<vmem_shared>>
        %dma_wait3A_30 = arith.constant 0 : i32
        %dma_wait3A_31 = tpu.memref_slice %arg6[%add3A_25, %dma_wait3A_30] : memref<10240x128xf32, #tpu.memory_space<vmem_shared>> -> memref<128x128xf32, #tpu.memory_space<vmem_shared>>
        tpu.wait_dma2 semaphore(%run_scoped3A : memref<!tpu.dma_semaphore, #tpu.memory_space<semaphore_mem>>) src(%dma_wait3A_31 : memref<128x128xf32, #tpu.memory_space<vmem_shared>>) dst(%arg9 : memref<128x128xf32, #tpu.memory_space<vmem>>)
        tpu.yield
      }) : () -> ()
      "tpu.region"() ({
        %run_scoped3A = tpu.sem_alloc : memref<!tpu.dma_semaphore, #tpu.memory_space<semaphore_mem>>
        %dma_start3A = tpu.memref_slice %arg5[%add3A_25, %multiple_of3A] : memref<10240x256xf32, #tpu.memory_space<hbm>> -> memref<128x128xf32, #tpu.memory_space<hbm>>
        %dma_start3A_26 = tpu.memref_slice %arg5[%add3A_25, %multiple_of3A] : memref<10240x256xf32, #tpu.memory_space<hbm>> -> memref<128x128xf32, #tpu.memory_space<hbm>>
        tpu.enqueue_dma source(%arg9 : memref<128x128xf32, #tpu.memory_space<vmem>>) target(%dma_start3A_26 : memref<128x128xf32, #tpu.memory_space<hbm>>) target_semaphore(%run_scoped3A : memref<!tpu.dma_semaphore, #tpu.memory_space<semaphore_mem>>)
        %dma_wait3A = tpu.memref_slice %arg5[%add3A_25, %multiple_of3A] : memref<10240x256xf32, #tpu.memory_space<hbm>> -> memref<128x128xf32, #tpu.memory_space<hbm>>
        %dma_wait3A_27 = tpu.memref_slice %arg5[%add3A_25, %multiple_of3A] : memref<10240x256xf32, #tpu.memory_space<hbm>> -> memref<128x128xf32, #tpu.memory_space<hbm>>
        tpu.wait_dma2 semaphore(%run_scoped3A : memref<!tpu.dma_semaphore, #tpu.memory_space<semaphore_mem>>) src(%arg9 : memref<128x128xf32, #tpu.memory_space<vmem>>) dst(%dma_wait3A_27 : memref<128x128xf32, #tpu.memory_space<hbm>>)
        tpu.yield
      }) : () -> ()
    }
    %scan3A_21 = arith.constant 5 : i32
    return
  }
}

module attributes {stable_mosaic.version = 14 : i64} {
  func.func @_y1_body(%arg0: i32, %arg1: memref<512x128xf32, #tpu.memory_space<vmem>>, %arg2: memref<512x1xf32, #tpu.memory_space<vmem>>, %arg3: memref<512x1xf32, #tpu.memory_space<vmem>>, %arg4: memref<128x128xf32, #tpu.memory_space<vmem>>, %arg5: memref<512x128xf32, #tpu.memory_space<vmem>>) attributes {dimension_semantics = [#tpu.dimension_semantics<arbitrary>], iteration_bounds = array<i64: 20>, scalar_prefetch = 0 : i64, scratch_operands = 0 : i64, tpu.core_type = #tpu.core_type<tc>, window_params = [{transform_indices = @transform_0, window_bounds = array<i64: 512, 128>}, {transform_indices = @transform_1, window_bounds = array<i64: 512, 1>}, {transform_indices = @transform_2, window_bounds = array<i64: 512, 1>}, {pipeline_mode = #tpu.pipeline_mode<synchronous>, transform_indices = @transform_3, window_bounds = array<i64: 128, 128>}, {transform_indices = @transform_4, window_bounds = array<i64: 512, 128>}]} {
    %get3A = arith.constant 0 : index
    %get3A_0 = arith.constant 0 : index
    %get3A_1 = vector.load %arg2[%get3A, %get3A_0] : memref<512x1xf32, #tpu.memory_space<vmem>>, vector<512x1xf32>
    %get3A_2 = arith.constant 0 : index
    %get3A_3 = arith.constant 0 : index
    %get3A_4 = vector.load %arg3[%get3A_2, %get3A_3] : memref<512x1xf32, #tpu.memory_space<vmem>>, vector<512x1xf32>
    %add3A = arith.addf %get3A_1, %get3A_4 : vector<512x1xf32>
    %add3A_5 = arith.constant 1.000000e+00 : f32
    %add3A_6 = vector.broadcast %add3A_5 : f32 to vector<512x1xf32>
    %add3A_7 = arith.addf %add3A, %add3A_6 : vector<512x1xf32>
    %rsqrt3A = math.rsqrt %add3A_7 : vector<512x1xf32>
    %get3A_8 = arith.constant 0 : index
    %get3A_9 = arith.constant 0 : index
    %get3A_10 = vector.load %arg1[%get3A_8, %get3A_9] : memref<512x128xf32, #tpu.memory_space<vmem>>, vector<512x128xf32>
    %get3A_11 = arith.constant 0 : index
    %get3A_12 = arith.constant 0 : index
    %get3A_13 = vector.load %arg4[%get3A_11, %get3A_12] : memref<128x128xf32, #tpu.memory_space<vmem>>, vector<128x128xf32>
    %dot_general3A = arith.constant dense<0.000000e+00> : vector<512x128xf32>
    %dot_general3A_14 = tpu.matmul %get3A_10, %get3A_13, %dot_general3A {dimension_numbers = #tpu.dot_dimension_numbers<[1], [0], [0], [1], [0, 0, 1, 1], [], []>, transpose_lhs_hint = false} : vector<512x128xf32>, vector<128x128xf32>, vector<512x128xf32> -> vector<512x128xf32>
    %mul3A = vector.broadcast %rsqrt3A : vector<512x1xf32> to vector<512x128xf32>
    %mul3A_15 = arith.mulf %dot_general3A_14, %mul3A : vector<512x128xf32>
    %swap3A = arith.constant 0 : index
    %swap3A_16 = arith.constant 0 : index
    %swap3A_17 = vector.load %arg5[%swap3A, %swap3A_16] : memref<512x128xf32, #tpu.memory_space<vmem>>, vector<512x128xf32>
    tpu.vector_store %arg5[%swap3A, %swap3A_16], %mul3A_15 {strides = array<i32>} : memref<512x128xf32, #tpu.memory_space<vmem>>, vector<512x128xf32>,
    return
  }
  func.func @transform_0(%arg0: i32) -> (i32, i32) {
    %c0_i32 = arith.constant 0 : i32
    %c0_i32_0 = arith.constant 0 : i32
    return %arg0, %c0_i32 : i32, i32
  }
  func.func @transform_1(%arg0: i32) -> (i32, i32) {
    %c0_i32 = arith.constant 0 : i32
    %c0_i32_0 = arith.constant 0 : i32
    return %arg0, %c0_i32 : i32, i32
  }
  func.func @transform_2(%arg0: i32) -> (i32, i32) {
    %c0_i32 = arith.constant 0 : i32
    %c0_i32_0 = arith.constant 0 : i32
    return %arg0, %c0_i32 : i32, i32
  }
  func.func @transform_3(%arg0: i32) -> (i32, i32) {
    %c0_i32 = arith.constant 0 : i32
    %c0_i32_0 = arith.constant 0 : i32
    %c0_i32_1 = arith.constant 0 : i32
    return %c0_i32, %c0_i32_0 : i32, i32
  }
  func.func @transform_4(%arg0: i32) -> (i32, i32) {
    %c0_i32 = arith.constant 0 : i32
    %c0_i32_0 = arith.constant 0 : i32
    return %arg0, %c0_i32 : i32, i32
  }
}

module attributes {stable_mosaic.version = 14 : i64} {
  func.func @_layer_body(%arg0: i32, %arg1: memref<512x256xf32, #tpu.memory_space<vmem>>, %arg2: memref<512x1xf32, #tpu.memory_space<vmem>>, %arg3: memref<512x1xf32, #tpu.memory_space<vmem>>, %arg4: memref<1x128xf32, #tpu.memory_space<vmem>>, %arg5: memref<128x128xf32, #tpu.memory_space<vmem>>, %arg6: memref<512x128xf32, #tpu.memory_space<vmem>>) attributes {dimension_semantics = [#tpu.dimension_semantics<arbitrary>], iteration_bounds = array<i64: 20>, scalar_prefetch = 0 : i64, scratch_operands = 0 : i64, tpu.core_type = #tpu.core_type<tc>, window_params = [{transform_indices = @transform_0, window_bounds = array<i64: 512, 256>}, {transform_indices = @transform_1, window_bounds = array<i64: 512, 1>}, {transform_indices = @transform_2, window_bounds = array<i64: 512, 1>}, {pipeline_mode = #tpu.pipeline_mode<synchronous>, transform_indices = @transform_3, window_bounds = array<i64: 1, 128>}, {pipeline_mode = #tpu.pipeline_mode<synchronous>, transform_indices = @transform_4, window_bounds = array<i64: 128, 128>}, {transform_indices = @transform_5, window_bounds = array<i64: 512, 128>}]} {
    %get3A = arith.constant 0 : index
    %get3A_0 = arith.constant 0 : index
    %get3A_1 = vector.load %arg2[%get3A, %get3A_0] : memref<512x1xf32, #tpu.memory_space<vmem>>, vector<512x1xf32>
    %get3A_2 = arith.constant 0 : index
    %get3A_3 = arith.constant 0 : index
    %get3A_4 = vector.load %arg3[%get3A_2, %get3A_3] : memref<512x1xf32, #tpu.memory_space<vmem>>, vector<512x1xf32>
    %add3A = arith.addf %get3A_1, %get3A_4 : vector<512x1xf32>
    %add3A_5 = arith.constant 1.000000e+00 : f32
    %add3A_6 = vector.broadcast %add3A_5 : f32 to vector<512x1xf32>
    %add3A_7 = arith.addf %add3A, %add3A_6 : vector<512x1xf32>
    %rsqrt3A = math.rsqrt %add3A_7 : vector<512x1xf32>
    %get3A_8 = arith.constant 0 : index
    %get3A_9 = arith.constant 0 : index
    %get3A_10 = vector.load %arg1[%get3A_8, %get3A_9] : memref<512x256xf32, #tpu.memory_space<vmem>>, vector<512x128xf32>
    %get3A_11 = arith.constant 0 : index
    %get3A_12 = arith.constant 128 : index
    %get3A_13 = vector.load %arg1[%get3A_11, %get3A_12] : memref<512x256xf32, #tpu.memory_space<vmem>>, vector<512x128xf32>
    %add3A_14 = arith.addf %get3A_10, %get3A_13 : vector<512x128xf32>
    %mul3A = vector.broadcast %rsqrt3A : vector<512x1xf32> to vector<512x128xf32>
    %mul3A_15 = arith.mulf %add3A_14, %mul3A : vector<512x128xf32>
    %get3A_16 = arith.constant 0 : index
    %get3A_17 = arith.constant 0 : index
    %get3A_18 = vector.load %arg4[%get3A_16, %get3A_17] : memref<1x128xf32, #tpu.memory_space<vmem>>, vector<1x128xf32>
    %add3A_19 = vector.broadcast %get3A_18 : vector<1x128xf32> to vector<512x128xf32>
    %add3A_20 = arith.addf %mul3A_15, %add3A_19 : vector<512x128xf32>
    %gt3A = arith.constant 0.000000e+00 : f32
    %gt3A_21 = vector.broadcast %gt3A : f32 to vector<512x128xf32>
    %gt3A_22 = arith.cmpf ogt, %add3A_20, %gt3A_21 : vector<512x128xf32>
    %mul3A_23 = arith.constant 0.00999999977 : f32
    %mul3A_24 = vector.broadcast %mul3A_23 : f32 to vector<512x128xf32>
    %mul3A_25 = arith.mulf %mul3A_24, %add3A_20 : vector<512x128xf32>
    %select_n3A = arith.select %gt3A_22, %add3A_20, %mul3A_25 : vector<512x128xi1>, vector<512x128xf32>
    %get3A_26 = arith.constant 0 : index
    %get3A_27 = arith.constant 0 : index
    %get3A_28 = vector.load %arg5[%get3A_26, %get3A_27] : memref<128x128xf32, #tpu.memory_space<vmem>>, vector<128x128xf32>
    %dot_general3A = arith.constant dense<0.000000e+00> : vector<512x128xf32>
    %dot_general3A_29 = tpu.matmul %select_n3A, %get3A_28, %dot_general3A {dimension_numbers = #tpu.dot_dimension_numbers<[1], [0], [0], [1], [0, 0, 1, 1], [], []>, transpose_lhs_hint = false} : vector<512x128xf32>, vector<128x128xf32>, vector<512x128xf32> -> vector<512x128xf32>
    %mul3A_30 = vector.broadcast %rsqrt3A : vector<512x1xf32> to vector<512x128xf32>
    %mul3A_31 = arith.mulf %dot_general3A_29, %mul3A_30 : vector<512x128xf32>
    %swap3A = arith.constant 0 : index
    %swap3A_32 = arith.constant 0 : index
    %swap3A_33 = vector.load %arg6[%swap3A, %swap3A_32] : memref<512x128xf32, #tpu.memory_space<vmem>>, vector<512x128xf32>
    tpu.vector_store %arg6[%swap3A, %swap3A_32], %mul3A_31 {strides = array<i32>} : memref<512x128xf32, #tpu.memory_space<vmem>>, vector<512x128xf32>,
    return
  }
  func.func @transform_0(%arg0: i32) -> (i32, i32) {
    %c0_i32 = arith.constant 0 : i32
    %c0_i32_0 = arith.constant 0 : i32
    return %arg0, %c0_i32 : i32, i32
  }
  func.func @transform_1(%arg0: i32) -> (i32, i32) {
    %c0_i32 = arith.constant 0 : i32
    %c0_i32_0 = arith.constant 0 : i32
    return %arg0, %c0_i32 : i32, i32
  }
  func.func @transform_2(%arg0: i32) -> (i32, i32) {
    %c0_i32 = arith.constant 0 : i32
    %c0_i32_0 = arith.constant 0 : i32
    return %arg0, %c0_i32 : i32, i32
  }
  func.func @transform_3(%arg0: i32) -> (i32, i32) {
    %c0_i32 = arith.constant 0 : i32
    %c0_i32_0 = arith.constant 0 : i32
    %c0_i32_1 = arith.constant 0 : i32
    return %c0_i32, %c0_i32_0 : i32, i32
  }
  func.func @transform_4(%arg0: i32) -> (i32, i32) {
    %c0_i32 = arith.constant 0 : i32
    %c0_i32_0 = arith.constant 0 : i32
    %c0_i32_1 = arith.constant 0 : i32
    return %c0_i32, %c0_i32_0 : i32, i32
  }
  func.func @transform_5(%arg0: i32) -> (i32, i32) {
    %c0_i32 = arith.constant 0 : i32
    %c0_i32_0 = arith.constant 0 : i32
    return %arg0, %c0_i32 : i32, i32
  }
}

module attributes {stable_mosaic.version = 14 : i64} {
  func.func @_final_body(%arg0: i32, %arg1: memref<512x256xf32, #tpu.memory_space<vmem>>, %arg2: memref<512x1xf32, #tpu.memory_space<vmem>>, %arg3: memref<512x1xf32, #tpu.memory_space<vmem>>, %arg4: memref<1x128xf32, #tpu.memory_space<vmem>>, %arg5: memref<1x1x512xi32, #tpu.memory_space<vmem>>, %arg6: memref<256x128xf32, #tpu.memory_space<vmem>>, %arg7: memref<1x128xf32, #tpu.memory_space<vmem>>, %arg8: memref<128x32xf32, #tpu.memory_space<vmem>>, %arg9: memref<1x32xf32, #tpu.memory_space<vmem>>, %arg10: memref<64x32xf32, #tpu.memory_space<vmem>>, %arg11: memref<64x32xf32, #tpu.memory_space<vmem>>, %arg12: memref<64x256xf32, #tpu.memory_space<vmem>>, %arg13: memref<64x128xf32, #tpu.memory_space<vmem>>, %arg14: memref<64x128xf32, #tpu.memory_space<vmem>>, %arg15: memref<64x128xf32, #tpu.memory_space<vmem>>, %arg16: memref<64x1xf32, #tpu.memory_space<vmem>>) attributes {dimension_semantics = [#tpu.dimension_semantics<arbitrary>], iteration_bounds = array<i64: 20>, scalar_prefetch = 0 : i64, scratch_operands = 2 : i64, tpu.core_type = #tpu.core_type<tc>, window_params = [{transform_indices = @transform_0, window_bounds = array<i64: 512, 256>}, {transform_indices = @transform_1, window_bounds = array<i64: 512, 1>}, {transform_indices = @transform_2, window_bounds = array<i64: 512, 1>}, {pipeline_mode = #tpu.pipeline_mode<synchronous>, transform_indices = @transform_3, window_bounds = array<i64: 1, 128>}, {transform_indices = @transform_4, window_bounds = array<i64: 1, 1, 512>}, {pipeline_mode = #tpu.pipeline_mode<synchronous>, transform_indices = @transform_5, window_bounds = array<i64: 256, 128>}, {pipeline_mode = #tpu.pipeline_mode<synchronous>, transform_indices = @transform_6, window_bounds = array<i64: 1, 128>}, {pipeline_mode = #tpu.pipeline_mode<synchronous>, transform_indices = @transform_7, window_bounds = array<i64: 128, 32>}, {pipeline_mode = #tpu.pipeline_mode<synchronous>, transform_indices = @transform_8, window_bounds = array<i64: 1, 32>}, {pipeline_mode = #tpu.pipeline_mode<synchronous>, transform_indices = @transform_9, window_bounds = array<i64: 64, 32>}, {pipeline_mode = #tpu.pipeline_mode<synchronous>, transform_indices = @transform_10, window_bounds = array<i64: 64, 32>}, {pipeline_mode = #tpu.pipeline_mode<synchronous>, transform_indices = @transform_11, window_bounds = array<i64: 64, 256>}, {pipeline_mode = #tpu.pipeline_mode<synchronous>, transform_indices = @transform_12, window_bounds = array<i64: 64, 128>}, {pipeline_mode = #tpu.pipeline_mode<synchronous>, transform_indices = @transform_13, window_bounds = array<i64: 64, 128>}]} {
    %eq3A = arith.constant 0 : i32
    %eq3A_0 = arith.cmpi eq, %arg0, %eq3A : i32
    %convert_element_type3A = arith.extui %eq3A_0 : i1 to i32
    %cond3A = arith.constant 0 : i32
    %cond3A_1 = arith.cmpi ne, %convert_element_type3A, %cond3A : i32
    scf.if %cond3A_1 {
      %broadcast_in_dim3A_54 = arith.constant 0.000000e+00 : f32
      %broadcast_in_dim3A_55 = vector.broadcast %broadcast_in_dim3A_54 : f32 to vector<64x128xf32>
      %swap3A_56 = arith.constant 0 : index
      %swap3A_57 = arith.constant 0 : index
      %swap3A_58 = vector.load %arg15[%swap3A_56, %swap3A_57] : memref<64x128xf32, #tpu.memory_space<vmem>>, vector<64x128xf32>
      tpu.vector_store %arg15[%swap3A_56, %swap3A_57], %broadcast_in_dim3A_55 {strides = array<i32>} : memref<64x128xf32, #tpu.memory_space<vmem>>, vector<64x128xf32>,
      %broadcast_in_dim3A_59 = arith.constant 0.000000e+00 : f32
      %broadcast_in_dim3A_60 = vector.broadcast %broadcast_in_dim3A_59 : f32 to vector<64x1xf32>
      %swap3A_61 = arith.constant 0 : index
      %swap3A_62 = arith.constant 0 : index
      %swap3A_63 = vector.load %arg16[%swap3A_61, %swap3A_62] : memref<64x1xf32, #tpu.memory_space<vmem>>, vector<64x1xf32>
      tpu.vector_store %arg16[%swap3A_61, %swap3A_62], %broadcast_in_dim3A_60 {strides = array<i32>} : memref<64x1xf32, #tpu.memory_space<vmem>>, vector<64x1xf32>,
    } else {
    }
    %get3A = arith.constant 0 : index
    %get3A_2 = arith.constant 0 : index
    %get3A_3 = vector.load %arg2[%get3A, %get3A_2] : memref<512x1xf32, #tpu.memory_space<vmem>>, vector<512x1xf32>
    %get3A_4 = arith.constant 0 : index
    %get3A_5 = arith.constant 0 : index
    %get3A_6 = vector.load %arg3[%get3A_4, %get3A_5] : memref<512x1xf32, #tpu.memory_space<vmem>>, vector<512x1xf32>
    %add3A = arith.addf %get3A_3, %get3A_6 : vector<512x1xf32>
    %add3A_7 = arith.constant 1.000000e+00 : f32
    %add3A_8 = vector.broadcast %add3A_7 : f32 to vector<512x1xf32>
    %add3A_9 = arith.addf %add3A, %add3A_8 : vector<512x1xf32>
    %rsqrt3A = math.rsqrt %add3A_9 : vector<512x1xf32>
    %get3A_10 = arith.constant 0 : index
    %get3A_11 = arith.constant 0 : index
    %get3A_12 = vector.load %arg1[%get3A_10, %get3A_11] : memref<512x256xf32, #tpu.memory_space<vmem>>, vector<512x128xf32>
    %get3A_13 = arith.constant 0 : index
    %get3A_14 = arith.constant 128 : index
    %get3A_15 = vector.load %arg1[%get3A_13, %get3A_14] : memref<512x256xf32, #tpu.memory_space<vmem>>, vector<512x128xf32>
    %add3A_16 = arith.addf %get3A_12, %get3A_15 : vector<512x128xf32>
    %mul3A = vector.broadcast %rsqrt3A : vector<512x1xf32> to vector<512x128xf32>
    %mul3A_17 = arith.mulf %add3A_16, %mul3A : vector<512x128xf32>
    %get3A_18 = arith.constant 0 : index
    %get3A_19 = arith.constant 0 : index
    %get3A_20 = vector.load %arg4[%get3A_18, %get3A_19] : memref<1x128xf32, #tpu.memory_space<vmem>>, vector<1x128xf32>
    %add3A_21 = vector.broadcast %get3A_20 : vector<1x128xf32> to vector<512x128xf32>
    %add3A_22 = arith.addf %mul3A_17, %add3A_21 : vector<512x128xf32>
    %get3A_23 = arith.constant 0 : index
    %get3A_24 = arith.constant 0 : index
    %get3A_25 = arith.constant 0 : index
    %get3A_26 = vector.load %arg5[%get3A_23, %get3A_24, %get3A_25] : memref<1x1x512xi32, #tpu.memory_space<vmem>>, vector<1x1x512xi32>
    %get3A_27 = vector.shape_cast %get3A_26 : vector<1x1x512xi32> to vector<512xi32>
    %iota3A = tpu.iota {dimensions = array<i32: 0>} : vector<64x512xi32>
    %broadcast_in_dim3A = vector.shape_cast %get3A_27 : vector<512xi32> to vector<1x512xi32>
    %eq3A_28 = vector.broadcast %broadcast_in_dim3A : vector<1x512xi32> to vector<64x512xi32>
    %eq3A_29 = arith.cmpi eq, %iota3A, %eq3A_28 : vector<64x512xi32>
    %jit3A = arith.constant 1.000000e+00 : f32
    %jit3A_30 = arith.constant 0.000000e+00 : f32
    %broadcast_in_dim3A_31 = vector.broadcast %jit3A : f32 to vector<64x512xf32>
    %broadcast_in_dim3A_32 = vector.broadcast %jit3A_30 : f32 to vector<64x512xf32>
    %select_n3A = arith.select %eq3A_29, %broadcast_in_dim3A_31, %broadcast_in_dim3A_32 : vector<64x512xi1>, vector<64x512xf32>
    %get3A_33 = arith.constant 0 : index
    %get3A_34 = arith.constant 0 : index
    %get3A_35 = vector.load %arg15[%get3A_33, %get3A_34] : memref<64x128xf32, #tpu.memory_space<vmem>>, vector<64x128xf32>
    %dot_general3A = arith.constant dense<0.000000e+00> : vector<64x128xf32>
    %dot_general3A_36 = tpu.matmul %select_n3A, %add3A_22, %dot_general3A {dimension_numbers = #tpu.dot_dimension_numbers<[1], [0], [0], [1], [0, 0, 1, 1], [], []>, precision = #tpu.contract_precision<fp32>, transpose_lhs_hint = false} : vector<64x512xf32>, vector<512x128xf32>, vector<64x128xf32> -> vector<64x128xf32>
    %add3A_37 = arith.addf %get3A_35, %dot_general3A_36 : vector<64x128xf32>
    %swap3A = arith.constant 0 : index
    %swap3A_38 = arith.constant 0 : index
    %swap3A_39 = vector.load %arg15[%swap3A, %swap3A_38] : memref<64x128xf32, #tpu.memory_space<vmem>>, vector<64x128xf32>
    tpu.vector_store %arg15[%swap3A, %swap3A_38], %add3A_37 {strides = array<i32>} : memref<64x128xf32, #tpu.memory_space<vmem>>, vector<64x128xf32>,
    %get3A_40 = arith.constant 0 : index
    %get3A_41 = arith.constant 0 : index
    %get3A_42 = vector.load %arg16[%get3A_40, %get3A_41] : memref<64x1xf32, #tpu.memory_space<vmem>>, vector<64x1xf32>
    %reduce_sum3A = arith.constant dense<0.000000e+00> : vector<64xf32>
    %reduce_sum3A_43 = vector.multi_reduction <add>, %select_n3A, %reduce_sum3A [1] : vector<64x512xf32> to vector<64xf32>
    %broadcast_in_dim3A_44 = vector.shape_cast %reduce_sum3A_43 : vector<64xf32> to vector<64x1xf32>
    %add3A_45 = arith.addf %get3A_42, %broadcast_in_dim3A_44 : vector<64x1xf32>
    %swap3A_46 = arith.constant 0 : index
    %swap3A_47 = arith.constant 0 : index
    %swap3A_48 = vector.load %arg16[%swap3A_46, %swap3A_47] : memref<64x1xf32, #tpu.memory_space<vmem>>, vector<64x1xf32>
    tpu.vector_store %arg16[%swap3A_46, %swap3A_47], %add3A_45 {strides = array<i32>} : memref<64x1xf32, #tpu.memory_space<vmem>>, vector<64x1xf32>,
    %eq3A_49 = arith.constant 19 : i32
    %eq3A_50 = arith.cmpi eq, %arg0, %eq3A_49 : i32
    %convert_element_type3A_51 = arith.extui %eq3A_50 : i1 to i32
    %cond3A_52 = arith.constant 0 : i32
    %cond3A_53 = arith.cmpi ne, %convert_element_type3A_51, %cond3A_52 : i32
    scf.if %cond3A_53 {
      %get3A_54 = arith.constant 0 : index
      %get3A_55 = arith.constant 0 : index
      %get3A_56 = vector.load %arg15[%get3A_54, %get3A_55] : memref<64x128xf32, #tpu.memory_space<vmem>>, vector<64x128xf32>
      %get3A_57 = arith.constant 0 : index
      %get3A_58 = arith.constant 0 : index
      %get3A_59 = vector.load %arg16[%get3A_57, %get3A_58] : memref<64x1xf32, #tpu.memory_space<vmem>>, vector<64x1xf32>
      %max3A = arith.constant 1.000000e+00 : f32
      %max3A_60 = vector.broadcast %max3A : f32 to vector<64x1xf32>
      %max3A_61 = arith.maximumf %get3A_59, %max3A_60 : vector<64x1xf32>
      %div3A = vector.broadcast %max3A_61 : vector<64x1xf32> to vector<64x128xf32>
      %div3A_62 = arith.divf %get3A_56, %div3A : vector<64x128xf32>
      %concatenate3A = tpu.concatenate %get3A_56, %div3A_62 in 1 : vector<64x128xf32>, vector<64x128xf32> -> vector<64x256xf32>
      %get3A_63 = arith.constant 0 : index
      %get3A_64 = arith.constant 0 : index
      %get3A_65 = vector.load %arg6[%get3A_63, %get3A_64] : memref<256x128xf32, #tpu.memory_space<vmem>>, vector<256x128xf32>
      %dot_general3A_66 = arith.constant dense<0.000000e+00> : vector<64x128xf32>
      %dot_general3A_67 = tpu.matmul %concatenate3A, %get3A_65, %dot_general3A_66 {dimension_numbers = #tpu.dot_dimension_numbers<[1], [0], [0], [1], [0, 0, 1, 1], [], []>, transpose_lhs_hint = false} : vector<64x256xf32>, vector<256x128xf32>, vector<64x128xf32> -> vector<64x128xf32>
      %get3A_68 = arith.constant 0 : index
      %get3A_69 = arith.constant 0 : index
      %get3A_70 = vector.load %arg7[%get3A_68, %get3A_69] : memref<1x128xf32, #tpu.memory_space<vmem>>, vector<1x128xf32>
      %add3A_71 = vector.broadcast %get3A_70 : vector<1x128xf32> to vector<64x128xf32>
      %add3A_72 = arith.addf %dot_general3A_67, %add3A_71 : vector<64x128xf32>
      %max3A_73 = arith.constant 0.000000e+00 : f32
      %max3A_74 = vector.broadcast %max3A_73 : f32 to vector<64x128xf32>
      %max3A_75 = arith.maximumf %add3A_72, %max3A_74 : vector<64x128xf32>
      %get3A_76 = arith.constant 0 : index
      %get3A_77 = arith.constant 0 : index
      %get3A_78 = vector.load %arg8[%get3A_76, %get3A_77] : memref<128x32xf32, #tpu.memory_space<vmem>>, vector<128x32xf32>
      %dot_general3A_79 = arith.constant dense<0.000000e+00> : vector<64x32xf32>
      %dot_general3A_80 = tpu.matmul %max3A_75, %get3A_78, %dot_general3A_79 {dimension_numbers = #tpu.dot_dimension_numbers<[1], [0], [0], [1], [0, 0, 1, 1], [], []>, transpose_lhs_hint = false} : vector<64x128xf32>, vector<128x32xf32>, vector<64x32xf32> -> vector<64x32xf32>
      %get3A_81 = arith.constant 0 : index
      %get3A_82 = arith.constant 0 : index
      %get3A_83 = vector.load %arg9[%get3A_81, %get3A_82] : memref<1x32xf32, #tpu.memory_space<vmem>>, vector<1x32xf32>
      %add3A_84 = vector.broadcast %get3A_83 : vector<1x32xf32> to vector<64x32xf32>
      %add3A_85 = arith.addf %dot_general3A_80, %add3A_84 : vector<64x32xf32>
      %reduce_max3A = arith.constant dense<0xFF800000> : vector<64xf32>
      %reduce_max3A_86 = vector.multi_reduction <maximumf>, %add3A_85, %reduce_max3A [1] : vector<64x32xf32> to vector<64xf32>
      %broadcast_in_dim3A_87 = vector.shape_cast %reduce_max3A_86 : vector<64xf32> to vector<64x1xf32>
      %sub3A = vector.broadcast %broadcast_in_dim3A_87 : vector<64x1xf32> to vector<64x32xf32>
      %sub3A_88 = arith.subf %add3A_85, %sub3A : vector<64x32xf32>
      %exp3A = math.exp %sub3A_88 : vector<64x32xf32>
      %swap3A_89 = arith.constant 0 : index
      %swap3A_90 = arith.constant 0 : index
      %swap3A_91 = vector.load %arg12[%swap3A_89, %swap3A_90] : memref<64x256xf32, #tpu.memory_space<vmem>>, vector<64x256xf32>
      tpu.vector_store %arg12[%swap3A_89, %swap3A_90], %concatenate3A {strides = array<i32>} : memref<64x256xf32, #tpu.memory_space<vmem>>, vector<64x256xf32>,
      %swap3A_92 = arith.constant 0 : index
      %swap3A_93 = arith.constant 0 : index
      %swap3A_94 = vector.load %arg13[%swap3A_92, %swap3A_93] : memref<64x128xf32, #tpu.memory_space<vmem>>, vector<64x128xf32>
      tpu.vector_store %arg13[%swap3A_92, %swap3A_93], %add3A_72 {strides = array<i32>} : memref<64x128xf32, #tpu.memory_space<vmem>>, vector<64x128xf32>,
      %swap3A_95 = arith.constant 0 : index
      %swap3A_96 = arith.constant 0 : index
      %swap3A_97 = vector.load %arg14[%swap3A_95, %swap3A_96] : memref<64x128xf32, #tpu.memory_space<vmem>>, vector<64x128xf32>
      tpu.vector_store %arg14[%swap3A_95, %swap3A_96], %max3A_75 {strides = array<i32>} : memref<64x128xf32, #tpu.memory_space<vmem>>, vector<64x128xf32>,
      %swap3A_98 = arith.constant 0 : index
      %swap3A_99 = arith.constant 0 : index
      %swap3A_100 = vector.load %arg10[%swap3A_98, %swap3A_99] : memref<64x32xf32, #tpu.memory_space<vmem>>, vector<64x32xf32>
      tpu.vector_store %arg10[%swap3A_98, %swap3A_99], %add3A_85 {strides = array<i32>} : memref<64x32xf32, #tpu.memory_space<vmem>>, vector<64x32xf32>,
      %reduce_sum3A_101 = arith.constant dense<0.000000e+00> : vector<64xf32>
      %reduce_sum3A_102 = vector.multi_reduction <add>, %exp3A, %reduce_sum3A_101 [1] : vector<64x32xf32> to vector<64xf32>
      %broadcast_in_dim3A_103 = vector.shape_cast %reduce_sum3A_102 : vector<64xf32> to vector<64x1xf32>
      %div3A_104 = vector.broadcast %broadcast_in_dim3A_103 : vector<64x1xf32> to vector<64x32xf32>
      %div3A_105 = arith.divf %exp3A, %div3A_104 : vector<64x32xf32>
      %swap3A_106 = arith.constant 0 : index
      %swap3A_107 = arith.constant 0 : index
      %swap3A_108 = vector.load %arg11[%swap3A_106, %swap3A_107] : memref<64x32xf32, #tpu.memory_space<vmem>>, vector<64x32xf32>
      tpu.vector_store %arg11[%swap3A_106, %swap3A_107], %div3A_105 {strides = array<i32>} : memref<64x32xf32, #tpu.memory_space<vmem>>, vector<64x32xf32>,
    } else {
    }
    return
  }
  func.func @transform_0(%arg0: i32) -> (i32, i32) {
    %c0_i32 = arith.constant 0 : i32
    %c0_i32_0 = arith.constant 0 : i32
    return %arg0, %c0_i32 : i32, i32
  }
  func.func @transform_1(%arg0: i32) -> (i32, i32) {
    %c0_i32 = arith.constant 0 : i32
    %c0_i32_0 = arith.constant 0 : i32
    return %arg0, %c0_i32 : i32, i32
  }
  func.func @transform_2(%arg0: i32) -> (i32, i32) {
    %c0_i32 = arith.constant 0 : i32
    %c0_i32_0 = arith.constant 0 : i32
    return %arg0, %c0_i32 : i32, i32
  }
  func.func @transform_3(%arg0: i32) -> (i32, i32) {
    %c0_i32 = arith.constant 0 : i32
    %c0_i32_0 = arith.constant 0 : i32
    %c0_i32_1 = arith.constant 0 : i32
    return %c0_i32, %c0_i32_0 : i32, i32
  }
  func.func @transform_4(%arg0: i32) -> (i32, i32, i32) {
    %c0_i32 = arith.constant 0 : i32
    %c0_i32_0 = arith.constant 0 : i32
    %c0_i32_1 = arith.constant 0 : i32
    return %arg0, %c0_i32, %c0_i32_0 : i32, i32, i32
  }
  func.func @transform_5(%arg0: i32) -> (i32, i32) {
    %c0_i32 = arith.constant 0 : i32
    %c0_i32_0 = arith.constant 0 : i32
    %c0_i32_1 = arith.constant 0 : i32
    return %c0_i32, %c0_i32_0 : i32, i32
  }
  func.func @transform_6(%arg0: i32) -> (i32, i32) {
    %c0_i32 = arith.constant 0 : i32
    %c0_i32_0 = arith.constant 0 : i32
    %c0_i32_1 = arith.constant 0 : i32
    return %c0_i32, %c0_i32_0 : i32, i32
  }
  func.func @transform_7(%arg0: i32) -> (i32, i32) {
    %c0_i32 = arith.constant 0 : i32
    %c0_i32_0 = arith.constant 0 : i32
    %c0_i32_1 = arith.constant 0 : i32
    return %c0_i32, %c0_i32_0 : i32, i32
  }
  func.func @transform_8(%arg0: i32) -> (i32, i32) {
    %c0_i32 = arith.constant 0 : i32
    %c0_i32_0 = arith.constant 0 : i32
    %c0_i32_1 = arith.constant 0 : i32
    return %c0_i32, %c0_i32_0 : i32, i32
  }
  func.func @transform_9(%arg0: i32) -> (i32, i32) {
    %c0_i32 = arith.constant 0 : i32
    %c0_i32_0 = arith.constant 0 : i32
    %c0_i32_1 = arith.constant 0 : i32
    return %c0_i32, %c0_i32_0 : i32, i32
  }
  func.func @transform_10(%arg0: i32) -> (i32, i32) {
    %c0_i32 = arith.constant 0 : i32
    %c0_i32_0 = arith.constant 0 : i32
    %c0_i32_1 = arith.constant 0 : i32
    return %c0_i32, %c0_i32_0 : i32, i32
  }
  func.func @transform_11(%arg0: i32) -> (i32, i32) {
    %c0_i32 = arith.constant 0 : i32
    %c0_i32_0 = arith.constant 0 : i32
    %c0_i32_1 = arith.constant 0 : i32
    return %c0_i32, %c0_i32_0 : i32, i32
  }
  func.func @transform_12(%arg0: i32) -> (i32, i32) {
    %c0_i32 = arith.constant 0 : i32
    %c0_i32_0 = arith.constant 0 : i32
    %c0_i32_1 = arith.constant 0 : i32
    return %c0_i32, %c0_i32_0 : i32, i32
  }
  func.func @transform_13(%arg0: i32) -> (i32, i32) {
    %c0_i32 = arith.constant 0 : i32
    %c0_i32_0 = arith.constant 0 : i32
    %c0_i32_1 = arith.constant 0 : i32
    return %c0_i32, %c0_i32_0 : i32, i32
  }
}

</mosaic_0001>

<sc_bundles>
// kernel: kernel.10.cloned.1.call-start
scs
__scs_entry_jumppad:
0x0: {  	(pc) =	sbr.rel $0x88, $3  }
0x1: {  	(tag) =	ssettag $0x0;
	lr =	simm.s32 $0x1  }
0x2: {  	[smem:$0x3F94] =	sst lr;
	_ =	strace $0xD0000000  }
0x3: {  	_ = 	snop  }
0x4: {  	_ = 	snop  }
0x5: {  	_ = 	snop  }
0x6: {  	_ = 	snop  }
0x7: {  	_ = 	snop  }
__scs_overlays_trampoline_lowered:
0x8: {  	[smem:$0x3FA3] =	sst s0  }
0x9: {  	[smem:$0x3FA4] =	sst s1  }
0xa: {  	[smem:$0x3FA5] =	sst s2  }
0xb: {  	[smem:$0x3FA6] =	sst s3  }
0xc: {  	[smem:$0x3FA7] =	sst s4  }
0xd: {  	[smem:$0x3FA8] =	sst s5  }
0xe: {  	[smem:$0x3FA9] =	sst s6  }
0xf: {  	[smem:$0x3FAA] =	sst s7  }
0x10: {  	[smem:$0x3FAB] =	sst s8  }
0x11: {  	[smem:$0x3FAC] =	sst s9;
	s0 =	simm.s32 @!p0 $0x0  }
0x12: {  	s1 =	sld [smem:$0x3F92];
	s0 =	simm.s32 @p0 $0x1  }
0x13: {  	[smem:$0x3FAD] =	sst s0;
	s0 =	simm.s32 @!p1 $0x0  }
0x14: {  	s2 =	sld [smem:$0x3F91];
	s0 =	simm.s32 @p1 $0x1  }
0x15: {  	[smem:$0x3FAE] =	sst s0;
	s0 =	simm.s32 @!p2 $0x0  }
0x16: {  	s3 =	sld [smem:$0x3FDB];
	s0 =	simm.s32 @p2 $0x1  }
0x17: {  	s4 =	simm.s32 $0x1BF5;
	[smem:$0x3FB0] =	sst s0  }
0x18: {  	s0 =	sld [smem:$0x3F93];
	_ =	swait.ge [sflag:s4], $0x0  }
0x19: {  	s7 =	sld [smem:$0x3F94]  }
0x1a: {  	s8 =	sadd.s32 $0xFFFFE003, lr  }
0x1b: {  	s9 =	sadd.s32 $0xFFFFFEF7, lr;
	s5 =	simm.s32 $0xFFFFFFFF;
	p2 =	slt.u32 s8, $0xFFFFF086  }
0x1c: {  	p1 =	slt.u32 s9, $0xF7A;
	s5 =	simm.s32 @!p2 $0x0  }
0x1d: {  	s5 =	simm.s32 @p1 $0x1;
	p0 =	seq.s32 s7, s2  }
0x1e: {  	s7 =	smul.u32 @!p0 $0xF7A, s2;
	p2 =	seq.s32 @!p0 s5, $0x0  }
0x1f: {  	s9 =	smul.u32 $0xF7A, s1;
	s8 =	simm.s32 @!p0 $0x1BF5;
	p2 =	por !p2, p0  }
0x20: {  	[sflag:s8] =	ssyncset.s32 @!p0 $0xFFFFF086;
	s6 =	sadd.s32 @!p0 s3, s7;
	s7 =	simm.s32 @!p0 $0x108  }
0x21: {  	s3 =	sadd.s32 s3, s9;
	s6 =	sadd.s32 @!p0 $0x88, s6;
	s7 =	simm.s32 @p2 $0x1082  }
0x22: {  	[simem:s7], [sflag:s8] =	dma.local @!p0 [hbm:s6], $0xF7A  }
0x23: {  	s9 =	sor.u32 $0xD0000000, s2;
	s6 =	simm.s32 $0x108;
	_ =	swait.ge @!p0 [sflag:s8], $0x0  }
0x24: {  	s3 =	sadd.s32 $0x88, s3;
	s6 =	simm.s32 @!p1 $0x1082;
	[sflag:s4] =	ssyncset.s32 $0xFFFFF086  }
0x25: {  	[simem:s6], [sflag:s4] =	dma.local [hbm:s3], $0xF7A  }
0x26: {  	[smem:$0x3F94] =	sst s1;
	(tag) =	ssettag s2;
	_ =	strace s9  }
0x27: {  	s1 =	sld [smem:$0x3FA4]  }
0x28: {  	s2 =	sld [smem:$0x3FA5]  }
0x29: {  	s4 =	sld [smem:$0x3FA7]  }
0x2a: {  	p0 =	seq.s32 s5, $0x0;
	s5 =	sld [smem:$0x3FA8]  }
0x2b: {  	s6 =	sld [smem:$0x3FA9]  }
0x2c: {  	s7 =	sld [smem:$0x3FAA]  }
0x2d: {  	s3 =	simm.s32 $0x108;
	s8 =	sld [smem:$0x3FAB]  }
0x2e: {  	s3 =	simm.s32 @!p0 $0x1082;
	s9 =	sld [smem:$0x3FAC]  }
0x2f: {  	lr =	sadd.s32 s0, s3;
	s0 =	sld [smem:$0x3FA3]  }
0x30: {  	s3 =	sld [smem:$0x3FA6]  }
0x31: {  	[smem:$0x3FAF] =	sst s10  }
0x32: {  	s10 =	sld [smem:$0x3FAD];
	_ =	sdelay $0x3  }
0x33: {  	p0 =	seq.s32 s10, $0x1;
	s10 =	sld [smem:$0x3FAF];
	_ =	sdelay $0x3  }
0x34: {  	[smem:$0x3FAF] =	sst s10  }
0x35: {  	s10 =	sld [smem:$0x3FAE];
	_ =	sdelay $0x3  }
0x36: {  	p1 =	seq.s32 s10, $0x1;
	s10 =	sld [smem:$0x3FAF];
	_ =	sdelay $0x3  }
0x37: {  	[smem:$0x3FAF] =	sst s10  }
0x38: {  	s10 =	sld [smem:$0x3FB0]  }
0x39: {  	_ = 	snop;
	(pc) =	sbr.ind lr, $3  }
0x3a: {  	_ = 	snop  }
0x3b: {  	_ = 	snop  }
0x3c: {  	p2 =	seq.s32 s10, $0x1;
	s10 =	sld [smem:$0x3FAF]  }
0x3d: {  	_ =	shalt  }
0x3e: {  	_ =	shalt  }
0x3f: {  	_ =	shalt  }
0x40: {  	_ =	shalt  }
0x41: {  	_ =	shalt  }
0x42: {  	_ =	shalt  }
0x43: {  	_ =	shalt  }
0x44: {  	_ =	shalt  }
0x45: {  	_ =	shalt  }
0x46: {  	_ =	shalt  }
0x47: {  	_ =	shalt  }
0x48: {  	_ =	shalt  }
0x49: {  	_ =	shalt  }
0x4a: {  	_ =	shalt  }
0x4b: {  	_ =	shalt  }
0x4c: {  	_ =	shalt  }
0x4d: {  	_ =	shalt  }
0x4e: {  	_ =	shalt  }
0x4f: {  	_ =	shalt  }
0x50: {  	_ =	shalt  }
0x51: {  	_ =	shalt  }
0x52: {  	_ =	shalt  }
0x53: {  	_ =	shalt  }
0x54: {  	_ =	shalt  }
0x55: {  	_ =	shalt  }
0x56: {  	_ =	shalt  }
0x57: {  	_ =	shalt  }
0x58: {  	_ =	shalt  }
0x59: {  	_ =	shalt  }
0x5a: {  	_ =	shalt  }
0x5b: {  	_ =	shalt  }
0x5c: {  	_ =	shalt  }
0x5d: {  	_ =	shalt  }
0x5e: {  	_ =	shalt  }
0x5f: {  	_ =	shalt  }
0x60: {  	_ =	shalt  }
0x61: {  	_ =	shalt  }
0x62: {  	_ =	shalt  }
0x63: {  	_ =	shalt  }
0x64: {  	_ =	shalt  }
0x65: {  	_ =	shalt  }
0x66: {  	_ =	shalt  }
0x67: {  	_ =	shalt  }
0x68: {  	_ =	shalt  }
0x69: {  	_ =	shalt  }
0x6a: {  	_ =	shalt  }
0x6b: {  	_ =	shalt  }
0x6c: {  	_ =	shalt  }
0x6d: {  	_ =	shalt  }
0x6e: {  	_ =	shalt  }
0x6f: {  	_ =	shalt  }
0x70: {  	_ =	shalt  }
0x71: {  	_ =	shalt  }
0x72: {  	_ =	shalt  }
0x73: {  	_ =	shalt  }
0x74: {  	_ =	shalt  }
0x75: {  	_ =	shalt  }
0x76: {  	_ =	shalt  }
0x77: {  	_ =	shalt  }
0x78: {  	_ =	shalt  }
0x79: {  	_ =	shalt  }
0x7a: {  	_ =	shalt  }
0x7b: {  	_ =	shalt  }
0x7c: {  	_ =	shalt  }
0x7d: {  	_ =	shalt  }
0x7e: {  	_ =	shalt  }
0x7f: {  	_ =	shalt  }
0x80: {  	_ =	shalt  }
0x81: {  	_ =	shalt  }
0x82: {  	_ =	shalt  }
0x83: {  	_ =	shalt  }
0x84: {  	_ =	shalt  }
0x85: {  	_ =	shalt  }
0x86: {  	_ =	shalt  }
0x87: {  	_ =	shalt  }
.Lfunc_end0:
.L_simem_size_0:
called_computation_lowered:
.L_overlay_start_0:
0x88: {  	s2 =	sld [smem:$0x3FD9]  }
0x89: {  	s3 =	sld [smem:$0x3FFE];
	_ =	sdelay $0x1  }
0x8a: {  	s1 =	srdreg.scid  }
0x8b: {  	s0 =	sand.u32 $0x1, s1  }
0x8c: {  	s16 =	sshll.u32 s0, $0xA;
	s2 =	sadd.s32 s3, s2  }
0x8d: {  	s2 =	sadd.s32 s2, s16  }
0x8e: {  	[smem:$0x3FBB] =	sst s2  }
0x8f: {  	_ = 	snop  }
0x90: {  	(tm) =	ssettm $0x1  }
0x91: {  	s17 =	sld [smem:$0x3FFB];
	_ =	sdelay $0x3  }
0x92: {  	_ =	strace s17  }
0x93: {  	s2 =	sld [smem:$0x3FFC];
	_ =	sdelay $0x3  }
0x94: {  	_ =	strace s2  }
0x95: {  	s2 =	sld [smem:$0x3FFD];
	_ =	sdelay $0x3  }
0x96: {  	_ =	strace s2  }
0x97: {  	_ =	strace $0x8FFFFFFF  }
0x98: {  	s18 =	sld [smem:$0x3FDB];
	_ =	sdelay $0x1  }
0x99: {  	s19 =	simm.s32 $_scs_section_size  }
0x9a: {  	s4 =	simm.s32 $_size__tile_overlayer_lowered;
	s5 =	simm.s32 $_tile_overlayer_lowered  }
0x9b: {  	s22 =	simm.s32 $0x1BFF;
	s21 =	sshll.u32 s5, $0x1;
	s2 =	sadd.s32 s19, s18  }
0x9c: {  	s6 =	simm.s32 $0x0;
	s20 =	sshll.u32 s4, $0x1;
	s4 =	sadd.s32 s21, s2  }
0x9d: {  	[timem:s6], [sflag:s22] =	dma.local [hbm:s4], s20  }
0x9e: {  	_ =	swait.ge [sflag:s22], s20  }
0x9f: {  	s3 =	ssub.s32 $0x0, s20;
	[sflag:s22] =	ssyncset.done $0x0  }
0xa0: {  	[sflag:s22] =	ssyncadd.s32 s3;
	_ =	sdelay $0x1  }
0xa1: {  	s23 =	simm.s32 $0x1B8B  }
0xa2: {  	_ =	swait.ge [sflag:s23], $0x1  }
0xa3: {  	[sflag:s23] =	ssyncset.done $0x0  }
0xa4: {  	s25 =	simm.s32 $0x1B8E;
	s24 =	sld [smem:$0x3FFE];
	[sflag:s23] =	ssyncadd.s32 $0xFFFFFFFF  }
0xa5: {  	s26 =	simm.s32 $execute0_lowered;
	[smem:$0x3FD2] =	sst s25  }
0xa6: {  	s4 =	sshll.u32 s26, $0x1;
	_ =	strace $0x80000046;
	[dreg:$0x1] =	wrdreg $0xFFFFFFFF  }
0xa7: {  	s28 =	simm.s32 $_size_execute0_lowered;
	s2 =	sadd.s32 s2, s4;
	[dreg:$0x0] =	wrdreg $0x0  }
0xa8: {  	s4 =	sshll.u32 s28, $0x1;
	[dreg:$0x2] =	wrdreg s2  }
0xa9: {  	[dreg:$0x3] =	wrdreg s4  }
0xaa: {  	[dreg:$0x4] =	wrdreg $0xC0  }
0xab: {  	_ =	task [dreg:s6], $0x5FFFF  }
0xac: {  	[dreg:$0x1] =	wrdreg $0xFFFFFFFF  }
0xad: {  	[dreg:$0x0] =	wrdreg $0x60  }
0xae: {  	[dreg:$0x2] =	wrdreg s24  }
0xaf: {  	[dreg:$0x3] =	wrdreg $0x0  }
0xb0: {  	[dreg:$0x4] =	wrdreg $0x9  }
0xb1: {  	_ =	task.clear_ibuf [dreg:s6], $0x5FFFF;
	_ =	strace $0x90000046  }
0xb2: {  	s29 =	simm.s32 $0x9;
	_ =	strace $0x80000048  }
0xb3: {  	_ =	swait.ge [sflag:s29], $0x1  }
0xb4: {  	[sflag:s29] =	ssyncadd.s32 $0xFFFFFFFF  }
0xb5: {  	_ =	strace $0x90000048  }
0xb6: {  	_ =	sfence  }
0xb7: {  	s30 =	sld [smem:$0x0];
	_ =	sdelay $0x2  }
0xb8: {  	s31 =	sshll.u32 s1, $0xD;
	s1 =	sshrl.u32 s1, $0x2  }
0xb9: {  	s3 =	sand.u32 $0x4000, s31;
	s1 =	sadd.s32 s1, s30  }
0xba: {  	s0 =	sor.u32 s3, s0;
	s1 =	sshll.u32 s1, $0x11  }
0xbb: {  	s0 =	sor.u32 s1, s0  }
0xbc: {  	s0 =	sadd.s32 $0x8F2B, s0  }
0xbd: {  	[sflag:s0] =	ssyncadd.remote.s32 $0x1  }
0xbe: {  	_ =	sfence.sel $0xFFFF  }
0xbf: {  	[dreg:$0x0] =	wrdreg $0xFFFFFFFF;
	(pc) =	sbr.abs _section_cstart, $3  }
0xc0: {  	[dreg:$0x1] =	wrdreg $0xFFFFFFFF  }
0xc1: {  	_ =	task.clear_ibuf [dreg:s6], $0x2FFFF;
	_ =	strace $0x9FFFFFFF  }
0xc2: {  	(tm) =	ssettm $0x7FFFFFFF  }
0xc3: {  	_ =	shalt  }
tec
execute0_lowered:
.L_overlay_start_1:
0x0: {  	(tag) =	ssettag $0x1  }
0x1: {  	s0 =	rddreg [dreg:$0x0]  }
0x2: {  	s1 =	srdreg.scid;
	s2 =	rddreg [dreg:$0x1]  }
0x3: {  	s7 =	stileid.u32;
	s3 =	simm.s32 $0x0;
	s8 =	simm.s32 $0xB00  }
0x4: {  	s9 =	simm.s32 $0x1;
	s10 =	simm.s32 $0x280;
	s11 =	simm.s32 $0x80  }
0x5: {  	s12 =	simm.s32 $0xA80;
	s13 =	simm.s32 $0x300;
	s14 =	simm.s32 $0x380  }
0x6: {  	s15 =	simm.s32 $0x400;
	s16 =	simm.s32 $0x480;
	s17 =	simm.s32 $0x500  }
0x7: {  	s18 =	simm.s32 $0x580;
	s19 =	simm.s32 $0x600;
	s20 =	simm.s32 $0x680  }
0x8: {  	s21 =	simm.s32 $0x700;
	s22 =	simm.s32 $0x780;
	s5 =	smul.u32 $0x2800, s7  }
0x9: {  	s28 =	simm.s32 $0xA00;
	s30 =	simm.s32 $0x0;
	s6 =	smul.u32 $0x500, s7  }
0xa: {  	s1 =	sand.u32 $0x1, s1;
	[smem:$0x7FF] =	sst s3;
	s24 =	smul.u32 $0xA00, s7  }
0xb: {  	s4 =	smul.u32 $0x28000, s1;
	s23 =	sshll.u32 s1, $0x7;
	s1 =	ssub.s32 $0x2, s1  }
0xc: {  	_ =	strace $0x80000047;
	s29 =	sshrl.u32 s1, $0x1;
	s31 =	sshrl.u32 s24, $0x2  }
0xd: {  	s24 =	simm.s32 $0x880;
	s4 =	sadd.s32 s5, s4;
	s5 =	sor.u32 s23, s6  }
0xe: {  	s1 =	ssub.s32 s1, s29;
	s23 =	simm.s32 $0x800;
	s4 =	sshrl.u32 s4, $0x3  }
0xf: {  	s26 =	sshrl.u32 s5, $0x3;
	s6 =	smax.u32 s1, $0x1;
	s25 =	sadd.s32 s4, s0  }
0x10: {  	s0 =	sadd.s32 s26, s0;
	s4 =	sadd.s32 s31, s2;
	s26 =	simm.s32 $0x980  }
0x11: {  	v0 =	vimm.f32 $1.000000000e+00;
	v1 =	vimm.f32 $0.0e+00;
	s5 =	sadd.s32 $0x17400, s0;
	s7 =	sadd.s32 $0xD400, s25;
	s25 =	simm.s32 $0x900  }
.LBB2_1:
0x12: {  	[tilespmem:$0xA80] =	vst v0  }
0x13: {  	[tilespmem:$0xA90] =	vst v0  }
0x14: {  	[tilespmem:$0xAA0] =	vst v0  }
0x15: {  	[tilespmem:$0xAB0] =	vst v0  }
0x16: {  	[tilespmem:$0xAC0] =	vst v0  }
0x17: {  	[tilespmem:$0xAD0] =	vst v0  }
0x18: {  	[tilespmem:$0xAE0] =	vst v0  }
0x19: {  	[tilespmem:$0xAF0] =	vst v0  }
0x1a: {  	[tilespmem:$0xB00] =	vst v1  }
0x1b: {  	[tilespmem:$0xB10] =	vst v1  }
0x1c: {  	[tilespmem:$0xB20] =	vst v1  }
0x1d: {  	[tilespmem:$0xB30] =	vst v1  }
0x1e: {  	[tilespmem:$0xB40] =	vst v1  }
0x1f: {  	[tilespmem:$0xB50] =	vst v1  }
0x20: {  	[tilespmem:$0xB60] =	vst v1  }
0x21: {  	[tilespmem:$0xB70] =	vst v1  }
0x22: {  	[tilespmem:$0xB80] =	vst v1  }
0x23: {  	[tilespmem:$0xB90] =	vst v1  }
0x24: {  	[tilespmem:$0xBA0] =	vst v1  }
0x25: {  	[tilespmem:$0xBB0] =	vst v1  }
0x26: {  	[tilespmem:$0xBC0] =	vst v1  }
0x27: {  	[tilespmem:$0xBD0] =	vst v1  }
0x28: {  	[tilespmem:$0xBE0] =	vst v1  }
0x29: {  	[tilespmem:$0xBF0] =	vst v1  }
0x2a: {  	[tilespmem:$0xC00] =	vst v1  }
0x2b: {  	[tilespmem:$0xC10] =	vst v1  }
0x2c: {  	[tilespmem:$0xC20] =	vst v1  }
0x2d: {  	[tilespmem:$0xC30] =	vst v1  }
0x2e: {  	[tilespmem:$0xC40] =	vst v1  }
0x2f: {  	[tilespmem:$0xC50] =	vst v1  }
0x30: {  	[tilespmem:$0xC60] =	vst v1  }
0x31: {  	[tilespmem:$0xC70] =	vst v1  }
0x32: {  	[tilespmem:$0xC80] =	vst v1  }
0x33: {  	[tilespmem:$0xC90] =	vst v1  }
0x34: {  	[tilespmem:$0xCA0] =	vst v1  }
0x35: {  	[tilespmem:$0xCB0] =	vst v1  }
0x36: {  	[tilespmem:$0xCC0] =	vst v1  }
0x37: {  	[tilespmem:$0xCD0] =	vst v1  }
0x38: {  	[tilespmem:$0xCE0] =	vst v1  }
0x39: {  	[tilespmem:$0xCF0] =	vst v1  }
0x3a: {  	[tilespmem:$0xD00] =	vst v1  }
0x3b: {  	[tilespmem:$0xD10] =	vst v1  }
0x3c: {  	[tilespmem:$0xD20] =	vst v1  }
0x3d: {  	[tilespmem:$0xD30] =	vst v1  }
0x3e: {  	[tilespmem:$0xD40] =	vst v1  }
0x3f: {  	[tilespmem:$0xD50] =	vst v1  }
0x40: {  	[tilespmem:$0xD60] =	vst v1  }
0x41: {  	[tilespmem:$0xD70] =	vst v1  }
0x42: {  	[spmem:s4] =	stream.linear.scatter [tilespmem:s8], [sflag:$0x1], $0x280, $0x38;
	[tilespmem:$0xD80] =	vst v63  }
0x43: {  	_ =	swait.ge [sflag:s9], $0x280  }
0x44: {  	[sflag:s9] =	ssyncset.done $0x0  }
0x45: {  	[sflag:s9] =	ssyncadd.s32 $0xFFFFFD80  }
0x46: {  	s0 =	sadd.s32 $0x0, s7;
	[bflag:$0x0] =	sbarrier.arrive $0xFFFF  }
0x47: {  	[tilespmem:s10], [sflag:$0x1] =	stream.linear.gather [hbm4b:s0+s3], $0x800, $0x38;
	[tilespmem:$0xD80] =	vst v63  }
0x48: {  	_ =	swait.ge [sflag:s9], $0x800  }
0x49: {  	[sflag:s9] =	ssyncset.done $0x0  }
0x4a: {  	[sflag:s9] =	ssyncadd.s32 $0xFFFFF800  }
0x4b: {  	[spmem:s2] =	stream.indirect.scatter.add.f32 [tilespmem:s12], [sflag:$0x1], $0x1, s10, s11, $0xb8;
	[tilespmem:$0xD80] =	vst v63  }
0x4c: {  	_ =	swait.ge [sflag:s9], $0x80  }
0x4d: {  	[sflag:s9] =	ssyncset.done $0x0  }
0x4e: {  	[sflag:s9] =	ssyncadd.s32 $0xFFFFFF80  }
0x4f: {  	[spmem:s2] =	stream.indirect.scatter.add.f32 [tilespmem:s12], [sflag:$0x1], $0x1, s13, s11, $0xb8;
	[tilespmem:$0xD80] =	vst v63  }
0x50: {  	_ =	swait.ge [sflag:s9], $0x80  }
0x51: {  	[sflag:s9] =	ssyncset.done $0x0  }
0x52: {  	[sflag:s9] =	ssyncadd.s32 $0xFFFFFF80  }
0x53: {  	[spmem:s2] =	stream.indirect.scatter.add.f32 [tilespmem:s12], [sflag:$0x1], $0x1, s14, s11, $0xb8;
	[tilespmem:$0xD80] =	vst v63  }
0x54: {  	_ =	swait.ge [sflag:s9], $0x80  }
0x55: {  	[sflag:s9] =	ssyncset.done $0x0  }
0x56: {  	[sflag:s9] =	ssyncadd.s32 $0xFFFFFF80  }
0x57: {  	[spmem:s2] =	stream.indirect.scatter.add.f32 [tilespmem:s12], [sflag:$0x1], $0x1, s15, s11, $0xb8;
	[tilespmem:$0xD80] =	vst v63  }
0x58: {  	_ =	swait.ge [sflag:s9], $0x80  }
0x59: {  	[sflag:s9] =	ssyncset.done $0x0  }
0x5a: {  	[sflag:s9] =	ssyncadd.s32 $0xFFFFFF80  }
0x5b: {  	[spmem:s2] =	stream.indirect.scatter.add.f32 [tilespmem:s12], [sflag:$0x1], $0x1, s16, s11, $0xb8;
	[tilespmem:$0xD80] =	vst v63  }
0x5c: {  	_ =	swait.ge [sflag:s9], $0x80  }
0x5d: {  	[sflag:s9] =	ssyncset.done $0x0  }
0x5e: {  	[sflag:s9] =	ssyncadd.s32 $0xFFFFFF80  }
0x5f: {  	[spmem:s2] =	stream.indirect.scatter.add.f32 [tilespmem:s12], [sflag:$0x1], $0x1, s17, s11, $0xb8;
	[tilespmem:$0xD80] =	vst v63  }
0x60: {  	_ =	swait.ge [sflag:s9], $0x80  }
0x61: {  	[sflag:s9] =	ssyncset.done $0x0  }
0x62: {  	[sflag:s9] =	ssyncadd.s32 $0xFFFFFF80  }
0x63: {  	[spmem:s2] =	stream.indirect.scatter.add.f32 [tilespmem:s12], [sflag:$0x1], $0x1, s18, s11, $0xb8;
	[tilespmem:$0xD80] =	vst v63  }
0x64: {  	_ =	swait.ge [sflag:s9], $0x80  }
0x65: {  	[sflag:s9] =	ssyncset.done $0x0  }
0x66: {  	[sflag:s9] =	ssyncadd.s32 $0xFFFFFF80  }
0x67: {  	[spmem:s2] =	stream.indirect.scatter.add.f32 [tilespmem:s12], [sflag:$0x1], $0x1, s19, s11, $0xb8;
	[tilespmem:$0xD80] =	vst v63  }
0x68: {  	_ =	swait.ge [sflag:s9], $0x80  }
0x69: {  	[sflag:s9] =	ssyncset.done $0x0  }
0x6a: {  	[sflag:s9] =	ssyncadd.s32 $0xFFFFFF80  }
0x6b: {  	[spmem:s2] =	stream.indirect.scatter.add.f32 [tilespmem:s12], [sflag:$0x1], $0x1, s20, s11, $0xb8;
	[tilespmem:$0xD80] =	vst v63  }
0x6c: {  	_ =	swait.ge [sflag:s9], $0x80  }
0x6d: {  	[sflag:s9] =	ssyncset.done $0x0  }
0x6e: {  	[sflag:s9] =	ssyncadd.s32 $0xFFFFFF80  }
0x6f: {  	[spmem:s2] =	stream.indirect.scatter.add.f32 [tilespmem:s12], [sflag:$0x1], $0x1, s21, s11, $0xb8;
	[tilespmem:$0xD80] =	vst v63  }
0x70: {  	_ =	swait.ge [sflag:s9], $0x80  }
0x71: {  	[sflag:s9] =	ssyncset.done $0x0  }
0x72: {  	[sflag:s9] =	ssyncadd.s32 $0xFFFFFF80  }
0x73: {  	[spmem:s2] =	stream.indirect.scatter.add.f32 [tilespmem:s12], [sflag:$0x1], $0x1, s22, s11, $0xb8;
	[tilespmem:$0xD80] =	vst v63  }
0x74: {  	_ =	swait.ge [sflag:s9], $0x80  }
0x75: {  	[sflag:s9] =	ssyncset.done $0x0  }
0x76: {  	[sflag:s9] =	ssyncadd.s32 $0xFFFFFF80  }
0x77: {  	[spmem:s2] =	stream.indirect.scatter.add.f32 [tilespmem:s12], [sflag:$0x1], $0x1, s23, s11, $0xb8;
	[tilespmem:$0xD80] =	vst v63  }
0x78: {  	_ =	swait.ge [sflag:s9], $0x80  }
0x79: {  	[sflag:s9] =	ssyncset.done $0x0  }
0x7a: {  	[sflag:s9] =	ssyncadd.s32 $0xFFFFFF80  }
0x7b: {  	[spmem:s2] =	stream.indirect.scatter.add.f32 [tilespmem:s12], [sflag:$0x1], $0x1, s24, s11, $0xb8;
	[tilespmem:$0xD80] =	vst v63  }
0x7c: {  	_ =	swait.ge [sflag:s9], $0x80  }
0x7d: {  	[sflag:s9] =	ssyncset.done $0x0  }
0x7e: {  	[sflag:s9] =	ssyncadd.s32 $0xFFFFFF80  }
0x7f: {  	[spmem:s2] =	stream.indirect.scatter.add.f32 [tilespmem:s12], [sflag:$0x1], $0x1, s25, s11, $0xb8;
	[tilespmem:$0xD80] =	vst v63  }
0x80: {  	_ =	swait.ge [sflag:s9], $0x80  }
0x81: {  	[sflag:s9] =	ssyncset.done $0x0  }
0x82: {  	[sflag:s9] =	ssyncadd.s32 $0xFFFFFF80  }
0x83: {  	[spmem:s2] =	stream.indirect.scatter.add.f32 [tilespmem:s12], [sflag:$0x1], $0x1, s26, s11, $0xb8;
	[tilespmem:$0xD80] =	vst v63  }
0x84: {  	_ =	swait.ge [sflag:s9], $0x80  }
0x85: {  	[sflag:s9] =	ssyncset.done $0x0  }
0x86: {  	[sflag:s9] =	ssyncadd.s32 $0xFFFFFF80  }
0x87: {  	[spmem:s2] =	stream.indirect.scatter.add.f32 [tilespmem:s12], [sflag:$0x1], $0x1, s28, s11, $0xb8;
	[tilespmem:$0xD80] =	vst v63  }
0x88: {  	_ =	swait.ge [sflag:s9], $0x80  }
0x89: {  	s31 =	simm.s32 $0x100;
	s0 =	simm.s32 $0x200;
	[sflag:s9] =	ssyncset.done $0x0  }
.LBB2_2:
0x8a: {  	s29 =	sadd.s32 s31, s7  }
0x8b: {  	[sflag:s9] =	ssyncadd.s32 $0xFFFFFF80;
	s31 =	smov.u32 s0;
	s1 =	sadd.s32 $0x100, s0  }
0x8c: {  	[tilespmem:s10], [sflag:$0x1] =	stream.linear.gather [hbm4b:s29+s3], $0x800, $0x38;
	[tilespmem:$0xD80] =	vst v63  }
0x8d: {  	p0 =	sne.s32 s0, $0x400;
	_ =	swait.ge [sflag:s9], $0x800  }
0x8e: {  	[sflag:s9] =	ssyncset.done $0x0  }
0x8f: {  	[sflag:s9] =	ssyncadd.s32 $0xFFFFF800  }
0x90: {  	[spmem:s2] =	stream.indirect.scatter.add.f32 [tilespmem:s12], [sflag:$0x1], $0x1, s10, s11, $0xb8;
	[tilespmem:$0xD80] =	vst v63  }
0x91: {  	_ =	swait.ge [sflag:s9], $0x80  }
0x92: {  	[sflag:s9] =	ssyncset.done $0x0  }
0x93: {  	[sflag:s9] =	ssyncadd.s32 $0xFFFFFF80  }
0x94: {  	[spmem:s2] =	stream.indirect.scatter.add.f32 [tilespmem:s12], [sflag:$0x1], $0x1, s13, s11, $0xb8;
	[tilespmem:$0xD80] =	vst v63  }
0x95: {  	_ =	swait.ge [sflag:s9], $0x80  }
0x96: {  	[sflag:s9] =	ssyncset.done $0x0  }
0x97: {  	[sflag:s9] =	ssyncadd.s32 $0xFFFFFF80  }
0x98: {  	[spmem:s2] =	stream.indirect.scatter.add.f32 [tilespmem:s12], [sflag:$0x1], $0x1, s14, s11, $0xb8;
	[tilespmem:$0xD80] =	vst v63  }
0x99: {  	_ =	swait.ge [sflag:s9], $0x80  }
0x9a: {  	[sflag:s9] =	ssyncset.done $0x0  }
0x9b: {  	[sflag:s9] =	ssyncadd.s32 $0xFFFFFF80  }
0x9c: {  	[spmem:s2] =	stream.indirect.scatter.add.f32 [tilespmem:s12], [sflag:$0x1], $0x1, s15, s11, $0xb8;
	[tilespmem:$0xD80] =	vst v63  }
0x9d: {  	_ =	swait.ge [sflag:s9], $0x80  }
0x9e: {  	[sflag:s9] =	ssyncset.done $0x0  }
0x9f: {  	[sflag:s9] =	ssyncadd.s32 $0xFFFFFF80  }
0xa0: {  	[spmem:s2] =	stream.indirect.scatter.add.f32 [tilespmem:s12], [sflag:$0x1], $0x1, s16, s11, $0xb8;
	[tilespmem:$0xD80] =	vst v63  }
0xa1: {  	_ =	swait.ge [sflag:s9], $0x80  }
0xa2: {  	[sflag:s9] =	ssyncset.done $0x0  }
0xa3: {  	[sflag:s9] =	ssyncadd.s32 $0xFFFFFF80  }
0xa4: {  	[spmem:s2] =	stream.indirect.scatter.add.f32 [tilespmem:s12], [sflag:$0x1], $0x1, s17, s11, $0xb8;
	[tilespmem:$0xD80] =	vst v63  }
0xa5: {  	_ =	swait.ge [sflag:s9], $0x80  }
0xa6: {  	[sflag:s9] =	ssyncset.done $0x0  }
0xa7: {  	[sflag:s9] =	ssyncadd.s32 $0xFFFFFF80  }
0xa8: {  	[spmem:s2] =	stream.indirect.scatter.add.f32 [tilespmem:s12], [sflag:$0x1], $0x1, s18, s11, $0xb8;
	[tilespmem:$0xD80] =	vst v63  }
0xa9: {  	_ =	swait.ge [sflag:s9], $0x80  }
0xaa: {  	[sflag:s9] =	ssyncset.done $0x0  }
0xab: {  	[sflag:s9] =	ssyncadd.s32 $0xFFFFFF80  }
0xac: {  	[spmem:s2] =	stream.indirect.scatter.add.f32 [tilespmem:s12], [sflag:$0x1], $0x1, s19, s11, $0xb8;
	[tilespmem:$0xD80] =	vst v63  }
0xad: {  	_ =	swait.ge [sflag:s9], $0x80  }
0xae: {  	[sflag:s9] =	ssyncset.done $0x0  }
0xaf: {  	[sflag:s9] =	ssyncadd.s32 $0xFFFFFF80  }
0xb0: {  	[spmem:s2] =	stream.indirect.scatter.add.f32 [tilespmem:s12], [sflag:$0x1], $0x1, s20, s11, $0xb8;
	[tilespmem:$0xD80] =	vst v63  }
0xb1: {  	_ =	swait.ge [sflag:s9], $0x80  }
0xb2: {  	[sflag:s9] =	ssyncset.done $0x0  }
0xb3: {  	[sflag:s9] =	ssyncadd.s32 $0xFFFFFF80  }
0xb4: {  	[spmem:s2] =	stream.indirect.scatter.add.f32 [tilespmem:s12], [sflag:$0x1], $0x1, s21, s11, $0xb8;
	[tilespmem:$0xD80] =	vst v63  }
0xb5: {  	_ =	swait.ge [sflag:s9], $0x80  }
0xb6: {  	[sflag:s9] =	ssyncset.done $0x0  }
0xb7: {  	[sflag:s9] =	ssyncadd.s32 $0xFFFFFF80  }
0xb8: {  	[spmem:s2] =	stream.indirect.scatter.add.f32 [tilespmem:s12], [sflag:$0x1], $0x1, s22, s11, $0xb8;
	[tilespmem:$0xD80] =	vst v63  }
0xb9: {  	_ =	swait.ge [sflag:s9], $0x80  }
0xba: {  	[sflag:s9] =	ssyncset.done $0x0  }
0xbb: {  	[sflag:s9] =	ssyncadd.s32 $0xFFFFFF80  }
0xbc: {  	[spmem:s2] =	stream.indirect.scatter.add.f32 [tilespmem:s12], [sflag:$0x1], $0x1, s23, s11, $0xb8;
	[tilespmem:$0xD80] =	vst v63  }
0xbd: {  	_ =	swait.ge [sflag:s9], $0x80  }
0xbe: {  	[sflag:s9] =	ssyncset.done $0x0  }
0xbf: {  	[sflag:s9] =	ssyncadd.s32 $0xFFFFFF80  }
0xc0: {  	[spmem:s2] =	stream.indirect.scatter.add.f32 [tilespmem:s12], [sflag:$0x1], $0x1, s24, s11, $0xb8;
	[tilespmem:$0xD80] =	vst v63  }
0xc1: {  	_ =	swait.ge [sflag:s9], $0x80  }
0xc2: {  	[sflag:s9] =	ssyncset.done $0x0  }
0xc3: {  	[sflag:s9] =	ssyncadd.s32 $0xFFFFFF80  }
0xc4: {  	[spmem:s2] =	stream.indirect.scatter.add.f32 [tilespmem:s12], [sflag:$0x1], $0x1, s25, s11, $0xb8;
	[tilespmem:$0xD80] =	vst v63  }
0xc5: {  	_ =	swait.ge [sflag:s9], $0x80  }
0xc6: {  	[sflag:s9] =	ssyncset.done $0x0  }
0xc7: {  	[sflag:s9] =	ssyncadd.s32 $0xFFFFFF80  }
0xc8: {  	[spmem:s2] =	stream.indirect.scatter.add.f32 [tilespmem:s12], [sflag:$0x1], $0x1, s26, s11, $0xb8;
	[tilespmem:$0xD80] =	vst v63  }
0xc9: {  	_ =	swait.ge [sflag:s9], $0x80  }
.Ltmp0:
0xca: {  	[sflag:s9] =	ssyncset.done $0x0;
	(pc) =	sbr.rel @p0 .LBB2_2-.Ltmp0, $4  }
0xcb: {  	[sflag:s9] =	ssyncadd.s32 $0xFFFFFF80  }
0xcc: {  	[spmem:s2] =	stream.indirect.scatter.add.f32 [tilespmem:s12], [sflag:$0x1], $0x1, s28, s11, $0xb8;
	[tilespmem:$0xD80] =	vst v63  }
0xcd: {  	_ =	swait.ge [sflag:s9], $0x80  }
0xce: {  	s0 =	smov.u32 s1;
	[sflag:s9] =	ssyncset.done $0x0  }
0xcf: {  	s0 =	sadd.s32 s31, s7;
	[sflag:s9] =	ssyncadd.s32 $0xFFFFFF80  }
0xd0: {  	[tilespmem:s10], [sflag:$0x1] =	stream.linear.gather [hbm4b:s0+s3], $0x800, $0x38;
	[tilespmem:$0xD80] =	vst v63  }
0xd1: {  	_ =	swait.ge [sflag:s9], $0x800  }
0xd2: {  	[sflag:s9] =	ssyncset.done $0x0  }
0xd3: {  	[sflag:s9] =	ssyncadd.s32 $0xFFFFF800  }
0xd4: {  	[spmem:s2] =	stream.indirect.scatter.add.f32 [tilespmem:s12], [sflag:$0x1], $0x1, s10, s11, $0xb8;
	[tilespmem:$0xD80] =	vst v63  }
0xd5: {  	_ =	swait.ge [sflag:s9], $0x80  }
0xd6: {  	[sflag:s9] =	ssyncset.done $0x0  }
0xd7: {  	[sflag:s9] =	ssyncadd.s32 $0xFFFFFF80  }
0xd8: {  	[spmem:s2] =	stream.indirect.scatter.add.f32 [tilespmem:s12], [sflag:$0x1], $0x1, s13, s11, $0xb8;
	[tilespmem:$0xD80] =	vst v63  }
0xd9: {  	_ =	swait.ge [sflag:s9], $0x80  }
0xda: {  	[sflag:s9] =	ssyncset.done $0x0  }
0xdb: {  	[sflag:s9] =	ssyncadd.s32 $0xFFFFFF80  }
0xdc: {  	[spmem:s2] =	stream.indirect.scatter.add.f32 [tilespmem:s12], [sflag:$0x1], $0x1, s14, s11, $0xb8;
	[tilespmem:$0xD80] =	vst v63  }
0xdd: {  	_ =	swait.ge [sflag:s9], $0x80  }
0xde: {  	[sflag:s9] =	ssyncset.done $0x0  }
0xdf: {  	[sflag:s9] =	ssyncadd.s32 $0xFFFFFF80  }
0xe0: {  	[spmem:s2] =	stream.indirect.scatter.add.f32 [tilespmem:s12], [sflag:$0x1], $0x1, s15, s11, $0xb8;
	[tilespmem:$0xD80] =	vst v63  }
0xe1: {  	_ =	swait.ge [sflag:s9], $0x80  }
0xe2: {  	[sflag:s9] =	ssyncset.done $0x0  }
0xe3: {  	[sflag:s9] =	ssyncadd.s32 $0xFFFFFF80  }
0xe4: {  	[spmem:s2] =	stream.indirect.scatter.add.f32 [tilespmem:s12], [sflag:$0x1], $0x1, s16, s11, $0xb8;
	[tilespmem:$0xD80] =	vst v63  }
0xe5: {  	_ =	swait.ge [sflag:s9], $0x80  }
0xe6: {  	[sflag:s9] =	ssyncset.done $0x0  }
0xe7: {  	[sflag:s9] =	ssyncadd.s32 $0xFFFFFF80  }
0xe8: {  	[spmem:s2] =	stream.indirect.scatter.add.f32 [tilespmem:s12], [sflag:$0x1], $0x1, s17, s11, $0xb8;
	[tilespmem:$0xD80] =	vst v63  }
0xe9: {  	_ =	swait.ge [sflag:s9], $0x80  }
0xea: {  	[sflag:s9] =	ssyncset.done $0x0  }
0xeb: {  	[sflag:s9] =	ssyncadd.s32 $0xFFFFFF80  }
0xec: {  	[spmem:s2] =	stream.indirect.scatter.add.f32 [tilespmem:s12], [sflag:$0x1], $0x1, s18, s11, $0xb8;
	[tilespmem:$0xD80] =	vst v63  }
0xed: {  	_ =	swait.ge [sflag:s9], $0x80  }
0xee: {  	[sflag:s9] =	ssyncset.done $0x0  }
0xef: {  	[sflag:s9] =	ssyncadd.s32 $0xFFFFFF80  }
0xf0: {  	[spmem:s2] =	stream.indirect.scatter.add.f32 [tilespmem:s12], [sflag:$0x1], $0x1, s19, s11, $0xb8;
	[tilespmem:$0xD80] =	vst v63  }
0xf1: {  	_ =	swait.ge [sflag:s9], $0x80  }
0xf2: {  	[sflag:s9] =	ssyncset.done $0x0  }
0xf3: {  	[sflag:s9] =	ssyncadd.s32 $0xFFFFFF80  }
0xf4: {  	[spmem:s2] =	stream.indirect.scatter.add.f32 [tilespmem:s12], [sflag:$0x1], $0x1, s20, s11, $0xb8;
	[tilespmem:$0xD80] =	vst v63  }
0xf5: {  	_ =	swait.ge [sflag:s9], $0x80  }
0xf6: {  	[sflag:s9] =	ssyncset.done $0x0  }
0xf7: {  	[sflag:s9] =	ssyncadd.s32 $0xFFFFFF80  }
0xf8: {  	[spmem:s2] =	stream.indirect.scatter.add.f32 [tilespmem:s12], [sflag:$0x1], $0x1, s21, s11, $0xb8;
	[tilespmem:$0xD80] =	vst v63  }
0xf9: {  	_ =	swait.ge [sflag:s9], $0x80  }
0xfa: {  	[sflag:s9] =	ssyncset.done $0x0  }
0xfb: {  	[sflag:s9] =	ssyncadd.s32 $0xFFFFFF80  }
0xfc: {  	[spmem:s2] =	stream.indirect.scatter.add.f32 [tilespmem:s12], [sflag:$0x1], $0x1, s22, s11, $0xb8;
	[tilespmem:$0xD80] =	vst v63  }
0xfd: {  	_ =	swait.ge [sflag:s9], $0x80  }
0xfe: {  	[sflag:s9] =	ssyncset.done $0x0  }
0xff: {  	[sflag:s9] =	ssyncadd.s32 $0xFFFFFF80  }
0x100: {  	[spmem:s2] =	stream.indirect.scatter.add.f32 [tilespmem:s12], [sflag:$0x1], $0x1, s23, s11, $0xb8;
	[tilespmem:$0xD80] =	vst v63  }
0x101: {  	_ =	swait.ge [sflag:s9], $0x80  }
0x102: {  	[sflag:s9] =	ssyncset.done $0x0  }
0x103: {  	[sflag:s9] =	ssyncadd.s32 $0xFFFFFF80  }
0x104: {  	[spmem:s2] =	stream.indirect.scatter.add.f32 [tilespmem:s12], [sflag:$0x1], $0x1, s24, s11, $0xb8;
	[tilespmem:$0xD80] =	vst v63  }
0x105: {  	_ =	swait.ge [sflag:s9], $0x80  }
0x106: {  	[sflag:s9] =	ssyncset.done $0x0  }
0x107: {  	[sflag:s9] =	ssyncadd.s32 $0xFFFFFF80  }
0x108: {  	[spmem:s2] =	stream.indirect.scatter.add.f32 [tilespmem:s12], [sflag:$0x1], $0x1, s25, s11, $0xb8;
	[tilespmem:$0xD80] =	vst v63  }
0x109: {  	_ =	swait.ge [sflag:s9], $0x80  }
0x10a: {  	[sflag:s9] =	ssyncset.done $0x0  }
0x10b: {  	[sflag:s9] =	ssyncadd.s32 $0xFFFFFF80  }
0x10c: {  	[spmem:s2] =	stream.indirect.scatter.add.f32 [tilespmem:s12], [sflag:$0x1], $0x1, s26, s11, $0xb8;
	[tilespmem:$0xD80] =	vst v63  }
0x10d: {  	_ =	swait.ge [sflag:s9], $0x80  }
0x10e: {  	[sflag:s9] =	ssyncset.done $0x0  }
0x10f: {  	[sflag:s9] =	ssyncadd.s32 $0xFFFFFF80  }
0x110: {  	[spmem:s2] =	stream.indirect.scatter.add.f32 [tilespmem:s12], [sflag:$0x1], $0x1, s28, s11, $0xb8;
	[tilespmem:$0xD80] =	vst v63  }
0x111: {  	_ =	swait.ge [sflag:s9], $0x80  }
0x112: {  	[sflag:s9] =	ssyncset.done $0x0  }
0x113: {  	[sflag:s9] =	ssyncadd.s32 $0xFFFFFF80  }
0x114: {  	[bflag:$0x0] =	sbarrier.arrive $0xFFFF  }
0x115: {  	[tilespmem:s8], [sflag:$0x1] =	stream.linear.gather [spmem:s4], $0x280, $0x38;
	[tilespmem:$0xD80] =	vst v63  }
0x116: {  	s30 =	sadd.s32 $0x1, s30;
	_ =	swait.ge [sflag:s9], $0x280  }
0x117: {  	p0 =	sne.s32 s30, s6;
	[sflag:s9] =	ssyncset.done $0x0  }
.Ltmp1:
0x118: {  	s31 =	simm.s32 $0x100;
	[sflag:s9] =	ssyncadd.s32 $0xFFFFFD80;
	(pc) =	sbr.rel @p0 .LBB2_1-.Ltmp1, $4  }
0x119: {  	[hbm4b:s5+s11] =	stream.strided.scatter [tilespmem:s8], [sflag:$0x1], $0x280, s31, s11, $0x38;
	[tilespmem:$0xD80] =	vst v63  }
0x11a: {  	_ =	swait.ge [sflag:s9], $0x280  }
0x11b: {  	[sflag:s9] =	ssyncset.done $0x0  }
0x11c: {  	[sflag:s9] =	ssyncadd.s32 $0xFFFFFD80  }
0x11d: {  	_ =	sfence.sel $0x180000  }
0x11e: {  	[bflag:$0x0] =	sbarrier.arrive $0xFFFF  }
0x11f: {  	_ =	strace $0x90000047  }
0x120: {  	s0 =	stileid.u32;
	[bflag:$0x2] =	sbarrier.arrive $0xFFFF  }
0x121: {  	p0 =	sne.s32 s0, $0x0;
	s0 =	rddreg [dreg:$0x2]  }
0x122: {  	s0 =	sadd.s32 @!p0 $0x100000, s0  }
0x123: {  	[sflag:s0] =	ssyncadd.tile.s32 @!p0 $0x1;
	_ =	shalt  }
.Lfunc_end2:
_tile_overlayer_lowered:
.L_overlay_start_2:
0x124: {  	(tag) =	ssettag $0x2  }
0x125: {  	s0 =	rddreg [dreg:$0x0];
	s2 =	stileid.u32  }
0x126: {  	s1 =	rddreg [dreg:$0x1];
	p0 =	sne.s32 s2, $0x0  }
0x127: {  	s3 =	rddreg [dreg:$0x2];
	[bflag:$0x3] =	sbarrier.arrive $0xFFFF;
	s2 =	simm.s32 @!p0 $0x1C01  }
0x128: {  	[timem:s3], [sflag:s2] =	dma.local @!p0 [hbm:s0], s1  }
0x129: {  	s0 =	simm.s32 @!p0 $0x1  }
0x12a: {  	_ =	swait.ge @!p0 [sflag:s0], s1  }
0x12b: {  	s1 =	ssub.s32 @!p0 $0x0, s1;
	[sflag:s0] =	ssyncset.done @!p0 $0x0  }
0x12c: {  	[sflag:s0] =	ssyncadd.s32 @!p0 s1  }
0x12d: {  	[bflag:$0x3] =	sbarrier.arrive $0xFFFF  }
0x12e: {  	_ =	shalt  }

// kernel: kernel.13.cloned.1.call-start
scs
__scs_entry_jumppad:
0x0: {  	(pc) =	sbr.rel $0x88, $3  }
0x1: {  	(tag) =	ssettag $0x0;
	lr =	simm.s32 $0x1  }
0x2: {  	[smem:$0x3F94] =	sst lr;
	_ =	strace $0xD0000000  }
0x3: {  	_ = 	snop  }
0x4: {  	_ = 	snop  }
0x5: {  	_ = 	snop  }
0x6: {  	_ = 	snop  }
0x7: {  	_ = 	snop  }
__scs_overlays_trampoline_lowered:
0x8: {  	[smem:$0x3FA3] =	sst s0  }
0x9: {  	[smem:$0x3FA4] =	sst s1  }
0xa: {  	[smem:$0x3FA5] =	sst s2  }
0xb: {  	[smem:$0x3FA6] =	sst s3  }
0xc: {  	[smem:$0x3FA7] =	sst s4  }
0xd: {  	[smem:$0x3FA8] =	sst s5  }
0xe: {  	[smem:$0x3FA9] =	sst s6  }
0xf: {  	[smem:$0x3FAA] =	sst s7  }
0x10: {  	[smem:$0x3FAB] =	sst s8  }
0x11: {  	[smem:$0x3FAC] =	sst s9;
	s0 =	simm.s32 @!p0 $0x0  }
0x12: {  	s1 =	sld [smem:$0x3F92];
	s0 =	simm.s32 @p0 $0x1  }
0x13: {  	[smem:$0x3FAD] =	sst s0;
	s0 =	simm.s32 @!p1 $0x0  }
0x14: {  	s2 =	sld [smem:$0x3F91];
	s0 =	simm.s32 @p1 $0x1  }
0x15: {  	[smem:$0x3FAE] =	sst s0;
	s0 =	simm.s32 @!p2 $0x0  }
0x16: {  	s3 =	sld [smem:$0x3FDB];
	s0 =	simm.s32 @p2 $0x1  }
0x17: {  	s4 =	simm.s32 $0x1BF5;
	[smem:$0x3FB0] =	sst s0  }
0x18: {  	s0 =	sld [smem:$0x3F93];
	_ =	swait.ge [sflag:s4], $0x0  }
0x19: {  	s7 =	sld [smem:$0x3F94]  }
0x1a: {  	s8 =	sadd.s32 $0xFFFFE003, lr  }
0x1b: {  	s9 =	sadd.s32 $0xFFFFFEF7, lr;
	s5 =	simm.s32 $0xFFFFFFFF;
	p2 =	slt.u32 s8, $0xFFFFF086  }
0x1c: {  	p1 =	slt.u32 s9, $0xF7A;
	s5 =	simm.s32 @!p2 $0x0  }
0x1d: {  	s5 =	simm.s32 @p1 $0x1;
	p0 =	seq.s32 s7, s2  }
0x1e: {  	s7 =	smul.u32 @!p0 $0xF7A, s2;
	p2 =	seq.s32 @!p0 s5, $0x0  }
0x1f: {  	s9 =	smul.u32 $0xF7A, s1;
	s8 =	simm.s32 @!p0 $0x1BF5;
	p2 =	por !p2, p0  }
0x20: {  	[sflag:s8] =	ssyncset.s32 @!p0 $0xFFFFF086;
	s6 =	sadd.s32 @!p0 s3, s7;
	s7 =	simm.s32 @!p0 $0x108  }
0x21: {  	s3 =	sadd.s32 s3, s9;
	s6 =	sadd.s32 @!p0 $0x88, s6;
	s7 =	simm.s32 @p2 $0x1082  }
0x22: {  	[simem:s7], [sflag:s8] =	dma.local @!p0 [hbm:s6], $0xF7A  }
0x23: {  	s9 =	sor.u32 $0xD0000000, s2;
	s6 =	simm.s32 $0x108;
	_ =	swait.ge @!p0 [sflag:s8], $0x0  }
0x24: {  	s3 =	sadd.s32 $0x88, s3;
	s6 =	simm.s32 @!p1 $0x1082;
	[sflag:s4] =	ssyncset.s32 $0xFFFFF086  }
0x25: {  	[simem:s6], [sflag:s4] =	dma.local [hbm:s3], $0xF7A  }
0x26: {  	[smem:$0x3F94] =	sst s1;
	(tag) =	ssettag s2;
	_ =	strace s9  }
0x27: {  	s1 =	sld [smem:$0x3FA4]  }
0x28: {  	s2 =	sld [smem:$0x3FA5]  }
0x29: {  	s4 =	sld [smem:$0x3FA7]  }
0x2a: {  	p0 =	seq.s32 s5, $0x0;
	s5 =	sld [smem:$0x3FA8]  }
0x2b: {  	s6 =	sld [smem:$0x3FA9]  }
0x2c: {  	s7 =	sld [smem:$0x3FAA]  }
0x2d: {  	s3 =	simm.s32 $0x108;
	s8 =	sld [smem:$0x3FAB]  }
0x2e: {  	s3 =	simm.s32 @!p0 $0x1082;
	s9 =	sld [smem:$0x3FAC]  }
0x2f: {  	lr =	sadd.s32 s0, s3;
	s0 =	sld [smem:$0x3FA3]  }
0x30: {  	s3 =	sld [smem:$0x3FA6]  }
0x31: {  	[smem:$0x3FAF] =	sst s10  }
0x32: {  	s10 =	sld [smem:$0x3FAD];
	_ =	sdelay $0x3  }
0x33: {  	p0 =	seq.s32 s10, $0x1;
	s10 =	sld [smem:$0x3FAF];
	_ =	sdelay $0x3  }
0x34: {  	[smem:$0x3FAF] =	sst s10  }
0x35: {  	s10 =	sld [smem:$0x3FAE];
	_ =	sdelay $0x3  }
0x36: {  	p1 =	seq.s32 s10, $0x1;
	s10 =	sld [smem:$0x3FAF];
	_ =	sdelay $0x3  }
0x37: {  	[smem:$0x3FAF] =	sst s10  }
0x38: {  	s10 =	sld [smem:$0x3FB0]  }
0x39: {  	_ = 	snop;
	(pc) =	sbr.ind lr, $3  }
0x3a: {  	_ = 	snop  }
0x3b: {  	_ = 	snop  }
0x3c: {  	p2 =	seq.s32 s10, $0x1;
	s10 =	sld [smem:$0x3FAF]  }
0x3d: {  	_ =	shalt  }
0x3e: {  	_ =	shalt  }
0x3f: {  	_ =	shalt  }
0x40: {  	_ =	shalt  }
0x41: {  	_ =	shalt  }
0x42: {  	_ =	shalt  }
0x43: {  	_ =	shalt  }
0x44: {  	_ =	shalt  }
0x45: {  	_ =	shalt  }
0x46: {  	_ =	shalt  }
0x47: {  	_ =	shalt  }
0x48: {  	_ =	shalt  }
0x49: {  	_ =	shalt  }
0x4a: {  	_ =	shalt  }
0x4b: {  	_ =	shalt  }
0x4c: {  	_ =	shalt  }
0x4d: {  	_ =	shalt  }
0x4e: {  	_ =	shalt  }
0x4f: {  	_ =	shalt  }
0x50: {  	_ =	shalt  }
0x51: {  	_ =	shalt  }
0x52: {  	_ =	shalt  }
0x53: {  	_ =	shalt  }
0x54: {  	_ =	shalt  }
0x55: {  	_ =	shalt  }
0x56: {  	_ =	shalt  }
0x57: {  	_ =	shalt  }
0x58: {  	_ =	shalt  }
0x59: {  	_ =	shalt  }
0x5a: {  	_ =	shalt  }
0x5b: {  	_ =	shalt  }
0x5c: {  	_ =	shalt  }
0x5d: {  	_ =	shalt  }
0x5e: {  	_ =	shalt  }
0x5f: {  	_ =	shalt  }
0x60: {  	_ =	shalt  }
0x61: {  	_ =	shalt  }
0x62: {  	_ =	shalt  }
0x63: {  	_ =	shalt  }
0x64: {  	_ =	shalt  }
0x65: {  	_ =	shalt  }
0x66: {  	_ =	shalt  }
0x67: {  	_ =	shalt  }
0x68: {  	_ =	shalt  }
0x69: {  	_ =	shalt  }
0x6a: {  	_ =	shalt  }
0x6b: {  	_ =	shalt  }
0x6c: {  	_ =	shalt  }
0x6d: {  	_ =	shalt  }
0x6e: {  	_ =	shalt  }
0x6f: {  	_ =	shalt  }
0x70: {  	_ =	shalt  }
0x71: {  	_ =	shalt  }
0x72: {  	_ =	shalt  }
0x73: {  	_ =	shalt  }
0x74: {  	_ =	shalt  }
0x75: {  	_ =	shalt  }
0x76: {  	_ =	shalt  }
0x77: {  	_ =	shalt  }
0x78: {  	_ =	shalt  }
0x79: {  	_ =	shalt  }
0x7a: {  	_ =	shalt  }
0x7b: {  	_ =	shalt  }
0x7c: {  	_ =	shalt  }
0x7d: {  	_ =	shalt  }
0x7e: {  	_ =	shalt  }
0x7f: {  	_ =	shalt  }
0x80: {  	_ =	shalt  }
0x81: {  	_ =	shalt  }
0x82: {  	_ =	shalt  }
0x83: {  	_ =	shalt  }
0x84: {  	_ =	shalt  }
0x85: {  	_ =	shalt  }
0x86: {  	_ =	shalt  }
0x87: {  	_ =	shalt  }
.Lfunc_end0:
.L_simem_size_0:
called_computation.1_lowered:
.L_overlay_start_0:
0x88: {  	s2 =	sld [smem:$0x3FD9]  }
0x89: {  	s3 =	sld [smem:$0x3FFE];
	_ =	sdelay $0x1  }
0x8a: {  	s1 =	srdreg.scid  }
0x8b: {  	s0 =	sand.u32 $0x1, s1  }
0x8c: {  	s16 =	sshll.u32 s0, $0xA;
	s2 =	sadd.s32 s3, s2  }
0x8d: {  	s2 =	sadd.s32 s2, s16  }
0x8e: {  	[smem:$0x3FBB] =	sst s2  }
0x8f: {  	_ = 	snop  }
0x90: {  	(tm) =	ssettm $0x1  }
0x91: {  	s17 =	sld [smem:$0x3FFB];
	_ =	sdelay $0x3  }
0x92: {  	_ =	strace s17  }
0x93: {  	s2 =	sld [smem:$0x3FFC];
	_ =	sdelay $0x3  }
0x94: {  	_ =	strace s2  }
0x95: {  	s2 =	sld [smem:$0x3FFD];
	_ =	sdelay $0x3  }
0x96: {  	_ =	strace s2  }
0x97: {  	_ =	strace $0x8FFFFFFF  }
0x98: {  	s18 =	sld [smem:$0x3FDB];
	_ =	sdelay $0x1  }
0x99: {  	s19 =	simm.s32 $_scs_section_size  }
0x9a: {  	s4 =	simm.s32 $_size__tile_overlayer_lowered;
	s5 =	simm.s32 $_tile_overlayer_lowered  }
0x9b: {  	s22 =	simm.s32 $0x1BFF;
	s21 =	sshll.u32 s5, $0x1;
	s2 =	sadd.s32 s19, s18  }
0x9c: {  	s6 =	simm.s32 $0x0;
	s20 =	sshll.u32 s4, $0x1;
	s4 =	sadd.s32 s21, s2  }
0x9d: {  	[timem:s6], [sflag:s22] =	dma.local [hbm:s4], s20  }
0x9e: {  	_ =	swait.ge [sflag:s22], s20  }
0x9f: {  	s3 =	ssub.s32 $0x0, s20;
	[sflag:s22] =	ssyncset.done $0x0  }
0xa0: {  	[sflag:s22] =	ssyncadd.s32 s3;
	_ =	sdelay $0x1  }
0xa1: {  	s23 =	simm.s32 $0x1B8B  }
0xa2: {  	_ =	swait.ge [sflag:s23], $0x1  }
0xa3: {  	[sflag:s23] =	ssyncset.done $0x0  }
0xa4: {  	s25 =	simm.s32 $0x1B8E;
	s24 =	sld [smem:$0x3FFE];
	[sflag:s23] =	ssyncadd.s32 $0xFFFFFFFF  }
0xa5: {  	s26 =	simm.s32 $execute0_lowered;
	[smem:$0x3FD2] =	sst s25  }
0xa6: {  	s4 =	sshll.u32 s26, $0x1;
	_ =	strace $0x80000049;
	[dreg:$0x1] =	wrdreg $0xFFFFFFFF  }
0xa7: {  	s28 =	simm.s32 $_size_execute0_lowered;
	s2 =	sadd.s32 s2, s4;
	[dreg:$0x0] =	wrdreg $0x0  }
0xa8: {  	s4 =	sshll.u32 s28, $0x1;
	[dreg:$0x2] =	wrdreg s2  }
0xa9: {  	[dreg:$0x3] =	wrdreg s4  }
0xaa: {  	[dreg:$0x4] =	wrdreg $0xC0  }
0xab: {  	_ =	task [dreg:s6], $0x5FFFF  }
0xac: {  	[dreg:$0x1] =	wrdreg $0xFFFFFFFF  }
0xad: {  	[dreg:$0x0] =	wrdreg $0x60  }
0xae: {  	[dreg:$0x2] =	wrdreg s24  }
0xaf: {  	[dreg:$0x3] =	wrdreg $0x0  }
0xb0: {  	[dreg:$0x4] =	wrdreg $0x9  }
0xb1: {  	_ =	task.clear_ibuf [dreg:s6], $0x5FFFF;
	_ =	strace $0x90000049  }
0xb2: {  	s29 =	simm.s32 $0x9;
	_ =	strace $0x8000004B  }
0xb3: {  	_ =	swait.ge [sflag:s29], $0x1  }
0xb4: {  	[sflag:s29] =	ssyncadd.s32 $0xFFFFFFFF  }
0xb5: {  	_ =	strace $0x9000004B  }
0xb6: {  	_ =	sfence  }
0xb7: {  	s30 =	sld [smem:$0x0];
	_ =	sdelay $0x2  }
0xb8: {  	s31 =	sshll.u32 s1, $0xD;
	s1 =	sshrl.u32 s1, $0x2  }
0xb9: {  	s3 =	sand.u32 $0x4000, s31;
	s1 =	sadd.s32 s1, s30  }
0xba: {  	s0 =	sor.u32 s3, s0;
	s1 =	sshll.u32 s1, $0x11  }
0xbb: {  	s0 =	sor.u32 s1, s0  }
0xbc: {  	s0 =	sadd.s32 $0x8F2B, s0  }
0xbd: {  	[sflag:s0] =	ssyncadd.remote.s32 $0x1  }
0xbe: {  	_ =	sfence.sel $0xFFFF  }
0xbf: {  	[dreg:$0x0] =	wrdreg $0xFFFFFFFF;
	(pc) =	sbr.abs _section_cstart, $3  }
0xc0: {  	[dreg:$0x1] =	wrdreg $0xFFFFFFFF  }
0xc1: {  	_ =	task.clear_ibuf [dreg:s6], $0x2FFFF;
	_ =	strace $0x9FFFFFFF  }
0xc2: {  	(tm) =	ssettm $0x7FFFFFFF  }
0xc3: {  	_ =	shalt  }
tec
execute0_lowered:
.L_overlay_start_1:
0x0: {  	(tag) =	ssettag $0x1  }
0x1: {  	s1 =	rddreg [dreg:$0x0]  }
0x2: {  	s0 =	srdreg.scid;
	s12 =	stileid.u32  }
0x3: {  	s2 =	rddreg [dreg:$0x1];
	s5 =	smul.u32 $0x2800, s12  }
0x4: {  	s3 =	simm.s32 $0x0;
	s28 =	simm.s32 $0x1;
	s8 =	smul.u32 $0x50000, s12  }
0x5: {  	s29 =	simm.s32 $0x2;
	s30 =	simm.s32 $0x14B80;
	s10 =	smul.u32 $0x280, s12  }
0x6: {  	s31 =	simm.s32 $0x14480;
	s0 =	sand.u32 $0x1, s0;
	s12 =	smul.u32 $0x5000, s12  }
0x7: {  	[smem:$0x7FF] =	sst s3;
	s4 =	sadd.s32 $0x17400, s1;
	s6 =	smul.u32 $0x28000, s0  }
0x8: {  	_ =	strace $0x8000004A;
	s7 =	sshll.u32 s0, $0x7;
	s25 =	ssub.s32 $0x2, s0  }
0x9: {  	p0 =	seq.s32 s0, $0x0;
	p1 =	sne.s32 s0, $0x0;
	s0 =	simm.s32 $0x14500  }
0xa: {  	s9 =	sshrl.u32 s25, $0x1;
	s8 =	sshrl.u32 s8, $0x2;
	s26 =	sadd.s32 $0x80, s10  }
0xb: {  	s14 =	sadd.s32 $0x100, s10;
	s18 =	sadd.s32 $0x180, s10;
	s21 =	sadd.s32 $0x200, s10  }
0xc: {  	s6 =	sadd.s32 s5, s6;
	s13 =	sadd.s32 s8, s2;
	s5 =	sadd.s32 s4, s5  }
0xd: {  	s11 =	sshll.u32 s26, $0x7;
	s10 =	sshll.u32 s21, $0x4;
	s22 =	sshll.u32 s21, $0x7  }
0xe: {  	s6 =	sshrl.u32 s6, $0x3;
	[dreg:$0x15] =	wrdreg s5;
	s15 =	sadd.s32 s11, s2  }
0xf: {  	s11 =	sshll.u32 s18, $0x7;
	s10 =	sadd.s32 s4, s10;
	[dreg:$0x13] =	wrdreg s13  }
0x10: {  	s23 =	sadd.s32 s22, s2;
	s5 =	sshll.u32 s26, $0x5;
	[dreg:$0x17] =	wrdreg s15  }
0x11: {  	s6 =	sadd.s32 s6, s1;
	s1 =	sadd.s32 s7, s1;
	[dreg:$0x1c] =	wrdreg s10  }
0x12: {  	s7 =	ssub.s32 s25, s9;
	s20 =	sadd.s32 s11, s2;
	[dreg:$0x1d] =	wrdreg s23  }
0x13: {  	s9 =	sshll.u32 s26, $0x4;
	s26 =	simm.s32 $0x14080;
	[dreg:$0x1b] =	wrdreg s20  }
0x14: {  	s16 =	sshll.u32 s14, $0x4;
	s10 =	simm.s32 $0x14880;
	[dreg:$0x5] =	wrdreg s26  }
0x15: {  	s17 =	sshll.u32 s14, $0x7;
	s11 =	simm.s32 $0x14180;
	[dreg:$0x7] =	wrdreg s10  }
0x16: {  	s19 =	sshll.u32 s18, $0x4;
	s15 =	simm.s32 $0x14200;
	[dreg:$0x8] =	wrdreg s11  }
0x17: {  	s8 =	simm.s32 $0x14D00;
	s23 =	simm.s32 $0x14A80;
	[dreg:$0xa] =	wrdreg s15  }
0x18: {  	s22 =	simm.s32 $0x3;
	s7 =	smax.u32 s7, $0x1;
	[dreg:$0xf] =	wrdreg s23  }
0x19: {  	s1 =	sadd.s32 $0x3F400, s1;
	s24 =	sadd.s32 $0xD400, s6;
	[dreg:$0x14] =	wrdreg s7  }
0x1a: {  	s6 =	sadd.s32 $0x3400, s6;
	s20 =	simm.s32 $0x14300;
	[dreg:$0x3] =	wrdreg s24  }
0x1b: {  	s23 =	simm.s32 $0x14000;
	s26 =	simm.s32 $0x14400;
	[dreg:$0x4] =	wrdreg s6  }
0x1c: {  	s10 =	simm.s32 $0x14600;
	s11 =	simm.s32 $0x0;
	[dreg:$0xe] =	wrdreg s20  }
0x1d: {  	s7 =	sadd.s32 s4, s9;
	s25 =	sadd.s32 s12, s1;
	[dreg:$0x12] =	wrdreg s26  }
0x1e: {  	s5 =	sadd.s32 s5, s1;
	s6 =	simm.s32 $0x14100;
	[dreg:$0x16] =	wrdreg s7  }
0x1f: {  	s9 =	sshll.u32 s14, $0x5;
	s12 =	sshll.u32 s18, $0x5;
	[dreg:$0x1e] =	wrdreg s25  }
0x20: {  	s14 =	simm.s32 $0x14900;
	s18 =	simm.s32 $0x14280;
	[dreg:$0x1f] =	wrdreg s5  }
0x21: {  	s24 =	simm.s32 $0x14380;
	s26 =	simm.s32 $0x19000;
	[dreg:$0x6] =	wrdreg s6  }
0x22: {  	s20 =	simm.s32 $0x14F00;
	s7 =	sadd.s32 s4, s16;
	[dreg:$0x9] =	wrdreg s14  }
0x23: {  	s6 =	sadd.s32 s9, s1;
	s16 =	sshll.u32 s21, $0x5;
	[dreg:$0xc] =	wrdreg s18  }
0x24: {  	s21 =	simm.s32 $0x15000;
	[dreg:$0x10] =	wrdreg s24;
	s25 =	simm.s32 $0x14B00  }
0x25: {  	s24 =	simm.s32 $0x14800;
	s14 =	simm.s32 $0x14680;
	[dreg:$0x18] =	wrdreg s7  }
0x26: {  	s18 =	simm.s32 $0x14E80;
	s5 =	simm.s32 $0x14F80;
	[smem:$0x7FB] =	sst s6  }
0x27: {  	s7 =	sadd.s32 s17, s2;
	s6 =	sadd.s32 s12, s1;
	[dreg:$0x11] =	wrdreg s25  }
0x28: {  	s17 =	simm.s32 $0x14980;
	s1 =	sadd.s32 s16, s1;
	[dreg:$0x19] =	wrdreg s7  }
0x29: {  	s25 =	simm.s32 $0x80;
	s12 =	simm.s32 $0x14D80;
	[smem:$0x7FC] =	sst s6  }
0x2a: {  	s16 =	simm.s32 $0x14E00;
	s7 =	sadd.s32 s4, s19;
	[smem:$0x7FD] =	sst s1  }
0x2b: {  	[dreg:$0xb] =	wrdreg s17;
	s19 =	simm.s32 $0x14A00;
	s1 =	simm.s32 $0x14C00  }
0x2c: {  	s6 =	simm.s32 $0x14580;
	s17 =	simm.s32 $0x14700;
	[dreg:$0x1a] =	wrdreg s7  }
0x2d: {  	v0 =	vimm.f32 $0.0e+00;
	[dreg:$0xd] =	wrdreg s19;
	s7 =	simm.s32 $0x14C80;
	s19 =	simm.s32 $0x14780  }
.LBB2_1:
.Ltmp0:
0x2e: {  	(pc) =	sbr.rel @!p0 .LBB2_2-.Ltmp0, $2  }
0x2f: {  	_ =	sdelay $0x2  }
0x30: {  	[smem:$0x7FA] =	sst s11  }
.Ltmp1:
0x31: {  	s9 =	rddreg [dreg:$0x15];
	(pc) =	sbr.rel .LBB2_6-.Ltmp1, $4  }
0x32: {  	[tilespmem:s21], [sflag:$0x3] =	stream.linear.gather [hbm4b:s9+s3], $0x4000, $0x38;
	[tilespmem:$0x1D000] =	vst v63  }
0x33: {  	_ =	swait.ge [sflag:s22], $0x4000  }
0x34: {  	[sflag:s22] =	ssyncset.done $0x0  }
0x35: {  	[sflag:s22] =	ssyncadd.s32 $0xFFFFC000  }
.LBB2_2:
0x36: {  	s9 =	sshra.s32 s3, $0x2;
	s15 =	sadd.s32 $0x200, s3  }
.LBB2_3:
0x37: {  	p2 =	seq.s32 s15, $0xFE00;
	[tilespmem:s9+$0x15070] =	vst v0  }
0x38: {  	[tilespmem:s9+$0x15000] =	vst v0  }
0x39: {  	[tilespmem:s9+$0x15010] =	vst v0  }
.Ltmp2:
0x3a: {  	[tilespmem:s9+$0x15020] =	vst v0;
	(pc) =	sbr.rel @!p2 .LBB2_3-.Ltmp2, $4  }
0x3b: {  	[tilespmem:s9+$0x15030] =	vst v0  }
0x3c: {  	[tilespmem:s9+$0x15040] =	vst v0  }
0x3d: {  	[tilespmem:s9+$0x15050] =	vst v0  }
0x3e: {  	[tilespmem:s9+$0x15060] =	vst v0;
	s9 =	sshra.s32 s15, $0x2;
	s15 =	sadd.s32 $0x200, s15  }
0x3f: {  	[tilespmem:s9+$0x15070] =	vst v0  }
0x40: {  	[tilespmem:s9+$0x15000] =	vst v0  }
0x41: {  	[tilespmem:s9+$0x15010] =	vst v0  }
0x42: {  	[tilespmem:s9+$0x15020] =	vst v0  }
0x43: {  	[tilespmem:s9+$0x15030] =	vst v0  }
0x44: {  	[tilespmem:s9+$0x15040] =	vst v0  }
0x45: {  	[tilespmem:s9+$0x15050] =	vst v0  }
0x46: {  	[tilespmem:s9+$0x15060] =	vst v0  }
.LBB2_6:
0x47: {  	[spmem:s13] =	stream.linear.scatter [tilespmem:s21], [sflag:$0x3], $0x4000, $0x38;
	[tilespmem:$0x1D000] =	vst v63  }
0x48: {  	_ =	swait.ge [sflag:s22], $0x4000  }
0x49: {  	[sflag:s22] =	ssyncset.done $0x0  }
0x4a: {  	s11 =	simm.s32 @p1 $0x15000;
	s9 =	rddreg [dreg:$0x17];
	[sflag:s22] =	ssyncadd.s32 $0xFFFFC000  }
0x4b: {  	[spmem:s9] =	stream.linear.scatter @p1 [tilespmem:s11], [sflag:$0x3], $0x4000, $0x38;
	[tilespmem:$0x1D000] =	vst v63  }
0x4c: {  	s13 =	simm.s32 @!p1 $0x0;
	s15 =	simm.s32 @!p1 $0x15000;
	s11 =	rddreg [dreg:$0x16]  }
0x4d: {  	[tilespmem:s15], [sflag:$0x3] =	stream.linear.gather @!p1 [hbm4b:s11+s13], $0x4000, $0x38;
	[tilespmem:$0x1D000] =	vst v63  }
0x4e: {  	s11 =	simm.s32 @!p1 $0x3  }
0x4f: {  	_ =	swait.ge @!p1 [sflag:s11], $0x4000  }
0x50: {  	[sflag:s11] =	ssyncset.done @!p1 $0x0  }
0x51: {  	[sflag:s11] =	ssyncadd.s32 @!p1 $0xFFFFC000  }
0x52: {  	[spmem:s9] =	stream.linear.scatter @!p1 [tilespmem:s15], [sflag:$0x3], $0x4000, $0x38;
	[tilespmem:$0x1D000] =	vst v63  }
0x53: {  	_ =	swait.ge @!p1 [sflag:s11], $0x4000  }
0x54: {  	[sflag:s11] =	ssyncset.done @!p1 $0x0  }
0x55: {  	s9 =	rddreg [dreg:$0x18];
	[sflag:s11] =	ssyncadd.s32 @!p1 $0xFFFFC000  }
0x56: {  	[tilespmem:s15], [sflag:$0x3] =	stream.linear.gather @!p1 [hbm4b:s9+s13], $0x4000, $0x38;
	[tilespmem:$0x1D000] =	vst v63  }
0x57: {  	_ =	swait.ge [sflag:s22], $0x4000  }
0x58: {  	[sflag:s22] =	ssyncset.done $0x0  }
0x59: {  	s15 =	rddreg [dreg:$0x19];
	[sflag:s22] =	ssyncadd.s32 $0xFFFFC000  }
0x5a: {  	[spmem:s15] =	stream.linear.scatter [tilespmem:s21], [sflag:$0x3], $0x4000, $0x38;
	[tilespmem:$0x1D000] =	vst v63  }
0x5b: {  	_ =	swait.ge [sflag:s22], $0x4000  }
0x5c: {  	[sflag:s22] =	ssyncset.done $0x0  }
0x5d: {  	s9 =	simm.s32 @p1 $0x15000;
	s13 =	rddreg [dreg:$0x1b];
	[sflag:s22] =	ssyncadd.s32 $0xFFFFC000  }
0x5e: {  	[spmem:s13] =	stream.linear.scatter @p1 [tilespmem:s9], [sflag:$0x3], $0x4000, $0x38;
	[tilespmem:$0x1D000] =	vst v63  }
0x5f: {  	s15 =	simm.s32 @!p1 $0x0;
	s9 =	rddreg [dreg:$0x1a];
	s13 =	simm.s32 @!p1 $0x15000  }
0x60: {  	[tilespmem:s13], [sflag:$0x3] =	stream.linear.gather @!p1 [hbm4b:s9+s15], $0x4000, $0x38;
	[tilespmem:$0x1D000] =	vst v63  }
0x61: {  	_ =	swait.ge @!p1 [sflag:s11], $0x4000  }
0x62: {  	[sflag:s11] =	ssyncset.done @!p1 $0x0  }
0x63: {  	s15 =	simm.s32 @!p1 $0x15000;
	s9 =	rddreg [dreg:$0x1b];
	[sflag:s11] =	ssyncadd.s32 @!p1 $0xFFFFC000  }
0x64: {  	[spmem:s9] =	stream.linear.scatter @!p1 [tilespmem:s15], [sflag:$0x3], $0x4000, $0x38;
	[tilespmem:$0x1D000] =	vst v63  }
0x65: {  	_ =	swait.ge @!p1 [sflag:s11], $0x4000  }
0x66: {  	[sflag:s11] =	ssyncset.done @!p1 $0x0  }
0x67: {  	s13 =	simm.s32 @!p1 $0x0;
	s9 =	rddreg [dreg:$0x1c];
	[sflag:s11] =	ssyncadd.s32 @!p1 $0xFFFFC000  }
0x68: {  	[tilespmem:s15], [sflag:$0x3] =	stream.linear.gather @!p1 [hbm4b:s9+s13], $0x4000, $0x38;
	[tilespmem:$0x1D000] =	vst v63  }
0x69: {  	_ =	swait.ge [sflag:s22], $0x4000  }
0x6a: {  	[sflag:s22] =	ssyncset.done $0x0  }
0x6b: {  	s13 =	rddreg [dreg:$0x1d];
	[sflag:s22] =	ssyncadd.s32 $0xFFFFC000  }
0x6c: {  	[spmem:s13] =	stream.linear.scatter [tilespmem:s21], [sflag:$0x3], $0x4000, $0x38;
	[tilespmem:$0x1D000] =	vst v63  }
0x6d: {  	_ =	swait.ge [sflag:s22], $0x4000  }
0x6e: {  	[sflag:s22] =	ssyncset.done $0x0  }
0x6f: {  	[sflag:s22] =	ssyncadd.s32 $0xFFFFC000  }
0x70: {  	[bflag:$0x0] =	sbarrier.arrive $0xFFFF  }
0x71: {  	s15 =	rddreg [dreg:$0x4]  }
0x72: {  	s9 =	sadd.s32 $0x0, s15  }
0x73: {  	[tilespmem:s23], [sflag:$0x3] =	stream.linear.gather [hbm4b:s9+s3], $0x800, $0x38;
	[tilespmem:$0x1D000] =	vst v63  }
0x74: {  	_ =	swait.ge [sflag:s22], $0x800  }
0x75: {  	s11 =	rddreg [dreg:$0x3];
	[sflag:s22] =	ssyncset.done $0x0  }
0x76: {  	[sflag:s22] =	ssyncadd.s32 $0xFFFFF800;
	s9 =	sadd.s32 $0x0, s11  }
0x77: {  	[tilespmem:s24], [sflag:$0x3] =	stream.linear.gather [hbm4b:s9+s3], $0x800, $0x38;
	[tilespmem:$0x1D000] =	vst v63  }
0x78: {  	_ =	swait.ge [sflag:s22], $0x800  }
0x79: {  	[sflag:s22] =	ssyncset.done $0x0  }
0x7a: {  	[sflag:s22] =	ssyncadd.s32 $0xFFFFF800  }
0x7b: {  	[tilespmem:s21], [sflag:$0x1] =	stream.indirect.gather [hbm4b:s4+s25], $0x80, s23, s25, $0xb8;
	[tilespmem:$0x1D000] =	vst v63  }
0x7c: {  	s13 =	rddreg [dreg:$0x5]  }
0x7d: {  	[tilespmem:s26], [sflag:$0x2] =	stream.indirect.gather [hbm4b:s4+s25], $0x80, s13, s25, $0xb8;
	[tilespmem:$0x1D000] =	vst v63  }
0x7e: {  	_ =	swait.ge [sflag:s28], $0x4000  }
0x7f: {  	[sflag:s28] =	ssyncset.done $0x0  }
0x80: {  	[sflag:s28] =	ssyncadd.s32 $0xFFFFC000  }
0x81: {  	[spmem:s2] =	stream.indirect.scatter.add.f32 [tilespmem:s21], [sflag:$0x3], $0x80, s24, s25, $0xb8;
	[tilespmem:$0x1D000] =	vst v63  }
0x82: {  	_ =	swait.ge [sflag:s22], $0x4000  }
0x83: {  	[sflag:s22] =	ssyncset.done $0x0  }
0x84: {  	s15 =	rddreg [dreg:$0x6];
	[sflag:s22] =	ssyncadd.s32 $0xFFFFC000  }
0x85: {  	[tilespmem:s21], [sflag:$0x1] =	stream.indirect.gather [hbm4b:s4+s25], $0x80, s15, s25, $0xb8;
	[tilespmem:$0x1D000] =	vst v63  }
0x86: {  	_ =	swait.ge [sflag:s29], $0x4000  }
0x87: {  	[sflag:s29] =	ssyncset.done $0x0  }
0x88: {  	s11 =	rddreg [dreg:$0x7];
	[sflag:s29] =	ssyncadd.s32 $0xFFFFC000  }
0x89: {  	[spmem:s2] =	stream.indirect.scatter.add.f32 [tilespmem:s26], [sflag:$0x3], $0x80, s11, s25, $0xb8;
	[tilespmem:$0x1D000] =	vst v63  }
0x8a: {  	_ =	swait.ge [sflag:s22], $0x4000  }
0x8b: {  	[sflag:s22] =	ssyncset.done $0x0  }
0x8c: {  	s13 =	rddreg [dreg:$0x8];
	[sflag:s22] =	ssyncadd.s32 $0xFFFFC000  }
0x8d: {  	[tilespmem:s26], [sflag:$0x2] =	stream.indirect.gather [hbm4b:s4+s25], $0x80, s13, s25, $0xb8;
	[tilespmem:$0x1D000] =	vst v63  }
0x8e: {  	_ =	swait.ge [sflag:s28], $0x4000  }
0x8f: {  	[sflag:s28] =	ssyncset.done $0x0  }
0x90: {  	s15 =	rddreg [dreg:$0x9];
	[sflag:s28] =	ssyncadd.s32 $0xFFFFC000  }
0x91: {  	[spmem:s2] =	stream.indirect.scatter.add.f32 [tilespmem:s21], [sflag:$0x3], $0x80, s15, s25, $0xb8;
	[tilespmem:$0x1D000] =	vst v63  }
0x92: {  	_ =	swait.ge [sflag:s22], $0x4000  }
0x93: {  	[sflag:s22] =	ssyncset.done $0x0  }
0x94: {  	s11 =	rddreg [dreg:$0xa];
	[sflag:s22] =	ssyncadd.s32 $0xFFFFC000  }
0x95: {  	[tilespmem:s21], [sflag:$0x1] =	stream.indirect.gather [hbm4b:s4+s25], $0x80, s11, s25, $0xb8;
	[tilespmem:$0x1D000] =	vst v63  }
0x96: {  	_ =	swait.ge [sflag:s29], $0x4000  }
0x97: {  	[sflag:s29] =	ssyncset.done $0x0  }
0x98: {  	s13 =	rddreg [dreg:$0xb];
	[sflag:s29] =	ssyncadd.s32 $0xFFFFC000  }
0x99: {  	[spmem:s2] =	stream.indirect.scatter.add.f32 [tilespmem:s26], [sflag:$0x3], $0x80, s13, s25, $0xb8;
	[tilespmem:$0x1D000] =	vst v63  }
0x9a: {  	_ =	swait.ge [sflag:s22], $0x4000  }
0x9b: {  	[sflag:s22] =	ssyncset.done $0x0  }
0x9c: {  	s15 =	rddreg [dreg:$0xc];
	[sflag:s22] =	ssyncadd.s32 $0xFFFFC000  }
0x9d: {  	[tilespmem:s26], [sflag:$0x2] =	stream.indirect.gather [hbm4b:s4+s25], $0x80, s15, s25, $0xb8;
	[tilespmem:$0x1D000] =	vst v63  }
0x9e: {  	_ =	swait.ge [sflag:s28], $0x4000  }
0x9f: {  	[sflag:s28] =	ssyncset.done $0x0  }
0xa0: {  	s11 =	rddreg [dreg:$0xd];
	[sflag:s28] =	ssyncadd.s32 $0xFFFFC000  }
0xa1: {  	[spmem:s2] =	stream.indirect.scatter.add.f32 [tilespmem:s21], [sflag:$0x3], $0x80, s11, s25, $0xb8;
	[tilespmem:$0x1D000] =	vst v63  }
0xa2: {  	_ =	swait.ge [sflag:s22], $0x4000  }
0xa3: {  	[sflag:s22] =	ssyncset.done $0x0  }
0xa4: {  	s13 =	rddreg [dreg:$0xe];
	[sflag:s22] =	ssyncadd.s32 $0xFFFFC000  }
0xa5: {  	[tilespmem:s21], [sflag:$0x1] =	stream.indirect.gather [hbm4b:s4+s25], $0x80, s13, s25, $0xb8;
	[tilespmem:$0x1D000] =	vst v63  }
0xa6: {  	_ =	swait.ge [sflag:s29], $0x4000  }
0xa7: {  	[sflag:s29] =	ssyncset.done $0x0  }
0xa8: {  	s15 =	rddreg [dreg:$0xf];
	[sflag:s29] =	ssyncadd.s32 $0xFFFFC000  }
0xa9: {  	[spmem:s2] =	stream.indirect.scatter.add.f32 [tilespmem:s26], [sflag:$0x3], $0x80, s15, s25, $0xb8;
	[tilespmem:$0x1D000] =	vst v63  }
0xaa: {  	_ =	swait.ge [sflag:s22], $0x4000  }
0xab: {  	[sflag:s22] =	ssyncset.done $0x0  }
0xac: {  	s11 =	rddreg [dreg:$0x10];
	[sflag:s22] =	ssyncadd.s32 $0xFFFFC000  }
0xad: {  	[tilespmem:s26], [sflag:$0x2] =	stream.indirect.gather [hbm4b:s4+s25], $0x80, s11, s25, $0xb8;
	[tilespmem:$0x1D000] =	vst v63  }
0xae: {  	_ =	swait.ge [sflag:s28], $0x4000  }
0xaf: {  	[sflag:s28] =	ssyncset.done $0x0  }
0xb0: {  	s13 =	rddreg [dreg:$0x11];
	[sflag:s28] =	ssyncadd.s32 $0xFFFFC000  }
0xb1: {  	[spmem:s2] =	stream.indirect.scatter.add.f32 [tilespmem:s21], [sflag:$0x3], $0x80, s13, s25, $0xb8;
	[tilespmem:$0x1D000] =	vst v63  }
0xb2: {  	_ =	swait.ge [sflag:s22], $0x4000  }
0xb3: {  	[sflag:s22] =	ssyncset.done $0x0  }
0xb4: {  	s15 =	rddreg [dreg:$0x12];
	[sflag:s22] =	ssyncadd.s32 $0xFFFFC000  }
0xb5: {  	[tilespmem:s21], [sflag:$0x1] =	stream.indirect.gather [hbm4b:s4+s25], $0x80, s15, s25, $0xb8;
	[tilespmem:$0x1D000] =	vst v63  }
0xb6: {  	_ =	swait.ge [sflag:s29], $0x4000  }
0xb7: {  	[sflag:s29] =	ssyncset.done $0x0  }
0xb8: {  	[sflag:s29] =	ssyncadd.s32 $0xFFFFC000  }
0xb9: {  	[spmem:s2] =	stream.indirect.scatter.add.f32 [tilespmem:s26], [sflag:$0x3], $0x80, s30, s25, $0xb8;
	[tilespmem:$0x1D000] =	vst v63  }
0xba: {  	_ =	swait.ge [sflag:s22], $0x4000  }
0xbb: {  	[sflag:s22] =	ssyncset.done $0x0  }
0xbc: {  	[sflag:s22] =	ssyncadd.s32 $0xFFFFC000  }
0xbd: {  	[tilespmem:s26], [sflag:$0x2] =	stream.indirect.gather [hbm4b:s4+s25], $0x80, s31, s25, $0xb8;
	[tilespmem:$0x1D000] =	vst v63  }
0xbe: {  	_ =	swait.ge [sflag:s28], $0x4000  }
0xbf: {  	[sflag:s28] =	ssyncset.done $0x0  }
0xc0: {  	[sflag:s28] =	ssyncadd.s32 $0xFFFFC000  }
0xc1: {  	[spmem:s2] =	stream.indirect.scatter.add.f32 [tilespmem:s21], [sflag:$0x3], $0x80, s1, s25, $0xb8;
	[tilespmem:$0x1D000] =	vst v63  }
0xc2: {  	_ =	swait.ge [sflag:s22], $0x4000  }
0xc3: {  	[sflag:s22] =	ssyncset.done $0x0  }
0xc4: {  	[sflag:s22] =	ssyncadd.s32 $0xFFFFC000  }
0xc5: {  	[tilespmem:s21], [sflag:$0x1] =	stream.indirect.gather [hbm4b:s4+s25], $0x80, s0, s25, $0xb8;
	[tilespmem:$0x1D000] =	vst v63  }
0xc6: {  	_ =	swait.ge [sflag:s29], $0x4000  }
0xc7: {  	[sflag:s29] =	ssyncset.done $0x0  }
0xc8: {  	[sflag:s29] =	ssyncadd.s32 $0xFFFFC000  }
0xc9: {  	[spmem:s2] =	stream.indirect.scatter.add.f32 [tilespmem:s26], [sflag:$0x3], $0x80, s7, s25, $0xb8;
	[tilespmem:$0x1D000] =	vst v63  }
0xca: {  	_ =	swait.ge [sflag:s22], $0x4000  }
0xcb: {  	[sflag:s22] =	ssyncset.done $0x0  }
0xcc: {  	[sflag:s22] =	ssyncadd.s32 $0xFFFFC000  }
0xcd: {  	[tilespmem:s26], [sflag:$0x2] =	stream.indirect.gather [hbm4b:s4+s25], $0x80, s6, s25, $0xb8;
	[tilespmem:$0x1D000] =	vst v63  }
0xce: {  	_ =	swait.ge [sflag:s28], $0x4000  }
0xcf: {  	[sflag:s28] =	ssyncset.done $0x0  }
0xd0: {  	[sflag:s28] =	ssyncadd.s32 $0xFFFFC000  }
0xd1: {  	[spmem:s2] =	stream.indirect.scatter.add.f32 [tilespmem:s21], [sflag:$0x3], $0x80, s8, s25, $0xb8;
	[tilespmem:$0x1D000] =	vst v63  }
0xd2: {  	_ =	swait.ge [sflag:s22], $0x4000  }
0xd3: {  	[sflag:s22] =	ssyncset.done $0x0  }
0xd4: {  	[sflag:s22] =	ssyncadd.s32 $0xFFFFC000  }
0xd5: {  	[tilespmem:s21], [sflag:$0x1] =	stream.indirect.gather [hbm4b:s4+s25], $0x80, s10, s25, $0xb8;
	[tilespmem:$0x1D000] =	vst v63  }
0xd6: {  	_ =	swait.ge [sflag:s29], $0x4000  }
0xd7: {  	[sflag:s29] =	ssyncset.done $0x0  }
0xd8: {  	[sflag:s29] =	ssyncadd.s32 $0xFFFFC000  }
0xd9: {  	[spmem:s2] =	stream.indirect.scatter.add.f32 [tilespmem:s26], [sflag:$0x3], $0x80, s12, s25, $0xb8;
	[tilespmem:$0x1D000] =	vst v63  }
0xda: {  	_ =	swait.ge [sflag:s22], $0x4000  }
0xdb: {  	[sflag:s22] =	ssyncset.done $0x0  }
0xdc: {  	[sflag:s22] =	ssyncadd.s32 $0xFFFFC000  }
0xdd: {  	[tilespmem:s26], [sflag:$0x2] =	stream.indirect.gather [hbm4b:s4+s25], $0x80, s14, s25, $0xb8;
	[tilespmem:$0x1D000] =	vst v63  }
0xde: {  	_ =	swait.ge [sflag:s28], $0x4000  }
0xdf: {  	[sflag:s28] =	ssyncset.done $0x0  }
0xe0: {  	[sflag:s28] =	ssyncadd.s32 $0xFFFFC000  }
0xe1: {  	[spmem:s2] =	stream.indirect.scatter.add.f32 [tilespmem:s21], [sflag:$0x3], $0x80, s16, s25, $0xb8;
	[tilespmem:$0x1D000] =	vst v63  }
0xe2: {  	_ =	swait.ge [sflag:s22], $0x4000  }
0xe3: {  	[sflag:s22] =	ssyncset.done $0x0  }
0xe4: {  	[sflag:s22] =	ssyncadd.s32 $0xFFFFC000  }
0xe5: {  	[tilespmem:s21], [sflag:$0x1] =	stream.indirect.gather [hbm4b:s4+s25], $0x80, s17, s25, $0xb8;
	[tilespmem:$0x1D000] =	vst v63  }
0xe6: {  	_ =	swait.ge [sflag:s29], $0x4000  }
0xe7: {  	[sflag:s29] =	ssyncset.done $0x0  }
0xe8: {  	[sflag:s29] =	ssyncadd.s32 $0xFFFFC000  }
0xe9: {  	[spmem:s2] =	stream.indirect.scatter.add.f32 [tilespmem:s26], [sflag:$0x3], $0x80, s18, s25, $0xb8;
	[tilespmem:$0x1D000] =	vst v63  }
0xea: {  	_ =	swait.ge [sflag:s22], $0x4000  }
0xeb: {  	[sflag:s22] =	ssyncset.done $0x0  }
0xec: {  	[sflag:s22] =	ssyncadd.s32 $0xFFFFC000  }
0xed: {  	[tilespmem:s26], [sflag:$0x2] =	stream.indirect.gather [hbm4b:s4+s25], $0x80, s19, s25, $0xb8;
	[tilespmem:$0x1D000] =	vst v63  }
0xee: {  	_ =	swait.ge [sflag:s28], $0x4000  }
0xef: {  	[sflag:s28] =	ssyncset.done $0x0  }
0xf0: {  	[sflag:s28] =	ssyncadd.s32 $0xFFFFC000  }
0xf1: {  	[spmem:s2] =	stream.indirect.scatter.add.f32 [tilespmem:s21], [sflag:$0x3], $0x80, s20, s25, $0xb8;
	[tilespmem:$0x1D000] =	vst v63  }
0xf2: {  	_ =	swait.ge [sflag:s22], $0x4000  }
0xf3: {  	[sflag:s22] =	ssyncset.done $0x0  }
0xf4: {  	[sflag:s22] =	ssyncadd.s32 $0xFFFFC000  }
0xf5: {  	_ =	swait.ge [sflag:s29], $0x4000  }
0xf6: {  	[sflag:s29] =	ssyncset.done $0x0  }
0xf7: {  	[sflag:s29] =	ssyncadd.s32 $0xFFFFC000  }
0xf8: {  	[spmem:s2] =	stream.indirect.scatter.add.f32 [tilespmem:s26], [sflag:$0x3], $0x80, s5, s25, $0xb8;
	[tilespmem:$0x1D000] =	vst v63  }
0xf9: {  	s9 =	simm.s32 $0x200;
	_ =	swait.ge [sflag:s22], $0x4000  }
0xfa: {  	s15 =	simm.s32 $0x100;
	s13 =	rddreg [dreg:$0x4];
	[sflag:s22] =	ssyncset.done $0x0  }
.LBB2_7:
0xfb: {  	[sflag:s22] =	ssyncadd.s32 $0xFFFFC000;
	s13 =	sadd.s32 s15, s13  }
0xfc: {  	[tilespmem:s23], [sflag:$0x3] =	stream.linear.gather [hbm4b:s13+s3], $0x800, $0x38;
	[tilespmem:$0x1D000] =	vst v63  }
0xfd: {  	_ =	swait.ge [sflag:s22], $0x800  }
0xfe: {  	s13 =	rddreg [dreg:$0x3];
	[sflag:s22] =	ssyncset.done $0x0  }
0xff: {  	[sflag:s22] =	ssyncadd.s32 $0xFFFFF800;
	s13 =	sadd.s32 s15, s13  }
0x100: {  	[tilespmem:s24], [sflag:$0x3] =	stream.linear.gather [hbm4b:s13+s3], $0x800, $0x38;
	[tilespmem:$0x1D000] =	vst v63  }
0x101: {  	_ =	swait.ge [sflag:s22], $0x800  }
0x102: {  	[sflag:s22] =	ssyncset.done $0x0  }
0x103: {  	[sflag:s22] =	ssyncadd.s32 $0xFFFFF800  }
0x104: {  	[tilespmem:s21], [sflag:$0x1] =	stream.indirect.gather [hbm4b:s4+s25], $0x80, s23, s25, $0xb8;
	[tilespmem:$0x1D000] =	vst v63  }
0x105: {  	s13 =	rddreg [dreg:$0x5]  }
0x106: {  	[tilespmem:s26], [sflag:$0x2] =	stream.indirect.gather [hbm4b:s4+s25], $0x80, s13, s25, $0xb8;
	[tilespmem:$0x1D000] =	vst v63  }
0x107: {  	_ =	swait.ge [sflag:s28], $0x4000  }
0x108: {  	[sflag:s28] =	ssyncset.done $0x0  }
0x109: {  	[sflag:s28] =	ssyncadd.s32 $0xFFFFC000  }
0x10a: {  	[spmem:s2] =	stream.indirect.scatter.add.f32 [tilespmem:s21], [sflag:$0x3], $0x80, s24, s25, $0xb8;
	[tilespmem:$0x1D000] =	vst v63  }
0x10b: {  	_ =	swait.ge [sflag:s22], $0x4000  }
0x10c: {  	[sflag:s22] =	ssyncset.done $0x0  }
0x10d: {  	s13 =	rddreg [dreg:$0x6];
	[sflag:s22] =	ssyncadd.s32 $0xFFFFC000  }
0x10e: {  	[tilespmem:s21], [sflag:$0x1] =	stream.indirect.gather [hbm4b:s4+s25], $0x80, s13, s25, $0xb8;
	[tilespmem:$0x1D000] =	vst v63  }
0x10f: {  	_ =	swait.ge [sflag:s29], $0x4000  }
0x110: {  	[sflag:s29] =	ssyncset.done $0x0  }
0x111: {  	s13 =	rddreg [dreg:$0x7];
	[sflag:s29] =	ssyncadd.s32 $0xFFFFC000  }
0x112: {  	[spmem:s2] =	stream.indirect.scatter.add.f32 [tilespmem:s26], [sflag:$0x3], $0x80, s13, s25, $0xb8;
	[tilespmem:$0x1D000] =	vst v63  }
0x113: {  	_ =	swait.ge [sflag:s22], $0x4000  }
0x114: {  	[sflag:s22] =	ssyncset.done $0x0  }
0x115: {  	s13 =	rddreg [dreg:$0x8];
	[sflag:s22] =	ssyncadd.s32 $0xFFFFC000  }
0x116: {  	[tilespmem:s26], [sflag:$0x2] =	stream.indirect.gather [hbm4b:s4+s25], $0x80, s13, s25, $0xb8;
	[tilespmem:$0x1D000] =	vst v63  }
0x117: {  	_ =	swait.ge [sflag:s28], $0x4000  }
0x118: {  	[sflag:s28] =	ssyncset.done $0x0  }
0x119: {  	s13 =	rddreg [dreg:$0x9];
	[sflag:s28] =	ssyncadd.s32 $0xFFFFC000  }
0x11a: {  	[spmem:s2] =	stream.indirect.scatter.add.f32 [tilespmem:s21], [sflag:$0x3], $0x80, s13, s25, $0xb8;
	[tilespmem:$0x1D000] =	vst v63  }
0x11b: {  	_ =	swait.ge [sflag:s22], $0x4000  }
0x11c: {  	[sflag:s22] =	ssyncset.done $0x0  }
0x11d: {  	s13 =	rddreg [dreg:$0xa];
	[sflag:s22] =	ssyncadd.s32 $0xFFFFC000  }
0x11e: {  	[tilespmem:s21], [sflag:$0x1] =	stream.indirect.gather [hbm4b:s4+s25], $0x80, s13, s25, $0xb8;
	[tilespmem:$0x1D000] =	vst v63  }
0x11f: {  	_ =	swait.ge [sflag:s29], $0x4000  }
0x120: {  	[sflag:s29] =	ssyncset.done $0x0  }
0x121: {  	s13 =	rddreg [dreg:$0xb];
	[sflag:s29] =	ssyncadd.s32 $0xFFFFC000  }
0x122: {  	[spmem:s2] =	stream.indirect.scatter.add.f32 [tilespmem:s26], [sflag:$0x3], $0x80, s13, s25, $0xb8;
	[tilespmem:$0x1D000] =	vst v63  }
0x123: {  	_ =	swait.ge [sflag:s22], $0x4000  }
0x124: {  	[sflag:s22] =	ssyncset.done $0x0  }
0x125: {  	s13 =	rddreg [dreg:$0xc];
	[sflag:s22] =	ssyncadd.s32 $0xFFFFC000  }
0x126: {  	[tilespmem:s26], [sflag:$0x2] =	stream.indirect.gather [hbm4b:s4+s25], $0x80, s13, s25, $0xb8;
	[tilespmem:$0x1D000] =	vst v63  }
0x127: {  	_ =	swait.ge [sflag:s28], $0x4000  }
0x128: {  	[sflag:s28] =	ssyncset.done $0x0  }
0x129: {  	s13 =	rddreg [dreg:$0xd];
	[sflag:s28] =	ssyncadd.s32 $0xFFFFC000  }
0x12a: {  	[spmem:s2] =	stream.indirect.scatter.add.f32 [tilespmem:s21], [sflag:$0x3], $0x80, s13, s25, $0xb8;
	[tilespmem:$0x1D000] =	vst v63  }
0x12b: {  	_ =	swait.ge [sflag:s22], $0x4000  }
0x12c: {  	[sflag:s22] =	ssyncset.done $0x0  }
0x12d: {  	s13 =	rddreg [dreg:$0xe];
	[sflag:s22] =	ssyncadd.s32 $0xFFFFC000  }
0x12e: {  	[tilespmem:s21], [sflag:$0x1] =	stream.indirect.gather [hbm4b:s4+s25], $0x80, s13, s25, $0xb8;
	[tilespmem:$0x1D000] =	vst v63  }
0x12f: {  	_ =	swait.ge [sflag:s29], $0x4000  }
0x130: {  	[sflag:s29] =	ssyncset.done $0x0  }
0x131: {  	s13 =	rddreg [dreg:$0xf];
	[sflag:s29] =	ssyncadd.s32 $0xFFFFC000  }
0x132: {  	[spmem:s2] =	stream.indirect.scatter.add.f32 [tilespmem:s26], [sflag:$0x3], $0x80, s13, s25, $0xb8;
	[tilespmem:$0x1D000] =	vst v63  }
0x133: {  	_ =	swait.ge [sflag:s22], $0x4000  }
0x134: {  	[sflag:s22] =	ssyncset.done $0x0  }
0x135: {  	s13 =	rddreg [dreg:$0x10];
	[sflag:s22] =	ssyncadd.s32 $0xFFFFC000  }
0x136: {  	[tilespmem:s26], [sflag:$0x2] =	stream.indirect.gather [hbm4b:s4+s25], $0x80, s13, s25, $0xb8;
	[tilespmem:$0x1D000] =	vst v63  }
0x137: {  	_ =	swait.ge [sflag:s28], $0x4000  }
0x138: {  	[sflag:s28] =	ssyncset.done $0x0  }
0x139: {  	s13 =	rddreg [dreg:$0x11];
	[sflag:s28] =	ssyncadd.s32 $0xFFFFC000  }
0x13a: {  	[spmem:s2] =	stream.indirect.scatter.add.f32 [tilespmem:s21], [sflag:$0x3], $0x80, s13, s25, $0xb8;
	[tilespmem:$0x1D000] =	vst v63  }
0x13b: {  	_ =	swait.ge [sflag:s22], $0x4000  }
0x13c: {  	[sflag:s22] =	ssyncset.done $0x0  }
0x13d: {  	s13 =	rddreg [dreg:$0x12];
	[sflag:s22] =	ssyncadd.s32 $0xFFFFC000  }
0x13e: {  	[tilespmem:s21], [sflag:$0x1] =	stream.indirect.gather [hbm4b:s4+s25], $0x80, s13, s25, $0xb8;
	[tilespmem:$0x1D000] =	vst v63  }
0x13f: {  	_ =	swait.ge [sflag:s29], $0x4000  }
0x140: {  	[sflag:s29] =	ssyncset.done $0x0  }
0x141: {  	[sflag:s29] =	ssyncadd.s32 $0xFFFFC000  }
0x142: {  	[spmem:s2] =	stream.indirect.scatter.add.f32 [tilespmem:s26], [sflag:$0x3], $0x80, s30, s25, $0xb8;
	[tilespmem:$0x1D000] =	vst v63  }
0x143: {  	_ =	swait.ge [sflag:s22], $0x4000  }
0x144: {  	[sflag:s22] =	ssyncset.done $0x0  }
0x145: {  	[sflag:s22] =	ssyncadd.s32 $0xFFFFC000  }
0x146: {  	[tilespmem:s26], [sflag:$0x2] =	stream.indirect.gather [hbm4b:s4+s25], $0x80, s31, s25, $0xb8;
	[tilespmem:$0x1D000] =	vst v63  }
0x147: {  	_ =	swait.ge [sflag:s28], $0x4000  }
0x148: {  	[sflag:s28] =	ssyncset.done $0x0  }
0x149: {  	[sflag:s28] =	ssyncadd.s32 $0xFFFFC000  }
0x14a: {  	[spmem:s2] =	stream.indirect.scatter.add.f32 [tilespmem:s21], [sflag:$0x3], $0x80, s1, s25, $0xb8;
	[tilespmem:$0x1D000] =	vst v63  }
0x14b: {  	_ =	swait.ge [sflag:s22], $0x4000  }
0x14c: {  	[sflag:s22] =	ssyncset.done $0x0  }
0x14d: {  	[sflag:s22] =	ssyncadd.s32 $0xFFFFC000  }
0x14e: {  	[tilespmem:s21], [sflag:$0x1] =	stream.indirect.gather [hbm4b:s4+s25], $0x80, s0, s25, $0xb8;
	[tilespmem:$0x1D000] =	vst v63  }
0x14f: {  	_ =	swait.ge [sflag:s29], $0x4000  }
0x150: {  	[sflag:s29] =	ssyncset.done $0x0  }
0x151: {  	[sflag:s29] =	ssyncadd.s32 $0xFFFFC000  }
0x152: {  	[spmem:s2] =	stream.indirect.scatter.add.f32 [tilespmem:s26], [sflag:$0x3], $0x80, s7, s25, $0xb8;
	[tilespmem:$0x1D000] =	vst v63  }
0x153: {  	_ =	swait.ge [sflag:s22], $0x4000  }
0x154: {  	[sflag:s22] =	ssyncset.done $0x0  }
0x155: {  	[sflag:s22] =	ssyncadd.s32 $0xFFFFC000  }
0x156: {  	[tilespmem:s26], [sflag:$0x2] =	stream.indirect.gather [hbm4b:s4+s25], $0x80, s6, s25, $0xb8;
	[tilespmem:$0x1D000] =	vst v63  }
0x157: {  	_ =	swait.ge [sflag:s28], $0x4000  }
0x158: {  	[sflag:s28] =	ssyncset.done $0x0  }
0x159: {  	[sflag:s28] =	ssyncadd.s32 $0xFFFFC000  }
0x15a: {  	[spmem:s2] =	stream.indirect.scatter.add.f32 [tilespmem:s21], [sflag:$0x3], $0x80, s8, s25, $0xb8;
	[tilespmem:$0x1D000] =	vst v63  }
0x15b: {  	_ =	swait.ge [sflag:s22], $0x4000  }
0x15c: {  	[sflag:s22] =	ssyncset.done $0x0  }
0x15d: {  	[sflag:s22] =	ssyncadd.s32 $0xFFFFC000  }
0x15e: {  	[tilespmem:s21], [sflag:$0x1] =	stream.indirect.gather [hbm4b:s4+s25], $0x80, s10, s25, $0xb8;
	[tilespmem:$0x1D000] =	vst v63  }
0x15f: {  	_ =	swait.ge [sflag:s29], $0x4000  }
0x160: {  	[sflag:s29] =	ssyncset.done $0x0  }
0x161: {  	[sflag:s29] =	ssyncadd.s32 $0xFFFFC000  }
0x162: {  	[spmem:s2] =	stream.indirect.scatter.add.f32 [tilespmem:s26], [sflag:$0x3], $0x80, s12, s25, $0xb8;
	[tilespmem:$0x1D000] =	vst v63  }
0x163: {  	_ =	swait.ge [sflag:s22], $0x4000  }
0x164: {  	[sflag:s22] =	ssyncset.done $0x0  }
0x165: {  	[sflag:s22] =	ssyncadd.s32 $0xFFFFC000  }
0x166: {  	[tilespmem:s26], [sflag:$0x2] =	stream.indirect.gather [hbm4b:s4+s25], $0x80, s14, s25, $0xb8;
	[tilespmem:$0x1D000] =	vst v63  }
0x167: {  	_ =	swait.ge [sflag:s28], $0x4000  }
0x168: {  	[sflag:s28] =	ssyncset.done $0x0  }
0x169: {  	[sflag:s28] =	ssyncadd.s32 $0xFFFFC000  }
0x16a: {  	[spmem:s2] =	stream.indirect.scatter.add.f32 [tilespmem:s21], [sflag:$0x3], $0x80, s16, s25, $0xb8;
	[tilespmem:$0x1D000] =	vst v63  }
0x16b: {  	_ =	swait.ge [sflag:s22], $0x4000  }
0x16c: {  	[sflag:s22] =	ssyncset.done $0x0  }
0x16d: {  	[sflag:s22] =	ssyncadd.s32 $0xFFFFC000  }
0x16e: {  	[tilespmem:s21], [sflag:$0x1] =	stream.indirect.gather [hbm4b:s4+s25], $0x80, s17, s25, $0xb8;
	[tilespmem:$0x1D000] =	vst v63  }
0x16f: {  	_ =	swait.ge [sflag:s29], $0x4000  }
0x170: {  	[sflag:s29] =	ssyncset.done $0x0  }
0x171: {  	[sflag:s29] =	ssyncadd.s32 $0xFFFFC000  }
0x172: {  	[spmem:s2] =	stream.indirect.scatter.add.f32 [tilespmem:s26], [sflag:$0x3], $0x80, s18, s25, $0xb8;
	[tilespmem:$0x1D000] =	vst v63  }
0x173: {  	_ =	swait.ge [sflag:s22], $0x4000  }
0x174: {  	[sflag:s22] =	ssyncset.done $0x0  }
0x175: {  	[sflag:s22] =	ssyncadd.s32 $0xFFFFC000  }
0x176: {  	[tilespmem:s26], [sflag:$0x2] =	stream.indirect.gather [hbm4b:s4+s25], $0x80, s19, s25, $0xb8;
	[tilespmem:$0x1D000] =	vst v63  }
0x177: {  	_ =	swait.ge [sflag:s28], $0x4000  }
0x178: {  	[sflag:s28] =	ssyncset.done $0x0  }
0x179: {  	[sflag:s28] =	ssyncadd.s32 $0xFFFFC000  }
0x17a: {  	[spmem:s2] =	stream.indirect.scatter.add.f32 [tilespmem:s21], [sflag:$0x3], $0x80, s20, s25, $0xb8;
	[tilespmem:$0x1D000] =	vst v63  }
0x17b: {  	_ =	swait.ge [sflag:s22], $0x4000  }
0x17c: {  	[sflag:s22] =	ssyncset.done $0x0  }
0x17d: {  	[sflag:s22] =	ssyncadd.s32 $0xFFFFC000  }
0x17e: {  	p2 =	sne.s32 s9, $0x400;
	_ =	swait.ge [sflag:s29], $0x4000  }
.Ltmp3:
0x17f: {  	[sflag:s29] =	ssyncset.done $0x0;
	(pc) =	sbr.rel @p2 .LBB2_7-.Ltmp3, $4  }
0x180: {  	[sflag:s29] =	ssyncadd.s32 $0xFFFFC000  }
0x181: {  	[spmem:s2] =	stream.indirect.scatter.add.f32 [tilespmem:s26], [sflag:$0x3], $0x80, s5, s25, $0xb8;
	[tilespmem:$0x1D000] =	vst v63  }
0x182: {  	s11 =	smov.u32 s9;
	s9 =	sadd.s32 $0x100, s9;
	_ =	swait.ge [sflag:s22], $0x4000  }
0x183: {  	s15 =	smov.u32 s11;
	s13 =	rddreg [dreg:$0x4];
	[sflag:s22] =	ssyncset.done $0x0  }
0x184: {  	[sflag:s22] =	ssyncadd.s32 $0xFFFFC000;
	s9 =	sadd.s32 s15, s13  }
0x185: {  	[tilespmem:s23], [sflag:$0x3] =	stream.linear.gather [hbm4b:s9+s3], $0x800, $0x38;
	[tilespmem:$0x1D000] =	vst v63  }
0x186: {  	_ =	swait.ge [sflag:s22], $0x800  }
0x187: {  	s11 =	rddreg [dreg:$0x3];
	[sflag:s22] =	ssyncset.done $0x0  }
0x188: {  	s9 =	sadd.s32 s15, s11;
	[sflag:s22] =	ssyncadd.s32 $0xFFFFF800  }
0x189: {  	[tilespmem:s24], [sflag:$0x3] =	stream.linear.gather [hbm4b:s9+s3], $0x800, $0x38;
	[tilespmem:$0x1D000] =	vst v63  }
0x18a: {  	_ =	swait.ge [sflag:s22], $0x800  }
0x18b: {  	[sflag:s22] =	ssyncset.done $0x0  }
0x18c: {  	[sflag:s22] =	ssyncadd.s32 $0xFFFFF800  }
0x18d: {  	[tilespmem:s21], [sflag:$0x1] =	stream.indirect.gather [hbm4b:s4+s25], $0x80, s23, s25, $0xb8;
	[tilespmem:$0x1D000] =	vst v63  }
0x18e: {  	s13 =	rddreg [dreg:$0x5]  }
0x18f: {  	[tilespmem:s26], [sflag:$0x2] =	stream.indirect.gather [hbm4b:s4+s25], $0x80, s13, s25, $0xb8;
	[tilespmem:$0x1D000] =	vst v63  }
0x190: {  	_ =	swait.ge [sflag:s28], $0x4000  }
0x191: {  	[sflag:s28] =	ssyncset.done $0x0  }
0x192: {  	[sflag:s28] =	ssyncadd.s32 $0xFFFFC000  }
0x193: {  	[spmem:s2] =	stream.indirect.scatter.add.f32 [tilespmem:s21], [sflag:$0x3], $0x80, s24, s25, $0xb8;
	[tilespmem:$0x1D000] =	vst v63  }
0x194: {  	_ =	swait.ge [sflag:s22], $0x4000  }
0x195: {  	[sflag:s22] =	ssyncset.done $0x0  }
0x196: {  	s15 =	rddreg [dreg:$0x6];
	[sflag:s22] =	ssyncadd.s32 $0xFFFFC000  }
0x197: {  	[tilespmem:s21], [sflag:$0x1] =	stream.indirect.gather [hbm4b:s4+s25], $0x80, s15, s25, $0xb8;
	[tilespmem:$0x1D000] =	vst v63  }
0x198: {  	_ =	swait.ge [sflag:s29], $0x4000  }
0x199: {  	[sflag:s29] =	ssyncset.done $0x0  }
0x19a: {  	s11 =	rddreg [dreg:$0x7];
	[sflag:s29] =	ssyncadd.s32 $0xFFFFC000  }
0x19b: {  	[spmem:s2] =	stream.indirect.scatter.add.f32 [tilespmem:s26], [sflag:$0x3], $0x80, s11, s25, $0xb8;
	[tilespmem:$0x1D000] =	vst v63  }
0x19c: {  	_ =	swait.ge [sflag:s22], $0x4000  }
0x19d: {  	[sflag:s22] =	ssyncset.done $0x0  }
0x19e: {  	s13 =	rddreg [dreg:$0x8];
	[sflag:s22] =	ssyncadd.s32 $0xFFFFC000  }
0x19f: {  	[tilespmem:s26], [sflag:$0x2] =	stream.indirect.gather [hbm4b:s4+s25], $0x80, s13, s25, $0xb8;
	[tilespmem:$0x1D000] =	vst v63  }
0x1a0: {  	_ =	swait.ge [sflag:s28], $0x4000  }
0x1a1: {  	[sflag:s28] =	ssyncset.done $0x0  }
0x1a2: {  	s15 =	rddreg [dreg:$0x9];
	[sflag:s28] =	ssyncadd.s32 $0xFFFFC000  }
0x1a3: {  	[spmem:s2] =	stream.indirect.scatter.add.f32 [tilespmem:s21], [sflag:$0x3], $0x80, s15, s25, $0xb8;
	[tilespmem:$0x1D000] =	vst v63  }
0x1a4: {  	_ =	swait.ge [sflag:s22], $0x4000  }
0x1a5: {  	[sflag:s22] =	ssyncset.done $0x0  }
0x1a6: {  	s11 =	rddreg [dreg:$0xa];
	[sflag:s22] =	ssyncadd.s32 $0xFFFFC000  }
0x1a7: {  	[tilespmem:s21], [sflag:$0x1] =	stream.indirect.gather [hbm4b:s4+s25], $0x80, s11, s25, $0xb8;
	[tilespmem:$0x1D000] =	vst v63  }
0x1a8: {  	_ =	swait.ge [sflag:s29], $0x4000  }
0x1a9: {  	[sflag:s29] =	ssyncset.done $0x0  }
0x1aa: {  	s13 =	rddreg [dreg:$0xb];
	[sflag:s29] =	ssyncadd.s32 $0xFFFFC000  }
0x1ab: {  	[spmem:s2] =	stream.indirect.scatter.add.f32 [tilespmem:s26], [sflag:$0x3], $0x80, s13, s25, $0xb8;
	[tilespmem:$0x1D000] =	vst v63  }
0x1ac: {  	_ =	swait.ge [sflag:s22], $0x4000  }
0x1ad: {  	[sflag:s22] =	ssyncset.done $0x0  }
0x1ae: {  	s15 =	rddreg [dreg:$0xc];
	[sflag:s22] =	ssyncadd.s32 $0xFFFFC000  }
0x1af: {  	[tilespmem:s26], [sflag:$0x2] =	stream.indirect.gather [hbm4b:s4+s25], $0x80, s15, s25, $0xb8;
	[tilespmem:$0x1D000] =	vst v63  }
0x1b0: {  	_ =	swait.ge [sflag:s28], $0x4000  }
0x1b1: {  	[sflag:s28] =	ssyncset.done $0x0  }
0x1b2: {  	s11 =	rddreg [dreg:$0xd];
	[sflag:s28] =	ssyncadd.s32 $0xFFFFC000  }
0x1b3: {  	[spmem:s2] =	stream.indirect.scatter.add.f32 [tilespmem:s21], [sflag:$0x3], $0x80, s11, s25, $0xb8;
	[tilespmem:$0x1D000] =	vst v63  }
0x1b4: {  	_ =	swait.ge [sflag:s22], $0x4000  }
0x1b5: {  	[sflag:s22] =	ssyncset.done $0x0  }
0x1b6: {  	s13 =	rddreg [dreg:$0xe];
	[sflag:s22] =	ssyncadd.s32 $0xFFFFC000  }
0x1b7: {  	[tilespmem:s21], [sflag:$0x1] =	stream.indirect.gather [hbm4b:s4+s25], $0x80, s13, s25, $0xb8;
	[tilespmem:$0x1D000] =	vst v63  }
0x1b8: {  	_ =	swait.ge [sflag:s29], $0x4000  }
0x1b9: {  	[sflag:s29] =	ssyncset.done $0x0  }
0x1ba: {  	s15 =	rddreg [dreg:$0xf];
	[sflag:s29] =	ssyncadd.s32 $0xFFFFC000  }
0x1bb: {  	[spmem:s2] =	stream.indirect.scatter.add.f32 [tilespmem:s26], [sflag:$0x3], $0x80, s15, s25, $0xb8;
	[tilespmem:$0x1D000] =	vst v63  }
0x1bc: {  	_ =	swait.ge [sflag:s22], $0x4000  }
0x1bd: {  	[sflag:s22] =	ssyncset.done $0x0  }
0x1be: {  	s11 =	rddreg [dreg:$0x10];
	[sflag:s22] =	ssyncadd.s32 $0xFFFFC000  }
0x1bf: {  	[tilespmem:s26], [sflag:$0x2] =	stream.indirect.gather [hbm4b:s4+s25], $0x80, s11, s25, $0xb8;
	[tilespmem:$0x1D000] =	vst v63  }
0x1c0: {  	_ =	swait.ge [sflag:s28], $0x4000  }
0x1c1: {  	[sflag:s28] =	ssyncset.done $0x0  }
0x1c2: {  	s13 =	rddreg [dreg:$0x11];
	[sflag:s28] =	ssyncadd.s32 $0xFFFFC000  }
0x1c3: {  	[spmem:s2] =	stream.indirect.scatter.add.f32 [tilespmem:s21], [sflag:$0x3], $0x80, s13, s25, $0xb8;
	[tilespmem:$0x1D000] =	vst v63  }
0x1c4: {  	_ =	swait.ge [sflag:s22], $0x4000  }
0x1c5: {  	[sflag:s22] =	ssyncset.done $0x0  }
0x1c6: {  	s15 =	rddreg [dreg:$0x12];
	[sflag:s22] =	ssyncadd.s32 $0xFFFFC000  }
0x1c7: {  	[tilespmem:s21], [sflag:$0x1] =	stream.indirect.gather [hbm4b:s4+s25], $0x80, s15, s25, $0xb8;
	[tilespmem:$0x1D000] =	vst v63  }
0x1c8: {  	_ =	swait.ge [sflag:s29], $0x4000  }
0x1c9: {  	[sflag:s29] =	ssyncset.done $0x0  }
0x1ca: {  	[sflag:s29] =	ssyncadd.s32 $0xFFFFC000  }
0x1cb: {  	[spmem:s2] =	stream.indirect.scatter.add.f32 [tilespmem:s26], [sflag:$0x3], $0x80, s30, s25, $0xb8;
	[tilespmem:$0x1D000] =	vst v63  }
0x1cc: {  	_ =	swait.ge [sflag:s22], $0x4000  }
0x1cd: {  	[sflag:s22] =	ssyncset.done $0x0  }
0x1ce: {  	[sflag:s22] =	ssyncadd.s32 $0xFFFFC000  }
0x1cf: {  	[tilespmem:s26], [sflag:$0x2] =	stream.indirect.gather [hbm4b:s4+s25], $0x80, s31, s25, $0xb8;
	[tilespmem:$0x1D000] =	vst v63  }
0x1d0: {  	_ =	swait.ge [sflag:s28], $0x4000  }
0x1d1: {  	[sflag:s28] =	ssyncset.done $0x0  }
0x1d2: {  	[sflag:s28] =	ssyncadd.s32 $0xFFFFC000  }
0x1d3: {  	[spmem:s2] =	stream.indirect.scatter.add.f32 [tilespmem:s21], [sflag:$0x3], $0x80, s1, s25, $0xb8;
	[tilespmem:$0x1D000] =	vst v63  }
0x1d4: {  	_ =	swait.ge [sflag:s22], $0x4000  }
0x1d5: {  	[sflag:s22] =	ssyncset.done $0x0  }
0x1d6: {  	[sflag:s22] =	ssyncadd.s32 $0xFFFFC000  }
0x1d7: {  	[tilespmem:s21], [sflag:$0x1] =	stream.indirect.gather [hbm4b:s4+s25], $0x80, s0, s25, $0xb8;
	[tilespmem:$0x1D000] =	vst v63  }
0x1d8: {  	_ =	swait.ge [sflag:s29], $0x4000  }
0x1d9: {  	[sflag:s29] =	ssyncset.done $0x0  }
0x1da: {  	[sflag:s29] =	ssyncadd.s32 $0xFFFFC000  }
0x1db: {  	[spmem:s2] =	stream.indirect.scatter.add.f32 [tilespmem:s26], [sflag:$0x3], $0x80, s7, s25, $0xb8;
	[tilespmem:$0x1D000] =	vst v63  }
0x1dc: {  	_ =	swait.ge [sflag:s22], $0x4000  }
0x1dd: {  	[sflag:s22] =	ssyncset.done $0x0  }
0x1de: {  	[sflag:s22] =	ssyncadd.s32 $0xFFFFC000  }
0x1df: {  	[tilespmem:s26], [sflag:$0x2] =	stream.indirect.gather [hbm4b:s4+s25], $0x80, s6, s25, $0xb8;
	[tilespmem:$0x1D000] =	vst v63  }
0x1e0: {  	_ =	swait.ge [sflag:s28], $0x4000  }
0x1e1: {  	[sflag:s28] =	ssyncset.done $0x0  }
0x1e2: {  	[sflag:s28] =	ssyncadd.s32 $0xFFFFC000  }
0x1e3: {  	[spmem:s2] =	stream.indirect.scatter.add.f32 [tilespmem:s21], [sflag:$0x3], $0x80, s8, s25, $0xb8;
	[tilespmem:$0x1D000] =	vst v63  }
0x1e4: {  	_ =	swait.ge [sflag:s22], $0x4000  }
0x1e5: {  	[sflag:s22] =	ssyncset.done $0x0  }
0x1e6: {  	[sflag:s22] =	ssyncadd.s32 $0xFFFFC000  }
0x1e7: {  	[tilespmem:s21], [sflag:$0x1] =	stream.indirect.gather [hbm4b:s4+s25], $0x80, s10, s25, $0xb8;
	[tilespmem:$0x1D000] =	vst v63  }
0x1e8: {  	_ =	swait.ge [sflag:s29], $0x4000  }
0x1e9: {  	[sflag:s29] =	ssyncset.done $0x0  }
0x1ea: {  	[sflag:s29] =	ssyncadd.s32 $0xFFFFC000  }
0x1eb: {  	[spmem:s2] =	stream.indirect.scatter.add.f32 [tilespmem:s26], [sflag:$0x3], $0x80, s12, s25, $0xb8;
	[tilespmem:$0x1D000] =	vst v63  }
0x1ec: {  	_ =	swait.ge [sflag:s22], $0x4000  }
0x1ed: {  	[sflag:s22] =	ssyncset.done $0x0  }
0x1ee: {  	[sflag:s22] =	ssyncadd.s32 $0xFFFFC000  }
0x1ef: {  	[tilespmem:s26], [sflag:$0x2] =	stream.indirect.gather [hbm4b:s4+s25], $0x80, s14, s25, $0xb8;
	[tilespmem:$0x1D000] =	vst v63  }
0x1f0: {  	_ =	swait.ge [sflag:s28], $0x4000  }
0x1f1: {  	[sflag:s28] =	ssyncset.done $0x0  }
0x1f2: {  	[sflag:s28] =	ssyncadd.s32 $0xFFFFC000  }
0x1f3: {  	[spmem:s2] =	stream.indirect.scatter.add.f32 [tilespmem:s21], [sflag:$0x3], $0x80, s16, s25, $0xb8;
	[tilespmem:$0x1D000] =	vst v63  }
0x1f4: {  	_ =	swait.ge [sflag:s22], $0x4000  }
0x1f5: {  	[sflag:s22] =	ssyncset.done $0x0  }
0x1f6: {  	[sflag:s22] =	ssyncadd.s32 $0xFFFFC000  }
0x1f7: {  	[tilespmem:s21], [sflag:$0x1] =	stream.indirect.gather [hbm4b:s4+s25], $0x80, s17, s25, $0xb8;
	[tilespmem:$0x1D000] =	vst v63  }
0x1f8: {  	_ =	swait.ge [sflag:s29], $0x4000  }
0x1f9: {  	[sflag:s29] =	ssyncset.done $0x0  }
0x1fa: {  	[sflag:s29] =	ssyncadd.s32 $0xFFFFC000  }
0x1fb: {  	[spmem:s2] =	stream.indirect.scatter.add.f32 [tilespmem:s26], [sflag:$0x3], $0x80, s18, s25, $0xb8;
	[tilespmem:$0x1D000] =	vst v63  }
0x1fc: {  	_ =	swait.ge [sflag:s22], $0x4000  }
0x1fd: {  	[sflag:s22] =	ssyncset.done $0x0  }
0x1fe: {  	[sflag:s22] =	ssyncadd.s32 $0xFFFFC000  }
0x1ff: {  	[tilespmem:s26], [sflag:$0x2] =	stream.indirect.gather [hbm4b:s4+s25], $0x80, s19, s25, $0xb8;
	[tilespmem:$0x1D000] =	vst v63  }
0x200: {  	_ =	swait.ge [sflag:s28], $0x4000  }
0x201: {  	[sflag:s28] =	ssyncset.done $0x0  }
0x202: {  	[sflag:s28] =	ssyncadd.s32 $0xFFFFC000  }
0x203: {  	[spmem:s2] =	stream.indirect.scatter.add.f32 [tilespmem:s21], [sflag:$0x3], $0x80, s20, s25, $0xb8;
	[tilespmem:$0x1D000] =	vst v63  }
0x204: {  	_ =	swait.ge [sflag:s22], $0x4000  }
0x205: {  	[sflag:s22] =	ssyncset.done $0x0  }
0x206: {  	[sflag:s22] =	ssyncadd.s32 $0xFFFFC000  }
0x207: {  	_ =	swait.ge [sflag:s29], $0x4000  }
0x208: {  	[sflag:s29] =	ssyncset.done $0x0  }
0x209: {  	[sflag:s29] =	ssyncadd.s32 $0xFFFFC000  }
0x20a: {  	[spmem:s2] =	stream.indirect.scatter.add.f32 [tilespmem:s26], [sflag:$0x3], $0x80, s5, s25, $0xb8;
	[tilespmem:$0x1D000] =	vst v63  }
0x20b: {  	_ =	swait.ge [sflag:s22], $0x4000  }
0x20c: {  	[sflag:s22] =	ssyncset.done $0x0  }
0x20d: {  	[sflag:s22] =	ssyncadd.s32 $0xFFFFC000  }
0x20e: {  	[bflag:$0x0] =	sbarrier.arrive $0xFFFF  }
0x20f: {  	s13 =	rddreg [dreg:$0x13]  }
0x210: {  	[tilespmem:s21], [sflag:$0x3] =	stream.linear.gather [spmem:s13], $0x4000, $0x38;
	[tilespmem:$0x1D000] =	vst v63  }
0x211: {  	_ =	swait.ge [sflag:s22], $0x4000  }
0x212: {  	s11 =	simm.s32 $0x400;
	[sflag:s22] =	ssyncset.done $0x0  }
0x213: {  	s15 =	simm.s32 $0x800;
	s9 =	rddreg [dreg:$0x1e];
	[sflag:s22] =	ssyncadd.s32 $0xFFFFC000  }
0x214: {  	[hbm4b:s9+s11] =	stream.strided.scatter [tilespmem:s21], [sflag:$0x3], $0x4000, s15, s11, $0x38;
	[tilespmem:$0x1D000] =	vst v63  }
0x215: {  	_ =	swait.ge [sflag:s22], $0x4000  }
0x216: {  	[sflag:s22] =	ssyncset.done $0x0  }
0x217: {  	s9 =	rddreg [dreg:$0x17];
	[sflag:s22] =	ssyncadd.s32 $0xFFFFC000  }
0x218: {  	[tilespmem:s21], [sflag:$0x3] =	stream.linear.gather [spmem:s9], $0x4000, $0x38;
	[tilespmem:$0x1D000] =	vst v63  }
0x219: {  	_ =	swait.ge [sflag:s22], $0x4000  }
0x21a: {  	[sflag:s22] =	ssyncset.done $0x0  }
0x21b: {  	s9 =	rddreg [dreg:$0x1f];
	[sflag:s22] =	ssyncadd.s32 $0xFFFFC000  }
0x21c: {  	[hbm4b:s9+s11] =	stream.strided.scatter [tilespmem:s21], [sflag:$0x3], $0x4000, s15, s11, $0x38;
	[tilespmem:$0x1D000] =	vst v63  }
0x21d: {  	_ =	swait.ge [sflag:s22], $0x4000  }
0x21e: {  	[sflag:s22] =	ssyncset.done $0x0  }
0x21f: {  	s9 =	rddreg [dreg:$0x19];
	[sflag:s22] =	ssyncadd.s32 $0xFFFFC000  }
0x220: {  	[tilespmem:s21], [sflag:$0x3] =	stream.linear.gather [spmem:s9], $0x4000, $0x38;
	[tilespmem:$0x1D000] =	vst v63  }
0x221: {  	_ =	swait.ge [sflag:s22], $0x4000  }
0x222: {  	s9 =	sld [smem:$0x7FB]  }
0x223: {  	[sflag:s22] =	ssyncset.done $0x0  }
0x224: {  	[sflag:s22] =	ssyncadd.s32 $0xFFFFC000  }
0x225: {  	[hbm4b:s9+s11] =	stream.strided.scatter [tilespmem:s21], [sflag:$0x3], $0x4000, s15, s11, $0x38;
	[tilespmem:$0x1D000] =	vst v63  }
0x226: {  	_ =	swait.ge [sflag:s22], $0x4000  }
0x227: {  	[sflag:s22] =	ssyncset.done $0x0  }
0x228: {  	s9 =	rddreg [dreg:$0x1b];
	[sflag:s22] =	ssyncadd.s32 $0xFFFFC000  }
0x229: {  	[tilespmem:s21], [sflag:$0x3] =	stream.linear.gather [spmem:s9], $0x4000, $0x38;
	[tilespmem:$0x1D000] =	vst v63  }
0x22a: {  	_ =	swait.ge [sflag:s22], $0x4000  }
0x22b: {  	s9 =	sld [smem:$0x7FC]  }
0x22c: {  	[sflag:s22] =	ssyncset.done $0x0  }
0x22d: {  	[sflag:s22] =	ssyncadd.s32 $0xFFFFC000  }
0x22e: {  	[hbm4b:s9+s11] =	stream.strided.scatter [tilespmem:s21], [sflag:$0x3], $0x4000, s15, s11, $0x38;
	[tilespmem:$0x1D000] =	vst v63  }
0x22f: {  	_ =	swait.ge [sflag:s22], $0x4000  }
0x230: {  	[sflag:s22] =	ssyncset.done $0x0  }
0x231: {  	s9 =	rddreg [dreg:$0x1d];
	[sflag:s22] =	ssyncadd.s32 $0xFFFFC000  }
0x232: {  	[tilespmem:s21], [sflag:$0x3] =	stream.linear.gather [spmem:s9], $0x4000, $0x38;
	[tilespmem:$0x1D000] =	vst v63  }
0x233: {  	_ =	swait.ge [sflag:s22], $0x4000  }
0x234: {  	s9 =	sld [smem:$0x7FD]  }
0x235: {  	[sflag:s22] =	ssyncset.done $0x0  }
0x236: {  	[sflag:s22] =	ssyncadd.s32 $0xFFFFC000  }
0x237: {  	[hbm4b:s9+s11] =	stream.strided.scatter [tilespmem:s21], [sflag:$0x3], $0x4000, s15, s11, $0x38;
	[tilespmem:$0x1D000] =	vst v63  }
0x238: {  	_ =	swait.ge [sflag:s22], $0x4000  }
0x239: {  	s9 =	sld [smem:$0x7FA];
	_ =	sdelay $0x2  }
0x23a: {  	s15 =	rddreg [dreg:$0x14];
	s11 =	sadd.s32 $0x1, s9  }
0x23b: {  	p2 =	sne.s32 s11, s15  }
.Ltmp4:
0x23c: {  	_ = 	snop;
	(pc) =	sbr.rel @p2 .LBB2_1-.Ltmp4, $3  }
0x23d: {  	_ =	sdelay $0x1  }
0x23e: {  	[sflag:s22] =	ssyncset.done $0x0  }
0x23f: {  	[sflag:s22] =	ssyncadd.s32 $0xFFFFC000  }
0x240: {  	_ =	sfence.sel $0x180000  }
0x241: {  	[bflag:$0x0] =	sbarrier.arrive $0xFFFF  }
0x242: {  	_ =	strace $0x9000004A  }
0x243: {  	s0 =	stileid.u32;
	[bflag:$0x2] =	sbarrier.arrive $0xFFFF  }
0x244: {  	p0 =	sne.s32 s0, $0x0;
	s0 =	rddreg [dreg:$0x2]  }
0x245: {  	s0 =	sadd.s32 @!p0 $0x100000, s0  }
0x246: {  	[sflag:s0] =	ssyncadd.tile.s32 @!p0 $0x1;
	_ =	shalt  }
.Lfunc_end2:
_tile_overlayer_lowered:
.L_overlay_start_2:
0x247: {  	(tag) =	ssettag $0x2  }
0x248: {  	s0 =	rddreg [dreg:$0x0];
	s2 =	stileid.u32  }
0x249: {  	s1 =	rddreg [dreg:$0x1];
	p0 =	sne.s32 s2, $0x0  }
0x24a: {  	s3 =	rddreg [dreg:$0x2];
	[bflag:$0x3] =	sbarrier.arrive $0xFFFF;
	s2 =	simm.s32 @!p0 $0x1C03  }
0x24b: {  	[timem:s3], [sflag:s2] =	dma.local @!p0 [hbm:s0], s1  }
0x24c: {  	s0 =	simm.s32 @!p0 $0x3  }
0x24d: {  	_ =	swait.ge @!p0 [sflag:s0], s1  }
0x24e: {  	s1 =	ssub.s32 @!p0 $0x0, s1;
	[sflag:s0] =	ssyncset.done @!p0 $0x0  }
0x24f: {  	[sflag:s0] =	ssyncadd.s32 @!p0 s1  }
0x250: {  	[bflag:$0x3] =	sbarrier.arrive $0xFFFF  }
0x251: {  	_ =	shalt  }

// kernel: kernel.16.cloned.1.call-start
scs
__scs_entry_jumppad:
0x0: {  	(pc) =	sbr.rel $0x88, $3  }
0x1: {  	(tag) =	ssettag $0x0;
	lr =	simm.s32 $0x1  }
0x2: {  	[smem:$0x3F94] =	sst lr;
	_ =	strace $0xD0000000  }
0x3: {  	_ = 	snop  }
0x4: {  	_ = 	snop  }
0x5: {  	_ = 	snop  }
0x6: {  	_ = 	snop  }
0x7: {  	_ = 	snop  }
__scs_overlays_trampoline_lowered:
0x8: {  	[smem:$0x3FA3] =	sst s0  }
0x9: {  	[smem:$0x3FA4] =	sst s1  }
0xa: {  	[smem:$0x3FA5] =	sst s2  }
0xb: {  	[smem:$0x3FA6] =	sst s3  }
0xc: {  	[smem:$0x3FA7] =	sst s4  }
0xd: {  	[smem:$0x3FA8] =	sst s5  }
0xe: {  	[smem:$0x3FA9] =	sst s6  }
0xf: {  	[smem:$0x3FAA] =	sst s7  }
0x10: {  	[smem:$0x3FAB] =	sst s8  }
0x11: {  	[smem:$0x3FAC] =	sst s9;
	s0 =	simm.s32 @!p0 $0x0  }
0x12: {  	s1 =	sld [smem:$0x3F92];
	s0 =	simm.s32 @p0 $0x1  }
0x13: {  	[smem:$0x3FAD] =	sst s0;
	s0 =	simm.s32 @!p1 $0x0  }
0x14: {  	s2 =	sld [smem:$0x3F91];
	s0 =	simm.s32 @p1 $0x1  }
0x15: {  	[smem:$0x3FAE] =	sst s0;
	s0 =	simm.s32 @!p2 $0x0  }
0x16: {  	s3 =	sld [smem:$0x3FDB];
	s0 =	simm.s32 @p2 $0x1  }
0x17: {  	s4 =	simm.s32 $0x1BF5;
	[smem:$0x3FB0] =	sst s0  }
0x18: {  	s0 =	sld [smem:$0x3F93];
	_ =	swait.ge [sflag:s4], $0x0  }
0x19: {  	s7 =	sld [smem:$0x3F94]  }
0x1a: {  	s8 =	sadd.s32 $0xFFFFE003, lr  }
0x1b: {  	s9 =	sadd.s32 $0xFFFFFEF7, lr;
	s5 =	simm.s32 $0xFFFFFFFF;
	p2 =	slt.u32 s8, $0xFFFFF086  }
0x1c: {  	p1 =	slt.u32 s9, $0xF7A;
	s5 =	simm.s32 @!p2 $0x0  }
0x1d: {  	s5 =	simm.s32 @p1 $0x1;
	p0 =	seq.s32 s7, s2  }
0x1e: {  	s7 =	smul.u32 @!p0 $0xF7A, s2;
	p2 =	seq.s32 @!p0 s5, $0x0  }
0x1f: {  	s9 =	smul.u32 $0xF7A, s1;
	s8 =	simm.s32 @!p0 $0x1BF5;
	p2 =	por !p2, p0  }
0x20: {  	[sflag:s8] =	ssyncset.s32 @!p0 $0xFFFFF086;
	s6 =	sadd.s32 @!p0 s3, s7;
	s7 =	simm.s32 @!p0 $0x108  }
0x21: {  	s3 =	sadd.s32 s3, s9;
	s6 =	sadd.s32 @!p0 $0x88, s6;
	s7 =	simm.s32 @p2 $0x1082  }
0x22: {  	[simem:s7], [sflag:s8] =	dma.local @!p0 [hbm:s6], $0xF7A  }
0x23: {  	s9 =	sor.u32 $0xD0000000, s2;
	s6 =	simm.s32 $0x108;
	_ =	swait.ge @!p0 [sflag:s8], $0x0  }
0x24: {  	s3 =	sadd.s32 $0x88, s3;
	s6 =	simm.s32 @!p1 $0x1082;
	[sflag:s4] =	ssyncset.s32 $0xFFFFF086  }
0x25: {  	[simem:s6], [sflag:s4] =	dma.local [hbm:s3], $0xF7A  }
0x26: {  	[smem:$0x3F94] =	sst s1;
	(tag) =	ssettag s2;
	_ =	strace s9  }
0x27: {  	s1 =	sld [smem:$0x3FA4]  }
0x28: {  	s2 =	sld [smem:$0x3FA5]  }
0x29: {  	s4 =	sld [smem:$0x3FA7]  }
0x2a: {  	p0 =	seq.s32 s5, $0x0;
	s5 =	sld [smem:$0x3FA8]  }
0x2b: {  	s6 =	sld [smem:$0x3FA9]  }
0x2c: {  	s7 =	sld [smem:$0x3FAA]  }
0x2d: {  	s3 =	simm.s32 $0x108;
	s8 =	sld [smem:$0x3FAB]  }
0x2e: {  	s3 =	simm.s32 @!p0 $0x1082;
	s9 =	sld [smem:$0x3FAC]  }
0x2f: {  	lr =	sadd.s32 s0, s3;
	s0 =	sld [smem:$0x3FA3]  }
0x30: {  	s3 =	sld [smem:$0x3FA6]  }
0x31: {  	[smem:$0x3FAF] =	sst s10  }
0x32: {  	s10 =	sld [smem:$0x3FAD];
	_ =	sdelay $0x3  }
0x33: {  	p0 =	seq.s32 s10, $0x1;
	s10 =	sld [smem:$0x3FAF];
	_ =	sdelay $0x3  }
0x34: {  	[smem:$0x3FAF] =	sst s10  }
0x35: {  	s10 =	sld [smem:$0x3FAE];
	_ =	sdelay $0x3  }
0x36: {  	p1 =	seq.s32 s10, $0x1;
	s10 =	sld [smem:$0x3FAF];
	_ =	sdelay $0x3  }
0x37: {  	[smem:$0x3FAF] =	sst s10  }
0x38: {  	s10 =	sld [smem:$0x3FB0]  }
0x39: {  	_ = 	snop;
	(pc) =	sbr.ind lr, $3  }
0x3a: {  	_ = 	snop  }
0x3b: {  	_ = 	snop  }
0x3c: {  	p2 =	seq.s32 s10, $0x1;
	s10 =	sld [smem:$0x3FAF]  }
0x3d: {  	_ =	shalt  }
0x3e: {  	_ =	shalt  }
0x3f: {  	_ =	shalt  }
0x40: {  	_ =	shalt  }
0x41: {  	_ =	shalt  }
0x42: {  	_ =	shalt  }
0x43: {  	_ =	shalt  }
0x44: {  	_ =	shalt  }
0x45: {  	_ =	shalt  }
0x46: {  	_ =	shalt  }
0x47: {  	_ =	shalt  }
0x48: {  	_ =	shalt  }
0x49: {  	_ =	shalt  }
0x4a: {  	_ =	shalt  }
0x4b: {  	_ =	shalt  }
0x4c: {  	_ =	shalt  }
0x4d: {  	_ =	shalt  }
0x4e: {  	_ =	shalt  }
0x4f: {  	_ =	shalt  }
0x50: {  	_ =	shalt  }
0x51: {  	_ =	shalt  }
0x52: {  	_ =	shalt  }
0x53: {  	_ =	shalt  }
0x54: {  	_ =	shalt  }
0x55: {  	_ =	shalt  }
0x56: {  	_ =	shalt  }
0x57: {  	_ =	shalt  }
0x58: {  	_ =	shalt  }
0x59: {  	_ =	shalt  }
0x5a: {  	_ =	shalt  }
0x5b: {  	_ =	shalt  }
0x5c: {  	_ =	shalt  }
0x5d: {  	_ =	shalt  }
0x5e: {  	_ =	shalt  }
0x5f: {  	_ =	shalt  }
0x60: {  	_ =	shalt  }
0x61: {  	_ =	shalt  }
0x62: {  	_ =	shalt  }
0x63: {  	_ =	shalt  }
0x64: {  	_ =	shalt  }
0x65: {  	_ =	shalt  }
0x66: {  	_ =	shalt  }
0x67: {  	_ =	shalt  }
0x68: {  	_ =	shalt  }
0x69: {  	_ =	shalt  }
0x6a: {  	_ =	shalt  }
0x6b: {  	_ =	shalt  }
0x6c: {  	_ =	shalt  }
0x6d: {  	_ =	shalt  }
0x6e: {  	_ =	shalt  }
0x6f: {  	_ =	shalt  }
0x70: {  	_ =	shalt  }
0x71: {  	_ =	shalt  }
0x72: {  	_ =	shalt  }
0x73: {  	_ =	shalt  }
0x74: {  	_ =	shalt  }
0x75: {  	_ =	shalt  }
0x76: {  	_ =	shalt  }
0x77: {  	_ =	shalt  }
0x78: {  	_ =	shalt  }
0x79: {  	_ =	shalt  }
0x7a: {  	_ =	shalt  }
0x7b: {  	_ =	shalt  }
0x7c: {  	_ =	shalt  }
0x7d: {  	_ =	shalt  }
0x7e: {  	_ =	shalt  }
0x7f: {  	_ =	shalt  }
0x80: {  	_ =	shalt  }
0x81: {  	_ =	shalt  }
0x82: {  	_ =	shalt  }
0x83: {  	_ =	shalt  }
0x84: {  	_ =	shalt  }
0x85: {  	_ =	shalt  }
0x86: {  	_ =	shalt  }
0x87: {  	_ =	shalt  }
.Lfunc_end0:
.L_simem_size_0:
called_computation.2_lowered:
.L_overlay_start_0:
0x88: {  	s2 =	sld [smem:$0x3FD9]  }
0x89: {  	s3 =	sld [smem:$0x3FFE];
	_ =	sdelay $0x1  }
0x8a: {  	s1 =	srdreg.scid  }
0x8b: {  	s0 =	sand.u32 $0x1, s1  }
0x8c: {  	s16 =	sshll.u32 s0, $0xA;
	s2 =	sadd.s32 s3, s2  }
0x8d: {  	s2 =	sadd.s32 s2, s16  }
0x8e: {  	[smem:$0x3FBB] =	sst s2  }
0x8f: {  	_ = 	snop  }
0x90: {  	(tm) =	ssettm $0x1  }
0x91: {  	s17 =	sld [smem:$0x3FFB];
	_ =	sdelay $0x3  }
0x92: {  	_ =	strace s17  }
0x93: {  	s2 =	sld [smem:$0x3FFC];
	_ =	sdelay $0x3  }
0x94: {  	_ =	strace s2  }
0x95: {  	s2 =	sld [smem:$0x3FFD];
	_ =	sdelay $0x3  }
0x96: {  	_ =	strace s2  }
0x97: {  	_ =	strace $0x8FFFFFFF  }
0x98: {  	s18 =	sld [smem:$0x3FDB];
	_ =	sdelay $0x1  }
0x99: {  	s19 =	simm.s32 $_scs_section_size  }
0x9a: {  	s4 =	simm.s32 $_size__tile_overlayer_lowered;
	s5 =	simm.s32 $_tile_overlayer_lowered  }
0x9b: {  	s22 =	simm.s32 $0x1BFF;
	s21 =	sshll.u32 s5, $0x1;
	s2 =	sadd.s32 s19, s18  }
0x9c: {  	s6 =	simm.s32 $0x0;
	s20 =	sshll.u32 s4, $0x1;
	s4 =	sadd.s32 s21, s2  }
0x9d: {  	[timem:s6], [sflag:s22] =	dma.local [hbm:s4], s20  }
0x9e: {  	_ =	swait.ge [sflag:s22], s20  }
0x9f: {  	s3 =	ssub.s32 $0x0, s20;
	[sflag:s22] =	ssyncset.done $0x0  }
0xa0: {  	[sflag:s22] =	ssyncadd.s32 s3;
	_ =	sdelay $0x1  }
0xa1: {  	s23 =	simm.s32 $0x1B8B  }
0xa2: {  	_ =	swait.ge [sflag:s23], $0x1  }
0xa3: {  	[sflag:s23] =	ssyncset.done $0x0  }
0xa4: {  	s25 =	simm.s32 $0x1B8E;
	s24 =	sld [smem:$0x3FFE];
	[sflag:s23] =	ssyncadd.s32 $0xFFFFFFFF  }
0xa5: {  	s26 =	simm.s32 $execute0_lowered;
	[smem:$0x3FD2] =	sst s25  }
0xa6: {  	s4 =	sshll.u32 s26, $0x1;
	_ =	strace $0x8000004C;
	[dreg:$0x1] =	wrdreg $0xFFFFFFFF  }
0xa7: {  	s28 =	simm.s32 $_size_execute0_lowered;
	s2 =	sadd.s32 s2, s4;
	[dreg:$0x0] =	wrdreg $0x0  }
0xa8: {  	s4 =	sshll.u32 s28, $0x1;
	[dreg:$0x2] =	wrdreg s2  }
0xa9: {  	[dreg:$0x3] =	wrdreg s4  }
0xaa: {  	[dreg:$0x4] =	wrdreg $0xC0  }
0xab: {  	_ =	task [dreg:s6], $0x5FFFF  }
0xac: {  	[dreg:$0x1] =	wrdreg $0xFFFFFFFF  }
0xad: {  	[dreg:$0x0] =	wrdreg $0x60  }
0xae: {  	[dreg:$0x2] =	wrdreg s24  }
0xaf: {  	[dreg:$0x3] =	wrdreg $0x0  }
0xb0: {  	[dreg:$0x4] =	wrdreg $0x9  }
0xb1: {  	_ =	task.clear_ibuf [dreg:s6], $0x5FFFF;
	_ =	strace $0x9000004C  }
0xb2: {  	s29 =	simm.s32 $0x9;
	_ =	strace $0x8000004E  }
0xb3: {  	_ =	swait.ge [sflag:s29], $0x1  }
0xb4: {  	[sflag:s29] =	ssyncadd.s32 $0xFFFFFFFF  }
0xb5: {  	_ =	strace $0x9000004E  }
0xb6: {  	_ =	sfence  }
0xb7: {  	s30 =	sld [smem:$0x0];
	_ =	sdelay $0x2  }
0xb8: {  	s31 =	sshll.u32 s1, $0xD;
	s1 =	sshrl.u32 s1, $0x2  }
0xb9: {  	s3 =	sand.u32 $0x4000, s31;
	s1 =	sadd.s32 s1, s30  }
0xba: {  	s0 =	sor.u32 s3, s0;
	s1 =	sshll.u32 s1, $0x11  }
0xbb: {  	s0 =	sor.u32 s1, s0  }
0xbc: {  	s0 =	sadd.s32 $0x8F2B, s0  }
0xbd: {  	[sflag:s0] =	ssyncadd.remote.s32 $0x1  }
0xbe: {  	_ =	sfence.sel $0xFFFF  }
0xbf: {  	[dreg:$0x0] =	wrdreg $0xFFFFFFFF;
	(pc) =	sbr.abs _section_cstart, $3  }
0xc0: {  	[dreg:$0x1] =	wrdreg $0xFFFFFFFF  }
0xc1: {  	_ =	task.clear_ibuf [dreg:s6], $0x2FFFF;
	_ =	strace $0x9FFFFFFF  }
0xc2: {  	(tm) =	ssettm $0x7FFFFFFF  }
0xc3: {  	_ =	shalt  }
tec
execute0_lowered:
.L_overlay_start_1:
0x0: {  	(tag) =	ssettag $0x1  }
0x1: {  	s1 =	rddreg [dreg:$0x0]  }
0x2: {  	s0 =	srdreg.scid;
	s12 =	stileid.u32  }
0x3: {  	s2 =	rddreg [dreg:$0x1];
	s5 =	smul.u32 $0x2800, s12  }
0x4: {  	s3 =	simm.s32 $0x0;
	s28 =	simm.s32 $0x1;
	s8 =	smul.u32 $0x50000, s12  }
0x5: {  	s29 =	simm.s32 $0x2;
	s30 =	simm.s32 $0x14B80;
	s10 =	smul.u32 $0x280, s12  }
0x6: {  	s31 =	simm.s32 $0x14480;
	s0 =	sand.u32 $0x1, s0;
	s12 =	smul.u32 $0x5000, s12  }
0x7: {  	[smem:$0x7FF] =	sst s3;
	s4 =	sadd.s32 $0x17400, s1;
	s6 =	smul.u32 $0x28000, s0  }
0x8: {  	_ =	strace $0x8000004D;
	s7 =	sshll.u32 s0, $0x7;
	s25 =	ssub.s32 $0x2, s0  }
0x9: {  	p0 =	seq.s32 s0, $0x0;
	p1 =	sne.s32 s0, $0x0;
	s0 =	simm.s32 $0x14500  }
0xa: {  	s9 =	sshrl.u32 s25, $0x1;
	s8 =	sshrl.u32 s8, $0x2;
	s26 =	sadd.s32 $0x80, s10  }
0xb: {  	s14 =	sadd.s32 $0x100, s10;
	s18 =	sadd.s32 $0x180, s10;
	s21 =	sadd.s32 $0x200, s10  }
0xc: {  	s6 =	sadd.s32 s5, s6;
	s13 =	sadd.s32 s8, s2;
	s5 =	sadd.s32 s4, s5  }
0xd: {  	s11 =	sshll.u32 s26, $0x7;
	s10 =	sshll.u32 s21, $0x4;
	s22 =	sshll.u32 s21, $0x7  }
0xe: {  	s6 =	sshrl.u32 s6, $0x3;
	[dreg:$0x15] =	wrdreg s5;
	s15 =	sadd.s32 s11, s2  }
0xf: {  	s11 =	sshll.u32 s18, $0x7;
	s10 =	sadd.s32 s4, s10;
	[dreg:$0x13] =	wrdreg s13  }
0x10: {  	s23 =	sadd.s32 s22, s2;
	s5 =	sshll.u32 s26, $0x5;
	[dreg:$0x17] =	wrdreg s15  }
0x11: {  	s6 =	sadd.s32 s6, s1;
	s1 =	sadd.s32 s7, s1;
	[dreg:$0x1c] =	wrdreg s10  }
0x12: {  	s7 =	ssub.s32 s25, s9;
	s20 =	sadd.s32 s11, s2;
	[dreg:$0x1d] =	wrdreg s23  }
0x13: {  	s9 =	sshll.u32 s26, $0x4;
	s26 =	simm.s32 $0x14080;
	[dreg:$0x1b] =	wrdreg s20  }
0x14: {  	s16 =	sshll.u32 s14, $0x4;
	s10 =	simm.s32 $0x14880;
	[dreg:$0x5] =	wrdreg s26  }
0x15: {  	s17 =	sshll.u32 s14, $0x7;
	s11 =	simm.s32 $0x14180;
	[dreg:$0x7] =	wrdreg s10  }
0x16: {  	s19 =	sshll.u32 s18, $0x4;
	s15 =	simm.s32 $0x14200;
	[dreg:$0x8] =	wrdreg s11  }
0x17: {  	s8 =	simm.s32 $0x14D00;
	s23 =	simm.s32 $0x14A80;
	[dreg:$0xa] =	wrdreg s15  }
0x18: {  	s22 =	simm.s32 $0x3;
	s7 =	smax.u32 s7, $0x1;
	[dreg:$0xf] =	wrdreg s23  }
0x19: {  	s1 =	sadd.s32 $0x3F400, s1;
	s24 =	sadd.s32 $0xD400, s6;
	[dreg:$0x14] =	wrdreg s7  }
0x1a: {  	s6 =	sadd.s32 $0x3400, s6;
	s20 =	simm.s32 $0x14300;
	[dreg:$0x3] =	wrdreg s24  }
0x1b: {  	s23 =	simm.s32 $0x14000;
	s26 =	simm.s32 $0x14400;
	[dreg:$0x4] =	wrdreg s6  }
0x1c: {  	s10 =	simm.s32 $0x14600;
	s11 =	simm.s32 $0x0;
	[dreg:$0xe] =	wrdreg s20  }
0x1d: {  	s7 =	sadd.s32 s4, s9;
	s25 =	sadd.s32 s12, s1;
	[dreg:$0x12] =	wrdreg s26  }
0x1e: {  	s5 =	sadd.s32 s5, s1;
	s6 =	simm.s32 $0x14100;
	[dreg:$0x16] =	wrdreg s7  }
0x1f: {  	s9 =	sshll.u32 s14, $0x5;
	s12 =	sshll.u32 s18, $0x5;
	[dreg:$0x1e] =	wrdreg s25  }
0x20: {  	s14 =	simm.s32 $0x14900;
	s18 =	simm.s32 $0x14280;
	[dreg:$0x1f] =	wrdreg s5  }
0x21: {  	s24 =	simm.s32 $0x14380;
	s26 =	simm.s32 $0x19000;
	[dreg:$0x6] =	wrdreg s6  }
0x22: {  	s20 =	simm.s32 $0x14F00;
	s7 =	sadd.s32 s4, s16;
	[dreg:$0x9] =	wrdreg s14  }
0x23: {  	s6 =	sadd.s32 s9, s1;
	s16 =	sshll.u32 s21, $0x5;
	[dreg:$0xc] =	wrdreg s18  }
0x24: {  	s21 =	simm.s32 $0x15000;
	[dreg:$0x10] =	wrdreg s24;
	s25 =	simm.s32 $0x14B00  }
0x25: {  	s24 =	simm.s32 $0x14800;
	s14 =	simm.s32 $0x14680;
	[dreg:$0x18] =	wrdreg s7  }
0x26: {  	s18 =	simm.s32 $0x14E80;
	s5 =	simm.s32 $0x14F80;
	[smem:$0x7FB] =	sst s6  }
0x27: {  	s7 =	sadd.s32 s17, s2;
	s6 =	sadd.s32 s12, s1;
	[dreg:$0x11] =	wrdreg s25  }
0x28: {  	s17 =	simm.s32 $0x14980;
	s1 =	sadd.s32 s16, s1;
	[dreg:$0x19] =	wrdreg s7  }
0x29: {  	s25 =	simm.s32 $0x80;
	s12 =	simm.s32 $0x14D80;
	[smem:$0x7FC] =	sst s6  }
0x2a: {  	s16 =	simm.s32 $0x14E00;
	s7 =	sadd.s32 s4, s19;
	[smem:$0x7FD] =	sst s1  }
0x2b: {  	[dreg:$0xb] =	wrdreg s17;
	s19 =	simm.s32 $0x14A00;
	s1 =	simm.s32 $0x14C00  }
0x2c: {  	s6 =	simm.s32 $0x14580;
	s17 =	simm.s32 $0x14700;
	[dreg:$0x1a] =	wrdreg s7  }
0x2d: {  	v0 =	vimm.f32 $0.0e+00;
	[dreg:$0xd] =	wrdreg s19;
	s7 =	simm.s32 $0x14C80;
	s19 =	simm.s32 $0x14780  }
.LBB2_1:
.Ltmp0:
0x2e: {  	(pc) =	sbr.rel @!p0 .LBB2_2-.Ltmp0, $2  }
0x2f: {  	_ =	sdelay $0x2  }
0x30: {  	[smem:$0x7FA] =	sst s11  }
.Ltmp1:
0x31: {  	s9 =	rddreg [dreg:$0x15];
	(pc) =	sbr.rel .LBB2_6-.Ltmp1, $4  }
0x32: {  	[tilespmem:s21], [sflag:$0x3] =	stream.linear.gather [hbm4b:s9+s3], $0x4000, $0x38;
	[tilespmem:$0x1D000] =	vst v63  }
0x33: {  	_ =	swait.ge [sflag:s22], $0x4000  }
0x34: {  	[sflag:s22] =	ssyncset.done $0x0  }
0x35: {  	[sflag:s22] =	ssyncadd.s32 $0xFFFFC000  }
.LBB2_2:
0x36: {  	s9 =	sshra.s32 s3, $0x2;
	s15 =	sadd.s32 $0x200, s3  }
.LBB2_3:
0x37: {  	p2 =	seq.s32 s15, $0xFE00;
	[tilespmem:s9+$0x15070] =	vst v0  }
0x38: {  	[tilespmem:s9+$0x15000] =	vst v0  }
0x39: {  	[tilespmem:s9+$0x15010] =	vst v0  }
.Ltmp2:
0x3a: {  	[tilespmem:s9+$0x15020] =	vst v0;
	(pc) =	sbr.rel @!p2 .LBB2_3-.Ltmp2, $4  }
0x3b: {  	[tilespmem:s9+$0x15030] =	vst v0  }
0x3c: {  	[tilespmem:s9+$0x15040] =	vst v0  }
0x3d: {  	[tilespmem:s9+$0x15050] =	vst v0  }
0x3e: {  	[tilespmem:s9+$0x15060] =	vst v0;
	s9 =	sshra.s32 s15, $0x2;
	s15 =	sadd.s32 $0x200, s15  }
0x3f: {  	[tilespmem:s9+$0x15070] =	vst v0  }
0x40: {  	[tilespmem:s9+$0x15000] =	vst v0  }
0x41: {  	[tilespmem:s9+$0x15010] =	vst v0  }
0x42: {  	[tilespmem:s9+$0x15020] =	vst v0  }
0x43: {  	[tilespmem:s9+$0x15030] =	vst v0  }
0x44: {  	[tilespmem:s9+$0x15040] =	vst v0  }
0x45: {  	[tilespmem:s9+$0x15050] =	vst v0  }
0x46: {  	[tilespmem:s9+$0x15060] =	vst v0  }
.LBB2_6:
0x47: {  	[spmem:s13] =	stream.linear.scatter [tilespmem:s21], [sflag:$0x3], $0x4000, $0x38;
	[tilespmem:$0x1D000] =	vst v63  }
0x48: {  	_ =	swait.ge [sflag:s22], $0x4000  }
0x49: {  	[sflag:s22] =	ssyncset.done $0x0  }
0x4a: {  	s11 =	simm.s32 @p1 $0x15000;
	s9 =	rddreg [dreg:$0x17];
	[sflag:s22] =	ssyncadd.s32 $0xFFFFC000  }
0x4b: {  	[spmem:s9] =	stream.linear.scatter @p1 [tilespmem:s11], [sflag:$0x3], $0x4000, $0x38;
	[tilespmem:$0x1D000] =	vst v63  }
0x4c: {  	s13 =	simm.s32 @!p1 $0x0;
	s15 =	simm.s32 @!p1 $0x15000;
	s11 =	rddreg [dreg:$0x16]  }
0x4d: {  	[tilespmem:s15], [sflag:$0x3] =	stream.linear.gather @!p1 [hbm4b:s11+s13], $0x4000, $0x38;
	[tilespmem:$0x1D000] =	vst v63  }
0x4e: {  	s11 =	simm.s32 @!p1 $0x3  }
0x4f: {  	_ =	swait.ge @!p1 [sflag:s11], $0x4000  }
0x50: {  	[sflag:s11] =	ssyncset.done @!p1 $0x0  }
0x51: {  	[sflag:s11] =	ssyncadd.s32 @!p1 $0xFFFFC000  }
0x52: {  	[spmem:s9] =	stream.linear.scatter @!p1 [tilespmem:s15], [sflag:$0x3], $0x4000, $0x38;
	[tilespmem:$0x1D000] =	vst v63  }
0x53: {  	_ =	swait.ge @!p1 [sflag:s11], $0x4000  }
0x54: {  	[sflag:s11] =	ssyncset.done @!p1 $0x0  }
0x55: {  	s9 =	rddreg [dreg:$0x18];
	[sflag:s11] =	ssyncadd.s32 @!p1 $0xFFFFC000  }
0x56: {  	[tilespmem:s15], [sflag:$0x3] =	stream.linear.gather @!p1 [hbm4b:s9+s13], $0x4000, $0x38;
	[tilespmem:$0x1D000] =	vst v63  }
0x57: {  	_ =	swait.ge [sflag:s22], $0x4000  }
0x58: {  	[sflag:s22] =	ssyncset.done $0x0  }
0x59: {  	s15 =	rddreg [dreg:$0x19];
	[sflag:s22] =	ssyncadd.s32 $0xFFFFC000  }
0x5a: {  	[spmem:s15] =	stream.linear.scatter [tilespmem:s21], [sflag:$0x3], $0x4000, $0x38;
	[tilespmem:$0x1D000] =	vst v63  }
0x5b: {  	_ =	swait.ge [sflag:s22], $0x4000  }
0x5c: {  	[sflag:s22] =	ssyncset.done $0x0  }
0x5d: {  	s9 =	simm.s32 @p1 $0x15000;
	s13 =	rddreg [dreg:$0x1b];
	[sflag:s22] =	ssyncadd.s32 $0xFFFFC000  }
0x5e: {  	[spmem:s13] =	stream.linear.scatter @p1 [tilespmem:s9], [sflag:$0x3], $0x4000, $0x38;
	[tilespmem:$0x1D000] =	vst v63  }
0x5f: {  	s15 =	simm.s32 @!p1 $0x0;
	s9 =	rddreg [dreg:$0x1a];
	s13 =	simm.s32 @!p1 $0x15000  }
0x60: {  	[tilespmem:s13], [sflag:$0x3] =	stream.linear.gather @!p1 [hbm4b:s9+s15], $0x4000, $0x38;
	[tilespmem:$0x1D000] =	vst v63  }
0x61: {  	_ =	swait.ge @!p1 [sflag:s11], $0x4000  }
0x62: {  	[sflag:s11] =	ssyncset.done @!p1 $0x0  }
0x63: {  	s15 =	simm.s32 @!p1 $0x15000;
	s9 =	rddreg [dreg:$0x1b];
	[sflag:s11] =	ssyncadd.s32 @!p1 $0xFFFFC000  }
0x64: {  	[spmem:s9] =	stream.linear.scatter @!p1 [tilespmem:s15], [sflag:$0x3], $0x4000, $0x38;
	[tilespmem:$0x1D000] =	vst v63  }
0x65: {  	_ =	swait.ge @!p1 [sflag:s11], $0x4000  }
0x66: {  	[sflag:s11] =	ssyncset.done @!p1 $0x0  }
0x67: {  	s13 =	simm.s32 @!p1 $0x0;
	s9 =	rddreg [dreg:$0x1c];
	[sflag:s11] =	ssyncadd.s32 @!p1 $0xFFFFC000  }
0x68: {  	[tilespmem:s15], [sflag:$0x3] =	stream.linear.gather @!p1 [hbm4b:s9+s13], $0x4000, $0x38;
	[tilespmem:$0x1D000] =	vst v63  }
0x69: {  	_ =	swait.ge [sflag:s22], $0x4000  }
0x6a: {  	[sflag:s22] =	ssyncset.done $0x0  }
0x6b: {  	s13 =	rddreg [dreg:$0x1d];
	[sflag:s22] =	ssyncadd.s32 $0xFFFFC000  }
0x6c: {  	[spmem:s13] =	stream.linear.scatter [tilespmem:s21], [sflag:$0x3], $0x4000, $0x38;
	[tilespmem:$0x1D000] =	vst v63  }
0x6d: {  	_ =	swait.ge [sflag:s22], $0x4000  }
0x6e: {  	[sflag:s22] =	ssyncset.done $0x0  }
0x6f: {  	[sflag:s22] =	ssyncadd.s32 $0xFFFFC000  }
0x70: {  	[bflag:$0x0] =	sbarrier.arrive $0xFFFF  }
0x71: {  	s15 =	rddreg [dreg:$0x4]  }
0x72: {  	s9 =	sadd.s32 $0x0, s15  }
0x73: {  	[tilespmem:s23], [sflag:$0x3] =	stream.linear.gather [hbm4b:s9+s3], $0x800, $0x38;
	[tilespmem:$0x1D000] =	vst v63  }
0x74: {  	_ =	swait.ge [sflag:s22], $0x800  }
0x75: {  	s11 =	rddreg [dreg:$0x3];
	[sflag:s22] =	ssyncset.done $0x0  }
0x76: {  	[sflag:s22] =	ssyncadd.s32 $0xFFFFF800;
	s9 =	sadd.s32 $0x0, s11  }
0x77: {  	[tilespmem:s24], [sflag:$0x3] =	stream.linear.gather [hbm4b:s9+s3], $0x800, $0x38;
	[tilespmem:$0x1D000] =	vst v63  }
0x78: {  	_ =	swait.ge [sflag:s22], $0x800  }
0x79: {  	[sflag:s22] =	ssyncset.done $0x0  }
0x7a: {  	[sflag:s22] =	ssyncadd.s32 $0xFFFFF800  }
0x7b: {  	[tilespmem:s21], [sflag:$0x1] =	stream.indirect.gather [hbm4b:s4+s25], $0x80, s23, s25, $0xb8;
	[tilespmem:$0x1D000] =	vst v63  }
0x7c: {  	s13 =	rddreg [dreg:$0x5]  }
0x7d: {  	[tilespmem:s26], [sflag:$0x2] =	stream.indirect.gather [hbm4b:s4+s25], $0x80, s13, s25, $0xb8;
	[tilespmem:$0x1D000] =	vst v63  }
0x7e: {  	_ =	swait.ge [sflag:s28], $0x4000  }
0x7f: {  	[sflag:s28] =	ssyncset.done $0x0  }
0x80: {  	[sflag:s28] =	ssyncadd.s32 $0xFFFFC000  }
0x81: {  	[spmem:s2] =	stream.indirect.scatter.add.f32 [tilespmem:s21], [sflag:$0x3], $0x80, s24, s25, $0xb8;
	[tilespmem:$0x1D000] =	vst v63  }
0x82: {  	_ =	swait.ge [sflag:s22], $0x4000  }
0x83: {  	[sflag:s22] =	ssyncset.done $0x0  }
0x84: {  	s15 =	rddreg [dreg:$0x6];
	[sflag:s22] =	ssyncadd.s32 $0xFFFFC000  }
0x85: {  	[tilespmem:s21], [sflag:$0x1] =	stream.indirect.gather [hbm4b:s4+s25], $0x80, s15, s25, $0xb8;
	[tilespmem:$0x1D000] =	vst v63  }
0x86: {  	_ =	swait.ge [sflag:s29], $0x4000  }
0x87: {  	[sflag:s29] =	ssyncset.done $0x0  }
0x88: {  	s11 =	rddreg [dreg:$0x7];
	[sflag:s29] =	ssyncadd.s32 $0xFFFFC000  }
0x89: {  	[spmem:s2] =	stream.indirect.scatter.add.f32 [tilespmem:s26], [sflag:$0x3], $0x80, s11, s25, $0xb8;
	[tilespmem:$0x1D000] =	vst v63  }
0x8a: {  	_ =	swait.ge [sflag:s22], $0x4000  }
0x8b: {  	[sflag:s22] =	ssyncset.done $0x0  }
0x8c: {  	s13 =	rddreg [dreg:$0x8];
	[sflag:s22] =	ssyncadd.s32 $0xFFFFC000  }
0x8d: {  	[tilespmem:s26], [sflag:$0x2] =	stream.indirect.gather [hbm4b:s4+s25], $0x80, s13, s25, $0xb8;
	[tilespmem:$0x1D000] =	vst v63  }
0x8e: {  	_ =	swait.ge [sflag:s28], $0x4000  }
0x8f: {  	[sflag:s28] =	ssyncset.done $0x0  }
0x90: {  	s15 =	rddreg [dreg:$0x9];
	[sflag:s28] =	ssyncadd.s32 $0xFFFFC000  }
0x91: {  	[spmem:s2] =	stream.indirect.scatter.add.f32 [tilespmem:s21], [sflag:$0x3], $0x80, s15, s25, $0xb8;
	[tilespmem:$0x1D000] =	vst v63  }
0x92: {  	_ =	swait.ge [sflag:s22], $0x4000  }
0x93: {  	[sflag:s22] =	ssyncset.done $0x0  }
0x94: {  	s11 =	rddreg [dreg:$0xa];
	[sflag:s22] =	ssyncadd.s32 $0xFFFFC000  }
0x95: {  	[tilespmem:s21], [sflag:$0x1] =	stream.indirect.gather [hbm4b:s4+s25], $0x80, s11, s25, $0xb8;
	[tilespmem:$0x1D000] =	vst v63  }
0x96: {  	_ =	swait.ge [sflag:s29], $0x4000  }
0x97: {  	[sflag:s29] =	ssyncset.done $0x0  }
0x98: {  	s13 =	rddreg [dreg:$0xb];
	[sflag:s29] =	ssyncadd.s32 $0xFFFFC000  }
0x99: {  	[spmem:s2] =	stream.indirect.scatter.add.f32 [tilespmem:s26], [sflag:$0x3], $0x80, s13, s25, $0xb8;
	[tilespmem:$0x1D000] =	vst v63  }
0x9a: {  	_ =	swait.ge [sflag:s22], $0x4000  }
0x9b: {  	[sflag:s22] =	ssyncset.done $0x0  }
0x9c: {  	s15 =	rddreg [dreg:$0xc];
	[sflag:s22] =	ssyncadd.s32 $0xFFFFC000  }
0x9d: {  	[tilespmem:s26], [sflag:$0x2] =	stream.indirect.gather [hbm4b:s4+s25], $0x80, s15, s25, $0xb8;
	[tilespmem:$0x1D000] =	vst v63  }
0x9e: {  	_ =	swait.ge [sflag:s28], $0x4000  }
0x9f: {  	[sflag:s28] =	ssyncset.done $0x0  }
0xa0: {  	s11 =	rddreg [dreg:$0xd];
	[sflag:s28] =	ssyncadd.s32 $0xFFFFC000  }
0xa1: {  	[spmem:s2] =	stream.indirect.scatter.add.f32 [tilespmem:s21], [sflag:$0x3], $0x80, s11, s25, $0xb8;
	[tilespmem:$0x1D000] =	vst v63  }
0xa2: {  	_ =	swait.ge [sflag:s22], $0x4000  }
0xa3: {  	[sflag:s22] =	ssyncset.done $0x0  }
0xa4: {  	s13 =	rddreg [dreg:$0xe];
	[sflag:s22] =	ssyncadd.s32 $0xFFFFC000  }
0xa5: {  	[tilespmem:s21], [sflag:$0x1] =	stream.indirect.gather [hbm4b:s4+s25], $0x80, s13, s25, $0xb8;
	[tilespmem:$0x1D000] =	vst v63  }
0xa6: {  	_ =	swait.ge [sflag:s29], $0x4000  }
0xa7: {  	[sflag:s29] =	ssyncset.done $0x0  }
0xa8: {  	s15 =	rddreg [dreg:$0xf];
	[sflag:s29] =	ssyncadd.s32 $0xFFFFC000  }
0xa9: {  	[spmem:s2] =	stream.indirect.scatter.add.f32 [tilespmem:s26], [sflag:$0x3], $0x80, s15, s25, $0xb8;
	[tilespmem:$0x1D000] =	vst v63  }
0xaa: {  	_ =	swait.ge [sflag:s22], $0x4000  }
0xab: {  	[sflag:s22] =	ssyncset.done $0x0  }
0xac: {  	s11 =	rddreg [dreg:$0x10];
	[sflag:s22] =	ssyncadd.s32 $0xFFFFC000  }
0xad: {  	[tilespmem:s26], [sflag:$0x2] =	stream.indirect.gather [hbm4b:s4+s25], $0x80, s11, s25, $0xb8;
	[tilespmem:$0x1D000] =	vst v63  }
0xae: {  	_ =	swait.ge [sflag:s28], $0x4000  }
0xaf: {  	[sflag:s28] =	ssyncset.done $0x0  }
0xb0: {  	s13 =	rddreg [dreg:$0x11];
	[sflag:s28] =	ssyncadd.s32 $0xFFFFC000  }
0xb1: {  	[spmem:s2] =	stream.indirect.scatter.add.f32 [tilespmem:s21], [sflag:$0x3], $0x80, s13, s25, $0xb8;
	[tilespmem:$0x1D000] =	vst v63  }
0xb2: {  	_ =	swait.ge [sflag:s22], $0x4000  }
0xb3: {  	[sflag:s22] =	ssyncset.done $0x0  }
0xb4: {  	s15 =	rddreg [dreg:$0x12];
	[sflag:s22] =	ssyncadd.s32 $0xFFFFC000  }
0xb5: {  	[tilespmem:s21], [sflag:$0x1] =	stream.indirect.gather [hbm4b:s4+s25], $0x80, s15, s25, $0xb8;
	[tilespmem:$0x1D000] =	vst v63  }
0xb6: {  	_ =	swait.ge [sflag:s29], $0x4000  }
0xb7: {  	[sflag:s29] =	ssyncset.done $0x0  }
0xb8: {  	[sflag:s29] =	ssyncadd.s32 $0xFFFFC000  }
0xb9: {  	[spmem:s2] =	stream.indirect.scatter.add.f32 [tilespmem:s26], [sflag:$0x3], $0x80, s30, s25, $0xb8;
	[tilespmem:$0x1D000] =	vst v63  }
0xba: {  	_ =	swait.ge [sflag:s22], $0x4000  }
0xbb: {  	[sflag:s22] =	ssyncset.done $0x0  }
0xbc: {  	[sflag:s22] =	ssyncadd.s32 $0xFFFFC000  }
0xbd: {  	[tilespmem:s26], [sflag:$0x2] =	stream.indirect.gather [hbm4b:s4+s25], $0x80, s31, s25, $0xb8;
	[tilespmem:$0x1D000] =	vst v63  }
0xbe: {  	_ =	swait.ge [sflag:s28], $0x4000  }
0xbf: {  	[sflag:s28] =	ssyncset.done $0x0  }
0xc0: {  	[sflag:s28] =	ssyncadd.s32 $0xFFFFC000  }
0xc1: {  	[spmem:s2] =	stream.indirect.scatter.add.f32 [tilespmem:s21], [sflag:$0x3], $0x80, s1, s25, $0xb8;
	[tilespmem:$0x1D000] =	vst v63  }
0xc2: {  	_ =	swait.ge [sflag:s22], $0x4000  }
0xc3: {  	[sflag:s22] =	ssyncset.done $0x0  }
0xc4: {  	[sflag:s22] =	ssyncadd.s32 $0xFFFFC000  }
0xc5: {  	[tilespmem:s21], [sflag:$0x1] =	stream.indirect.gather [hbm4b:s4+s25], $0x80, s0, s25, $0xb8;
	[tilespmem:$0x1D000] =	vst v63  }
0xc6: {  	_ =	swait.ge [sflag:s29], $0x4000  }
0xc7: {  	[sflag:s29] =	ssyncset.done $0x0  }
0xc8: {  	[sflag:s29] =	ssyncadd.s32 $0xFFFFC000  }
0xc9: {  	[spmem:s2] =	stream.indirect.scatter.add.f32 [tilespmem:s26], [sflag:$0x3], $0x80, s7, s25, $0xb8;
	[tilespmem:$0x1D000] =	vst v63  }
0xca: {  	_ =	swait.ge [sflag:s22], $0x4000  }
0xcb: {  	[sflag:s22] =	ssyncset.done $0x0  }
0xcc: {  	[sflag:s22] =	ssyncadd.s32 $0xFFFFC000  }
0xcd: {  	[tilespmem:s26], [sflag:$0x2] =	stream.indirect.gather [hbm4b:s4+s25], $0x80, s6, s25, $0xb8;
	[tilespmem:$0x1D000] =	vst v63  }
0xce: {  	_ =	swait.ge [sflag:s28], $0x4000  }
0xcf: {  	[sflag:s28] =	ssyncset.done $0x0  }
0xd0: {  	[sflag:s28] =	ssyncadd.s32 $0xFFFFC000  }
0xd1: {  	[spmem:s2] =	stream.indirect.scatter.add.f32 [tilespmem:s21], [sflag:$0x3], $0x80, s8, s25, $0xb8;
	[tilespmem:$0x1D000] =	vst v63  }
0xd2: {  	_ =	swait.ge [sflag:s22], $0x4000  }
0xd3: {  	[sflag:s22] =	ssyncset.done $0x0  }
0xd4: {  	[sflag:s22] =	ssyncadd.s32 $0xFFFFC000  }
0xd5: {  	[tilespmem:s21], [sflag:$0x1] =	stream.indirect.gather [hbm4b:s4+s25], $0x80, s10, s25, $0xb8;
	[tilespmem:$0x1D000] =	vst v63  }
0xd6: {  	_ =	swait.ge [sflag:s29], $0x4000  }
0xd7: {  	[sflag:s29] =	ssyncset.done $0x0  }
0xd8: {  	[sflag:s29] =	ssyncadd.s32 $0xFFFFC000  }
0xd9: {  	[spmem:s2] =	stream.indirect.scatter.add.f32 [tilespmem:s26], [sflag:$0x3], $0x80, s12, s25, $0xb8;
	[tilespmem:$0x1D000] =	vst v63  }
0xda: {  	_ =	swait.ge [sflag:s22], $0x4000  }
0xdb: {  	[sflag:s22] =	ssyncset.done $0x0  }
0xdc: {  	[sflag:s22] =	ssyncadd.s32 $0xFFFFC000  }
0xdd: {  	[tilespmem:s26], [sflag:$0x2] =	stream.indirect.gather [hbm4b:s4+s25], $0x80, s14, s25, $0xb8;
	[tilespmem:$0x1D000] =	vst v63  }
0xde: {  	_ =	swait.ge [sflag:s28], $0x4000  }
0xdf: {  	[sflag:s28] =	ssyncset.done $0x0  }
0xe0: {  	[sflag:s28] =	ssyncadd.s32 $0xFFFFC000  }
0xe1: {  	[spmem:s2] =	stream.indirect.scatter.add.f32 [tilespmem:s21], [sflag:$0x3], $0x80, s16, s25, $0xb8;
	[tilespmem:$0x1D000] =	vst v63  }
0xe2: {  	_ =	swait.ge [sflag:s22], $0x4000  }
0xe3: {  	[sflag:s22] =	ssyncset.done $0x0  }
0xe4: {  	[sflag:s22] =	ssyncadd.s32 $0xFFFFC000  }
0xe5: {  	[tilespmem:s21], [sflag:$0x1] =	stream.indirect.gather [hbm4b:s4+s25], $0x80, s17, s25, $0xb8;
	[tilespmem:$0x1D000] =	vst v63  }
0xe6: {  	_ =	swait.ge [sflag:s29], $0x4000  }
0xe7: {  	[sflag:s29] =	ssyncset.done $0x0  }
0xe8: {  	[sflag:s29] =	ssyncadd.s32 $0xFFFFC000  }
0xe9: {  	[spmem:s2] =	stream.indirect.scatter.add.f32 [tilespmem:s26], [sflag:$0x3], $0x80, s18, s25, $0xb8;
	[tilespmem:$0x1D000] =	vst v63  }
0xea: {  	_ =	swait.ge [sflag:s22], $0x4000  }
0xeb: {  	[sflag:s22] =	ssyncset.done $0x0  }
0xec: {  	[sflag:s22] =	ssyncadd.s32 $0xFFFFC000  }
0xed: {  	[tilespmem:s26], [sflag:$0x2] =	stream.indirect.gather [hbm4b:s4+s25], $0x80, s19, s25, $0xb8;
	[tilespmem:$0x1D000] =	vst v63  }
0xee: {  	_ =	swait.ge [sflag:s28], $0x4000  }
0xef: {  	[sflag:s28] =	ssyncset.done $0x0  }
0xf0: {  	[sflag:s28] =	ssyncadd.s32 $0xFFFFC000  }
0xf1: {  	[spmem:s2] =	stream.indirect.scatter.add.f32 [tilespmem:s21], [sflag:$0x3], $0x80, s20, s25, $0xb8;
	[tilespmem:$0x1D000] =	vst v63  }
0xf2: {  	_ =	swait.ge [sflag:s22], $0x4000  }
0xf3: {  	[sflag:s22] =	ssyncset.done $0x0  }
0xf4: {  	[sflag:s22] =	ssyncadd.s32 $0xFFFFC000  }
0xf5: {  	_ =	swait.ge [sflag:s29], $0x4000  }
0xf6: {  	[sflag:s29] =	ssyncset.done $0x0  }
0xf7: {  	[sflag:s29] =	ssyncadd.s32 $0xFFFFC000  }
0xf8: {  	[spmem:s2] =	stream.indirect.scatter.add.f32 [tilespmem:s26], [sflag:$0x3], $0x80, s5, s25, $0xb8;
	[tilespmem:$0x1D000] =	vst v63  }
0xf9: {  	s9 =	simm.s32 $0x200;
	_ =	swait.ge [sflag:s22], $0x4000  }
0xfa: {  	s15 =	simm.s32 $0x100;
	s13 =	rddreg [dreg:$0x4];
	[sflag:s22] =	ssyncset.done $0x0  }
.LBB2_7:
0xfb: {  	[sflag:s22] =	ssyncadd.s32 $0xFFFFC000;
	s13 =	sadd.s32 s15, s13  }
0xfc: {  	[tilespmem:s23], [sflag:$0x3] =	stream.linear.gather [hbm4b:s13+s3], $0x800, $0x38;
	[tilespmem:$0x1D000] =	vst v63  }
0xfd: {  	_ =	swait.ge [sflag:s22], $0x800  }
0xfe: {  	s13 =	rddreg [dreg:$0x3];
	[sflag:s22] =	ssyncset.done $0x0  }
0xff: {  	[sflag:s22] =	ssyncadd.s32 $0xFFFFF800;
	s13 =	sadd.s32 s15, s13  }
0x100: {  	[tilespmem:s24], [sflag:$0x3] =	stream.linear.gather [hbm4b:s13+s3], $0x800, $0x38;
	[tilespmem:$0x1D000] =	vst v63  }
0x101: {  	_ =	swait.ge [sflag:s22], $0x800  }
0x102: {  	[sflag:s22] =	ssyncset.done $0x0  }
0x103: {  	[sflag:s22] =	ssyncadd.s32 $0xFFFFF800  }
0x104: {  	[tilespmem:s21], [sflag:$0x1] =	stream.indirect.gather [hbm4b:s4+s25], $0x80, s23, s25, $0xb8;
	[tilespmem:$0x1D000] =	vst v63  }
0x105: {  	s13 =	rddreg [dreg:$0x5]  }
0x106: {  	[tilespmem:s26], [sflag:$0x2] =	stream.indirect.gather [hbm4b:s4+s25], $0x80, s13, s25, $0xb8;
	[tilespmem:$0x1D000] =	vst v63  }
0x107: {  	_ =	swait.ge [sflag:s28], $0x4000  }
0x108: {  	[sflag:s28] =	ssyncset.done $0x0  }
0x109: {  	[sflag:s28] =	ssyncadd.s32 $0xFFFFC000  }
0x10a: {  	[spmem:s2] =	stream.indirect.scatter.add.f32 [tilespmem:s21], [sflag:$0x3], $0x80, s24, s25, $0xb8;
	[tilespmem:$0x1D000] =	vst v63  }
0x10b: {  	_ =	swait.ge [sflag:s22], $0x4000  }
0x10c: {  	[sflag:s22] =	ssyncset.done $0x0  }
0x10d: {  	s13 =	rddreg [dreg:$0x6];
	[sflag:s22] =	ssyncadd.s32 $0xFFFFC000  }
0x10e: {  	[tilespmem:s21], [sflag:$0x1] =	stream.indirect.gather [hbm4b:s4+s25], $0x80, s13, s25, $0xb8;
	[tilespmem:$0x1D000] =	vst v63  }
0x10f: {  	_ =	swait.ge [sflag:s29], $0x4000  }
0x110: {  	[sflag:s29] =	ssyncset.done $0x0  }
0x111: {  	s13 =	rddreg [dreg:$0x7];
	[sflag:s29] =	ssyncadd.s32 $0xFFFFC000  }
0x112: {  	[spmem:s2] =	stream.indirect.scatter.add.f32 [tilespmem:s26], [sflag:$0x3], $0x80, s13, s25, $0xb8;
	[tilespmem:$0x1D000] =	vst v63  }
0x113: {  	_ =	swait.ge [sflag:s22], $0x4000  }
0x114: {  	[sflag:s22] =	ssyncset.done $0x0  }
0x115: {  	s13 =	rddreg [dreg:$0x8];
	[sflag:s22] =	ssyncadd.s32 $0xFFFFC000  }
0x116: {  	[tilespmem:s26], [sflag:$0x2] =	stream.indirect.gather [hbm4b:s4+s25], $0x80, s13, s25, $0xb8;
	[tilespmem:$0x1D000] =	vst v63  }
0x117: {  	_ =	swait.ge [sflag:s28], $0x4000  }
0x118: {  	[sflag:s28] =	ssyncset.done $0x0  }
0x119: {  	s13 =	rddreg [dreg:$0x9];
	[sflag:s28] =	ssyncadd.s32 $0xFFFFC000  }
0x11a: {  	[spmem:s2] =	stream.indirect.scatter.add.f32 [tilespmem:s21], [sflag:$0x3], $0x80, s13, s25, $0xb8;
	[tilespmem:$0x1D000] =	vst v63  }
0x11b: {  	_ =	swait.ge [sflag:s22], $0x4000  }
0x11c: {  	[sflag:s22] =	ssyncset.done $0x0  }
0x11d: {  	s13 =	rddreg [dreg:$0xa];
	[sflag:s22] =	ssyncadd.s32 $0xFFFFC000  }
0x11e: {  	[tilespmem:s21], [sflag:$0x1] =	stream.indirect.gather [hbm4b:s4+s25], $0x80, s13, s25, $0xb8;
	[tilespmem:$0x1D000] =	vst v63  }
0x11f: {  	_ =	swait.ge [sflag:s29], $0x4000  }
0x120: {  	[sflag:s29] =	ssyncset.done $0x0  }
0x121: {  	s13 =	rddreg [dreg:$0xb];
	[sflag:s29] =	ssyncadd.s32 $0xFFFFC000  }
0x122: {  	[spmem:s2] =	stream.indirect.scatter.add.f32 [tilespmem:s26], [sflag:$0x3], $0x80, s13, s25, $0xb8;
	[tilespmem:$0x1D000] =	vst v63  }
0x123: {  	_ =	swait.ge [sflag:s22], $0x4000  }
0x124: {  	[sflag:s22] =	ssyncset.done $0x0  }
0x125: {  	s13 =	rddreg [dreg:$0xc];
	[sflag:s22] =	ssyncadd.s32 $0xFFFFC000  }
0x126: {  	[tilespmem:s26], [sflag:$0x2] =	stream.indirect.gather [hbm4b:s4+s25], $0x80, s13, s25, $0xb8;
	[tilespmem:$0x1D000] =	vst v63  }
0x127: {  	_ =	swait.ge [sflag:s28], $0x4000  }
0x128: {  	[sflag:s28] =	ssyncset.done $0x0  }
0x129: {  	s13 =	rddreg [dreg:$0xd];
	[sflag:s28] =	ssyncadd.s32 $0xFFFFC000  }
0x12a: {  	[spmem:s2] =	stream.indirect.scatter.add.f32 [tilespmem:s21], [sflag:$0x3], $0x80, s13, s25, $0xb8;
	[tilespmem:$0x1D000] =	vst v63  }
0x12b: {  	_ =	swait.ge [sflag:s22], $0x4000  }
0x12c: {  	[sflag:s22] =	ssyncset.done $0x0  }
0x12d: {  	s13 =	rddreg [dreg:$0xe];
	[sflag:s22] =	ssyncadd.s32 $0xFFFFC000  }
0x12e: {  	[tilespmem:s21], [sflag:$0x1] =	stream.indirect.gather [hbm4b:s4+s25], $0x80, s13, s25, $0xb8;
	[tilespmem:$0x1D000] =	vst v63  }
0x12f: {  	_ =	swait.ge [sflag:s29], $0x4000  }
0x130: {  	[sflag:s29] =	ssyncset.done $0x0  }
0x131: {  	s13 =	rddreg [dreg:$0xf];
	[sflag:s29] =	ssyncadd.s32 $0xFFFFC000  }
0x132: {  	[spmem:s2] =	stream.indirect.scatter.add.f32 [tilespmem:s26], [sflag:$0x3], $0x80, s13, s25, $0xb8;
	[tilespmem:$0x1D000] =	vst v63  }
0x133: {  	_ =	swait.ge [sflag:s22], $0x4000  }
0x134: {  	[sflag:s22] =	ssyncset.done $0x0  }
0x135: {  	s13 =	rddreg [dreg:$0x10];
	[sflag:s22] =	ssyncadd.s32 $0xFFFFC000  }
0x136: {  	[tilespmem:s26], [sflag:$0x2] =	stream.indirect.gather [hbm4b:s4+s25], $0x80, s13, s25, $0xb8;
	[tilespmem:$0x1D000] =	vst v63  }
0x137: {  	_ =	swait.ge [sflag:s28], $0x4000  }
0x138: {  	[sflag:s28] =	ssyncset.done $0x0  }
0x139: {  	s13 =	rddreg [dreg:$0x11];
	[sflag:s28] =	ssyncadd.s32 $0xFFFFC000  }
0x13a: {  	[spmem:s2] =	stream.indirect.scatter.add.f32 [tilespmem:s21], [sflag:$0x3], $0x80, s13, s25, $0xb8;
	[tilespmem:$0x1D000] =	vst v63  }
0x13b: {  	_ =	swait.ge [sflag:s22], $0x4000  }
0x13c: {  	[sflag:s22] =	ssyncset.done $0x0  }
0x13d: {  	s13 =	rddreg [dreg:$0x12];
	[sflag:s22] =	ssyncadd.s32 $0xFFFFC000  }
0x13e: {  	[tilespmem:s21], [sflag:$0x1] =	stream.indirect.gather [hbm4b:s4+s25], $0x80, s13, s25, $0xb8;
	[tilespmem:$0x1D000] =	vst v63  }
0x13f: {  	_ =	swait.ge [sflag:s29], $0x4000  }
0x140: {  	[sflag:s29] =	ssyncset.done $0x0  }
0x141: {  	[sflag:s29] =	ssyncadd.s32 $0xFFFFC000  }
0x142: {  	[spmem:s2] =	stream.indirect.scatter.add.f32 [tilespmem:s26], [sflag:$0x3], $0x80, s30, s25, $0xb8;
	[tilespmem:$0x1D000] =	vst v63  }
0x143: {  	_ =	swait.ge [sflag:s22], $0x4000  }
0x144: {  	[sflag:s22] =	ssyncset.done $0x0  }
0x145: {  	[sflag:s22] =	ssyncadd.s32 $0xFFFFC000  }
0x146: {  	[tilespmem:s26], [sflag:$0x2] =	stream.indirect.gather [hbm4b:s4+s25], $0x80, s31, s25, $0xb8;
	[tilespmem:$0x1D000] =	vst v63  }
0x147: {  	_ =	swait.ge [sflag:s28], $0x4000  }
0x148: {  	[sflag:s28] =	ssyncset.done $0x0  }
0x149: {  	[sflag:s28] =	ssyncadd.s32 $0xFFFFC000  }
0x14a: {  	[spmem:s2] =	stream.indirect.scatter.add.f32 [tilespmem:s21], [sflag:$0x3], $0x80, s1, s25, $0xb8;
	[tilespmem:$0x1D000] =	vst v63  }
0x14b: {  	_ =	swait.ge [sflag:s22], $0x4000  }
0x14c: {  	[sflag:s22] =	ssyncset.done $0x0  }
0x14d: {  	[sflag:s22] =	ssyncadd.s32 $0xFFFFC000  }
0x14e: {  	[tilespmem:s21], [sflag:$0x1] =	stream.indirect.gather [hbm4b:s4+s25], $0x80, s0, s25, $0xb8;
	[tilespmem:$0x1D000] =	vst v63  }
0x14f: {  	_ =	swait.ge [sflag:s29], $0x4000  }
0x150: {  	[sflag:s29] =	ssyncset.done $0x0  }
0x151: {  	[sflag:s29] =	ssyncadd.s32 $0xFFFFC000  }
0x152: {  	[spmem:s2] =	stream.indirect.scatter.add.f32 [tilespmem:s26], [sflag:$0x3], $0x80, s7, s25, $0xb8;
	[tilespmem:$0x1D000] =	vst v63  }
0x153: {  	_ =	swait.ge [sflag:s22], $0x4000  }
0x154: {  	[sflag:s22] =	ssyncset.done $0x0  }
0x155: {  	[sflag:s22] =	ssyncadd.s32 $0xFFFFC000  }
0x156: {  	[tilespmem:s26], [sflag:$0x2] =	stream.indirect.gather [hbm4b:s4+s25], $0x80, s6, s25, $0xb8;
	[tilespmem:$0x1D000] =	vst v63  }
0x157: {  	_ =	swait.ge [sflag:s28], $0x4000  }
0x158: {  	[sflag:s28] =	ssyncset.done $0x0  }
0x159: {  	[sflag:s28] =	ssyncadd.s32 $0xFFFFC000  }
0x15a: {  	[spmem:s2] =	stream.indirect.scatter.add.f32 [tilespmem:s21], [sflag:$0x3], $0x80, s8, s25, $0xb8;
	[tilespmem:$0x1D000] =	vst v63  }
0x15b: {  	_ =	swait.ge [sflag:s22], $0x4000  }
0x15c: {  	[sflag:s22] =	ssyncset.done $0x0  }
0x15d: {  	[sflag:s22] =	ssyncadd.s32 $0xFFFFC000  }
0x15e: {  	[tilespmem:s21], [sflag:$0x1] =	stream.indirect.gather [hbm4b:s4+s25], $0x80, s10, s25, $0xb8;
	[tilespmem:$0x1D000] =	vst v63  }
0x15f: {  	_ =	swait.ge [sflag:s29], $0x4000  }
0x160: {  	[sflag:s29] =	ssyncset.done $0x0  }
0x161: {  	[sflag:s29] =	ssyncadd.s32 $0xFFFFC000  }
0x162: {  	[spmem:s2] =	stream.indirect.scatter.add.f32 [tilespmem:s26], [sflag:$0x3], $0x80, s12, s25, $0xb8;
	[tilespmem:$0x1D000] =	vst v63  }
0x163: {  	_ =	swait.ge [sflag:s22], $0x4000  }
0x164: {  	[sflag:s22] =	ssyncset.done $0x0  }
0x165: {  	[sflag:s22] =	ssyncadd.s32 $0xFFFFC000  }
0x166: {  	[tilespmem:s26], [sflag:$0x2] =	stream.indirect.gather [hbm4b:s4+s25], $0x80, s14, s25, $0xb8;
	[tilespmem:$0x1D000] =	vst v63  }
0x167: {  	_ =	swait.ge [sflag:s28], $0x4000  }
0x168: {  	[sflag:s28] =	ssyncset.done $0x0  }
0x169: {  	[sflag:s28] =	ssyncadd.s32 $0xFFFFC000  }
0x16a: {  	[spmem:s2] =	stream.indirect.scatter.add.f32 [tilespmem:s21], [sflag:$0x3], $0x80, s16, s25, $0xb8;
	[tilespmem:$0x1D000] =	vst v63  }
0x16b: {  	_ =	swait.ge [sflag:s22], $0x4000  }
0x16c: {  	[sflag:s22] =	ssyncset.done $0x0  }
0x16d: {  	[sflag:s22] =	ssyncadd.s32 $0xFFFFC000  }
0x16e: {  	[tilespmem:s21], [sflag:$0x1] =	stream.indirect.gather [hbm4b:s4+s25], $0x80, s17, s25, $0xb8;
	[tilespmem:$0x1D000] =	vst v63  }
0x16f: {  	_ =	swait.ge [sflag:s29], $0x4000  }
0x170: {  	[sflag:s29] =	ssyncset.done $0x0  }
0x171: {  	[sflag:s29] =	ssyncadd.s32 $0xFFFFC000  }
0x172: {  	[spmem:s2] =	stream.indirect.scatter.add.f32 [tilespmem:s26], [sflag:$0x3], $0x80, s18, s25, $0xb8;
	[tilespmem:$0x1D000] =	vst v63  }
0x173: {  	_ =	swait.ge [sflag:s22], $0x4000  }
0x174: {  	[sflag:s22] =	ssyncset.done $0x0  }
0x175: {  	[sflag:s22] =	ssyncadd.s32 $0xFFFFC000  }
0x176: {  	[tilespmem:s26], [sflag:$0x2] =	stream.indirect.gather [hbm4b:s4+s25], $0x80, s19, s25, $0xb8;
	[tilespmem:$0x1D000] =	vst v63  }
0x177: {  	_ =	swait.ge [sflag:s28], $0x4000  }
0x178: {  	[sflag:s28] =	ssyncset.done $0x0  }
0x179: {  	[sflag:s28] =	ssyncadd.s32 $0xFFFFC000  }
0x17a: {  	[spmem:s2] =	stream.indirect.scatter.add.f32 [tilespmem:s21], [sflag:$0x3], $0x80, s20, s25, $0xb8;
	[tilespmem:$0x1D000] =	vst v63  }
0x17b: {  	_ =	swait.ge [sflag:s22], $0x4000  }
0x17c: {  	[sflag:s22] =	ssyncset.done $0x0  }
0x17d: {  	[sflag:s22] =	ssyncadd.s32 $0xFFFFC000  }
0x17e: {  	p2 =	sne.s32 s9, $0x400;
	_ =	swait.ge [sflag:s29], $0x4000  }
.Ltmp3:
0x17f: {  	[sflag:s29] =	ssyncset.done $0x0;
	(pc) =	sbr.rel @p2 .LBB2_7-.Ltmp3, $4  }
0x180: {  	[sflag:s29] =	ssyncadd.s32 $0xFFFFC000  }
0x181: {  	[spmem:s2] =	stream.indirect.scatter.add.f32 [tilespmem:s26], [sflag:$0x3], $0x80, s5, s25, $0xb8;
	[tilespmem:$0x1D000] =	vst v63  }
0x182: {  	s11 =	smov.u32 s9;
	s9 =	sadd.s32 $0x100, s9;
	_ =	swait.ge [sflag:s22], $0x4000  }
0x183: {  	s15 =	smov.u32 s11;
	s13 =	rddreg [dreg:$0x4];
	[sflag:s22] =	ssyncset.done $0x0  }
0x184: {  	[sflag:s22] =	ssyncadd.s32 $0xFFFFC000;
	s9 =	sadd.s32 s15, s13  }
0x185: {  	[tilespmem:s23], [sflag:$0x3] =	stream.linear.gather [hbm4b:s9+s3], $0x800, $0x38;
	[tilespmem:$0x1D000] =	vst v63  }
0x186: {  	_ =	swait.ge [sflag:s22], $0x800  }
0x187: {  	s11 =	rddreg [dreg:$0x3];
	[sflag:s22] =	ssyncset.done $0x0  }
0x188: {  	s9 =	sadd.s32 s15, s11;
	[sflag:s22] =	ssyncadd.s32 $0xFFFFF800  }
0x189: {  	[tilespmem:s24], [sflag:$0x3] =	stream.linear.gather [hbm4b:s9+s3], $0x800, $0x38;
	[tilespmem:$0x1D000] =	vst v63  }
0x18a: {  	_ =	swait.ge [sflag:s22], $0x800  }
0x18b: {  	[sflag:s22] =	ssyncset.done $0x0  }
0x18c: {  	[sflag:s22] =	ssyncadd.s32 $0xFFFFF800  }
0x18d: {  	[tilespmem:s21], [sflag:$0x1] =	stream.indirect.gather [hbm4b:s4+s25], $0x80, s23, s25, $0xb8;
	[tilespmem:$0x1D000] =	vst v63  }
0x18e: {  	s13 =	rddreg [dreg:$0x5]  }
0x18f: {  	[tilespmem:s26], [sflag:$0x2] =	stream.indirect.gather [hbm4b:s4+s25], $0x80, s13, s25, $0xb8;
	[tilespmem:$0x1D000] =	vst v63  }
0x190: {  	_ =	swait.ge [sflag:s28], $0x4000  }
0x191: {  	[sflag:s28] =	ssyncset.done $0x0  }
0x192: {  	[sflag:s28] =	ssyncadd.s32 $0xFFFFC000  }
0x193: {  	[spmem:s2] =	stream.indirect.scatter.add.f32 [tilespmem:s21], [sflag:$0x3], $0x80, s24, s25, $0xb8;
	[tilespmem:$0x1D000] =	vst v63  }
0x194: {  	_ =	swait.ge [sflag:s22], $0x4000  }
0x195: {  	[sflag:s22] =	ssyncset.done $0x0  }
0x196: {  	s15 =	rddreg [dreg:$0x6];
	[sflag:s22] =	ssyncadd.s32 $0xFFFFC000  }
0x197: {  	[tilespmem:s21], [sflag:$0x1] =	stream.indirect.gather [hbm4b:s4+s25], $0x80, s15, s25, $0xb8;
	[tilespmem:$0x1D000] =	vst v63  }
0x198: {  	_ =	swait.ge [sflag:s29], $0x4000  }
0x199: {  	[sflag:s29] =	ssyncset.done $0x0  }
0x19a: {  	s11 =	rddreg [dreg:$0x7];
	[sflag:s29] =	ssyncadd.s32 $0xFFFFC000  }
0x19b: {  	[spmem:s2] =	stream.indirect.scatter.add.f32 [tilespmem:s26], [sflag:$0x3], $0x80, s11, s25, $0xb8;
	[tilespmem:$0x1D000] =	vst v63  }
0x19c: {  	_ =	swait.ge [sflag:s22], $0x4000  }
0x19d: {  	[sflag:s22] =	ssyncset.done $0x0  }
0x19e: {  	s13 =	rddreg [dreg:$0x8];
	[sflag:s22] =	ssyncadd.s32 $0xFFFFC000  }
0x19f: {  	[tilespmem:s26], [sflag:$0x2] =	stream.indirect.gather [hbm4b:s4+s25], $0x80, s13, s25, $0xb8;
	[tilespmem:$0x1D000] =	vst v63  }
0x1a0: {  	_ =	swait.ge [sflag:s28], $0x4000  }
0x1a1: {  	[sflag:s28] =	ssyncset.done $0x0  }
0x1a2: {  	s15 =	rddreg [dreg:$0x9];
	[sflag:s28] =	ssyncadd.s32 $0xFFFFC000  }
0x1a3: {  	[spmem:s2] =	stream.indirect.scatter.add.f32 [tilespmem:s21], [sflag:$0x3], $0x80, s15, s25, $0xb8;
	[tilespmem:$0x1D000] =	vst v63  }
0x1a4: {  	_ =	swait.ge [sflag:s22], $0x4000  }
0x1a5: {  	[sflag:s22] =	ssyncset.done $0x0  }
0x1a6: {  	s11 =	rddreg [dreg:$0xa];
	[sflag:s22] =	ssyncadd.s32 $0xFFFFC000  }
0x1a7: {  	[tilespmem:s21], [sflag:$0x1] =	stream.indirect.gather [hbm4b:s4+s25], $0x80, s11, s25, $0xb8;
	[tilespmem:$0x1D000] =	vst v63  }
0x1a8: {  	_ =	swait.ge [sflag:s29], $0x4000  }
0x1a9: {  	[sflag:s29] =	ssyncset.done $0x0  }
0x1aa: {  	s13 =	rddreg [dreg:$0xb];
	[sflag:s29] =	ssyncadd.s32 $0xFFFFC000  }
0x1ab: {  	[spmem:s2] =	stream.indirect.scatter.add.f32 [tilespmem:s26], [sflag:$0x3], $0x80, s13, s25, $0xb8;
	[tilespmem:$0x1D000] =	vst v63  }
0x1ac: {  	_ =	swait.ge [sflag:s22], $0x4000  }
0x1ad: {  	[sflag:s22] =	ssyncset.done $0x0  }
0x1ae: {  	s15 =	rddreg [dreg:$0xc];
	[sflag:s22] =	ssyncadd.s32 $0xFFFFC000  }
0x1af: {  	[tilespmem:s26], [sflag:$0x2] =	stream.indirect.gather [hbm4b:s4+s25], $0x80, s15, s25, $0xb8;
	[tilespmem:$0x1D000] =	vst v63  }
0x1b0: {  	_ =	swait.ge [sflag:s28], $0x4000  }
0x1b1: {  	[sflag:s28] =	ssyncset.done $0x0  }
0x1b2: {  	s11 =	rddreg [dreg:$0xd];
	[sflag:s28] =	ssyncadd.s32 $0xFFFFC000  }
0x1b3: {  	[spmem:s2] =	stream.indirect.scatter.add.f32 [tilespmem:s21], [sflag:$0x3], $0x80, s11, s25, $0xb8;
	[tilespmem:$0x1D000] =	vst v63  }
0x1b4: {  	_ =	swait.ge [sflag:s22], $0x4000  }
0x1b5: {  	[sflag:s22] =	ssyncset.done $0x0  }
0x1b6: {  	s13 =	rddreg [dreg:$0xe];
	[sflag:s22] =	ssyncadd.s32 $0xFFFFC000  }
0x1b7: {  	[tilespmem:s21], [sflag:$0x1] =	stream.indirect.gather [hbm4b:s4+s25], $0x80, s13, s25, $0xb8;
	[tilespmem:$0x1D000] =	vst v63  }
0x1b8: {  	_ =	swait.ge [sflag:s29], $0x4000  }
0x1b9: {  	[sflag:s29] =	ssyncset.done $0x0  }
0x1ba: {  	s15 =	rddreg [dreg:$0xf];
	[sflag:s29] =	ssyncadd.s32 $0xFFFFC000  }
0x1bb: {  	[spmem:s2] =	stream.indirect.scatter.add.f32 [tilespmem:s26], [sflag:$0x3], $0x80, s15, s25, $0xb8;
	[tilespmem:$0x1D000] =	vst v63  }
0x1bc: {  	_ =	swait.ge [sflag:s22], $0x4000  }
0x1bd: {  	[sflag:s22] =	ssyncset.done $0x0  }
0x1be: {  	s11 =	rddreg [dreg:$0x10];
	[sflag:s22] =	ssyncadd.s32 $0xFFFFC000  }
0x1bf: {  	[tilespmem:s26], [sflag:$0x2] =	stream.indirect.gather [hbm4b:s4+s25], $0x80, s11, s25, $0xb8;
	[tilespmem:$0x1D000] =	vst v63  }
0x1c0: {  	_ =	swait.ge [sflag:s28], $0x4000  }
0x1c1: {  	[sflag:s28] =	ssyncset.done $0x0  }
0x1c2: {  	s13 =	rddreg [dreg:$0x11];
	[sflag:s28] =	ssyncadd.s32 $0xFFFFC000  }
0x1c3: {  	[spmem:s2] =	stream.indirect.scatter.add.f32 [tilespmem:s21], [sflag:$0x3], $0x80, s13, s25, $0xb8;
	[tilespmem:$0x1D000] =	vst v63  }
0x1c4: {  	_ =	swait.ge [sflag:s22], $0x4000  }
0x1c5: {  	[sflag:s22] =	ssyncset.done $0x0  }
0x1c6: {  	s15 =	rddreg [dreg:$0x12];
	[sflag:s22] =	ssyncadd.s32 $0xFFFFC000  }
0x1c7: {  	[tilespmem:s21], [sflag:$0x1] =	stream.indirect.gather [hbm4b:s4+s25], $0x80, s15, s25, $0xb8;
	[tilespmem:$0x1D000] =	vst v63  }
0x1c8: {  	_ =	swait.ge [sflag:s29], $0x4000  }
0x1c9: {  	[sflag:s29] =	ssyncset.done $0x0  }
0x1ca: {  	[sflag:s29] =	ssyncadd.s32 $0xFFFFC000  }
0x1cb: {  	[spmem:s2] =	stream.indirect.scatter.add.f32 [tilespmem:s26], [sflag:$0x3], $0x80, s30, s25, $0xb8;
	[tilespmem:$0x1D000] =	vst v63  }
0x1cc: {  	_ =	swait.ge [sflag:s22], $0x4000  }
0x1cd: {  	[sflag:s22] =	ssyncset.done $0x0  }
0x1ce: {  	[sflag:s22] =	ssyncadd.s32 $0xFFFFC000  }
0x1cf: {  	[tilespmem:s26], [sflag:$0x2] =	stream.indirect.gather [hbm4b:s4+s25], $0x80, s31, s25, $0xb8;
	[tilespmem:$0x1D000] =	vst v63  }
0x1d0: {  	_ =	swait.ge [sflag:s28], $0x4000  }
0x1d1: {  	[sflag:s28] =	ssyncset.done $0x0  }
0x1d2: {  	[sflag:s28] =	ssyncadd.s32 $0xFFFFC000  }
0x1d3: {  	[spmem:s2] =	stream.indirect.scatter.add.f32 [tilespmem:s21], [sflag:$0x3], $0x80, s1, s25, $0xb8;
	[tilespmem:$0x1D000] =	vst v63  }
0x1d4: {  	_ =	swait.ge [sflag:s22], $0x4000  }
0x1d5: {  	[sflag:s22] =	ssyncset.done $0x0  }
0x1d6: {  	[sflag:s22] =	ssyncadd.s32 $0xFFFFC000  }
0x1d7: {  	[tilespmem:s21], [sflag:$0x1] =	stream.indirect.gather [hbm4b:s4+s25], $0x80, s0, s25, $0xb8;
	[tilespmem:$0x1D000] =	vst v63  }
0x1d8: {  	_ =	swait.ge [sflag:s29], $0x4000  }
0x1d9: {  	[sflag:s29] =	ssyncset.done $0x0  }
0x1da: {  	[sflag:s29] =	ssyncadd.s32 $0xFFFFC000  }
0x1db: {  	[spmem:s2] =	stream.indirect.scatter.add.f32 [tilespmem:s26], [sflag:$0x3], $0x80, s7, s25, $0xb8;
	[tilespmem:$0x1D000] =	vst v63  }
0x1dc: {  	_ =	swait.ge [sflag:s22], $0x4000  }
0x1dd: {  	[sflag:s22] =	ssyncset.done $0x0  }
0x1de: {  	[sflag:s22] =	ssyncadd.s32 $0xFFFFC000  }
0x1df: {  	[tilespmem:s26], [sflag:$0x2] =	stream.indirect.gather [hbm4b:s4+s25], $0x80, s6, s25, $0xb8;
	[tilespmem:$0x1D000] =	vst v63  }
0x1e0: {  	_ =	swait.ge [sflag:s28], $0x4000  }
0x1e1: {  	[sflag:s28] =	ssyncset.done $0x0  }
0x1e2: {  	[sflag:s28] =	ssyncadd.s32 $0xFFFFC000  }
0x1e3: {  	[spmem:s2] =	stream.indirect.scatter.add.f32 [tilespmem:s21], [sflag:$0x3], $0x80, s8, s25, $0xb8;
	[tilespmem:$0x1D000] =	vst v63  }
0x1e4: {  	_ =	swait.ge [sflag:s22], $0x4000  }
0x1e5: {  	[sflag:s22] =	ssyncset.done $0x0  }
0x1e6: {  	[sflag:s22] =	ssyncadd.s32 $0xFFFFC000  }
0x1e7: {  	[tilespmem:s21], [sflag:$0x1] =	stream.indirect.gather [hbm4b:s4+s25], $0x80, s10, s25, $0xb8;
	[tilespmem:$0x1D000] =	vst v63  }
0x1e8: {  	_ =	swait.ge [sflag:s29], $0x4000  }
0x1e9: {  	[sflag:s29] =	ssyncset.done $0x0  }
0x1ea: {  	[sflag:s29] =	ssyncadd.s32 $0xFFFFC000  }
0x1eb: {  	[spmem:s2] =	stream.indirect.scatter.add.f32 [tilespmem:s26], [sflag:$0x3], $0x80, s12, s25, $0xb8;
	[tilespmem:$0x1D000] =	vst v63  }
0x1ec: {  	_ =	swait.ge [sflag:s22], $0x4000  }
0x1ed: {  	[sflag:s22] =	ssyncset.done $0x0  }
0x1ee: {  	[sflag:s22] =	ssyncadd.s32 $0xFFFFC000  }
0x1ef: {  	[tilespmem:s26], [sflag:$0x2] =	stream.indirect.gather [hbm4b:s4+s25], $0x80, s14, s25, $0xb8;
	[tilespmem:$0x1D000] =	vst v63  }
0x1f0: {  	_ =	swait.ge [sflag:s28], $0x4000  }
0x1f1: {  	[sflag:s28] =	ssyncset.done $0x0  }
0x1f2: {  	[sflag:s28] =	ssyncadd.s32 $0xFFFFC000  }
0x1f3: {  	[spmem:s2] =	stream.indirect.scatter.add.f32 [tilespmem:s21], [sflag:$0x3], $0x80, s16, s25, $0xb8;
	[tilespmem:$0x1D000] =	vst v63  }
0x1f4: {  	_ =	swait.ge [sflag:s22], $0x4000  }
0x1f5: {  	[sflag:s22] =	ssyncset.done $0x0  }
0x1f6: {  	[sflag:s22] =	ssyncadd.s32 $0xFFFFC000  }
0x1f7: {  	[tilespmem:s21], [sflag:$0x1] =	stream.indirect.gather [hbm4b:s4+s25], $0x80, s17, s25, $0xb8;
	[tilespmem:$0x1D000] =	vst v63  }
0x1f8: {  	_ =	swait.ge [sflag:s29], $0x4000  }
0x1f9: {  	[sflag:s29] =	ssyncset.done $0x0  }
0x1fa: {  	[sflag:s29] =	ssyncadd.s32 $0xFFFFC000  }
0x1fb: {  	[spmem:s2] =	stream.indirect.scatter.add.f32 [tilespmem:s26], [sflag:$0x3], $0x80, s18, s25, $0xb8;
	[tilespmem:$0x1D000] =	vst v63  }
0x1fc: {  	_ =	swait.ge [sflag:s22], $0x4000  }
0x1fd: {  	[sflag:s22] =	ssyncset.done $0x0  }
0x1fe: {  	[sflag:s22] =	ssyncadd.s32 $0xFFFFC000  }
0x1ff: {  	[tilespmem:s26], [sflag:$0x2] =	stream.indirect.gather [hbm4b:s4+s25], $0x80, s19, s25, $0xb8;
	[tilespmem:$0x1D000] =	vst v63  }
0x200: {  	_ =	swait.ge [sflag:s28], $0x4000  }
0x201: {  	[sflag:s28] =	ssyncset.done $0x0  }
0x202: {  	[sflag:s28] =	ssyncadd.s32 $0xFFFFC000  }
0x203: {  	[spmem:s2] =	stream.indirect.scatter.add.f32 [tilespmem:s21], [sflag:$0x3], $0x80, s20, s25, $0xb8;
	[tilespmem:$0x1D000] =	vst v63  }
0x204: {  	_ =	swait.ge [sflag:s22], $0x4000  }
0x205: {  	[sflag:s22] =	ssyncset.done $0x0  }
0x206: {  	[sflag:s22] =	ssyncadd.s32 $0xFFFFC000  }
0x207: {  	_ =	swait.ge [sflag:s29], $0x4000  }
0x208: {  	[sflag:s29] =	ssyncset.done $0x0  }
0x209: {  	[sflag:s29] =	ssyncadd.s32 $0xFFFFC000  }
0x20a: {  	[spmem:s2] =	stream.indirect.scatter.add.f32 [tilespmem:s26], [sflag:$0x3], $0x80, s5, s25, $0xb8;
	[tilespmem:$0x1D000] =	vst v63  }
0x20b: {  	_ =	swait.ge [sflag:s22], $0x4000  }
0x20c: {  	[sflag:s22] =	ssyncset.done $0x0  }
0x20d: {  	[sflag:s22] =	ssyncadd.s32 $0xFFFFC000  }
0x20e: {  	[bflag:$0x0] =	sbarrier.arrive $0xFFFF  }
0x20f: {  	s13 =	rddreg [dreg:$0x13]  }
0x210: {  	[tilespmem:s21], [sflag:$0x3] =	stream.linear.gather [spmem:s13], $0x4000, $0x38;
	[tilespmem:$0x1D000] =	vst v63  }
0x211: {  	_ =	swait.ge [sflag:s22], $0x4000  }
0x212: {  	s11 =	simm.s32 $0x400;
	[sflag:s22] =	ssyncset.done $0x0  }
0x213: {  	s15 =	simm.s32 $0x800;
	s9 =	rddreg [dreg:$0x1e];
	[sflag:s22] =	ssyncadd.s32 $0xFFFFC000  }
0x214: {  	[hbm4b:s9+s11] =	stream.strided.scatter [tilespmem:s21], [sflag:$0x3], $0x4000, s15, s11, $0x38;
	[tilespmem:$0x1D000] =	vst v63  }
0x215: {  	_ =	swait.ge [sflag:s22], $0x4000  }
0x216: {  	[sflag:s22] =	ssyncset.done $0x0  }
0x217: {  	s9 =	rddreg [dreg:$0x17];
	[sflag:s22] =	ssyncadd.s32 $0xFFFFC000  }
0x218: {  	[tilespmem:s21], [sflag:$0x3] =	stream.linear.gather [spmem:s9], $0x4000, $0x38;
	[tilespmem:$0x1D000] =	vst v63  }
0x219: {  	_ =	swait.ge [sflag:s22], $0x4000  }
0x21a: {  	[sflag:s22] =	ssyncset.done $0x0  }
0x21b: {  	s9 =	rddreg [dreg:$0x1f];
	[sflag:s22] =	ssyncadd.s32 $0xFFFFC000  }
0x21c: {  	[hbm4b:s9+s11] =	stream.strided.scatter [tilespmem:s21], [sflag:$0x3], $0x4000, s15, s11, $0x38;
	[tilespmem:$0x1D000] =	vst v63  }
0x21d: {  	_ =	swait.ge [sflag:s22], $0x4000  }
0x21e: {  	[sflag:s22] =	ssyncset.done $0x0  }
0x21f: {  	s9 =	rddreg [dreg:$0x19];
	[sflag:s22] =	ssyncadd.s32 $0xFFFFC000  }
0x220: {  	[tilespmem:s21], [sflag:$0x3] =	stream.linear.gather [spmem:s9], $0x4000, $0x38;
	[tilespmem:$0x1D000] =	vst v63  }
0x221: {  	_ =	swait.ge [sflag:s22], $0x4000  }
0x222: {  	s9 =	sld [smem:$0x7FB]  }
0x223: {  	[sflag:s22] =	ssyncset.done $0x0  }
0x224: {  	[sflag:s22] =	ssyncadd.s32 $0xFFFFC000  }
0x225: {  	[hbm4b:s9+s11] =	stream.strided.scatter [tilespmem:s21], [sflag:$0x3], $0x4000, s15, s11, $0x38;
	[tilespmem:$0x1D000] =	vst v63  }
0x226: {  	_ =	swait.ge [sflag:s22], $0x4000  }
0x227: {  	[sflag:s22] =	ssyncset.done $0x0  }
0x228: {  	s9 =	rddreg [dreg:$0x1b];
	[sflag:s22] =	ssyncadd.s32 $0xFFFFC000  }
0x229: {  	[tilespmem:s21], [sflag:$0x3] =	stream.linear.gather [spmem:s9], $0x4000, $0x38;
	[tilespmem:$0x1D000] =	vst v63  }
0x22a: {  	_ =	swait.ge [sflag:s22], $0x4000  }
0x22b: {  	s9 =	sld [smem:$0x7FC]  }
0x22c: {  	[sflag:s22] =	ssyncset.done $0x0  }
0x22d: {  	[sflag:s22] =	ssyncadd.s32 $0xFFFFC000  }
0x22e: {  	[hbm4b:s9+s11] =	stream.strided.scatter [tilespmem:s21], [sflag:$0x3], $0x4000, s15, s11, $0x38;
	[tilespmem:$0x1D000] =	vst v63  }
0x22f: {  	_ =	swait.ge [sflag:s22], $0x4000  }
0x230: {  	[sflag:s22] =	ssyncset.done $0x0  }
0x231: {  	s9 =	rddreg [dreg:$0x1d];
	[sflag:s22] =	ssyncadd.s32 $0xFFFFC000  }
0x232: {  	[tilespmem:s21], [sflag:$0x3] =	stream.linear.gather [spmem:s9], $0x4000, $0x38;
	[tilespmem:$0x1D000] =	vst v63  }
0x233: {  	_ =	swait.ge [sflag:s22], $0x4000  }
0x234: {  	s9 =	sld [smem:$0x7FD]  }
0x235: {  	[sflag:s22] =	ssyncset.done $0x0  }
0x236: {  	[sflag:s22] =	ssyncadd.s32 $0xFFFFC000  }
0x237: {  	[hbm4b:s9+s11] =	stream.strided.scatter [tilespmem:s21], [sflag:$0x3], $0x4000, s15, s11, $0x38;
	[tilespmem:$0x1D000] =	vst v63  }
0x238: {  	_ =	swait.ge [sflag:s22], $0x4000  }
0x239: {  	s9 =	sld [smem:$0x7FA];
	_ =	sdelay $0x2  }
0x23a: {  	s15 =	rddreg [dreg:$0x14];
	s11 =	sadd.s32 $0x1, s9  }
0x23b: {  	p2 =	sne.s32 s11, s15  }
.Ltmp4:
0x23c: {  	_ = 	snop;
	(pc) =	sbr.rel @p2 .LBB2_1-.Ltmp4, $3  }
0x23d: {  	_ =	sdelay $0x1  }
0x23e: {  	[sflag:s22] =	ssyncset.done $0x0  }
0x23f: {  	[sflag:s22] =	ssyncadd.s32 $0xFFFFC000  }
0x240: {  	_ =	sfence.sel $0x180000  }
0x241: {  	[bflag:$0x0] =	sbarrier.arrive $0xFFFF  }
0x242: {  	_ =	strace $0x9000004D  }
0x243: {  	s0 =	stileid.u32;
	[bflag:$0x2] =	sbarrier.arrive $0xFFFF  }
0x244: {  	p0 =	sne.s32 s0, $0x0;
	s0 =	rddreg [dreg:$0x2]  }
0x245: {  	s0 =	sadd.s32 @!p0 $0x100000, s0  }
0x246: {  	[sflag:s0] =	ssyncadd.tile.s32 @!p0 $0x1;
	_ =	shalt  }
.Lfunc_end2:
_tile_overlayer_lowered:
.L_overlay_start_2:
0x247: {  	(tag) =	ssettag $0x2  }
0x248: {  	s0 =	rddreg [dreg:$0x0];
	s2 =	stileid.u32  }
0x249: {  	s1 =	rddreg [dreg:$0x1];
	p0 =	sne.s32 s2, $0x0  }
0x24a: {  	s3 =	rddreg [dreg:$0x2];
	[bflag:$0x3] =	sbarrier.arrive $0xFFFF;
	s2 =	simm.s32 @!p0 $0x1C03  }
0x24b: {  	[timem:s3], [sflag:s2] =	dma.local @!p0 [hbm:s0], s1  }
0x24c: {  	s0 =	simm.s32 @!p0 $0x3  }
0x24d: {  	_ =	swait.ge @!p0 [sflag:s0], s1  }
0x24e: {  	s1 =	ssub.s32 @!p0 $0x0, s1;
	[sflag:s0] =	ssyncset.done @!p0 $0x0  }
0x24f: {  	[sflag:s0] =	ssyncadd.s32 @!p0 s1  }
0x250: {  	[bflag:$0x3] =	sbarrier.arrive $0xFFFF  }
0x251: {  	_ =	shalt  }

// kernel: kernel.19.cloned.1.call-start
scs
__scs_entry_jumppad:
0x0: {  	(pc) =	sbr.rel $0x88, $3  }
0x1: {  	(tag) =	ssettag $0x0;
	lr =	simm.s32 $0x1  }
0x2: {  	[smem:$0x3F94] =	sst lr;
	_ =	strace $0xD0000000  }
0x3: {  	_ = 	snop  }
0x4: {  	_ = 	snop  }
0x5: {  	_ = 	snop  }
0x6: {  	_ = 	snop  }
0x7: {  	_ = 	snop  }
__scs_overlays_trampoline_lowered:
0x8: {  	[smem:$0x3FA3] =	sst s0  }
0x9: {  	[smem:$0x3FA4] =	sst s1  }
0xa: {  	[smem:$0x3FA5] =	sst s2  }
0xb: {  	[smem:$0x3FA6] =	sst s3  }
0xc: {  	[smem:$0x3FA7] =	sst s4  }
0xd: {  	[smem:$0x3FA8] =	sst s5  }
0xe: {  	[smem:$0x3FA9] =	sst s6  }
0xf: {  	[smem:$0x3FAA] =	sst s7  }
0x10: {  	[smem:$0x3FAB] =	sst s8  }
0x11: {  	[smem:$0x3FAC] =	sst s9;
	s0 =	simm.s32 @!p0 $0x0  }
0x12: {  	s1 =	sld [smem:$0x3F92];
	s0 =	simm.s32 @p0 $0x1  }
0x13: {  	[smem:$0x3FAD] =	sst s0;
	s0 =	simm.s32 @!p1 $0x0  }
0x14: {  	s2 =	sld [smem:$0x3F91];
	s0 =	simm.s32 @p1 $0x1  }
0x15: {  	[smem:$0x3FAE] =	sst s0;
	s0 =	simm.s32 @!p2 $0x0  }
0x16: {  	s3 =	sld [smem:$0x3FDB];
	s0 =	simm.s32 @p2 $0x1  }
0x17: {  	s4 =	simm.s32 $0x1BF5;
	[smem:$0x3FB0] =	sst s0  }
0x18: {  	s0 =	sld [smem:$0x3F93];
	_ =	swait.ge [sflag:s4], $0x0  }
0x19: {  	s7 =	sld [smem:$0x3F94]  }
0x1a: {  	s8 =	sadd.s32 $0xFFFFE003, lr  }
0x1b: {  	s9 =	sadd.s32 $0xFFFFFEF7, lr;
	s5 =	simm.s32 $0xFFFFFFFF;
	p2 =	slt.u32 s8, $0xFFFFF086  }
0x1c: {  	p1 =	slt.u32 s9, $0xF7A;
	s5 =	simm.s32 @!p2 $0x0  }
0x1d: {  	s5 =	simm.s32 @p1 $0x1;
	p0 =	seq.s32 s7, s2  }
0x1e: {  	s7 =	smul.u32 @!p0 $0xF7A, s2;
	p2 =	seq.s32 @!p0 s5, $0x0  }
0x1f: {  	s9 =	smul.u32 $0xF7A, s1;
	s8 =	simm.s32 @!p0 $0x1BF5;
	p2 =	por !p2, p0  }
0x20: {  	[sflag:s8] =	ssyncset.s32 @!p0 $0xFFFFF086;
	s6 =	sadd.s32 @!p0 s3, s7;
	s7 =	simm.s32 @!p0 $0x108  }
0x21: {  	s3 =	sadd.s32 s3, s9;
	s6 =	sadd.s32 @!p0 $0x88, s6;
	s7 =	simm.s32 @p2 $0x1082  }
0x22: {  	[simem:s7], [sflag:s8] =	dma.local @!p0 [hbm:s6], $0xF7A  }
0x23: {  	s9 =	sor.u32 $0xD0000000, s2;
	s6 =	simm.s32 $0x108;
	_ =	swait.ge @!p0 [sflag:s8], $0x0  }
0x24: {  	s3 =	sadd.s32 $0x88, s3;
	s6 =	simm.s32 @!p1 $0x1082;
	[sflag:s4] =	ssyncset.s32 $0xFFFFF086  }
0x25: {  	[simem:s6], [sflag:s4] =	dma.local [hbm:s3], $0xF7A  }
0x26: {  	[smem:$0x3F94] =	sst s1;
	(tag) =	ssettag s2;
	_ =	strace s9  }
0x27: {  	s1 =	sld [smem:$0x3FA4]  }
0x28: {  	s2 =	sld [smem:$0x3FA5]  }
0x29: {  	s4 =	sld [smem:$0x3FA7]  }
0x2a: {  	p0 =	seq.s32 s5, $0x0;
	s5 =	sld [smem:$0x3FA8]  }
0x2b: {  	s6 =	sld [smem:$0x3FA9]  }
0x2c: {  	s7 =	sld [smem:$0x3FAA]  }
0x2d: {  	s3 =	simm.s32 $0x108;
	s8 =	sld [smem:$0x3FAB]  }
0x2e: {  	s3 =	simm.s32 @!p0 $0x1082;
	s9 =	sld [smem:$0x3FAC]  }
0x2f: {  	lr =	sadd.s32 s0, s3;
	s0 =	sld [smem:$0x3FA3]  }
0x30: {  	s3 =	sld [smem:$0x3FA6]  }
0x31: {  	[smem:$0x3FAF] =	sst s10  }
0x32: {  	s10 =	sld [smem:$0x3FAD];
	_ =	sdelay $0x3  }
0x33: {  	p0 =	seq.s32 s10, $0x1;
	s10 =	sld [smem:$0x3FAF];
	_ =	sdelay $0x3  }
0x34: {  	[smem:$0x3FAF] =	sst s10  }
0x35: {  	s10 =	sld [smem:$0x3FAE];
	_ =	sdelay $0x3  }
0x36: {  	p1 =	seq.s32 s10, $0x1;
	s10 =	sld [smem:$0x3FAF];
	_ =	sdelay $0x3  }
0x37: {  	[smem:$0x3FAF] =	sst s10  }
0x38: {  	s10 =	sld [smem:$0x3FB0]  }
0x39: {  	_ = 	snop;
	(pc) =	sbr.ind lr, $3  }
0x3a: {  	_ = 	snop  }
0x3b: {  	_ = 	snop  }
0x3c: {  	p2 =	seq.s32 s10, $0x1;
	s10 =	sld [smem:$0x3FAF]  }
0x3d: {  	_ =	shalt  }
0x3e: {  	_ =	shalt  }
0x3f: {  	_ =	shalt  }
0x40: {  	_ =	shalt  }
0x41: {  	_ =	shalt  }
0x42: {  	_ =	shalt  }
0x43: {  	_ =	shalt  }
0x44: {  	_ =	shalt  }
0x45: {  	_ =	shalt  }
0x46: {  	_ =	shalt  }
0x47: {  	_ =	shalt  }
0x48: {  	_ =	shalt  }
0x49: {  	_ =	shalt  }
0x4a: {  	_ =	shalt  }
0x4b: {  	_ =	shalt  }
0x4c: {  	_ =	shalt  }
0x4d: {  	_ =	shalt  }
0x4e: {  	_ =	shalt  }
0x4f: {  	_ =	shalt  }
0x50: {  	_ =	shalt  }
0x51: {  	_ =	shalt  }
0x52: {  	_ =	shalt  }
0x53: {  	_ =	shalt  }
0x54: {  	_ =	shalt  }
0x55: {  	_ =	shalt  }
0x56: {  	_ =	shalt  }
0x57: {  	_ =	shalt  }
0x58: {  	_ =	shalt  }
0x59: {  	_ =	shalt  }
0x5a: {  	_ =	shalt  }
0x5b: {  	_ =	shalt  }
0x5c: {  	_ =	shalt  }
0x5d: {  	_ =	shalt  }
0x5e: {  	_ =	shalt  }
0x5f: {  	_ =	shalt  }
0x60: {  	_ =	shalt  }
0x61: {  	_ =	shalt  }
0x62: {  	_ =	shalt  }
0x63: {  	_ =	shalt  }
0x64: {  	_ =	shalt  }
0x65: {  	_ =	shalt  }
0x66: {  	_ =	shalt  }
0x67: {  	_ =	shalt  }
0x68: {  	_ =	shalt  }
0x69: {  	_ =	shalt  }
0x6a: {  	_ =	shalt  }
0x6b: {  	_ =	shalt  }
0x6c: {  	_ =	shalt  }
0x6d: {  	_ =	shalt  }
0x6e: {  	_ =	shalt  }
0x6f: {  	_ =	shalt  }
0x70: {  	_ =	shalt  }
0x71: {  	_ =	shalt  }
0x72: {  	_ =	shalt  }
0x73: {  	_ =	shalt  }
0x74: {  	_ =	shalt  }
0x75: {  	_ =	shalt  }
0x76: {  	_ =	shalt  }
0x77: {  	_ =	shalt  }
0x78: {  	_ =	shalt  }
0x79: {  	_ =	shalt  }
0x7a: {  	_ =	shalt  }
0x7b: {  	_ =	shalt  }
0x7c: {  	_ =	shalt  }
0x7d: {  	_ =	shalt  }
0x7e: {  	_ =	shalt  }
0x7f: {  	_ =	shalt  }
0x80: {  	_ =	shalt  }
0x81: {  	_ =	shalt  }
0x82: {  	_ =	shalt  }
0x83: {  	_ =	shalt  }
0x84: {  	_ =	shalt  }
0x85: {  	_ =	shalt  }
0x86: {  	_ =	shalt  }
0x87: {  	_ =	shalt  }
.Lfunc_end0:
.L_simem_size_0:
called_computation.3_lowered:
.L_overlay_start_0:
0x88: {  	s2 =	sld [smem:$0x3FD9]  }
0x89: {  	s3 =	sld [smem:$0x3FFE];
	_ =	sdelay $0x1  }
0x8a: {  	s1 =	srdreg.scid  }
0x8b: {  	s0 =	sand.u32 $0x1, s1  }
0x8c: {  	s16 =	sshll.u32 s0, $0xA;
	s2 =	sadd.s32 s3, s2  }
0x8d: {  	s2 =	sadd.s32 s2, s16  }
0x8e: {  	[smem:$0x3FBB] =	sst s2  }
0x8f: {  	_ = 	snop  }
0x90: {  	(tm) =	ssettm $0x1  }
0x91: {  	s17 =	sld [smem:$0x3FFB];
	_ =	sdelay $0x3  }
0x92: {  	_ =	strace s17  }
0x93: {  	s2 =	sld [smem:$0x3FFC];
	_ =	sdelay $0x3  }
0x94: {  	_ =	strace s2  }
0x95: {  	s2 =	sld [smem:$0x3FFD];
	_ =	sdelay $0x3  }
0x96: {  	_ =	strace s2  }
0x97: {  	_ =	strace $0x8FFFFFFF  }
0x98: {  	s18 =	sld [smem:$0x3FDB];
	_ =	sdelay $0x1  }
0x99: {  	s19 =	simm.s32 $_scs_section_size  }
0x9a: {  	s4 =	simm.s32 $_size__tile_overlayer_lowered;
	s5 =	simm.s32 $_tile_overlayer_lowered  }
0x9b: {  	s22 =	simm.s32 $0x1BFF;
	s21 =	sshll.u32 s5, $0x1;
	s2 =	sadd.s32 s19, s18  }
0x9c: {  	s6 =	simm.s32 $0x0;
	s20 =	sshll.u32 s4, $0x1;
	s4 =	sadd.s32 s21, s2  }
0x9d: {  	[timem:s6], [sflag:s22] =	dma.local [hbm:s4], s20  }
0x9e: {  	_ =	swait.ge [sflag:s22], s20  }
0x9f: {  	s3 =	ssub.s32 $0x0, s20;
	[sflag:s22] =	ssyncset.done $0x0  }
0xa0: {  	[sflag:s22] =	ssyncadd.s32 s3;
	_ =	sdelay $0x1  }
0xa1: {  	s23 =	simm.s32 $0x1B8B  }
0xa2: {  	_ =	swait.ge [sflag:s23], $0x1  }
0xa3: {  	[sflag:s23] =	ssyncset.done $0x0  }
0xa4: {  	s25 =	simm.s32 $0x1B8E;
	s24 =	sld [smem:$0x3FFE];
	[sflag:s23] =	ssyncadd.s32 $0xFFFFFFFF  }
0xa5: {  	s26 =	simm.s32 $execute0_lowered;
	[smem:$0x3FD2] =	sst s25  }
0xa6: {  	s4 =	sshll.u32 s26, $0x1;
	_ =	strace $0x8000004F;
	[dreg:$0x1] =	wrdreg $0xFFFFFFFF  }
0xa7: {  	s28 =	simm.s32 $_size_execute0_lowered;
	s2 =	sadd.s32 s2, s4;
	[dreg:$0x0] =	wrdreg $0x0  }
0xa8: {  	s4 =	sshll.u32 s28, $0x1;
	[dreg:$0x2] =	wrdreg s2  }
0xa9: {  	[dreg:$0x3] =	wrdreg s4  }
0xaa: {  	[dreg:$0x4] =	wrdreg $0xC0  }
0xab: {  	_ =	task [dreg:s6], $0x5FFFF  }
0xac: {  	[dreg:$0x1] =	wrdreg $0xFFFFFFFF  }
0xad: {  	[dreg:$0x0] =	wrdreg $0x60  }
0xae: {  	[dreg:$0x2] =	wrdreg s24  }
0xaf: {  	[dreg:$0x3] =	wrdreg $0x0  }
0xb0: {  	[dreg:$0x4] =	wrdreg $0x9  }
0xb1: {  	_ =	task.clear_ibuf [dreg:s6], $0x5FFFF;
	_ =	strace $0x9000004F  }
0xb2: {  	s29 =	simm.s32 $0x9;
	_ =	strace $0x80000051  }
0xb3: {  	_ =	swait.ge [sflag:s29], $0x1  }
0xb4: {  	[sflag:s29] =	ssyncadd.s32 $0xFFFFFFFF  }
0xb5: {  	_ =	strace $0x90000051  }
0xb6: {  	_ =	sfence  }
0xb7: {  	s30 =	sld [smem:$0x0];
	_ =	sdelay $0x2  }
0xb8: {  	s31 =	sshll.u32 s1, $0xD;
	s1 =	sshrl.u32 s1, $0x2  }
0xb9: {  	s3 =	sand.u32 $0x4000, s31;
	s1 =	sadd.s32 s1, s30  }
0xba: {  	s0 =	sor.u32 s3, s0;
	s1 =	sshll.u32 s1, $0x11  }
0xbb: {  	s0 =	sor.u32 s1, s0  }
0xbc: {  	s0 =	sadd.s32 $0x8F2B, s0  }
0xbd: {  	[sflag:s0] =	ssyncadd.remote.s32 $0x1  }
0xbe: {  	_ =	sfence.sel $0xFFFF  }
0xbf: {  	[dreg:$0x0] =	wrdreg $0xFFFFFFFF;
	(pc) =	sbr.abs _section_cstart, $3  }
0xc0: {  	[dreg:$0x1] =	wrdreg $0xFFFFFFFF  }
0xc1: {  	_ =	task.clear_ibuf [dreg:s6], $0x2FFFF;
	_ =	strace $0x9FFFFFFF  }
0xc2: {  	(tm) =	ssettm $0x7FFFFFFF  }
0xc3: {  	_ =	shalt  }
tec
execute0_lowered:
.L_overlay_start_1:
0x0: {  	(tag) =	ssettag $0x1  }
0x1: {  	s1 =	rddreg [dreg:$0x0]  }
0x2: {  	s0 =	srdreg.scid;
	s12 =	stileid.u32  }
0x3: {  	s2 =	rddreg [dreg:$0x1];
	s5 =	smul.u32 $0x2800, s12  }
0x4: {  	s3 =	simm.s32 $0x0;
	s28 =	simm.s32 $0x1;
	s8 =	smul.u32 $0x50000, s12  }
0x5: {  	s29 =	simm.s32 $0x2;
	s30 =	simm.s32 $0x14B80;
	s10 =	smul.u32 $0x280, s12  }
0x6: {  	s31 =	simm.s32 $0x14480;
	s0 =	sand.u32 $0x1, s0;
	s12 =	smul.u32 $0x5000, s12  }
0x7: {  	[smem:$0x7FF] =	sst s3;
	s4 =	sadd.s32 $0x17400, s1;
	s6 =	smul.u32 $0x28000, s0  }
0x8: {  	_ =	strace $0x80000050;
	s7 =	sshll.u32 s0, $0x7;
	s25 =	ssub.s32 $0x2, s0  }
0x9: {  	p0 =	seq.s32 s0, $0x0;
	p1 =	sne.s32 s0, $0x0;
	s0 =	simm.s32 $0x14500  }
0xa: {  	s9 =	sshrl.u32 s25, $0x1;
	s8 =	sshrl.u32 s8, $0x2;
	s26 =	sadd.s32 $0x80, s10  }
0xb: {  	s14 =	sadd.s32 $0x100, s10;
	s18 =	sadd.s32 $0x180, s10;
	s21 =	sadd.s32 $0x200, s10  }
0xc: {  	s6 =	sadd.s32 s5, s6;
	s13 =	sadd.s32 s8, s2;
	s5 =	sadd.s32 s4, s5  }
0xd: {  	s11 =	sshll.u32 s26, $0x7;
	s10 =	sshll.u32 s21, $0x4;
	s22 =	sshll.u32 s21, $0x7  }
0xe: {  	s6 =	sshrl.u32 s6, $0x3;
	[dreg:$0x15] =	wrdreg s5;
	s15 =	sadd.s32 s11, s2  }
0xf: {  	s11 =	sshll.u32 s18, $0x7;
	s10 =	sadd.s32 s4, s10;
	[dreg:$0x13] =	wrdreg s13  }
0x10: {  	s23 =	sadd.s32 s22, s2;
	s5 =	sshll.u32 s26, $0x5;
	[dreg:$0x17] =	wrdreg s15  }
0x11: {  	s6 =	sadd.s32 s6, s1;
	s1 =	sadd.s32 s7, s1;
	[dreg:$0x1c] =	wrdreg s10  }
0x12: {  	s7 =	ssub.s32 s25, s9;
	s20 =	sadd.s32 s11, s2;
	[dreg:$0x1d] =	wrdreg s23  }
0x13: {  	s9 =	sshll.u32 s26, $0x4;
	s26 =	simm.s32 $0x14080;
	[dreg:$0x1b] =	wrdreg s20  }
0x14: {  	s16 =	sshll.u32 s14, $0x4;
	s10 =	simm.s32 $0x14880;
	[dreg:$0x5] =	wrdreg s26  }
0x15: {  	s17 =	sshll.u32 s14, $0x7;
	s11 =	simm.s32 $0x14180;
	[dreg:$0x7] =	wrdreg s10  }
0x16: {  	s19 =	sshll.u32 s18, $0x4;
	s15 =	simm.s32 $0x14200;
	[dreg:$0x8] =	wrdreg s11  }
0x17: {  	s8 =	simm.s32 $0x14D00;
	s23 =	simm.s32 $0x14A80;
	[dreg:$0xa] =	wrdreg s15  }
0x18: {  	s22 =	simm.s32 $0x3;
	s7 =	smax.u32 s7, $0x1;
	[dreg:$0xf] =	wrdreg s23  }
0x19: {  	s1 =	sadd.s32 $0x3F400, s1;
	s24 =	sadd.s32 $0xD400, s6;
	[dreg:$0x14] =	wrdreg s7  }
0x1a: {  	s6 =	sadd.s32 $0x3400, s6;
	s20 =	simm.s32 $0x14300;
	[dreg:$0x3] =	wrdreg s24  }
0x1b: {  	s23 =	simm.s32 $0x14000;
	s26 =	simm.s32 $0x14400;
	[dreg:$0x4] =	wrdreg s6  }
0x1c: {  	s10 =	simm.s32 $0x14600;
	s11 =	simm.s32 $0x0;
	[dreg:$0xe] =	wrdreg s20  }
0x1d: {  	s7 =	sadd.s32 s4, s9;
	s25 =	sadd.s32 s12, s1;
	[dreg:$0x12] =	wrdreg s26  }
0x1e: {  	s5 =	sadd.s32 s5, s1;
	s6 =	simm.s32 $0x14100;
	[dreg:$0x16] =	wrdreg s7  }
0x1f: {  	s9 =	sshll.u32 s14, $0x5;
	s12 =	sshll.u32 s18, $0x5;
	[dreg:$0x1e] =	wrdreg s25  }
0x20: {  	s14 =	simm.s32 $0x14900;
	s18 =	simm.s32 $0x14280;
	[dreg:$0x1f] =	wrdreg s5  }
0x21: {  	s24 =	simm.s32 $0x14380;
	s26 =	simm.s32 $0x19000;
	[dreg:$0x6] =	wrdreg s6  }
0x22: {  	s20 =	simm.s32 $0x14F00;
	s7 =	sadd.s32 s4, s16;
	[dreg:$0x9] =	wrdreg s14  }
0x23: {  	s6 =	sadd.s32 s9, s1;
	s16 =	sshll.u32 s21, $0x5;
	[dreg:$0xc] =	wrdreg s18  }
0x24: {  	s21 =	simm.s32 $0x15000;
	[dreg:$0x10] =	wrdreg s24;
	s25 =	simm.s32 $0x14B00  }
0x25: {  	s24 =	simm.s32 $0x14800;
	s14 =	simm.s32 $0x14680;
	[dreg:$0x18] =	wrdreg s7  }
0x26: {  	s18 =	simm.s32 $0x14E80;
	s5 =	simm.s32 $0x14F80;
	[smem:$0x7FB] =	sst s6  }
0x27: {  	s7 =	sadd.s32 s17, s2;
	s6 =	sadd.s32 s12, s1;
	[dreg:$0x11] =	wrdreg s25  }
0x28: {  	s17 =	simm.s32 $0x14980;
	s1 =	sadd.s32 s16, s1;
	[dreg:$0x19] =	wrdreg s7  }
0x29: {  	s25 =	simm.s32 $0x80;
	s12 =	simm.s32 $0x14D80;
	[smem:$0x7FC] =	sst s6  }
0x2a: {  	s16 =	simm.s32 $0x14E00;
	s7 =	sadd.s32 s4, s19;
	[smem:$0x7FD] =	sst s1  }
0x2b: {  	[dreg:$0xb] =	wrdreg s17;
	s19 =	simm.s32 $0x14A00;
	s1 =	simm.s32 $0x14C00  }
0x2c: {  	s6 =	simm.s32 $0x14580;
	s17 =	simm.s32 $0x14700;
	[dreg:$0x1a] =	wrdreg s7  }
0x2d: {  	v0 =	vimm.f32 $0.0e+00;
	[dreg:$0xd] =	wrdreg s19;
	s7 =	simm.s32 $0x14C80;
	s19 =	simm.s32 $0x14780  }
.LBB2_1:
.Ltmp0:
0x2e: {  	(pc) =	sbr.rel @!p0 .LBB2_2-.Ltmp0, $2  }
0x2f: {  	_ =	sdelay $0x2  }
0x30: {  	[smem:$0x7FA] =	sst s11  }
.Ltmp1:
0x31: {  	s9 =	rddreg [dreg:$0x15];
	(pc) =	sbr.rel .LBB2_6-.Ltmp1, $4  }
0x32: {  	[tilespmem:s21], [sflag:$0x3] =	stream.linear.gather [hbm4b:s9+s3], $0x4000, $0x38;
	[tilespmem:$0x1D000] =	vst v63  }
0x33: {  	_ =	swait.ge [sflag:s22], $0x4000  }
0x34: {  	[sflag:s22] =	ssyncset.done $0x0  }
0x35: {  	[sflag:s22] =	ssyncadd.s32 $0xFFFFC000  }
.LBB2_2:
0x36: {  	s9 =	sshra.s32 s3, $0x2;
	s15 =	sadd.s32 $0x200, s3  }
.LBB2_3:
0x37: {  	p2 =	seq.s32 s15, $0xFE00;
	[tilespmem:s9+$0x15070] =	vst v0  }
0x38: {  	[tilespmem:s9+$0x15000] =	vst v0  }
0x39: {  	[tilespmem:s9+$0x15010] =	vst v0  }
.Ltmp2:
0x3a: {  	[tilespmem:s9+$0x15020] =	vst v0;
	(pc) =	sbr.rel @!p2 .LBB2_3-.Ltmp2, $4  }
0x3b: {  	[tilespmem:s9+$0x15030] =	vst v0  }
0x3c: {  	[tilespmem:s9+$0x15040] =	vst v0  }
0x3d: {  	[tilespmem:s9+$0x15050] =	vst v0  }
0x3e: {  	[tilespmem:s9+$0x15060] =	vst v0;
	s9 =	sshra.s32 s15, $0x2;
	s15 =	sadd.s32 $0x200, s15  }
0x3f: {  	[tilespmem:s9+$0x15070] =	vst v0  }
0x40: {  	[tilespmem:s9+$0x15000] =	vst v0  }
0x41: {  	[tilespmem:s9+$0x15010] =	vst v0  }
0x42: {  	[tilespmem:s9+$0x15020] =	vst v0  }
0x43: {  	[tilespmem:s9+$0x15030] =	vst v0  }
0x44: {  	[tilespmem:s9+$0x15040] =	vst v0  }
0x45: {  	[tilespmem:s9+$0x15050] =	vst v0  }
0x46: {  	[tilespmem:s9+$0x15060] =	vst v0  }
.LBB2_6:
0x47: {  	[spmem:s13] =	stream.linear.scatter [tilespmem:s21], [sflag:$0x3], $0x4000, $0x38;
	[tilespmem:$0x1D000] =	vst v63  }
0x48: {  	_ =	swait.ge [sflag:s22], $0x4000  }
0x49: {  	[sflag:s22] =	ssyncset.done $0x0  }
0x4a: {  	s11 =	simm.s32 @p1 $0x15000;
	s9 =	rddreg [dreg:$0x17];
	[sflag:s22] =	ssyncadd.s32 $0xFFFFC000  }
0x4b: {  	[spmem:s9] =	stream.linear.scatter @p1 [tilespmem:s11], [sflag:$0x3], $0x4000, $0x38;
	[tilespmem:$0x1D000] =	vst v63  }
0x4c: {  	s13 =	simm.s32 @!p1 $0x0;
	s15 =	simm.s32 @!p1 $0x15000;
	s11 =	rddreg [dreg:$0x16]  }
0x4d: {  	[tilespmem:s15], [sflag:$0x3] =	stream.linear.gather @!p1 [hbm4b:s11+s13], $0x4000, $0x38;
	[tilespmem:$0x1D000] =	vst v63  }
0x4e: {  	s11 =	simm.s32 @!p1 $0x3  }
0x4f: {  	_ =	swait.ge @!p1 [sflag:s11], $0x4000  }
0x50: {  	[sflag:s11] =	ssyncset.done @!p1 $0x0  }
0x51: {  	[sflag:s11] =	ssyncadd.s32 @!p1 $0xFFFFC000  }
0x52: {  	[spmem:s9] =	stream.linear.scatter @!p1 [tilespmem:s15], [sflag:$0x3], $0x4000, $0x38;
	[tilespmem:$0x1D000] =	vst v63  }
0x53: {  	_ =	swait.ge @!p1 [sflag:s11], $0x4000  }
0x54: {  	[sflag:s11] =	ssyncset.done @!p1 $0x0  }
0x55: {  	s9 =	rddreg [dreg:$0x18];
	[sflag:s11] =	ssyncadd.s32 @!p1 $0xFFFFC000  }
0x56: {  	[tilespmem:s15], [sflag:$0x3] =	stream.linear.gather @!p1 [hbm4b:s9+s13], $0x4000, $0x38;
	[tilespmem:$0x1D000] =	vst v63  }
0x57: {  	_ =	swait.ge [sflag:s22], $0x4000  }
0x58: {  	[sflag:s22] =	ssyncset.done $0x0  }
0x59: {  	s15 =	rddreg [dreg:$0x19];
	[sflag:s22] =	ssyncadd.s32 $0xFFFFC000  }
0x5a: {  	[spmem:s15] =	stream.linear.scatter [tilespmem:s21], [sflag:$0x3], $0x4000, $0x38;
	[tilespmem:$0x1D000] =	vst v63  }
0x5b: {  	_ =	swait.ge [sflag:s22], $0x4000  }
0x5c: {  	[sflag:s22] =	ssyncset.done $0x0  }
0x5d: {  	s9 =	simm.s32 @p1 $0x15000;
	s13 =	rddreg [dreg:$0x1b];
	[sflag:s22] =	ssyncadd.s32 $0xFFFFC000  }
0x5e: {  	[spmem:s13] =	stream.linear.scatter @p1 [tilespmem:s9], [sflag:$0x3], $0x4000, $0x38;
	[tilespmem:$0x1D000] =	vst v63  }
0x5f: {  	s15 =	simm.s32 @!p1 $0x0;
	s9 =	rddreg [dreg:$0x1a];
	s13 =	simm.s32 @!p1 $0x15000  }
0x60: {  	[tilespmem:s13], [sflag:$0x3] =	stream.linear.gather @!p1 [hbm4b:s9+s15], $0x4000, $0x38;
	[tilespmem:$0x1D000] =	vst v63  }
0x61: {  	_ =	swait.ge @!p1 [sflag:s11], $0x4000  }
0x62: {  	[sflag:s11] =	ssyncset.done @!p1 $0x0  }
0x63: {  	s15 =	simm.s32 @!p1 $0x15000;
	s9 =	rddreg [dreg:$0x1b];
	[sflag:s11] =	ssyncadd.s32 @!p1 $0xFFFFC000  }
0x64: {  	[spmem:s9] =	stream.linear.scatter @!p1 [tilespmem:s15], [sflag:$0x3], $0x4000, $0x38;
	[tilespmem:$0x1D000] =	vst v63  }
0x65: {  	_ =	swait.ge @!p1 [sflag:s11], $0x4000  }
0x66: {  	[sflag:s11] =	ssyncset.done @!p1 $0x0  }
0x67: {  	s13 =	simm.s32 @!p1 $0x0;
	s9 =	rddreg [dreg:$0x1c];
	[sflag:s11] =	ssyncadd.s32 @!p1 $0xFFFFC000  }
0x68: {  	[tilespmem:s15], [sflag:$0x3] =	stream.linear.gather @!p1 [hbm4b:s9+s13], $0x4000, $0x38;
	[tilespmem:$0x1D000] =	vst v63  }
0x69: {  	_ =	swait.ge [sflag:s22], $0x4000  }
0x6a: {  	[sflag:s22] =	ssyncset.done $0x0  }
0x6b: {  	s13 =	rddreg [dreg:$0x1d];
	[sflag:s22] =	ssyncadd.s32 $0xFFFFC000  }
0x6c: {  	[spmem:s13] =	stream.linear.scatter [tilespmem:s21], [sflag:$0x3], $0x4000, $0x38;
	[tilespmem:$0x1D000] =	vst v63  }
0x6d: {  	_ =	swait.ge [sflag:s22], $0x4000  }
0x6e: {  	[sflag:s22] =	ssyncset.done $0x0  }
0x6f: {  	[sflag:s22] =	ssyncadd.s32 $0xFFFFC000  }
0x70: {  	[bflag:$0x0] =	sbarrier.arrive $0xFFFF  }
0x71: {  	s15 =	rddreg [dreg:$0x4]  }
0x72: {  	s9 =	sadd.s32 $0x0, s15  }
0x73: {  	[tilespmem:s23], [sflag:$0x3] =	stream.linear.gather [hbm4b:s9+s3], $0x800, $0x38;
	[tilespmem:$0x1D000] =	vst v63  }
0x74: {  	_ =	swait.ge [sflag:s22], $0x800  }
0x75: {  	s11 =	rddreg [dreg:$0x3];
	[sflag:s22] =	ssyncset.done $0x0  }
0x76: {  	[sflag:s22] =	ssyncadd.s32 $0xFFFFF800;
	s9 =	sadd.s32 $0x0, s11  }
0x77: {  	[tilespmem:s24], [sflag:$0x3] =	stream.linear.gather [hbm4b:s9+s3], $0x800, $0x38;
	[tilespmem:$0x1D000] =	vst v63  }
0x78: {  	_ =	swait.ge [sflag:s22], $0x800  }
0x79: {  	[sflag:s22] =	ssyncset.done $0x0  }
0x7a: {  	[sflag:s22] =	ssyncadd.s32 $0xFFFFF800  }
0x7b: {  	[tilespmem:s21], [sflag:$0x1] =	stream.indirect.gather [hbm4b:s4+s25], $0x80, s23, s25, $0xb8;
	[tilespmem:$0x1D000] =	vst v63  }
0x7c: {  	s13 =	rddreg [dreg:$0x5]  }
0x7d: {  	[tilespmem:s26], [sflag:$0x2] =	stream.indirect.gather [hbm4b:s4+s25], $0x80, s13, s25, $0xb8;
	[tilespmem:$0x1D000] =	vst v63  }
0x7e: {  	_ =	swait.ge [sflag:s28], $0x4000  }
0x7f: {  	[sflag:s28] =	ssyncset.done $0x0  }
0x80: {  	[sflag:s28] =	ssyncadd.s32 $0xFFFFC000  }
0x81: {  	[spmem:s2] =	stream.indirect.scatter.add.f32 [tilespmem:s21], [sflag:$0x3], $0x80, s24, s25, $0xb8;
	[tilespmem:$0x1D000] =	vst v63  }
0x82: {  	_ =	swait.ge [sflag:s22], $0x4000  }
0x83: {  	[sflag:s22] =	ssyncset.done $0x0  }
0x84: {  	s15 =	rddreg [dreg:$0x6];
	[sflag:s22] =	ssyncadd.s32 $0xFFFFC000  }
0x85: {  	[tilespmem:s21], [sflag:$0x1] =	stream.indirect.gather [hbm4b:s4+s25], $0x80, s15, s25, $0xb8;
	[tilespmem:$0x1D000] =	vst v63  }
0x86: {  	_ =	swait.ge [sflag:s29], $0x4000  }
0x87: {  	[sflag:s29] =	ssyncset.done $0x0  }
0x88: {  	s11 =	rddreg [dreg:$0x7];
	[sflag:s29] =	ssyncadd.s32 $0xFFFFC000  }
0x89: {  	[spmem:s2] =	stream.indirect.scatter.add.f32 [tilespmem:s26], [sflag:$0x3], $0x80, s11, s25, $0xb8;
	[tilespmem:$0x1D000] =	vst v63  }
0x8a: {  	_ =	swait.ge [sflag:s22], $0x4000  }
0x8b: {  	[sflag:s22] =	ssyncset.done $0x0  }
0x8c: {  	s13 =	rddreg [dreg:$0x8];
	[sflag:s22] =	ssyncadd.s32 $0xFFFFC000  }
0x8d: {  	[tilespmem:s26], [sflag:$0x2] =	stream.indirect.gather [hbm4b:s4+s25], $0x80, s13, s25, $0xb8;
	[tilespmem:$0x1D000] =	vst v63  }
0x8e: {  	_ =	swait.ge [sflag:s28], $0x4000  }
0x8f: {  	[sflag:s28] =	ssyncset.done $0x0  }
0x90: {  	s15 =	rddreg [dreg:$0x9];
	[sflag:s28] =	ssyncadd.s32 $0xFFFFC000  }
0x91: {  	[spmem:s2] =	stream.indirect.scatter.add.f32 [tilespmem:s21], [sflag:$0x3], $0x80, s15, s25, $0xb8;
	[tilespmem:$0x1D000] =	vst v63  }
0x92: {  	_ =	swait.ge [sflag:s22], $0x4000  }
0x93: {  	[sflag:s22] =	ssyncset.done $0x0  }
0x94: {  	s11 =	rddreg [dreg:$0xa];
	[sflag:s22] =	ssyncadd.s32 $0xFFFFC000  }
0x95: {  	[tilespmem:s21], [sflag:$0x1] =	stream.indirect.gather [hbm4b:s4+s25], $0x80, s11, s25, $0xb8;
	[tilespmem:$0x1D000] =	vst v63  }
0x96: {  	_ =	swait.ge [sflag:s29], $0x4000  }
0x97: {  	[sflag:s29] =	ssyncset.done $0x0  }
0x98: {  	s13 =	rddreg [dreg:$0xb];
	[sflag:s29] =	ssyncadd.s32 $0xFFFFC000  }
0x99: {  	[spmem:s2] =	stream.indirect.scatter.add.f32 [tilespmem:s26], [sflag:$0x3], $0x80, s13, s25, $0xb8;
	[tilespmem:$0x1D000] =	vst v63  }
0x9a: {  	_ =	swait.ge [sflag:s22], $0x4000  }
0x9b: {  	[sflag:s22] =	ssyncset.done $0x0  }
0x9c: {  	s15 =	rddreg [dreg:$0xc];
	[sflag:s22] =	ssyncadd.s32 $0xFFFFC000  }
0x9d: {  	[tilespmem:s26], [sflag:$0x2] =	stream.indirect.gather [hbm4b:s4+s25], $0x80, s15, s25, $0xb8;
	[tilespmem:$0x1D000] =	vst v63  }
0x9e: {  	_ =	swait.ge [sflag:s28], $0x4000  }
0x9f: {  	[sflag:s28] =	ssyncset.done $0x0  }
0xa0: {  	s11 =	rddreg [dreg:$0xd];
	[sflag:s28] =	ssyncadd.s32 $0xFFFFC000  }
0xa1: {  	[spmem:s2] =	stream.indirect.scatter.add.f32 [tilespmem:s21], [sflag:$0x3], $0x80, s11, s25, $0xb8;
	[tilespmem:$0x1D000] =	vst v63  }
0xa2: {  	_ =	swait.ge [sflag:s22], $0x4000  }
0xa3: {  	[sflag:s22] =	ssyncset.done $0x0  }
0xa4: {  	s13 =	rddreg [dreg:$0xe];
	[sflag:s22] =	ssyncadd.s32 $0xFFFFC000  }
0xa5: {  	[tilespmem:s21], [sflag:$0x1] =	stream.indirect.gather [hbm4b:s4+s25], $0x80, s13, s25, $0xb8;
	[tilespmem:$0x1D000] =	vst v63  }
0xa6: {  	_ =	swait.ge [sflag:s29], $0x4000  }
0xa7: {  	[sflag:s29] =	ssyncset.done $0x0  }
0xa8: {  	s15 =	rddreg [dreg:$0xf];
	[sflag:s29] =	ssyncadd.s32 $0xFFFFC000  }
0xa9: {  	[spmem:s2] =	stream.indirect.scatter.add.f32 [tilespmem:s26], [sflag:$0x3], $0x80, s15, s25, $0xb8;
	[tilespmem:$0x1D000] =	vst v63  }
0xaa: {  	_ =	swait.ge [sflag:s22], $0x4000  }
0xab: {  	[sflag:s22] =	ssyncset.done $0x0  }
0xac: {  	s11 =	rddreg [dreg:$0x10];
	[sflag:s22] =	ssyncadd.s32 $0xFFFFC000  }
0xad: {  	[tilespmem:s26], [sflag:$0x2] =	stream.indirect.gather [hbm4b:s4+s25], $0x80, s11, s25, $0xb8;
	[tilespmem:$0x1D000] =	vst v63  }
0xae: {  	_ =	swait.ge [sflag:s28], $0x4000  }
0xaf: {  	[sflag:s28] =	ssyncset.done $0x0  }
0xb0: {  	s13 =	rddreg [dreg:$0x11];
	[sflag:s28] =	ssyncadd.s32 $0xFFFFC000  }
0xb1: {  	[spmem:s2] =	stream.indirect.scatter.add.f32 [tilespmem:s21], [sflag:$0x3], $0x80, s13, s25, $0xb8;
	[tilespmem:$0x1D000] =	vst v63  }
0xb2: {  	_ =	swait.ge [sflag:s22], $0x4000  }
0xb3: {  	[sflag:s22] =	ssyncset.done $0x0  }
0xb4: {  	s15 =	rddreg [dreg:$0x12];
	[sflag:s22] =	ssyncadd.s32 $0xFFFFC000  }
0xb5: {  	[tilespmem:s21], [sflag:$0x1] =	stream.indirect.gather [hbm4b:s4+s25], $0x80, s15, s25, $0xb8;
	[tilespmem:$0x1D000] =	vst v63  }
0xb6: {  	_ =	swait.ge [sflag:s29], $0x4000  }
0xb7: {  	[sflag:s29] =	ssyncset.done $0x0  }
0xb8: {  	[sflag:s29] =	ssyncadd.s32 $0xFFFFC000  }
0xb9: {  	[spmem:s2] =	stream.indirect.scatter.add.f32 [tilespmem:s26], [sflag:$0x3], $0x80, s30, s25, $0xb8;
	[tilespmem:$0x1D000] =	vst v63  }
0xba: {  	_ =	swait.ge [sflag:s22], $0x4000  }
0xbb: {  	[sflag:s22] =	ssyncset.done $0x0  }
0xbc: {  	[sflag:s22] =	ssyncadd.s32 $0xFFFFC000  }
0xbd: {  	[tilespmem:s26], [sflag:$0x2] =	stream.indirect.gather [hbm4b:s4+s25], $0x80, s31, s25, $0xb8;
	[tilespmem:$0x1D000] =	vst v63  }
0xbe: {  	_ =	swait.ge [sflag:s28], $0x4000  }
0xbf: {  	[sflag:s28] =	ssyncset.done $0x0  }
0xc0: {  	[sflag:s28] =	ssyncadd.s32 $0xFFFFC000  }
0xc1: {  	[spmem:s2] =	stream.indirect.scatter.add.f32 [tilespmem:s21], [sflag:$0x3], $0x80, s1, s25, $0xb8;
	[tilespmem:$0x1D000] =	vst v63  }
0xc2: {  	_ =	swait.ge [sflag:s22], $0x4000  }
0xc3: {  	[sflag:s22] =	ssyncset.done $0x0  }
0xc4: {  	[sflag:s22] =	ssyncadd.s32 $0xFFFFC000  }
0xc5: {  	[tilespmem:s21], [sflag:$0x1] =	stream.indirect.gather [hbm4b:s4+s25], $0x80, s0, s25, $0xb8;
	[tilespmem:$0x1D000] =	vst v63  }
0xc6: {  	_ =	swait.ge [sflag:s29], $0x4000  }
0xc7: {  	[sflag:s29] =	ssyncset.done $0x0  }
0xc8: {  	[sflag:s29] =	ssyncadd.s32 $0xFFFFC000  }
0xc9: {  	[spmem:s2] =	stream.indirect.scatter.add.f32 [tilespmem:s26], [sflag:$0x3], $0x80, s7, s25, $0xb8;
	[tilespmem:$0x1D000] =	vst v63  }
0xca: {  	_ =	swait.ge [sflag:s22], $0x4000  }
0xcb: {  	[sflag:s22] =	ssyncset.done $0x0  }
0xcc: {  	[sflag:s22] =	ssyncadd.s32 $0xFFFFC000  }
0xcd: {  	[tilespmem:s26], [sflag:$0x2] =	stream.indirect.gather [hbm4b:s4+s25], $0x80, s6, s25, $0xb8;
	[tilespmem:$0x1D000] =	vst v63  }
0xce: {  	_ =	swait.ge [sflag:s28], $0x4000  }
0xcf: {  	[sflag:s28] =	ssyncset.done $0x0  }
0xd0: {  	[sflag:s28] =	ssyncadd.s32 $0xFFFFC000  }
0xd1: {  	[spmem:s2] =	stream.indirect.scatter.add.f32 [tilespmem:s21], [sflag:$0x3], $0x80, s8, s25, $0xb8;
	[tilespmem:$0x1D000] =	vst v63  }
0xd2: {  	_ =	swait.ge [sflag:s22], $0x4000  }
0xd3: {  	[sflag:s22] =	ssyncset.done $0x0  }
0xd4: {  	[sflag:s22] =	ssyncadd.s32 $0xFFFFC000  }
0xd5: {  	[tilespmem:s21], [sflag:$0x1] =	stream.indirect.gather [hbm4b:s4+s25], $0x80, s10, s25, $0xb8;
	[tilespmem:$0x1D000] =	vst v63  }
0xd6: {  	_ =	swait.ge [sflag:s29], $0x4000  }
0xd7: {  	[sflag:s29] =	ssyncset.done $0x0  }
0xd8: {  	[sflag:s29] =	ssyncadd.s32 $0xFFFFC000  }
0xd9: {  	[spmem:s2] =	stream.indirect.scatter.add.f32 [tilespmem:s26], [sflag:$0x3], $0x80, s12, s25, $0xb8;
	[tilespmem:$0x1D000] =	vst v63  }
0xda: {  	_ =	swait.ge [sflag:s22], $0x4000  }
0xdb: {  	[sflag:s22] =	ssyncset.done $0x0  }
0xdc: {  	[sflag:s22] =	ssyncadd.s32 $0xFFFFC000  }
0xdd: {  	[tilespmem:s26], [sflag:$0x2] =	stream.indirect.gather [hbm4b:s4+s25], $0x80, s14, s25, $0xb8;
	[tilespmem:$0x1D000] =	vst v63  }
0xde: {  	_ =	swait.ge [sflag:s28], $0x4000  }
0xdf: {  	[sflag:s28] =	ssyncset.done $0x0  }
0xe0: {  	[sflag:s28] =	ssyncadd.s32 $0xFFFFC000  }
0xe1: {  	[spmem:s2] =	stream.indirect.scatter.add.f32 [tilespmem:s21], [sflag:$0x3], $0x80, s16, s25, $0xb8;
	[tilespmem:$0x1D000] =	vst v63  }
0xe2: {  	_ =	swait.ge [sflag:s22], $0x4000  }
0xe3: {  	[sflag:s22] =	ssyncset.done $0x0  }
0xe4: {  	[sflag:s22] =	ssyncadd.s32 $0xFFFFC000  }
0xe5: {  	[tilespmem:s21], [sflag:$0x1] =	stream.indirect.gather [hbm4b:s4+s25], $0x80, s17, s25, $0xb8;
	[tilespmem:$0x1D000] =	vst v63  }
0xe6: {  	_ =	swait.ge [sflag:s29], $0x4000  }
0xe7: {  	[sflag:s29] =	ssyncset.done $0x0  }
0xe8: {  	[sflag:s29] =	ssyncadd.s32 $0xFFFFC000  }
0xe9: {  	[spmem:s2] =	stream.indirect.scatter.add.f32 [tilespmem:s26], [sflag:$0x3], $0x80, s18, s25, $0xb8;
	[tilespmem:$0x1D000] =	vst v63  }
0xea: {  	_ =	swait.ge [sflag:s22], $0x4000  }
0xeb: {  	[sflag:s22] =	ssyncset.done $0x0  }
0xec: {  	[sflag:s22] =	ssyncadd.s32 $0xFFFFC000  }
0xed: {  	[tilespmem:s26], [sflag:$0x2] =	stream.indirect.gather [hbm4b:s4+s25], $0x80, s19, s25, $0xb8;
	[tilespmem:$0x1D000] =	vst v63  }
0xee: {  	_ =	swait.ge [sflag:s28], $0x4000  }
0xef: {  	[sflag:s28] =	ssyncset.done $0x0  }
0xf0: {  	[sflag:s28] =	ssyncadd.s32 $0xFFFFC000  }
0xf1: {  	[spmem:s2] =	stream.indirect.scatter.add.f32 [tilespmem:s21], [sflag:$0x3], $0x80, s20, s25, $0xb8;
	[tilespmem:$0x1D000] =	vst v63  }
0xf2: {  	_ =	swait.ge [sflag:s22], $0x4000  }
0xf3: {  	[sflag:s22] =	ssyncset.done $0x0  }
0xf4: {  	[sflag:s22] =	ssyncadd.s32 $0xFFFFC000  }
0xf5: {  	_ =	swait.ge [sflag:s29], $0x4000  }
0xf6: {  	[sflag:s29] =	ssyncset.done $0x0  }
0xf7: {  	[sflag:s29] =	ssyncadd.s32 $0xFFFFC000  }
0xf8: {  	[spmem:s2] =	stream.indirect.scatter.add.f32 [tilespmem:s26], [sflag:$0x3], $0x80, s5, s25, $0xb8;
	[tilespmem:$0x1D000] =	vst v63  }
0xf9: {  	s9 =	simm.s32 $0x200;
	_ =	swait.ge [sflag:s22], $0x4000  }
0xfa: {  	s15 =	simm.s32 $0x100;
	s13 =	rddreg [dreg:$0x4];
	[sflag:s22] =	ssyncset.done $0x0  }
.LBB2_7:
0xfb: {  	[sflag:s22] =	ssyncadd.s32 $0xFFFFC000;
	s13 =	sadd.s32 s15, s13  }
0xfc: {  	[tilespmem:s23], [sflag:$0x3] =	stream.linear.gather [hbm4b:s13+s3], $0x800, $0x38;
	[tilespmem:$0x1D000] =	vst v63  }
0xfd: {  	_ =	swait.ge [sflag:s22], $0x800  }
0xfe: {  	s13 =	rddreg [dreg:$0x3];
	[sflag:s22] =	ssyncset.done $0x0  }
0xff: {  	[sflag:s22] =	ssyncadd.s32 $0xFFFFF800;
	s13 =	sadd.s32 s15, s13  }
0x100: {  	[tilespmem:s24], [sflag:$0x3] =	stream.linear.gather [hbm4b:s13+s3], $0x800, $0x38;
	[tilespmem:$0x1D000] =	vst v63  }
0x101: {  	_ =	swait.ge [sflag:s22], $0x800  }
0x102: {  	[sflag:s22] =	ssyncset.done $0x0  }
0x103: {  	[sflag:s22] =	ssyncadd.s32 $0xFFFFF800  }
0x104: {  	[tilespmem:s21], [sflag:$0x1] =	stream.indirect.gather [hbm4b:s4+s25], $0x80, s23, s25, $0xb8;
	[tilespmem:$0x1D000] =	vst v63  }
0x105: {  	s13 =	rddreg [dreg:$0x5]  }
0x106: {  	[tilespmem:s26], [sflag:$0x2] =	stream.indirect.gather [hbm4b:s4+s25], $0x80, s13, s25, $0xb8;
	[tilespmem:$0x1D000] =	vst v63  }
0x107: {  	_ =	swait.ge [sflag:s28], $0x4000  }
0x108: {  	[sflag:s28] =	ssyncset.done $0x0  }
0x109: {  	[sflag:s28] =	ssyncadd.s32 $0xFFFFC000  }
0x10a: {  	[spmem:s2] =	stream.indirect.scatter.add.f32 [tilespmem:s21], [sflag:$0x3], $0x80, s24, s25, $0xb8;
	[tilespmem:$0x1D000] =	vst v63  }
0x10b: {  	_ =	swait.ge [sflag:s22], $0x4000  }
0x10c: {  	[sflag:s22] =	ssyncset.done $0x0  }
0x10d: {  	s13 =	rddreg [dreg:$0x6];
	[sflag:s22] =	ssyncadd.s32 $0xFFFFC000  }
0x10e: {  	[tilespmem:s21], [sflag:$0x1] =	stream.indirect.gather [hbm4b:s4+s25], $0x80, s13, s25, $0xb8;
	[tilespmem:$0x1D000] =	vst v63  }
0x10f: {  	_ =	swait.ge [sflag:s29], $0x4000  }
0x110: {  	[sflag:s29] =	ssyncset.done $0x0  }
0x111: {  	s13 =	rddreg [dreg:$0x7];
	[sflag:s29] =	ssyncadd.s32 $0xFFFFC000  }
0x112: {  	[spmem:s2] =	stream.indirect.scatter.add.f32 [tilespmem:s26], [sflag:$0x3], $0x80, s13, s25, $0xb8;
	[tilespmem:$0x1D000] =	vst v63  }
0x113: {  	_ =	swait.ge [sflag:s22], $0x4000  }
0x114: {  	[sflag:s22] =	ssyncset.done $0x0  }
0x115: {  	s13 =	rddreg [dreg:$0x8];
	[sflag:s22] =	ssyncadd.s32 $0xFFFFC000  }
0x116: {  	[tilespmem:s26], [sflag:$0x2] =	stream.indirect.gather [hbm4b:s4+s25], $0x80, s13, s25, $0xb8;
	[tilespmem:$0x1D000] =	vst v63  }
0x117: {  	_ =	swait.ge [sflag:s28], $0x4000  }
0x118: {  	[sflag:s28] =	ssyncset.done $0x0  }
0x119: {  	s13 =	rddreg [dreg:$0x9];
	[sflag:s28] =	ssyncadd.s32 $0xFFFFC000  }
0x11a: {  	[spmem:s2] =	stream.indirect.scatter.add.f32 [tilespmem:s21], [sflag:$0x3], $0x80, s13, s25, $0xb8;
	[tilespmem:$0x1D000] =	vst v63  }
0x11b: {  	_ =	swait.ge [sflag:s22], $0x4000  }
0x11c: {  	[sflag:s22] =	ssyncset.done $0x0  }
0x11d: {  	s13 =	rddreg [dreg:$0xa];
	[sflag:s22] =	ssyncadd.s32 $0xFFFFC000  }
0x11e: {  	[tilespmem:s21], [sflag:$0x1] =	stream.indirect.gather [hbm4b:s4+s25], $0x80, s13, s25, $0xb8;
	[tilespmem:$0x1D000] =	vst v63  }
0x11f: {  	_ =	swait.ge [sflag:s29], $0x4000  }
0x120: {  	[sflag:s29] =	ssyncset.done $0x0  }
0x121: {  	s13 =	rddreg [dreg:$0xb];
	[sflag:s29] =	ssyncadd.s32 $0xFFFFC000  }
0x122: {  	[spmem:s2] =	stream.indirect.scatter.add.f32 [tilespmem:s26], [sflag:$0x3], $0x80, s13, s25, $0xb8;
	[tilespmem:$0x1D000] =	vst v63  }
0x123: {  	_ =	swait.ge [sflag:s22], $0x4000  }
0x124: {  	[sflag:s22] =	ssyncset.done $0x0  }
0x125: {  	s13 =	rddreg [dreg:$0xc];
	[sflag:s22] =	ssyncadd.s32 $0xFFFFC000  }
0x126: {  	[tilespmem:s26], [sflag:$0x2] =	stream.indirect.gather [hbm4b:s4+s25], $0x80, s13, s25, $0xb8;
	[tilespmem:$0x1D000] =	vst v63  }
0x127: {  	_ =	swait.ge [sflag:s28], $0x4000  }
0x128: {  	[sflag:s28] =	ssyncset.done $0x0  }
0x129: {  	s13 =	rddreg [dreg:$0xd];
	[sflag:s28] =	ssyncadd.s32 $0xFFFFC000  }
0x12a: {  	[spmem:s2] =	stream.indirect.scatter.add.f32 [tilespmem:s21], [sflag:$0x3], $0x80, s13, s25, $0xb8;
	[tilespmem:$0x1D000] =	vst v63  }
0x12b: {  	_ =	swait.ge [sflag:s22], $0x4000  }
0x12c: {  	[sflag:s22] =	ssyncset.done $0x0  }
0x12d: {  	s13 =	rddreg [dreg:$0xe];
	[sflag:s22] =	ssyncadd.s32 $0xFFFFC000  }
0x12e: {  	[tilespmem:s21], [sflag:$0x1] =	stream.indirect.gather [hbm4b:s4+s25], $0x80, s13, s25, $0xb8;
	[tilespmem:$0x1D000] =	vst v63  }
0x12f: {  	_ =	swait.ge [sflag:s29], $0x4000  }
0x130: {  	[sflag:s29] =	ssyncset.done $0x0  }
0x131: {  	s13 =	rddreg [dreg:$0xf];
	[sflag:s29] =	ssyncadd.s32 $0xFFFFC000  }
0x132: {  	[spmem:s2] =	stream.indirect.scatter.add.f32 [tilespmem:s26], [sflag:$0x3], $0x80, s13, s25, $0xb8;
	[tilespmem:$0x1D000] =	vst v63  }
0x133: {  	_ =	swait.ge [sflag:s22], $0x4000  }
0x134: {  	[sflag:s22] =	ssyncset.done $0x0  }
0x135: {  	s13 =	rddreg [dreg:$0x10];
	[sflag:s22] =	ssyncadd.s32 $0xFFFFC000  }
0x136: {  	[tilespmem:s26], [sflag:$0x2] =	stream.indirect.gather [hbm4b:s4+s25], $0x80, s13, s25, $0xb8;
	[tilespmem:$0x1D000] =	vst v63  }
0x137: {  	_ =	swait.ge [sflag:s28], $0x4000  }
0x138: {  	[sflag:s28] =	ssyncset.done $0x0  }
0x139: {  	s13 =	rddreg [dreg:$0x11];
	[sflag:s28] =	ssyncadd.s32 $0xFFFFC000  }
0x13a: {  	[spmem:s2] =	stream.indirect.scatter.add.f32 [tilespmem:s21], [sflag:$0x3], $0x80, s13, s25, $0xb8;
	[tilespmem:$0x1D000] =	vst v63  }
0x13b: {  	_ =	swait.ge [sflag:s22], $0x4000  }
0x13c: {  	[sflag:s22] =	ssyncset.done $0x0  }
0x13d: {  	s13 =	rddreg [dreg:$0x12];
	[sflag:s22] =	ssyncadd.s32 $0xFFFFC000  }
0x13e: {  	[tilespmem:s21], [sflag:$0x1] =	stream.indirect.gather [hbm4b:s4+s25], $0x80, s13, s25, $0xb8;
	[tilespmem:$0x1D000] =	vst v63  }
0x13f: {  	_ =	swait.ge [sflag:s29], $0x4000  }
0x140: {  	[sflag:s29] =	ssyncset.done $0x0  }
0x141: {  	[sflag:s29] =	ssyncadd.s32 $0xFFFFC000  }
0x142: {  	[spmem:s2] =	stream.indirect.scatter.add.f32 [tilespmem:s26], [sflag:$0x3], $0x80, s30, s25, $0xb8;
	[tilespmem:$0x1D000] =	vst v63  }
0x143: {  	_ =	swait.ge [sflag:s22], $0x4000  }
0x144: {  	[sflag:s22] =	ssyncset.done $0x0  }
0x145: {  	[sflag:s22] =	ssyncadd.s32 $0xFFFFC000  }
0x146: {  	[tilespmem:s26], [sflag:$0x2] =	stream.indirect.gather [hbm4b:s4+s25], $0x80, s31, s25, $0xb8;
	[tilespmem:$0x1D000] =	vst v63  }
0x147: {  	_ =	swait.ge [sflag:s28], $0x4000  }
0x148: {  	[sflag:s28] =	ssyncset.done $0x0  }
0x149: {  	[sflag:s28] =	ssyncadd.s32 $0xFFFFC000  }
0x14a: {  	[spmem:s2] =	stream.indirect.scatter.add.f32 [tilespmem:s21], [sflag:$0x3], $0x80, s1, s25, $0xb8;
	[tilespmem:$0x1D000] =	vst v63  }
0x14b: {  	_ =	swait.ge [sflag:s22], $0x4000  }
0x14c: {  	[sflag:s22] =	ssyncset.done $0x0  }
0x14d: {  	[sflag:s22] =	ssyncadd.s32 $0xFFFFC000  }
0x14e: {  	[tilespmem:s21], [sflag:$0x1] =	stream.indirect.gather [hbm4b:s4+s25], $0x80, s0, s25, $0xb8;
	[tilespmem:$0x1D000] =	vst v63  }
0x14f: {  	_ =	swait.ge [sflag:s29], $0x4000  }
0x150: {  	[sflag:s29] =	ssyncset.done $0x0  }
0x151: {  	[sflag:s29] =	ssyncadd.s32 $0xFFFFC000  }
0x152: {  	[spmem:s2] =	stream.indirect.scatter.add.f32 [tilespmem:s26], [sflag:$0x3], $0x80, s7, s25, $0xb8;
	[tilespmem:$0x1D000] =	vst v63  }
0x153: {  	_ =	swait.ge [sflag:s22], $0x4000  }
0x154: {  	[sflag:s22] =	ssyncset.done $0x0  }
0x155: {  	[sflag:s22] =	ssyncadd.s32 $0xFFFFC000  }
0x156: {  	[tilespmem:s26], [sflag:$0x2] =	stream.indirect.gather [hbm4b:s4+s25], $0x80, s6, s25, $0xb8;
	[tilespmem:$0x1D000] =	vst v63  }
0x157: {  	_ =	swait.ge [sflag:s28], $0x4000  }
0x158: {  	[sflag:s28] =	ssyncset.done $0x0  }
0x159: {  	[sflag:s28] =	ssyncadd.s32 $0xFFFFC000  }
0x15a: {  	[spmem:s2] =	stream.indirect.scatter.add.f32 [tilespmem:s21], [sflag:$0x3], $0x80, s8, s25, $0xb8;
	[tilespmem:$0x1D000] =	vst v63  }
0x15b: {  	_ =	swait.ge [sflag:s22], $0x4000  }
0x15c: {  	[sflag:s22] =	ssyncset.done $0x0  }
0x15d: {  	[sflag:s22] =	ssyncadd.s32 $0xFFFFC000  }
0x15e: {  	[tilespmem:s21], [sflag:$0x1] =	stream.indirect.gather [hbm4b:s4+s25], $0x80, s10, s25, $0xb8;
	[tilespmem:$0x1D000] =	vst v63  }
0x15f: {  	_ =	swait.ge [sflag:s29], $0x4000  }
0x160: {  	[sflag:s29] =	ssyncset.done $0x0  }
0x161: {  	[sflag:s29] =	ssyncadd.s32 $0xFFFFC000  }
0x162: {  	[spmem:s2] =	stream.indirect.scatter.add.f32 [tilespmem:s26], [sflag:$0x3], $0x80, s12, s25, $0xb8;
	[tilespmem:$0x1D000] =	vst v63  }
0x163: {  	_ =	swait.ge [sflag:s22], $0x4000  }
0x164: {  	[sflag:s22] =	ssyncset.done $0x0  }
0x165: {  	[sflag:s22] =	ssyncadd.s32 $0xFFFFC000  }
0x166: {  	[tilespmem:s26], [sflag:$0x2] =	stream.indirect.gather [hbm4b:s4+s25], $0x80, s14, s25, $0xb8;
	[tilespmem:$0x1D000] =	vst v63  }
0x167: {  	_ =	swait.ge [sflag:s28], $0x4000  }
0x168: {  	[sflag:s28] =	ssyncset.done $0x0  }
0x169: {  	[sflag:s28] =	ssyncadd.s32 $0xFFFFC000  }
0x16a: {  	[spmem:s2] =	stream.indirect.scatter.add.f32 [tilespmem:s21], [sflag:$0x3], $0x80, s16, s25, $0xb8;
	[tilespmem:$0x1D000] =	vst v63  }
0x16b: {  	_ =	swait.ge [sflag:s22], $0x4000  }
0x16c: {  	[sflag:s22] =	ssyncset.done $0x0  }
0x16d: {  	[sflag:s22] =	ssyncadd.s32 $0xFFFFC000  }
0x16e: {  	[tilespmem:s21], [sflag:$0x1] =	stream.indirect.gather [hbm4b:s4+s25], $0x80, s17, s25, $0xb8;
	[tilespmem:$0x1D000] =	vst v63  }
0x16f: {  	_ =	swait.ge [sflag:s29], $0x4000  }
0x170: {  	[sflag:s29] =	ssyncset.done $0x0  }
0x171: {  	[sflag:s29] =	ssyncadd.s32 $0xFFFFC000  }
0x172: {  	[spmem:s2] =	stream.indirect.scatter.add.f32 [tilespmem:s26], [sflag:$0x3], $0x80, s18, s25, $0xb8;
	[tilespmem:$0x1D000] =	vst v63  }
0x173: {  	_ =	swait.ge [sflag:s22], $0x4000  }
0x174: {  	[sflag:s22] =	ssyncset.done $0x0  }
0x175: {  	[sflag:s22] =	ssyncadd.s32 $0xFFFFC000  }
0x176: {  	[tilespmem:s26], [sflag:$0x2] =	stream.indirect.gather [hbm4b:s4+s25], $0x80, s19, s25, $0xb8;
	[tilespmem:$0x1D000] =	vst v63  }
0x177: {  	_ =	swait.ge [sflag:s28], $0x4000  }
0x178: {  	[sflag:s28] =	ssyncset.done $0x0  }
0x179: {  	[sflag:s28] =	ssyncadd.s32 $0xFFFFC000  }
0x17a: {  	[spmem:s2] =	stream.indirect.scatter.add.f32 [tilespmem:s21], [sflag:$0x3], $0x80, s20, s25, $0xb8;
	[tilespmem:$0x1D000] =	vst v63  }
0x17b: {  	_ =	swait.ge [sflag:s22], $0x4000  }
0x17c: {  	[sflag:s22] =	ssyncset.done $0x0  }
0x17d: {  	[sflag:s22] =	ssyncadd.s32 $0xFFFFC000  }
0x17e: {  	p2 =	sne.s32 s9, $0x400;
	_ =	swait.ge [sflag:s29], $0x4000  }
.Ltmp3:
0x17f: {  	[sflag:s29] =	ssyncset.done $0x0;
	(pc) =	sbr.rel @p2 .LBB2_7-.Ltmp3, $4  }
0x180: {  	[sflag:s29] =	ssyncadd.s32 $0xFFFFC000  }
0x181: {  	[spmem:s2] =	stream.indirect.scatter.add.f32 [tilespmem:s26], [sflag:$0x3], $0x80, s5, s25, $0xb8;
	[tilespmem:$0x1D000] =	vst v63  }
0x182: {  	s11 =	smov.u32 s9;
	s9 =	sadd.s32 $0x100, s9;
	_ =	swait.ge [sflag:s22], $0x4000  }
0x183: {  	s15 =	smov.u32 s11;
	s13 =	rddreg [dreg:$0x4];
	[sflag:s22] =	ssyncset.done $0x0  }
0x184: {  	[sflag:s22] =	ssyncadd.s32 $0xFFFFC000;
	s9 =	sadd.s32 s15, s13  }
0x185: {  	[tilespmem:s23], [sflag:$0x3] =	stream.linear.gather [hbm4b:s9+s3], $0x800, $0x38;
	[tilespmem:$0x1D000] =	vst v63  }
0x186: {  	_ =	swait.ge [sflag:s22], $0x800  }
0x187: {  	s11 =	rddreg [dreg:$0x3];
	[sflag:s22] =	ssyncset.done $0x0  }
0x188: {  	s9 =	sadd.s32 s15, s11;
	[sflag:s22] =	ssyncadd.s32 $0xFFFFF800  }
0x189: {  	[tilespmem:s24], [sflag:$0x3] =	stream.linear.gather [hbm4b:s9+s3], $0x800, $0x38;
	[tilespmem:$0x1D000] =	vst v63  }
0x18a: {  	_ =	swait.ge [sflag:s22], $0x800  }
0x18b: {  	[sflag:s22] =	ssyncset.done $0x0  }
0x18c: {  	[sflag:s22] =	ssyncadd.s32 $0xFFFFF800  }
0x18d: {  	[tilespmem:s21], [sflag:$0x1] =	stream.indirect.gather [hbm4b:s4+s25], $0x80, s23, s25, $0xb8;
	[tilespmem:$0x1D000] =	vst v63  }
0x18e: {  	s13 =	rddreg [dreg:$0x5]  }
0x18f: {  	[tilespmem:s26], [sflag:$0x2] =	stream.indirect.gather [hbm4b:s4+s25], $0x80, s13, s25, $0xb8;
	[tilespmem:$0x1D000] =	vst v63  }
0x190: {  	_ =	swait.ge [sflag:s28], $0x4000  }
0x191: {  	[sflag:s28] =	ssyncset.done $0x0  }
0x192: {  	[sflag:s28] =	ssyncadd.s32 $0xFFFFC000  }
0x193: {  	[spmem:s2] =	stream.indirect.scatter.add.f32 [tilespmem:s21], [sflag:$0x3], $0x80, s24, s25, $0xb8;
	[tilespmem:$0x1D000] =	vst v63  }
0x194: {  	_ =	swait.ge [sflag:s22], $0x4000  }
0x195: {  	[sflag:s22] =	ssyncset.done $0x0  }
0x196: {  	s15 =	rddreg [dreg:$0x6];
	[sflag:s22] =	ssyncadd.s32 $0xFFFFC000  }
0x197: {  	[tilespmem:s21], [sflag:$0x1] =	stream.indirect.gather [hbm4b:s4+s25], $0x80, s15, s25, $0xb8;
	[tilespmem:$0x1D000] =	vst v63  }
0x198: {  	_ =	swait.ge [sflag:s29], $0x4000  }
0x199: {  	[sflag:s29] =	ssyncset.done $0x0  }
0x19a: {  	s11 =	rddreg [dreg:$0x7];
	[sflag:s29] =	ssyncadd.s32 $0xFFFFC000  }
0x19b: {  	[spmem:s2] =	stream.indirect.scatter.add.f32 [tilespmem:s26], [sflag:$0x3], $0x80, s11, s25, $0xb8;
	[tilespmem:$0x1D000] =	vst v63  }
0x19c: {  	_ =	swait.ge [sflag:s22], $0x4000  }
0x19d: {  	[sflag:s22] =	ssyncset.done $0x0  }
0x19e: {  	s13 =	rddreg [dreg:$0x8];
	[sflag:s22] =	ssyncadd.s32 $0xFFFFC000  }
0x19f: {  	[tilespmem:s26], [sflag:$0x2] =	stream.indirect.gather [hbm4b:s4+s25], $0x80, s13, s25, $0xb8;
	[tilespmem:$0x1D000] =	vst v63  }
0x1a0: {  	_ =	swait.ge [sflag:s28], $0x4000  }
0x1a1: {  	[sflag:s28] =	ssyncset.done $0x0  }
0x1a2: {  	s15 =	rddreg [dreg:$0x9];
	[sflag:s28] =	ssyncadd.s32 $0xFFFFC000  }
0x1a3: {  	[spmem:s2] =	stream.indirect.scatter.add.f32 [tilespmem:s21], [sflag:$0x3], $0x80, s15, s25, $0xb8;
	[tilespmem:$0x1D000] =	vst v63  }
0x1a4: {  	_ =	swait.ge [sflag:s22], $0x4000  }
0x1a5: {  	[sflag:s22] =	ssyncset.done $0x0  }
0x1a6: {  	s11 =	rddreg [dreg:$0xa];
	[sflag:s22] =	ssyncadd.s32 $0xFFFFC000  }
0x1a7: {  	[tilespmem:s21], [sflag:$0x1] =	stream.indirect.gather [hbm4b:s4+s25], $0x80, s11, s25, $0xb8;
	[tilespmem:$0x1D000] =	vst v63  }
0x1a8: {  	_ =	swait.ge [sflag:s29], $0x4000  }
0x1a9: {  	[sflag:s29] =	ssyncset.done $0x0  }
0x1aa: {  	s13 =	rddreg [dreg:$0xb];
	[sflag:s29] =	ssyncadd.s32 $0xFFFFC000  }
0x1ab: {  	[spmem:s2] =	stream.indirect.scatter.add.f32 [tilespmem:s26], [sflag:$0x3], $0x80, s13, s25, $0xb8;
	[tilespmem:$0x1D000] =	vst v63  }
0x1ac: {  	_ =	swait.ge [sflag:s22], $0x4000  }
0x1ad: {  	[sflag:s22] =	ssyncset.done $0x0  }
0x1ae: {  	s15 =	rddreg [dreg:$0xc];
	[sflag:s22] =	ssyncadd.s32 $0xFFFFC000  }
0x1af: {  	[tilespmem:s26], [sflag:$0x2] =	stream.indirect.gather [hbm4b:s4+s25], $0x80, s15, s25, $0xb8;
	[tilespmem:$0x1D000] =	vst v63  }
0x1b0: {  	_ =	swait.ge [sflag:s28], $0x4000  }
0x1b1: {  	[sflag:s28] =	ssyncset.done $0x0  }
0x1b2: {  	s11 =	rddreg [dreg:$0xd];
	[sflag:s28] =	ssyncadd.s32 $0xFFFFC000  }
0x1b3: {  	[spmem:s2] =	stream.indirect.scatter.add.f32 [tilespmem:s21], [sflag:$0x3], $0x80, s11, s25, $0xb8;
	[tilespmem:$0x1D000] =	vst v63  }
0x1b4: {  	_ =	swait.ge [sflag:s22], $0x4000  }
0x1b5: {  	[sflag:s22] =	ssyncset.done $0x0  }
0x1b6: {  	s13 =	rddreg [dreg:$0xe];
	[sflag:s22] =	ssyncadd.s32 $0xFFFFC000  }
0x1b7: {  	[tilespmem:s21], [sflag:$0x1] =	stream.indirect.gather [hbm4b:s4+s25], $0x80, s13, s25, $0xb8;
	[tilespmem:$0x1D000] =	vst v63  }
0x1b8: {  	_ =	swait.ge [sflag:s29], $0x4000  }
0x1b9: {  	[sflag:s29] =	ssyncset.done $0x0  }
0x1ba: {  	s15 =	rddreg [dreg:$0xf];
	[sflag:s29] =	ssyncadd.s32 $0xFFFFC000  }
0x1bb: {  	[spmem:s2] =	stream.indirect.scatter.add.f32 [tilespmem:s26], [sflag:$0x3], $0x80, s15, s25, $0xb8;
	[tilespmem:$0x1D000] =	vst v63  }
0x1bc: {  	_ =	swait.ge [sflag:s22], $0x4000  }
0x1bd: {  	[sflag:s22] =	ssyncset.done $0x0  }
0x1be: {  	s11 =	rddreg [dreg:$0x10];
	[sflag:s22] =	ssyncadd.s32 $0xFFFFC000  }
0x1bf: {  	[tilespmem:s26], [sflag:$0x2] =	stream.indirect.gather [hbm4b:s4+s25], $0x80, s11, s25, $0xb8;
	[tilespmem:$0x1D000] =	vst v63  }
0x1c0: {  	_ =	swait.ge [sflag:s28], $0x4000  }
0x1c1: {  	[sflag:s28] =	ssyncset.done $0x0  }
0x1c2: {  	s13 =	rddreg [dreg:$0x11];
	[sflag:s28] =	ssyncadd.s32 $0xFFFFC000  }
0x1c3: {  	[spmem:s2] =	stream.indirect.scatter.add.f32 [tilespmem:s21], [sflag:$0x3], $0x80, s13, s25, $0xb8;
	[tilespmem:$0x1D000] =	vst v63  }
0x1c4: {  	_ =	swait.ge [sflag:s22], $0x4000  }
0x1c5: {  	[sflag:s22] =	ssyncset.done $0x0  }
0x1c6: {  	s15 =	rddreg [dreg:$0x12];
	[sflag:s22] =	ssyncadd.s32 $0xFFFFC000  }
0x1c7: {  	[tilespmem:s21], [sflag:$0x1] =	stream.indirect.gather [hbm4b:s4+s25], $0x80, s15, s25, $0xb8;
	[tilespmem:$0x1D000] =	vst v63  }
0x1c8: {  	_ =	swait.ge [sflag:s29], $0x4000  }
0x1c9: {  	[sflag:s29] =	ssyncset.done $0x0  }
0x1ca: {  	[sflag:s29] =	ssyncadd.s32 $0xFFFFC000  }
0x1cb: {  	[spmem:s2] =	stream.indirect.scatter.add.f32 [tilespmem:s26], [sflag:$0x3], $0x80, s30, s25, $0xb8;
	[tilespmem:$0x1D000] =	vst v63  }
0x1cc: {  	_ =	swait.ge [sflag:s22], $0x4000  }
0x1cd: {  	[sflag:s22] =	ssyncset.done $0x0  }
0x1ce: {  	[sflag:s22] =	ssyncadd.s32 $0xFFFFC000  }
0x1cf: {  	[tilespmem:s26], [sflag:$0x2] =	stream.indirect.gather [hbm4b:s4+s25], $0x80, s31, s25, $0xb8;
	[tilespmem:$0x1D000] =	vst v63  }
0x1d0: {  	_ =	swait.ge [sflag:s28], $0x4000  }
0x1d1: {  	[sflag:s28] =	ssyncset.done $0x0  }
0x1d2: {  	[sflag:s28] =	ssyncadd.s32 $0xFFFFC000  }
0x1d3: {  	[spmem:s2] =	stream.indirect.scatter.add.f32 [tilespmem:s21], [sflag:$0x3], $0x80, s1, s25, $0xb8;
	[tilespmem:$0x1D000] =	vst v63  }
0x1d4: {  	_ =	swait.ge [sflag:s22], $0x4000  }
0x1d5: {  	[sflag:s22] =	ssyncset.done $0x0  }
0x1d6: {  	[sflag:s22] =	ssyncadd.s32 $0xFFFFC000  }
0x1d7: {  	[tilespmem:s21], [sflag:$0x1] =	stream.indirect.gather [hbm4b:s4+s25], $0x80, s0, s25, $0xb8;
	[tilespmem:$0x1D000] =	vst v63  }
0x1d8: {  	_ =	swait.ge [sflag:s29], $0x4000  }
0x1d9: {  	[sflag:s29] =	ssyncset.done $0x0  }
0x1da: {  	[sflag:s29] =	ssyncadd.s32 $0xFFFFC000  }
0x1db: {  	[spmem:s2] =	stream.indirect.scatter.add.f32 [tilespmem:s26], [sflag:$0x3], $0x80, s7, s25, $0xb8;
	[tilespmem:$0x1D000] =	vst v63  }
0x1dc: {  	_ =	swait.ge [sflag:s22], $0x4000  }
0x1dd: {  	[sflag:s22] =	ssyncset.done $0x0  }
0x1de: {  	[sflag:s22] =	ssyncadd.s32 $0xFFFFC000  }
0x1df: {  	[tilespmem:s26], [sflag:$0x2] =	stream.indirect.gather [hbm4b:s4+s25], $0x80, s6, s25, $0xb8;
	[tilespmem:$0x1D000] =	vst v63  }
0x1e0: {  	_ =	swait.ge [sflag:s28], $0x4000  }
0x1e1: {  	[sflag:s28] =	ssyncset.done $0x0  }
0x1e2: {  	[sflag:s28] =	ssyncadd.s32 $0xFFFFC000  }
0x1e3: {  	[spmem:s2] =	stream.indirect.scatter.add.f32 [tilespmem:s21], [sflag:$0x3], $0x80, s8, s25, $0xb8;
	[tilespmem:$0x1D000] =	vst v63  }
0x1e4: {  	_ =	swait.ge [sflag:s22], $0x4000  }
0x1e5: {  	[sflag:s22] =	ssyncset.done $0x0  }
0x1e6: {  	[sflag:s22] =	ssyncadd.s32 $0xFFFFC000  }
0x1e7: {  	[tilespmem:s21], [sflag:$0x1] =	stream.indirect.gather [hbm4b:s4+s25], $0x80, s10, s25, $0xb8;
	[tilespmem:$0x1D000] =	vst v63  }
0x1e8: {  	_ =	swait.ge [sflag:s29], $0x4000  }
0x1e9: {  	[sflag:s29] =	ssyncset.done $0x0  }
0x1ea: {  	[sflag:s29] =	ssyncadd.s32 $0xFFFFC000  }
0x1eb: {  	[spmem:s2] =	stream.indirect.scatter.add.f32 [tilespmem:s26], [sflag:$0x3], $0x80, s12, s25, $0xb8;
	[tilespmem:$0x1D000] =	vst v63  }
0x1ec: {  	_ =	swait.ge [sflag:s22], $0x4000  }
0x1ed: {  	[sflag:s22] =	ssyncset.done $0x0  }
0x1ee: {  	[sflag:s22] =	ssyncadd.s32 $0xFFFFC000  }
0x1ef: {  	[tilespmem:s26], [sflag:$0x2] =	stream.indirect.gather [hbm4b:s4+s25], $0x80, s14, s25, $0xb8;
	[tilespmem:$0x1D000] =	vst v63  }
0x1f0: {  	_ =	swait.ge [sflag:s28], $0x4000  }
0x1f1: {  	[sflag:s28] =	ssyncset.done $0x0  }
0x1f2: {  	[sflag:s28] =	ssyncadd.s32 $0xFFFFC000  }
0x1f3: {  	[spmem:s2] =	stream.indirect.scatter.add.f32 [tilespmem:s21], [sflag:$0x3], $0x80, s16, s25, $0xb8;
	[tilespmem:$0x1D000] =	vst v63  }
0x1f4: {  	_ =	swait.ge [sflag:s22], $0x4000  }
0x1f5: {  	[sflag:s22] =	ssyncset.done $0x0  }
0x1f6: {  	[sflag:s22] =	ssyncadd.s32 $0xFFFFC000  }
0x1f7: {  	[tilespmem:s21], [sflag:$0x1] =	stream.indirect.gather [hbm4b:s4+s25], $0x80, s17, s25, $0xb8;
	[tilespmem:$0x1D000] =	vst v63  }
0x1f8: {  	_ =	swait.ge [sflag:s29], $0x4000  }
0x1f9: {  	[sflag:s29] =	ssyncset.done $0x0  }
0x1fa: {  	[sflag:s29] =	ssyncadd.s32 $0xFFFFC000  }
0x1fb: {  	[spmem:s2] =	stream.indirect.scatter.add.f32 [tilespmem:s26], [sflag:$0x3], $0x80, s18, s25, $0xb8;
	[tilespmem:$0x1D000] =	vst v63  }
0x1fc: {  	_ =	swait.ge [sflag:s22], $0x4000  }
0x1fd: {  	[sflag:s22] =	ssyncset.done $0x0  }
0x1fe: {  	[sflag:s22] =	ssyncadd.s32 $0xFFFFC000  }
0x1ff: {  	[tilespmem:s26], [sflag:$0x2] =	stream.indirect.gather [hbm4b:s4+s25], $0x80, s19, s25, $0xb8;
	[tilespmem:$0x1D000] =	vst v63  }
0x200: {  	_ =	swait.ge [sflag:s28], $0x4000  }
0x201: {  	[sflag:s28] =	ssyncset.done $0x0  }
0x202: {  	[sflag:s28] =	ssyncadd.s32 $0xFFFFC000  }
0x203: {  	[spmem:s2] =	stream.indirect.scatter.add.f32 [tilespmem:s21], [sflag:$0x3], $0x80, s20, s25, $0xb8;
	[tilespmem:$0x1D000] =	vst v63  }
0x204: {  	_ =	swait.ge [sflag:s22], $0x4000  }
0x205: {  	[sflag:s22] =	ssyncset.done $0x0  }
0x206: {  	[sflag:s22] =	ssyncadd.s32 $0xFFFFC000  }
0x207: {  	_ =	swait.ge [sflag:s29], $0x4000  }
0x208: {  	[sflag:s29] =	ssyncset.done $0x0  }
0x209: {  	[sflag:s29] =	ssyncadd.s32 $0xFFFFC000  }
0x20a: {  	[spmem:s2] =	stream.indirect.scatter.add.f32 [tilespmem:s26], [sflag:$0x3], $0x80, s5, s25, $0xb8;
	[tilespmem:$0x1D000] =	vst v63  }
0x20b: {  	_ =	swait.ge [sflag:s22], $0x4000  }
0x20c: {  	[sflag:s22] =	ssyncset.done $0x0  }
0x20d: {  	[sflag:s22] =	ssyncadd.s32 $0xFFFFC000  }
0x20e: {  	[bflag:$0x0] =	sbarrier.arrive $0xFFFF  }
0x20f: {  	s13 =	rddreg [dreg:$0x13]  }
0x210: {  	[tilespmem:s21], [sflag:$0x3] =	stream.linear.gather [spmem:s13], $0x4000, $0x38;
	[tilespmem:$0x1D000] =	vst v63  }
0x211: {  	_ =	swait.ge [sflag:s22], $0x4000  }
0x212: {  	s11 =	simm.s32 $0x400;
	[sflag:s22] =	ssyncset.done $0x0  }
0x213: {  	s15 =	simm.s32 $0x800;
	s9 =	rddreg [dreg:$0x1e];
	[sflag:s22] =	ssyncadd.s32 $0xFFFFC000  }
0x214: {  	[hbm4b:s9+s11] =	stream.strided.scatter [tilespmem:s21], [sflag:$0x3], $0x4000, s15, s11, $0x38;
	[tilespmem:$0x1D000] =	vst v63  }
0x215: {  	_ =	swait.ge [sflag:s22], $0x4000  }
0x216: {  	[sflag:s22] =	ssyncset.done $0x0  }
0x217: {  	s9 =	rddreg [dreg:$0x17];
	[sflag:s22] =	ssyncadd.s32 $0xFFFFC000  }
0x218: {  	[tilespmem:s21], [sflag:$0x3] =	stream.linear.gather [spmem:s9], $0x4000, $0x38;
	[tilespmem:$0x1D000] =	vst v63  }
0x219: {  	_ =	swait.ge [sflag:s22], $0x4000  }
0x21a: {  	[sflag:s22] =	ssyncset.done $0x0  }
0x21b: {  	s9 =	rddreg [dreg:$0x1f];
	[sflag:s22] =	ssyncadd.s32 $0xFFFFC000  }
0x21c: {  	[hbm4b:s9+s11] =	stream.strided.scatter [tilespmem:s21], [sflag:$0x3], $0x4000, s15, s11, $0x38;
	[tilespmem:$0x1D000] =	vst v63  }
0x21d: {  	_ =	swait.ge [sflag:s22], $0x4000  }
0x21e: {  	[sflag:s22] =	ssyncset.done $0x0  }
0x21f: {  	s9 =	rddreg [dreg:$0x19];
	[sflag:s22] =	ssyncadd.s32 $0xFFFFC000  }
0x220: {  	[tilespmem:s21], [sflag:$0x3] =	stream.linear.gather [spmem:s9], $0x4000, $0x38;
	[tilespmem:$0x1D000] =	vst v63  }
0x221: {  	_ =	swait.ge [sflag:s22], $0x4000  }
0x222: {  	s9 =	sld [smem:$0x7FB]  }
0x223: {  	[sflag:s22] =	ssyncset.done $0x0  }
0x224: {  	[sflag:s22] =	ssyncadd.s32 $0xFFFFC000  }
0x225: {  	[hbm4b:s9+s11] =	stream.strided.scatter [tilespmem:s21], [sflag:$0x3], $0x4000, s15, s11, $0x38;
	[tilespmem:$0x1D000] =	vst v63  }
0x226: {  	_ =	swait.ge [sflag:s22], $0x4000  }
0x227: {  	[sflag:s22] =	ssyncset.done $0x0  }
0x228: {  	s9 =	rddreg [dreg:$0x1b];
	[sflag:s22] =	ssyncadd.s32 $0xFFFFC000  }
0x229: {  	[tilespmem:s21], [sflag:$0x3] =	stream.linear.gather [spmem:s9], $0x4000, $0x38;
	[tilespmem:$0x1D000] =	vst v63  }
0x22a: {  	_ =	swait.ge [sflag:s22], $0x4000  }
0x22b: {  	s9 =	sld [smem:$0x7FC]  }
0x22c: {  	[sflag:s22] =	ssyncset.done $0x0  }
0x22d: {  	[sflag:s22] =	ssyncadd.s32 $0xFFFFC000  }
0x22e: {  	[hbm4b:s9+s11] =	stream.strided.scatter [tilespmem:s21], [sflag:$0x3], $0x4000, s15, s11, $0x38;
	[tilespmem:$0x1D000] =	vst v63  }
0x22f: {  	_ =	swait.ge [sflag:s22], $0x4000  }
0x230: {  	[sflag:s22] =	ssyncset.done $0x0  }
0x231: {  	s9 =	rddreg [dreg:$0x1d];
	[sflag:s22] =	ssyncadd.s32 $0xFFFFC000  }
0x232: {  	[tilespmem:s21], [sflag:$0x3] =	stream.linear.gather [spmem:s9], $0x4000, $0x38;
	[tilespmem:$0x1D000] =	vst v63  }
0x233: {  	_ =	swait.ge [sflag:s22], $0x4000  }
0x234: {  	s9 =	sld [smem:$0x7FD]  }
0x235: {  	[sflag:s22] =	ssyncset.done $0x0  }
0x236: {  	[sflag:s22] =	ssyncadd.s32 $0xFFFFC000  }
0x237: {  	[hbm4b:s9+s11] =	stream.strided.scatter [tilespmem:s21], [sflag:$0x3], $0x4000, s15, s11, $0x38;
	[tilespmem:$0x1D000] =	vst v63  }
0x238: {  	_ =	swait.ge [sflag:s22], $0x4000  }
0x239: {  	s9 =	sld [smem:$0x7FA];
	_ =	sdelay $0x2  }
0x23a: {  	s15 =	rddreg [dreg:$0x14];
	s11 =	sadd.s32 $0x1, s9  }
0x23b: {  	p2 =	sne.s32 s11, s15  }
.Ltmp4:
0x23c: {  	_ = 	snop;
	(pc) =	sbr.rel @p2 .LBB2_1-.Ltmp4, $3  }
0x23d: {  	_ =	sdelay $0x1  }
0x23e: {  	[sflag:s22] =	ssyncset.done $0x0  }
0x23f: {  	[sflag:s22] =	ssyncadd.s32 $0xFFFFC000  }
0x240: {  	_ =	sfence.sel $0x180000  }
0x241: {  	[bflag:$0x0] =	sbarrier.arrive $0xFFFF  }
0x242: {  	_ =	strace $0x90000050  }
0x243: {  	s0 =	stileid.u32;
	[bflag:$0x2] =	sbarrier.arrive $0xFFFF  }
0x244: {  	p0 =	sne.s32 s0, $0x0;
	s0 =	rddreg [dreg:$0x2]  }
0x245: {  	s0 =	sadd.s32 @!p0 $0x100000, s0  }
0x246: {  	[sflag:s0] =	ssyncadd.tile.s32 @!p0 $0x1;
	_ =	shalt  }
.Lfunc_end2:
_tile_overlayer_lowered:
.L_overlay_start_2:
0x247: {  	(tag) =	ssettag $0x2  }
0x248: {  	s0 =	rddreg [dreg:$0x0];
	s2 =	stileid.u32  }
0x249: {  	s1 =	rddreg [dreg:$0x1];
	p0 =	sne.s32 s2, $0x0  }
0x24a: {  	s3 =	rddreg [dreg:$0x2];
	[bflag:$0x3] =	sbarrier.arrive $0xFFFF;
	s2 =	simm.s32 @!p0 $0x1C03  }
0x24b: {  	[timem:s3], [sflag:s2] =	dma.local @!p0 [hbm:s0], s1  }
0x24c: {  	s0 =	simm.s32 @!p0 $0x3  }
0x24d: {  	_ =	swait.ge @!p0 [sflag:s0], s1  }
0x24e: {  	s1 =	ssub.s32 @!p0 $0x0, s1;
	[sflag:s0] =	ssyncset.done @!p0 $0x0  }
0x24f: {  	[sflag:s0] =	ssyncadd.s32 @!p0 s1  }
0x250: {  	[bflag:$0x3] =	sbarrier.arrive $0xFFFF  }
0x251: {  	_ =	shalt  }

</sc_bundles>
